<compile_context>
chip_gen: v7x
topology: tpu7x:2x2x1
jax: 0.10.2.dev20260603
libtpu: 0.0.44.dev20260713+nightly
codegen_flags: <defaults>
</compile_context>

<pallas_src>
import functools

import jax
import jax.numpy as jnp
from jax import lax
from jax.experimental import pallas as pl
from jax.experimental.pallas import tpu as pltpu
from jax.experimental.pallas import tpu_sc as plsc

N_NODES = 50000
N_EDGES = 800000

SC_CORES = 2
SC_SUBCORES = 16
SC_TILES = SC_CORES * SC_SUBCORES

CHUNK = 128
PER_TILE_CHUNKS = 200
EP = SC_TILES * PER_TILE_CHUNKS * CHUNK
IDX_ROWS = 10
OUTER = PER_TILE_CHUNKS // IDX_ROWS
STEP = IDX_ROWS * CHUNK
EROWS = EP // CHUNK
SIDX_ROWS = 10
SSTEP = SIDX_ROWS * CHUNK

EG = EP * 8 // 128

NPAD = 50048
ZROWS = NPAD // SC_SUBCORES

_SELU_ALPHA = 1.6732632423543772
_SELU_SCALE = 1.0507009873554805

EBR = 512
NG = NPAD * 8 // 128
NBR = 184


def _selu(x):
    return _SELU_SCALE * jnp.where(x > 0, x, _SELU_ALPHA * (jnp.exp(x) - 1.0))



def _sc_gather_body(tab, recv2, send2, nr, ns,
                    ir0, is0, ir1, is1, rr0, rs0, rr1, rs1, gs0, gs1, ws):
    wid = lax.axis_index("s") * SC_CORES + lax.axis_index("c")
    base = wid * PER_TILE_CHUNKS

    def idx_load(t, ir, is_):
        row0 = base + t * IDX_ROWS
        pltpu.sync_copy(recv2.at[pl.ds(row0, IDX_ROWS)], ir)
        pltpu.sync_copy(send2.at[pl.ds(row0, IDX_ROWS)], is_)

    def fire(ir, is_, rr, rs, sem):
        for j in range(IDX_ROWS):
            pltpu.async_copy(tab.at[ir.at[j]],
                             rr.at[pl.ds(j * CHUNK, CHUNK)], sem)
            pltpu.async_copy(tab.at[is_.at[j]],
                             rs.at[pl.ds(j * CHUNK, CHUNK)], sem)

    def drain_gathers(ir, is_, rr, rs, sem):
        for j in range(IDX_ROWS):
            pltpu.make_async_copy(tab.at[ir.at[j]],
                                  rr.at[pl.ds(j * CHUNK, CHUNK)], sem).wait()
            pltpu.make_async_copy(tab.at[is_.at[j]],
                                  rs.at[pl.ds(j * CHUNK, CHUNK)], sem).wait()

    def write_out(t, rr, rs):
        e0 = (base + t * IDX_ROWS) * CHUNK
        pltpu.async_copy(rr, nr.at[pl.ds(e0, STEP)], ws)
        pltpu.async_copy(rs, ns.at[pl.ds(e0, STEP)], ws)

    def drain_writes(rr, rs):
        pltpu.make_async_copy(rr, nr.at[pl.ds(base * CHUNK, STEP)], ws).wait()
        pltpu.make_async_copy(rs, ns.at[pl.ds(base * CHUNK, STEP)], ws).wait()

    idx_load(0, ir0, is0)
    fire(ir0, is0, rr0, rs0, gs0)

    def dbl(j, carry):
        ta = 2 * j
        tb = ta + 1
        idx_load(tb, ir1, is1)

        @pl.when(j > 0)
        def _():
            drain_writes(rr1, rs1)
        drain_gathers(ir0, is0, rr0, rs0, gs0)
        write_out(ta, rr0, rs0)
        fire(ir1, is1, rr1, rs1, gs1)

        @pl.when(j < OUTER // 2 - 1)
        def _():
            idx_load(ta + 2, ir0, is0)
        drain_gathers(ir1, is1, rr1, rs1, gs1)
        write_out(tb, rr1, rs1)

        @pl.when(j < OUTER // 2 - 1)
        def _():
            drain_writes(rr0, rs0)
            fire(ir0, is0, rr0, rs0, gs0)
        return carry

    lax.fori_loop(0, OUTER // 2, dbl, 0)
    drain_writes(rr0, rs0)
    drain_writes(rr1, rs1)


@functools.cache
def _sc_gather():
    return pl.kernel(
        _sc_gather_body,
        out_type=(jax.ShapeDtypeStruct((EP, 8), jnp.float32),
                  jax.ShapeDtypeStruct((EP, 8), jnp.float32)),
        mesh=plsc.VectorSubcoreMesh(core_axis_name="c", subcore_axis_name="s"),
        scratch_types=[
            pltpu.VMEM((IDX_ROWS, CHUNK), jnp.int32),
            pltpu.VMEM((IDX_ROWS, CHUNK), jnp.int32),
            pltpu.VMEM((IDX_ROWS, CHUNK), jnp.int32),
            pltpu.VMEM((IDX_ROWS, CHUNK), jnp.int32),
            pltpu.VMEM((STEP, 8), jnp.float32),
            pltpu.VMEM((STEP, 8), jnp.float32),
            pltpu.VMEM((STEP, 8), jnp.float32),
            pltpu.VMEM((STEP, 8), jnp.float32),
            pltpu.SemaphoreType.DMA,
            pltpu.SemaphoreType.DMA,
            pltpu.SemaphoreType.DMA,
        ],
        compiler_params=pltpu.CompilerParams(use_tc_tiling_on_sc=False),
    )



def _sc_scatter_body(h1, recv2, zrows, out, shared, ib, rv, zb):
    cid = lax.axis_index("c")
    sid = lax.axis_index("s")
    wid = sid * SC_CORES + cid
    r0 = sid * ZROWS

    pltpu.sync_copy(zrows, zb)
    pltpu.sync_copy(zb, shared.at[pl.ds(r0, ZROWS)])
    plsc.subcore_barrier()

    def step(t, carry):
        row0 = wid * PER_TILE_CHUNKS + t * SIDX_ROWS
        e0 = row0 * CHUNK
        pltpu.sync_copy(recv2.at[pl.ds(row0, SIDX_ROWS)], ib)
        pltpu.sync_copy(h1.at[pl.ds(e0, SSTEP)], rv)
        for j in range(SIDX_ROWS):
            pltpu.sync_copy(rv.at[pl.ds(j * CHUNK, CHUNK)],
                            shared.at[ib.at[j]], add=True)
        return carry

    lax.fori_loop(0, PER_TILE_CHUNKS // SIDX_ROWS, step, 0)
    plsc.subcore_barrier()
    pltpu.sync_copy(shared.at[pl.ds(r0, ZROWS)], zb)
    pltpu.sync_copy(zb, out.at[cid, pl.ds(r0, ZROWS)])


@functools.cache
def _sc_scatter():
    return pl.kernel(
        _sc_scatter_body,
        out_type=jax.ShapeDtypeStruct((SC_CORES, NPAD, 8), jnp.float32),
        mesh=plsc.VectorSubcoreMesh(core_axis_name="c", subcore_axis_name="s"),
        name="sc_scatter",
        scratch_types=[
            pltpu.VMEM_SHARED((NPAD, 8), jnp.float32),
            pltpu.VMEM((SIDX_ROWS, CHUNK), jnp.int32),
            pltpu.VMEM((SSTEP, 8), jnp.float32),
            pltpu.VMEM((ZROWS, 8), jnp.float32),
        ],
        compiler_params=pltpu.CompilerParams(use_tc_tiling_on_sc=False),
    )



def _dot(a, b):
    return jnp.dot(a, b, preferred_element_type=jnp.float32)


def _edge_body(nr_ref, ns_ref, e0_ref, e1_ref, e2_ref, *rest):
    (w1a, w1b, b1, w2, b2, w3, b3, w4, b4, w5, b5,
     ua0, ua1, ua2, u1a, u1b, c1, u2, c2, u3, c3, u4, c4, u5, c5,
     p48) = rest[:-1]
    out_ref = rest[-1]

    h = _selu(_dot(nr_ref[...], w1a[...]) + _dot(ns_ref[...], w1b[...])
              + b1[...])
    h = _selu(_dot(h, w2[...]) + b2[...])
    h = _selu(_dot(h, w3[...]) + b3[...])
    h = _selu(_dot(h, w4[...]) + b4[...])
    hn = _dot(h, w5[...]) + b5[...]

    cst = _dot(hn, u1b[...]) + c1[...]
    t1 = (_dot(e0_ref[...], ua0[...]) + _dot(e1_ref[...], ua1[...])
          + _dot(e2_ref[...], ua2[...]) + cst)
    he = None
    for it in range(10):
        t = _selu(t1 if it == 0 else _dot(he, u1a[...]) + cst)
        t = _selu(_dot(t, u2[...]) + c2[...])
        t = _selu(_dot(t, u3[...]) + c3[...])
        t = _selu(_dot(t, u4[...]) + c4[...])
        he = _dot(t, u5[...]) + c5[...]
    out_ref[...] = _dot(he, p48[...])


def _tc_edge(nr, ns, eplanes, weights):
    full = [pl.BlockSpec(w.shape, lambda i, nd=w.ndim: (0,) * nd)
            for w in weights]
    return pl.pallas_call(
        _edge_body,
        grid=(EG // EBR,),
        in_specs=[
            pl.BlockSpec((EBR, 128), lambda i: (i, 0)),
            pl.BlockSpec((EBR, 128), lambda i: (i, 0)),
            pl.BlockSpec((EBR, 16), lambda i: (i, 0)),
            pl.BlockSpec((EBR, 16), lambda i: (i, 0)),
            pl.BlockSpec((EBR, 16), lambda i: (i, 0)),
        ] + full,
        out_specs=pl.BlockSpec((EBR, 128), lambda i: (i, 0)),
        out_shape=jax.ShapeDtypeStruct((EG, 128), jnp.float32),
    )(nr, ns, *eplanes, *weights)



def _node_body(acc_ref, nd_ref, *rest):
    (v1, d1, v2, d2, v3, d3, v4, d4, v5, d5,
     p1a, p1b, e1, p2, e2, p3, e3, p4, e4, p5, e5,
     q1, f1, q2, f2, q3, f3, q4, f4, q5, f5, fold3, fold16) = rest[:-2]
    out_ref, sums = rest[-2], rest[-1]

    i = pl.program_id(0)
    x = acc_ref[0] + acc_ref[1]
    g = _selu(_dot(x, v1[...]) + d1[...])
    g = _selu(_dot(g, v2[...]) + d2[...])
    g = _selu(_dot(g, v3[...]) + d3[...])
    g = _selu(_dot(g, v4[...]) + d4[...])
    h2e = _dot(g, v5[...]) + d5[...]

    cst = _dot(h2e, p1b[...]) + e1[...]
    hn = nd_ref[...]
    for _ in range(10):
        t = _selu(_dot(hn, p1a[...]) + cst)
        t = _selu(_dot(t, p2[...]) + e2[...])
        t = _selu(_dot(t, p3[...]) + e3[...])
        t = _selu(_dot(t, p4[...]) + e4[...])
        hn = _dot(t, p5[...]) + e5[...]

    rows = i * NBR + lax.broadcasted_iota(jnp.int32, (NBR, 1), 0)
    mask = rows < N_NODES // 16
    sn = jnp.sum(jnp.where(mask, hn, 0.0), axis=0, keepdims=True)
    se = jnp.sum(jnp.where(mask, h2e, 0.0), axis=0, keepdims=True)

    @pl.when(i == 0)
    def _():
        sums[...] = jnp.zeros_like(sums)

    sums[...] += jnp.concatenate([sn, se], axis=1)

    @pl.when(i == pl.num_programs(0) - 1)
    def _():
        s = sums[...]
        t3 = jnp.concatenate([_dot(s[:, :48], fold3[...]),
                              _dot(s[:, 48:], fold16[...])], axis=1)
        o = _selu(_dot(t3, q1[...]) + f1[...])
        o = _selu(_dot(o, q2[...]) + f2[...])
        o = _selu(_dot(o, q3[...]) + f3[...])
        o = _selu(_dot(o, q4[...]) + f4[...])
        out_ref[...] = _dot(o, q5[...]) + f5[...]


def _tc_node(acc, ndp, weights):
    full = [pl.BlockSpec(w.shape, lambda i, nd=w.ndim: (0,) * nd)
            for w in weights]
    return pl.pallas_call(
        _node_body,
        grid=(NG // NBR,),
        in_specs=[
            pl.BlockSpec((SC_CORES, NBR, 128), lambda i: (0, i, 0)),
            pl.BlockSpec((NBR, 48), lambda i: (i, 0)),
        ] + full,
        out_specs=pl.BlockSpec((1, 9), lambda i: (0, 0)),
        out_shape=jax.ShapeDtypeStruct((1, 9), jnp.float32),
        scratch_shapes=[pltpu.VMEM((1, 304), jnp.float32)],
    )(acc, ndp, *weights)



def _kron16(w, in_pad=None, out_pad=None):
    if in_pad is not None:
        w = jnp.pad(w, ((0, in_pad - w.shape[0]), (0, 0)))
    if out_pad is not None:
        w = jnp.pad(w, ((0, 0), (0, out_pad - w.shape[1])))
    return jnp.kron(jnp.eye(16, dtype=jnp.float32), w)


def _tile16(b, out_pad=None):
    if out_pad is not None:
        b = jnp.pad(b, (0, out_pad - b.shape[0]))
    return jnp.tile(b, 16).reshape(1, -1)


def _packed_edge_weights(params):
    (w1, b1), (w2, b2), (w3, b3), (w4, b4), (w5, b5) = \
        params['permutate_nodes']
    (u1, c1), (u2, c2), (u3, c3), (u4, c4), (u5, c5) = \
        params['update_edges']
    eye3p = jnp.pad(jnp.eye(3, dtype=jnp.float32), ((0, 0), (0, 5)))
    return [
        _kron16(w1[:3], in_pad=8), _kron16(w1[3:], in_pad=8), _tile16(b1),
        _kron16(w2), _tile16(b2), _kron16(w3), _tile16(b3),
        _kron16(w4), _tile16(b4), _kron16(w5), _tile16(b5),
        _kron16(u1[0:1]), _kron16(u1[1:2]), _kron16(u1[2:3]),
        _kron16(u1[:3]), _kron16(u1[3:]), _tile16(c1),
        _kron16(u2), _tile16(c2), _kron16(u3), _tile16(c3),
        _kron16(u4), _tile16(c4), _kron16(u5), _tile16(c5),
        jnp.kron(jnp.eye(16, dtype=jnp.float32), eye3p),
    ]


def _packed_node_weights(params):
    (v1, d1), (v2, d2), (v3, d3), (v4, d4), (v5, d5) = \
        params['permutate_edges']
    (p1, e1), (p2, e2), (p3, e3), (p4, e4), (p5, e5) = \
        params['update_nodes']
    pq = params['predict']
    qs = []
    for w, b in pq:
        qs += [w, b.reshape(1, -1)]
    return [
        _kron16(v1, in_pad=8), _tile16(d1),
        _kron16(v2), _tile16(d2), _kron16(v3), _tile16(d3),
        _kron16(v4), _tile16(d4), _kron16(v5), _tile16(d5),
        _kron16(p1[:3]), _kron16(p1[3:]), _tile16(e1),
        _kron16(p2), _tile16(e2), _kron16(p3), _tile16(e3),
        _kron16(p4), _tile16(e4), _kron16(p5), _tile16(e5),
    ] + qs + [
        jnp.tile(jnp.eye(3, dtype=jnp.float32), (16, 1)),
        jnp.tile(jnp.eye(16, dtype=jnp.float32), (16, 1)),
    ]


def kernel(nodes, edges, senders, receivers, params):
    f32 = jnp.float32
    nodes_tab = jnp.pad(nodes, ((0, 0), (0, 5)))
    recv_p = jnp.pad(receivers, (0, EP - N_EDGES))
    send_p = jnp.pad(senders, (0, EP - N_EDGES))
    recv2 = recv_p.reshape(EROWS, CHUNK)
    send2 = send_p.reshape(EROWS, CHUNK)

    nr, ns = _sc_gather()(nodes_tab, recv2, send2)

    eplanes = [jnp.pad(edges[:, f], (0, EP - N_EDGES)).reshape(EG, 16)
               for f in range(3)]
    h1 = _tc_edge(nr.reshape(EG, 128), ns.reshape(EG, 128), eplanes,
                  _packed_edge_weights(params))

    recv_s = jnp.pad(receivers, (0, EP - N_EDGES),
                     constant_values=N_NODES).reshape(EROWS, CHUNK)
    zrows = jnp.zeros((ZROWS, 8), f32)
    acc = _sc_scatter()(h1.reshape(EP, 8), recv_s, zrows)

    ndp = jnp.pad(nodes, ((0, NPAD - N_NODES), (0, 0))).reshape(NG, 48)
    return _tc_node(acc.reshape(SC_CORES, NG, 128), ndp,
                    _packed_node_weights(params))

# --- scband reference (transcript-rebuilt; emitter-appended) ---
"""Pipeline reference for scband-arc2-65249143160996 (READ-ONLY COPY).

The authoritative reference and input builder live on the scoring server;
editing this copy changes nothing except your own understanding.
"""

import jax, jax.numpy as jnp
import numpy as np

N_NODES = 50000
N_EDGES = 800000


def _init_mlp(key, dims):
    params = []
    for i in range(len(dims) - 1):
        key, k1 = jax.random.split(key)
        W = jax.random.normal(k1, (dims[i], dims[i + 1]), dtype=jnp.float32) * (1.0 / np.sqrt(dims[i]))
        b = jnp.zeros((dims[i + 1],), dtype=jnp.float32)
        params.append((W, b))
    return key, params


def _apply_mlp(params, x):
    n = len(params)
    for i, (W, b) in enumerate(params):
        x = x @ W + b
        if i < n - 1:
            x = jax.nn.selu(x)
    return x


def setup_inputs(seed: int = 0):
    key = jax.random.key(seed)
    k1, k2, k3, k4, kp = jax.random.split(key, 5)
    nodes = jax.random.normal(k1, (N_NODES, 3), dtype=jnp.float32)
    edges = jax.random.normal(k2, (N_EDGES, 3), dtype=jnp.float32)
    senders = jax.random.randint(k3, (N_EDGES,), 0, N_NODES, dtype=jnp.int32)
    receivers = jax.random.randint(k4, (N_EDGES,), 0, N_NODES, dtype=jnp.int32)
    params = {}
    kp, params['permutate_nodes'] = _init_mlp(kp, [6, 16, 32, 32, 32, 16])
    kp, params['update_edges'] = _init_mlp(kp, [19, 12, 12, 12, 8, 3])
    kp, params['permutate_edges'] = _init_mlp(kp, [3, 16, 32, 32, 32, 16])
    kp, params['update_nodes'] = _init_mlp(kp, [19, 12, 12, 12, 8, 3])
    kp, params['predict'] = _init_mlp(kp, [19, 12, 12, 12, 8, 9])
    return {"nodes": nodes, "edges": edges, "senders": senders, "receivers": receivers, "params": params}


def reference(nodes, edges, senders, receivers, params):
    # broadcast receiver/sender node features to edges (gather)
    collected = jnp.concatenate([nodes[receivers], nodes[senders]], axis=-1)  # [E, 6]
    h1_nodes = _apply_mlp(params['permutate_nodes'], collected)  # [E, 16]
    h1_edges = edges  # [E, 3]
    for _ in range(10):
        temp = jnp.concatenate([h1_edges, h1_nodes], axis=-1)  # [E, 19]
        h1_edges = _apply_mlp(params['update_edges'], temp)  # [E, 3]
    # EdgesToNodesAggregator: scatter-add edge features onto receiver nodes
    edges_of_nodes = jax.ops.segment_sum(h1_edges, receivers, num_segments=nodes.shape[0])  # [N, 3]
    h2_edges = _apply_mlp(params['permutate_edges'], edges_of_nodes)  # [N, 16]
    h2_nodes = nodes  # [N, 3]
    for _ in range(10):
        temp2 = jnp.concatenate([h2_nodes, h2_edges], axis=-1)  # [N, 19]
        h2_nodes = _apply_mlp(params['update_nodes'], temp2)  # [N, 3]
    # NodesToGlobalsAggregator: sum over all nodes (single graph)
    temp3 = jnp.sum(jnp.concatenate([h2_nodes, h2_edges], axis=-1), axis=0, keepdims=True)  # [1, 19]
    out = _apply_mlp(params['predict'], temp3)  # [1, 9]
    return out

if __name__ == "__main__":
    import jax
    _d = setup_inputs()
    print(jax.jit(kernel)(*tuple(_d.values())))

</pallas_src>

<mosaic_0001>
#map = affine_map<(d0, d1) -> (0, 0)>
module attributes {stable_mosaic.version = 14 : i64} {
  func.func @_sc_gather_body(%arg0: i32, %arg1: i32, %arg2: memref<50000x8xf32, #tpu.memory_space<hbm>>, %arg3: memref<6400x128xi32, #tpu.memory_space<hbm>>, %arg4: memref<6400x128xi32, #tpu.memory_space<hbm>>, %arg5: memref<819200x8xf32, #tpu.memory_space<hbm>>, %arg6: memref<819200x8xf32, #tpu.memory_space<hbm>>, %arg7: memref<10x128xi32, #tpu.memory_space<vmem>>, %arg8: memref<10x128xi32, #tpu.memory_space<vmem>>, %arg9: memref<10x128xi32, #tpu.memory_space<vmem>>, %arg10: memref<10x128xi32, #tpu.memory_space<vmem>>, %arg11: memref<1280x8xf32, #tpu.memory_space<vmem>>, %arg12: memref<1280x8xf32, #tpu.memory_space<vmem>>, %arg13: memref<1280x8xf32, #tpu.memory_space<vmem>>, %arg14: memref<1280x8xf32, #tpu.memory_space<vmem>>, %arg15: memref<!tpu.dma_semaphore, #tpu.memory_space<semaphore_mem>>, %arg16: memref<!tpu.dma_semaphore, #tpu.memory_space<semaphore_mem>>, %arg17: memref<!tpu.dma_semaphore, #tpu.memory_space<semaphore_mem>>) attributes {dimension_semantics = [#tpu.dimension_semantics<core_parallel>, #tpu.dimension_semantics<subcore_parallel>], iteration_bounds = array<i64: 2, 16>, scalar_prefetch = 0 : i64, scratch_operands = 11 : i64, tpu.core_type = #tpu.core_type<sc_vector_subcore>, window_params = [{transform_indices = #map}, {transform_indices = #map}, {transform_indices = #map}, {transform_indices = #map}, {transform_indices = #map}]} {
    %mul3A = arith.constant 2 : i32
    %mul3A_0 = arith.muli %arg1, %mul3A : i32
    %add3A = arith.addi %mul3A_0, %arg0 : i32
    %mul3A_1 = arith.constant 200 : i32
    %mul3A_2 = arith.muli %add3A, %mul3A_1 : i32
    %add3A_3 = arith.constant 0 : i32
    %add3A_4 = arith.addi %mul3A_2, %add3A_3 : i32
    "tpu.region"() ({
      %run_scoped3A = tpu.sem_alloc : memref<!tpu.dma_semaphore, #tpu.memory_space<semaphore_mem>>
      %dma_start3A_232 = arith.constant 0 : i32
      %dma_start3A_233 = tpu.memref_slice %arg3[%add3A_4, %dma_start3A_232] : memref<6400x128xi32, #tpu.memory_space<hbm>> -> memref<10x128xi32, #tpu.memory_space<hbm>>
      %dma_start3A_234 = arith.constant 0 : i32
      %dma_start3A_235 = tpu.memref_slice %arg3[%add3A_4, %dma_start3A_234] : memref<6400x128xi32, #tpu.memory_space<hbm>> -> memref<10x128xi32, #tpu.memory_space<hbm>>
      tpu.enqueue_dma source(%dma_start3A_235 : memref<10x128xi32, #tpu.memory_space<hbm>>) target(%arg7 : memref<10x128xi32, #tpu.memory_space<vmem>>) target_semaphore(%run_scoped3A : memref<!tpu.dma_semaphore, #tpu.memory_space<semaphore_mem>>)
      %dma_wait3A_236 = arith.constant 0 : i32
      %dma_wait3A_237 = tpu.memref_slice %arg3[%add3A_4, %dma_wait3A_236] : memref<6400x128xi32, #tpu.memory_space<hbm>> -> memref<10x128xi32, #tpu.memory_space<hbm>>
      %dma_wait3A_238 = arith.constant 0 : i32
      %dma_wait3A_239 = tpu.memref_slice %arg3[%add3A_4, %dma_wait3A_238] : memref<6400x128xi32, #tpu.memory_space<hbm>> -> memref<10x128xi32, #tpu.memory_space<hbm>>
      tpu.wait_dma2 semaphore(%run_scoped3A : memref<!tpu.dma_semaphore, #tpu.memory_space<semaphore_mem>>) src(%dma_wait3A_239 : memref<10x128xi32, #tpu.memory_space<hbm>>) dst(%arg7 : memref<10x128xi32, #tpu.memory_space<vmem>>)
      tpu.yield
    }) : () -> ()
    "tpu.region"() ({
      %run_scoped3A = tpu.sem_alloc : memref<!tpu.dma_semaphore, #tpu.memory_space<semaphore_mem>>
      %dma_start3A_232 = arith.constant 0 : i32
      %dma_start3A_233 = tpu.memref_slice %arg4[%add3A_4, %dma_start3A_232] : memref<6400x128xi32, #tpu.memory_space<hbm>> -> memref<10x128xi32, #tpu.memory_space<hbm>>
      %dma_start3A_234 = arith.constant 0 : i32
      %dma_start3A_235 = tpu.memref_slice %arg4[%add3A_4, %dma_start3A_234] : memref<6400x128xi32, #tpu.memory_space<hbm>> -> memref<10x128xi32, #tpu.memory_space<hbm>>
      tpu.enqueue_dma source(%dma_start3A_235 : memref<10x128xi32, #tpu.memory_space<hbm>>) target(%arg8 : memref<10x128xi32, #tpu.memory_space<vmem>>) target_semaphore(%run_scoped3A : memref<!tpu.dma_semaphore, #tpu.memory_space<semaphore_mem>>)
      %dma_wait3A_236 = arith.constant 0 : i32
      %dma_wait3A_237 = tpu.memref_slice %arg4[%add3A_4, %dma_wait3A_236] : memref<6400x128xi32, #tpu.memory_space<hbm>> -> memref<10x128xi32, #tpu.memory_space<hbm>>
      %dma_wait3A_238 = arith.constant 0 : i32
      %dma_wait3A_239 = tpu.memref_slice %arg4[%add3A_4, %dma_wait3A_238] : memref<6400x128xi32, #tpu.memory_space<hbm>> -> memref<10x128xi32, #tpu.memory_space<hbm>>
      tpu.wait_dma2 semaphore(%run_scoped3A : memref<!tpu.dma_semaphore, #tpu.memory_space<semaphore_mem>>) src(%dma_wait3A_239 : memref<10x128xi32, #tpu.memory_space<hbm>>) dst(%arg8 : memref<10x128xi32, #tpu.memory_space<vmem>>)
      tpu.yield
    }) : () -> ()
    %dma_start3A = arith.constant 0 : i32
    %dma_start3A_5 = arith.constant 0 : i32
    %dma_start3A_6 = arith.constant 0 : i32
    %dma_start3A_7 = tpu.memref_slice %arg11[%dma_start3A_5, %dma_start3A_6] : memref<1280x8xf32, #tpu.memory_space<vmem>> -> memref<128x8xf32, #tpu.memory_space<vmem>>
    %dma_start3A_8 = arith.constant 0 : i32
    %dma_start3A_9 = tpu.memref_slice %arg7[%dma_start3A, %dma_start3A_8] : memref<10x128xi32, #tpu.memory_space<vmem>> -> memref<1x128xi32, #tpu.memory_space<vmem>>
    %dma_start3A_10 = tpu.memref_squeeze %dma_start3A_9 : memref<1x128xi32, #tpu.memory_space<vmem>> -> memref<128xi32, #tpu.memory_space<vmem>>
    %dma_start3A_11 = arith.constant 0 : i32
    %dma_start3A_12 = arith.constant 0 : i32
    %dma_start3A_13 = tpu.memref_slice %arg2[%dma_start3A_11, %dma_start3A_12] : memref<50000x8xf32, #tpu.memory_space<hbm>> -> memref<50000x8xf32, #tpu.memory_space<hbm>>
    tpu.enqueue_indirect_dma source(%dma_start3A_13 : memref<50000x8xf32, #tpu.memory_space<hbm>>) target(%dma_start3A_7 : memref<128x8xf32, #tpu.memory_space<vmem>>) offsets(%dma_start3A_10 : memref<128xi32, #tpu.memory_space<vmem>>) semaphore(%arg15 : memref<!tpu.dma_semaphore, #tpu.memory_space<semaphore_mem>>)
    %dma_start3A_14 = arith.constant 0 : i32
    %dma_start3A_15 = arith.constant 0 : i32
    %dma_start3A_16 = arith.constant 0 : i32
    %dma_start3A_17 = tpu.memref_slice %arg12[%dma_start3A_15, %dma_start3A_16] : memref<1280x8xf32, #tpu.memory_space<vmem>> -> memref<128x8xf32, #tpu.memory_space<vmem>>
    %dma_start3A_18 = arith.constant 0 : i32
    %dma_start3A_19 = tpu.memref_slice %arg8[%dma_start3A_14, %dma_start3A_18] : memref<10x128xi32, #tpu.memory_space<vmem>> -> memref<1x128xi32, #tpu.memory_space<vmem>>
    %dma_start3A_20 = tpu.memref_squeeze %dma_start3A_19 : memref<1x128xi32, #tpu.memory_space<vmem>> -> memref<128xi32, #tpu.memory_space<vmem>>
    %dma_start3A_21 = arith.constant 0 : i32
    %dma_start3A_22 = arith.constant 0 : i32
    %dma_start3A_23 = tpu.memref_slice %arg2[%dma_start3A_21, %dma_start3A_22] : memref<50000x8xf32, #tpu.memory_space<hbm>> -> memref<50000x8xf32, #tpu.memory_space<hbm>>
    tpu.enqueue_indirect_dma source(%dma_start3A_23 : memref<50000x8xf32, #tpu.memory_space<hbm>>) target(%dma_start3A_17 : memref<128x8xf32, #tpu.memory_space<vmem>>) offsets(%dma_start3A_20 : memref<128xi32, #tpu.memory_space<vmem>>) semaphore(%arg15 : memref<!tpu.dma_semaphore, #tpu.memory_space<semaphore_mem>>)
    %dma_start3A_24 = arith.constant 1 : i32
    %dma_start3A_25 = arith.constant 128 : i32
    %dma_start3A_26 = arith.constant 0 : i32
    %dma_start3A_27 = tpu.memref_slice %arg11[%dma_start3A_25, %dma_start3A_26] : memref<1280x8xf32, #tpu.memory_space<vmem>> -> memref<128x8xf32, #tpu.memory_space<vmem>>
    %dma_start3A_28 = arith.constant 0 : i32
    %dma_start3A_29 = tpu.memref_slice %arg7[%dma_start3A_24, %dma_start3A_28] : memref<10x128xi32, #tpu.memory_space<vmem>> -> memref<1x128xi32, #tpu.memory_space<vmem>>
    %dma_start3A_30 = tpu.memref_squeeze %dma_start3A_29 : memref<1x128xi32, #tpu.memory_space<vmem>> -> memref<128xi32, #tpu.memory_space<vmem>>
    %dma_start3A_31 = arith.constant 0 : i32
    %dma_start3A_32 = arith.constant 0 : i32
    %dma_start3A_33 = tpu.memref_slice %arg2[%dma_start3A_31, %dma_start3A_32] : memref<50000x8xf32, #tpu.memory_space<hbm>> -> memref<50000x8xf32, #tpu.memory_space<hbm>>
    tpu.enqueue_indirect_dma source(%dma_start3A_33 : memref<50000x8xf32, #tpu.memory_space<hbm>>) target(%dma_start3A_27 : memref<128x8xf32, #tpu.memory_space<vmem>>) offsets(%dma_start3A_30 : memref<128xi32, #tpu.memory_space<vmem>>) semaphore(%arg15 : memref<!tpu.dma_semaphore, #tpu.memory_space<semaphore_mem>>)
    %dma_start3A_34 = arith.constant 1 : i32
    %dma_start3A_35 = arith.constant 128 : i32
    %dma_start3A_36 = arith.constant 0 : i32
    %dma_start3A_37 = tpu.memref_slice %arg12[%dma_start3A_35, %dma_start3A_36] : memref<1280x8xf32, #tpu.memory_space<vmem>> -> memref<128x8xf32, #tpu.memory_space<vmem>>
    %dma_start3A_38 = arith.constant 0 : i32
    %dma_start3A_39 = tpu.memref_slice %arg8[%dma_start3A_34, %dma_start3A_38] : memref<10x128xi32, #tpu.memory_space<vmem>> -> memref<1x128xi32, #tpu.memory_space<vmem>>
    %dma_start3A_40 = tpu.memref_squeeze %dma_start3A_39 : memref<1x128xi32, #tpu.memory_space<vmem>> -> memref<128xi32, #tpu.memory_space<vmem>>
    %dma_start3A_41 = arith.constant 0 : i32
    %dma_start3A_42 = arith.constant 0 : i32
    %dma_start3A_43 = tpu.memref_slice %arg2[%dma_start3A_41, %dma_start3A_42] : memref<50000x8xf32, #tpu.memory_space<hbm>> -> memref<50000x8xf32, #tpu.memory_space<hbm>>
    tpu.enqueue_indirect_dma source(%dma_start3A_43 : memref<50000x8xf32, #tpu.memory_space<hbm>>) target(%dma_start3A_37 : memref<128x8xf32, #tpu.memory_space<vmem>>) offsets(%dma_start3A_40 : memref<128xi32, #tpu.memory_space<vmem>>) semaphore(%arg15 : memref<!tpu.dma_semaphore, #tpu.memory_space<semaphore_mem>>)
    %dma_start3A_44 = arith.constant 2 : i32
    %dma_start3A_45 = arith.constant 256 : i32
    %dma_start3A_46 = arith.constant 0 : i32
    %dma_start3A_47 = tpu.memref_slice %arg11[%dma_start3A_45, %dma_start3A_46] : memref<1280x8xf32, #tpu.memory_space<vmem>> -> memref<128x8xf32, #tpu.memory_space<vmem>>
    %dma_start3A_48 = arith.constant 0 : i32
    %dma_start3A_49 = tpu.memref_slice %arg7[%dma_start3A_44, %dma_start3A_48] : memref<10x128xi32, #tpu.memory_space<vmem>> -> memref<1x128xi32, #tpu.memory_space<vmem>>
    %dma_start3A_50 = tpu.memref_squeeze %dma_start3A_49 : memref<1x128xi32, #tpu.memory_space<vmem>> -> memref<128xi32, #tpu.memory_space<vmem>>
    %dma_start3A_51 = arith.constant 0 : i32
    %dma_start3A_52 = arith.constant 0 : i32
    %dma_start3A_53 = tpu.memref_slice %arg2[%dma_start3A_51, %dma_start3A_52] : memref<50000x8xf32, #tpu.memory_space<hbm>> -> memref<50000x8xf32, #tpu.memory_space<hbm>>
    tpu.enqueue_indirect_dma source(%dma_start3A_53 : memref<50000x8xf32, #tpu.memory_space<hbm>>) target(%dma_start3A_47 : memref<128x8xf32, #tpu.memory_space<vmem>>) offsets(%dma_start3A_50 : memref<128xi32, #tpu.memory_space<vmem>>) semaphore(%arg15 : memref<!tpu.dma_semaphore, #tpu.memory_space<semaphore_mem>>)
    %dma_start3A_54 = arith.constant 2 : i32
    %dma_start3A_55 = arith.constant 256 : i32
    %dma_start3A_56 = arith.constant 0 : i32
    %dma_start3A_57 = tpu.memref_slice %arg12[%dma_start3A_55, %dma_start3A_56] : memref<1280x8xf32, #tpu.memory_space<vmem>> -> memref<128x8xf32, #tpu.memory_space<vmem>>
    %dma_start3A_58 = arith.constant 0 : i32
    %dma_start3A_59 = tpu.memref_slice %arg8[%dma_start3A_54, %dma_start3A_58] : memref<10x128xi32, #tpu.memory_space<vmem>> -> memref<1x128xi32, #tpu.memory_space<vmem>>
    %dma_start3A_60 = tpu.memref_squeeze %dma_start3A_59 : memref<1x128xi32, #tpu.memory_space<vmem>> -> memref<128xi32, #tpu.memory_space<vmem>>
    %dma_start3A_61 = arith.constant 0 : i32
    %dma_start3A_62 = arith.constant 0 : i32
    %dma_start3A_63 = tpu.memref_slice %arg2[%dma_start3A_61, %dma_start3A_62] : memref<50000x8xf32, #tpu.memory_space<hbm>> -> memref<50000x8xf32, #tpu.memory_space<hbm>>
    tpu.enqueue_indirect_dma source(%dma_start3A_63 : memref<50000x8xf32, #tpu.memory_space<hbm>>) target(%dma_start3A_57 : memref<128x8xf32, #tpu.memory_space<vmem>>) offsets(%dma_start3A_60 : memref<128xi32, #tpu.memory_space<vmem>>) semaphore(%arg15 : memref<!tpu.dma_semaphore, #tpu.memory_space<semaphore_mem>>)
    %dma_start3A_64 = arith.constant 3 : i32
    %dma_start3A_65 = arith.constant 384 : i32
    %dma_start3A_66 = arith.constant 0 : i32
    %dma_start3A_67 = tpu.memref_slice %arg11[%dma_start3A_65, %dma_start3A_66] : memref<1280x8xf32, #tpu.memory_space<vmem>> -> memref<128x8xf32, #tpu.memory_space<vmem>>
    %dma_start3A_68 = arith.constant 0 : i32
    %dma_start3A_69 = tpu.memref_slice %arg7[%dma_start3A_64, %dma_start3A_68] : memref<10x128xi32, #tpu.memory_space<vmem>> -> memref<1x128xi32, #tpu.memory_space<vmem>>
    %dma_start3A_70 = tpu.memref_squeeze %dma_start3A_69 : memref<1x128xi32, #tpu.memory_space<vmem>> -> memref<128xi32, #tpu.memory_space<vmem>>
    %dma_start3A_71 = arith.constant 0 : i32
    %dma_start3A_72 = arith.constant 0 : i32
    %dma_start3A_73 = tpu.memref_slice %arg2[%dma_start3A_71, %dma_start3A_72] : memref<50000x8xf32, #tpu.memory_space<hbm>> -> memref<50000x8xf32, #tpu.memory_space<hbm>>
    tpu.enqueue_indirect_dma source(%dma_start3A_73 : memref<50000x8xf32, #tpu.memory_space<hbm>>) target(%dma_start3A_67 : memref<128x8xf32, #tpu.memory_space<vmem>>) offsets(%dma_start3A_70 : memref<128xi32, #tpu.memory_space<vmem>>) semaphore(%arg15 : memref<!tpu.dma_semaphore, #tpu.memory_space<semaphore_mem>>)
    %dma_start3A_74 = arith.constant 3 : i32
    %dma_start3A_75 = arith.constant 384 : i32
    %dma_start3A_76 = arith.constant 0 : i32
    %dma_start3A_77 = tpu.memref_slice %arg12[%dma_start3A_75, %dma_start3A_76] : memref<1280x8xf32, #tpu.memory_space<vmem>> -> memref<128x8xf32, #tpu.memory_space<vmem>>
    %dma_start3A_78 = arith.constant 0 : i32
    %dma_start3A_79 = tpu.memref_slice %arg8[%dma_start3A_74, %dma_start3A_78] : memref<10x128xi32, #tpu.memory_space<vmem>> -> memref<1x128xi32, #tpu.memory_space<vmem>>
    %dma_start3A_80 = tpu.memref_squeeze %dma_start3A_79 : memref<1x128xi32, #tpu.memory_space<vmem>> -> memref<128xi32, #tpu.memory_space<vmem>>
    %dma_start3A_81 = arith.constant 0 : i32
    %dma_start3A_82 = arith.constant 0 : i32
    %dma_start3A_83 = tpu.memref_slice %arg2[%dma_start3A_81, %dma_start3A_82] : memref<50000x8xf32, #tpu.memory_space<hbm>> -> memref<50000x8xf32, #tpu.memory_space<hbm>>
    tpu.enqueue_indirect_dma source(%dma_start3A_83 : memref<50000x8xf32, #tpu.memory_space<hbm>>) target(%dma_start3A_77 : memref<128x8xf32, #tpu.memory_space<vmem>>) offsets(%dma_start3A_80 : memref<128xi32, #tpu.memory_space<vmem>>) semaphore(%arg15 : memref<!tpu.dma_semaphore, #tpu.memory_space<semaphore_mem>>)
    %dma_start3A_84 = arith.constant 4 : i32
    %dma_start3A_85 = arith.constant 512 : i32
    %dma_start3A_86 = arith.constant 0 : i32
    %dma_start3A_87 = tpu.memref_slice %arg11[%dma_start3A_85, %dma_start3A_86] : memref<1280x8xf32, #tpu.memory_space<vmem>> -> memref<128x8xf32, #tpu.memory_space<vmem>>
    %dma_start3A_88 = arith.constant 0 : i32
    %dma_start3A_89 = tpu.memref_slice %arg7[%dma_start3A_84, %dma_start3A_88] : memref<10x128xi32, #tpu.memory_space<vmem>> -> memref<1x128xi32, #tpu.memory_space<vmem>>
    %dma_start3A_90 = tpu.memref_squeeze %dma_start3A_89 : memref<1x128xi32, #tpu.memory_space<vmem>> -> memref<128xi32, #tpu.memory_space<vmem>>
    %dma_start3A_91 = arith.constant 0 : i32
    %dma_start3A_92 = arith.constant 0 : i32
    %dma_start3A_93 = tpu.memref_slice %arg2[%dma_start3A_91, %dma_start3A_92] : memref<50000x8xf32, #tpu.memory_space<hbm>> -> memref<50000x8xf32, #tpu.memory_space<hbm>>
    tpu.enqueue_indirect_dma source(%dma_start3A_93 : memref<50000x8xf32, #tpu.memory_space<hbm>>) target(%dma_start3A_87 : memref<128x8xf32, #tpu.memory_space<vmem>>) offsets(%dma_start3A_90 : memref<128xi32, #tpu.memory_space<vmem>>) semaphore(%arg15 : memref<!tpu.dma_semaphore, #tpu.memory_space<semaphore_mem>>)
    %dma_start3A_94 = arith.constant 4 : i32
    %dma_start3A_95 = arith.constant 512 : i32
    %dma_start3A_96 = arith.constant 0 : i32
    %dma_start3A_97 = tpu.memref_slice %arg12[%dma_start3A_95, %dma_start3A_96] : memref<1280x8xf32, #tpu.memory_space<vmem>> -> memref<128x8xf32, #tpu.memory_space<vmem>>
    %dma_start3A_98 = arith.constant 0 : i32
    %dma_start3A_99 = tpu.memref_slice %arg8[%dma_start3A_94, %dma_start3A_98] : memref<10x128xi32, #tpu.memory_space<vmem>> -> memref<1x128xi32, #tpu.memory_space<vmem>>
    %dma_start3A_100 = tpu.memref_squeeze %dma_start3A_99 : memref<1x128xi32, #tpu.memory_space<vmem>> -> memref<128xi32, #tpu.memory_space<vmem>>
    %dma_start3A_101 = arith.constant 0 : i32
    %dma_start3A_102 = arith.constant 0 : i32
    %dma_start3A_103 = tpu.memref_slice %arg2[%dma_start3A_101, %dma_start3A_102] : memref<50000x8xf32, #tpu.memory_space<hbm>> -> memref<50000x8xf32, #tpu.memory_space<hbm>>
    tpu.enqueue_indirect_dma source(%dma_start3A_103 : memref<50000x8xf32, #tpu.memory_space<hbm>>) target(%dma_start3A_97 : memref<128x8xf32, #tpu.memory_space<vmem>>) offsets(%dma_start3A_100 : memref<128xi32, #tpu.memory_space<vmem>>) semaphore(%arg15 : memref<!tpu.dma_semaphore, #tpu.memory_space<semaphore_mem>>)
    %dma_start3A_104 = arith.constant 5 : i32
    %dma_start3A_105 = arith.constant 640 : i32
    %dma_start3A_106 = arith.constant 0 : i32
    %dma_start3A_107 = tpu.memref_slice %arg11[%dma_start3A_105, %dma_start3A_106] : memref<1280x8xf32, #tpu.memory_space<vmem>> -> memref<128x8xf32, #tpu.memory_space<vmem>>
    %dma_start3A_108 = arith.constant 0 : i32
    %dma_start3A_109 = tpu.memref_slice %arg7[%dma_start3A_104, %dma_start3A_108] : memref<10x128xi32, #tpu.memory_space<vmem>> -> memref<1x128xi32, #tpu.memory_space<vmem>>
    %dma_start3A_110 = tpu.memref_squeeze %dma_start3A_109 : memref<1x128xi32, #tpu.memory_space<vmem>> -> memref<128xi32, #tpu.memory_space<vmem>>
    %dma_start3A_111 = arith.constant 0 : i32
    %dma_start3A_112 = arith.constant 0 : i32
    %dma_start3A_113 = tpu.memref_slice %arg2[%dma_start3A_111, %dma_start3A_112] : memref<50000x8xf32, #tpu.memory_space<hbm>> -> memref<50000x8xf32, #tpu.memory_space<hbm>>
    tpu.enqueue_indirect_dma source(%dma_start3A_113 : memref<50000x8xf32, #tpu.memory_space<hbm>>) target(%dma_start3A_107 : memref<128x8xf32, #tpu.memory_space<vmem>>) offsets(%dma_start3A_110 : memref<128xi32, #tpu.memory_space<vmem>>) semaphore(%arg15 : memref<!tpu.dma_semaphore, #tpu.memory_space<semaphore_mem>>)
    %dma_start3A_114 = arith.constant 5 : i32
    %dma_start3A_115 = arith.constant 640 : i32
    %dma_start3A_116 = arith.constant 0 : i32
    %dma_start3A_117 = tpu.memref_slice %arg12[%dma_start3A_115, %dma_start3A_116] : memref<1280x8xf32, #tpu.memory_space<vmem>> -> memref<128x8xf32, #tpu.memory_space<vmem>>
    %dma_start3A_118 = arith.constant 0 : i32
    %dma_start3A_119 = tpu.memref_slice %arg8[%dma_start3A_114, %dma_start3A_118] : memref<10x128xi32, #tpu.memory_space<vmem>> -> memref<1x128xi32, #tpu.memory_space<vmem>>
    %dma_start3A_120 = tpu.memref_squeeze %dma_start3A_119 : memref<1x128xi32, #tpu.memory_space<vmem>> -> memref<128xi32, #tpu.memory_space<vmem>>
    %dma_start3A_121 = arith.constant 0 : i32
    %dma_start3A_122 = arith.constant 0 : i32
    %dma_start3A_123 = tpu.memref_slice %arg2[%dma_start3A_121, %dma_start3A_122] : memref<50000x8xf32, #tpu.memory_space<hbm>> -> memref<50000x8xf32, #tpu.memory_space<hbm>>
    tpu.enqueue_indirect_dma source(%dma_start3A_123 : memref<50000x8xf32, #tpu.memory_space<hbm>>) target(%dma_start3A_117 : memref<128x8xf32, #tpu.memory_space<vmem>>) offsets(%dma_start3A_120 : memref<128xi32, #tpu.memory_space<vmem>>) semaphore(%arg15 : memref<!tpu.dma_semaphore, #tpu.memory_space<semaphore_mem>>)
    %dma_start3A_124 = arith.constant 6 : i32
    %dma_start3A_125 = arith.constant 768 : i32
    %dma_start3A_126 = arith.constant 0 : i32
    %dma_start3A_127 = tpu.memref_slice %arg11[%dma_start3A_125, %dma_start3A_126] : memref<1280x8xf32, #tpu.memory_space<vmem>> -> memref<128x8xf32, #tpu.memory_space<vmem>>
    %dma_start3A_128 = arith.constant 0 : i32
    %dma_start3A_129 = tpu.memref_slice %arg7[%dma_start3A_124, %dma_start3A_128] : memref<10x128xi32, #tpu.memory_space<vmem>> -> memref<1x128xi32, #tpu.memory_space<vmem>>
    %dma_start3A_130 = tpu.memref_squeeze %dma_start3A_129 : memref<1x128xi32, #tpu.memory_space<vmem>> -> memref<128xi32, #tpu.memory_space<vmem>>
    %dma_start3A_131 = arith.constant 0 : i32
    %dma_start3A_132 = arith.constant 0 : i32
    %dma_start3A_133 = tpu.memref_slice %arg2[%dma_start3A_131, %dma_start3A_132] : memref<50000x8xf32, #tpu.memory_space<hbm>> -> memref<50000x8xf32, #tpu.memory_space<hbm>>
    tpu.enqueue_indirect_dma source(%dma_start3A_133 : memref<50000x8xf32, #tpu.memory_space<hbm>>) target(%dma_start3A_127 : memref<128x8xf32, #tpu.memory_space<vmem>>) offsets(%dma_start3A_130 : memref<128xi32, #tpu.memory_space<vmem>>) semaphore(%arg15 : memref<!tpu.dma_semaphore, #tpu.memory_space<semaphore_mem>>)
    %dma_start3A_134 = arith.constant 6 : i32
    %dma_start3A_135 = arith.constant 768 : i32
    %dma_start3A_136 = arith.constant 0 : i32
    %dma_start3A_137 = tpu.memref_slice %arg12[%dma_start3A_135, %dma_start3A_136] : memref<1280x8xf32, #tpu.memory_space<vmem>> -> memref<128x8xf32, #tpu.memory_space<vmem>>
    %dma_start3A_138 = arith.constant 0 : i32
    %dma_start3A_139 = tpu.memref_slice %arg8[%dma_start3A_134, %dma_start3A_138] : memref<10x128xi32, #tpu.memory_space<vmem>> -> memref<1x128xi32, #tpu.memory_space<vmem>>
    %dma_start3A_140 = tpu.memref_squeeze %dma_start3A_139 : memref<1x128xi32, #tpu.memory_space<vmem>> -> memref<128xi32, #tpu.memory_space<vmem>>
    %dma_start3A_141 = arith.constant 0 : i32
    %dma_start3A_142 = arith.constant 0 : i32
    %dma_start3A_143 = tpu.memref_slice %arg2[%dma_start3A_141, %dma_start3A_142] : memref<50000x8xf32, #tpu.memory_space<hbm>> -> memref<50000x8xf32, #tpu.memory_space<hbm>>
    tpu.enqueue_indirect_dma source(%dma_start3A_143 : memref<50000x8xf32, #tpu.memory_space<hbm>>) target(%dma_start3A_137 : memref<128x8xf32, #tpu.memory_space<vmem>>) offsets(%dma_start3A_140 : memref<128xi32, #tpu.memory_space<vmem>>) semaphore(%arg15 : memref<!tpu.dma_semaphore, #tpu.memory_space<semaphore_mem>>)
    %dma_start3A_144 = arith.constant 7 : i32
    %dma_start3A_145 = arith.constant 896 : i32
    %dma_start3A_146 = arith.constant 0 : i32
    %dma_start3A_147 = tpu.memref_slice %arg11[%dma_start3A_145, %dma_start3A_146] : memref<1280x8xf32, #tpu.memory_space<vmem>> -> memref<128x8xf32, #tpu.memory_space<vmem>>
    %dma_start3A_148 = arith.constant 0 : i32
    %dma_start3A_149 = tpu.memref_slice %arg7[%dma_start3A_144, %dma_start3A_148] : memref<10x128xi32, #tpu.memory_space<vmem>> -> memref<1x128xi32, #tpu.memory_space<vmem>>
    %dma_start3A_150 = tpu.memref_squeeze %dma_start3A_149 : memref<1x128xi32, #tpu.memory_space<vmem>> -> memref<128xi32, #tpu.memory_space<vmem>>
    %dma_start3A_151 = arith.constant 0 : i32
    %dma_start3A_152 = arith.constant 0 : i32
    %dma_start3A_153 = tpu.memref_slice %arg2[%dma_start3A_151, %dma_start3A_152] : memref<50000x8xf32, #tpu.memory_space<hbm>> -> memref<50000x8xf32, #tpu.memory_space<hbm>>
    tpu.enqueue_indirect_dma source(%dma_start3A_153 : memref<50000x8xf32, #tpu.memory_space<hbm>>) target(%dma_start3A_147 : memref<128x8xf32, #tpu.memory_space<vmem>>) offsets(%dma_start3A_150 : memref<128xi32, #tpu.memory_space<vmem>>) semaphore(%arg15 : memref<!tpu.dma_semaphore, #tpu.memory_space<semaphore_mem>>)
    %dma_start3A_154 = arith.constant 7 : i32
    %dma_start3A_155 = arith.constant 896 : i32
    %dma_start3A_156 = arith.constant 0 : i32
    %dma_start3A_157 = tpu.memref_slice %arg12[%dma_start3A_155, %dma_start3A_156] : memref<1280x8xf32, #tpu.memory_space<vmem>> -> memref<128x8xf32, #tpu.memory_space<vmem>>
    %dma_start3A_158 = arith.constant 0 : i32
    %dma_start3A_159 = tpu.memref_slice %arg8[%dma_start3A_154, %dma_start3A_158] : memref<10x128xi32, #tpu.memory_space<vmem>> -> memref<1x128xi32, #tpu.memory_space<vmem>>
    %dma_start3A_160 = tpu.memref_squeeze %dma_start3A_159 : memref<1x128xi32, #tpu.memory_space<vmem>> -> memref<128xi32, #tpu.memory_space<vmem>>
    %dma_start3A_161 = arith.constant 0 : i32
    %dma_start3A_162 = arith.constant 0 : i32
    %dma_start3A_163 = tpu.memref_slice %arg2[%dma_start3A_161, %dma_start3A_162] : memref<50000x8xf32, #tpu.memory_space<hbm>> -> memref<50000x8xf32, #tpu.memory_space<hbm>>
    tpu.enqueue_indirect_dma source(%dma_start3A_163 : memref<50000x8xf32, #tpu.memory_space<hbm>>) target(%dma_start3A_157 : memref<128x8xf32, #tpu.memory_space<vmem>>) offsets(%dma_start3A_160 : memref<128xi32, #tpu.memory_space<vmem>>) semaphore(%arg15 : memref<!tpu.dma_semaphore, #tpu.memory_space<semaphore_mem>>)
    %dma_start3A_164 = arith.constant 8 : i32
    %dma_start3A_165 = arith.constant 1024 : i32
    %dma_start3A_166 = arith.constant 0 : i32
    %dma_start3A_167 = tpu.memref_slice %arg11[%dma_start3A_165, %dma_start3A_166] : memref<1280x8xf32, #tpu.memory_space<vmem>> -> memref<128x8xf32, #tpu.memory_space<vmem>>
    %dma_start3A_168 = arith.constant 0 : i32
    %dma_start3A_169 = tpu.memref_slice %arg7[%dma_start3A_164, %dma_start3A_168] : memref<10x128xi32, #tpu.memory_space<vmem>> -> memref<1x128xi32, #tpu.memory_space<vmem>>
    %dma_start3A_170 = tpu.memref_squeeze %dma_start3A_169 : memref<1x128xi32, #tpu.memory_space<vmem>> -> memref<128xi32, #tpu.memory_space<vmem>>
    %dma_start3A_171 = arith.constant 0 : i32
    %dma_start3A_172 = arith.constant 0 : i32
    %dma_start3A_173 = tpu.memref_slice %arg2[%dma_start3A_171, %dma_start3A_172] : memref<50000x8xf32, #tpu.memory_space<hbm>> -> memref<50000x8xf32, #tpu.memory_space<hbm>>
    tpu.enqueue_indirect_dma source(%dma_start3A_173 : memref<50000x8xf32, #tpu.memory_space<hbm>>) target(%dma_start3A_167 : memref<128x8xf32, #tpu.memory_space<vmem>>) offsets(%dma_start3A_170 : memref<128xi32, #tpu.memory_space<vmem>>) semaphore(%arg15 : memref<!tpu.dma_semaphore, #tpu.memory_space<semaphore_mem>>)
    %dma_start3A_174 = arith.constant 8 : i32
    %dma_start3A_175 = arith.constant 1024 : i32
    %dma_start3A_176 = arith.constant 0 : i32
    %dma_start3A_177 = tpu.memref_slice %arg12[%dma_start3A_175, %dma_start3A_176] : memref<1280x8xf32, #tpu.memory_space<vmem>> -> memref<128x8xf32, #tpu.memory_space<vmem>>
    %dma_start3A_178 = arith.constant 0 : i32
    %dma_start3A_179 = tpu.memref_slice %arg8[%dma_start3A_174, %dma_start3A_178] : memref<10x128xi32, #tpu.memory_space<vmem>> -> memref<1x128xi32, #tpu.memory_space<vmem>>
    %dma_start3A_180 = tpu.memref_squeeze %dma_start3A_179 : memref<1x128xi32, #tpu.memory_space<vmem>> -> memref<128xi32, #tpu.memory_space<vmem>>
    %dma_start3A_181 = arith.constant 0 : i32
    %dma_start3A_182 = arith.constant 0 : i32
    %dma_start3A_183 = tpu.memref_slice %arg2[%dma_start3A_181, %dma_start3A_182] : memref<50000x8xf32, #tpu.memory_space<hbm>> -> memref<50000x8xf32, #tpu.memory_space<hbm>>
    tpu.enqueue_indirect_dma source(%dma_start3A_183 : memref<50000x8xf32, #tpu.memory_space<hbm>>) target(%dma_start3A_177 : memref<128x8xf32, #tpu.memory_space<vmem>>) offsets(%dma_start3A_180 : memref<128xi32, #tpu.memory_space<vmem>>) semaphore(%arg15 : memref<!tpu.dma_semaphore, #tpu.memory_space<semaphore_mem>>)
    %dma_start3A_184 = arith.constant 9 : i32
    %dma_start3A_185 = arith.constant 1152 : i32
    %dma_start3A_186 = arith.constant 0 : i32
    %dma_start3A_187 = tpu.memref_slice %arg11[%dma_start3A_185, %dma_start3A_186] : memref<1280x8xf32, #tpu.memory_space<vmem>> -> memref<128x8xf32, #tpu.memory_space<vmem>>
    %dma_start3A_188 = arith.constant 0 : i32
    %dma_start3A_189 = tpu.memref_slice %arg7[%dma_start3A_184, %dma_start3A_188] : memref<10x128xi32, #tpu.memory_space<vmem>> -> memref<1x128xi32, #tpu.memory_space<vmem>>
    %dma_start3A_190 = tpu.memref_squeeze %dma_start3A_189 : memref<1x128xi32, #tpu.memory_space<vmem>> -> memref<128xi32, #tpu.memory_space<vmem>>
    %dma_start3A_191 = arith.constant 0 : i32
    %dma_start3A_192 = arith.constant 0 : i32
    %dma_start3A_193 = tpu.memref_slice %arg2[%dma_start3A_191, %dma_start3A_192] : memref<50000x8xf32, #tpu.memory_space<hbm>> -> memref<50000x8xf32, #tpu.memory_space<hbm>>
    tpu.enqueue_indirect_dma source(%dma_start3A_193 : memref<50000x8xf32, #tpu.memory_space<hbm>>) target(%dma_start3A_187 : memref<128x8xf32, #tpu.memory_space<vmem>>) offsets(%dma_start3A_190 : memref<128xi32, #tpu.memory_space<vmem>>) semaphore(%arg15 : memref<!tpu.dma_semaphore, #tpu.memory_space<semaphore_mem>>)
    %dma_start3A_194 = arith.constant 9 : i32
    %dma_start3A_195 = arith.constant 1152 : i32
    %dma_start3A_196 = arith.constant 0 : i32
    %dma_start3A_197 = tpu.memref_slice %arg12[%dma_start3A_195, %dma_start3A_196] : memref<1280x8xf32, #tpu.memory_space<vmem>> -> memref<128x8xf32, #tpu.memory_space<vmem>>
    %dma_start3A_198 = arith.constant 0 : i32
    %dma_start3A_199 = tpu.memref_slice %arg8[%dma_start3A_194, %dma_start3A_198] : memref<10x128xi32, #tpu.memory_space<vmem>> -> memref<1x128xi32, #tpu.memory_space<vmem>>
    %dma_start3A_200 = tpu.memref_squeeze %dma_start3A_199 : memref<1x128xi32, #tpu.memory_space<vmem>> -> memref<128xi32, #tpu.memory_space<vmem>>
    %dma_start3A_201 = arith.constant 0 : i32
    %dma_start3A_202 = arith.constant 0 : i32
    %dma_start3A_203 = tpu.memref_slice %arg2[%dma_start3A_201, %dma_start3A_202] : memref<50000x8xf32, #tpu.memory_space<hbm>> -> memref<50000x8xf32, #tpu.memory_space<hbm>>
    tpu.enqueue_indirect_dma source(%dma_start3A_203 : memref<50000x8xf32, #tpu.memory_space<hbm>>) target(%dma_start3A_197 : memref<128x8xf32, #tpu.memory_space<vmem>>) offsets(%dma_start3A_200 : memref<128xi32, #tpu.memory_space<vmem>>) semaphore(%arg15 : memref<!tpu.dma_semaphore, #tpu.memory_space<semaphore_mem>>)
    %scan3A = arith.constant 0 : i32
    %scan3A_204 = arith.constant 0 : i32
    %scan3A_205 = arith.constant 10 : i32
    %scan3A_206 = arith.addi %scan3A_204, %scan3A_205 : i32
    %scan3A_207 = arith.constant 1 : i32
    scf.for %scan3A_232 = %scan3A_204 to %scan3A_206 step %scan3A_207  : i32 {
      %mul3A_233 = arith.constant 2 : i32
      %mul3A_234 = arith.muli %mul3A_233, %scan3A_232 : i32
      %add3A_235 = arith.constant 1 : i32
      %add3A_236 = arith.addi %mul3A_234, %add3A_235 : i32
      %mul3A_237 = arith.constant 10 : i32
      %mul3A_238 = arith.muli %add3A_236, %mul3A_237 : i32
      %add3A_239 = arith.addi %mul3A_2, %mul3A_238 : i32
      "tpu.region"() ({
        %run_scoped3A = tpu.sem_alloc : memref<!tpu.dma_semaphore, #tpu.memory_space<semaphore_mem>>
        %dma_start3A_877 = arith.constant 0 : i32
        %dma_start3A_878 = tpu.memref_slice %arg3[%add3A_239, %dma_start3A_877] : memref<6400x128xi32, #tpu.memory_space<hbm>> -> memref<10x128xi32, #tpu.memory_space<hbm>>
        %dma_start3A_879 = arith.constant 0 : i32
        %dma_start3A_880 = tpu.memref_slice %arg3[%add3A_239, %dma_start3A_879] : memref<6400x128xi32, #tpu.memory_space<hbm>> -> memref<10x128xi32, #tpu.memory_space<hbm>>
        tpu.enqueue_dma source(%dma_start3A_880 : memref<10x128xi32, #tpu.memory_space<hbm>>) target(%arg9 : memref<10x128xi32, #tpu.memory_space<vmem>>) target_semaphore(%run_scoped3A : memref<!tpu.dma_semaphore, #tpu.memory_space<semaphore_mem>>)
        %dma_wait3A_881 = arith.constant 0 : i32
        %dma_wait3A_882 = tpu.memref_slice %arg3[%add3A_239, %dma_wait3A_881] : memref<6400x128xi32, #tpu.memory_space<hbm>> -> memref<10x128xi32, #tpu.memory_space<hbm>>
        %dma_wait3A_883 = arith.constant 0 : i32
        %dma_wait3A_884 = tpu.memref_slice %arg3[%add3A_239, %dma_wait3A_883] : memref<6400x128xi32, #tpu.memory_space<hbm>> -> memref<10x128xi32, #tpu.memory_space<hbm>>
        tpu.wait_dma2 semaphore(%run_scoped3A : memref<!tpu.dma_semaphore, #tpu.memory_space<semaphore_mem>>) src(%dma_wait3A_884 : memref<10x128xi32, #tpu.memory_space<hbm>>) dst(%arg9 : memref<10x128xi32, #tpu.memory_space<vmem>>)
        tpu.yield
      }) : () -> ()
      "tpu.region"() ({
        %run_scoped3A = tpu.sem_alloc : memref<!tpu.dma_semaphore, #tpu.memory_space<semaphore_mem>>
        %dma_start3A_877 = arith.constant 0 : i32
        %dma_start3A_878 = tpu.memref_slice %arg4[%add3A_239, %dma_start3A_877] : memref<6400x128xi32, #tpu.memory_space<hbm>> -> memref<10x128xi32, #tpu.memory_space<hbm>>
        %dma_start3A_879 = arith.constant 0 : i32
        %dma_start3A_880 = tpu.memref_slice %arg4[%add3A_239, %dma_start3A_879] : memref<6400x128xi32, #tpu.memory_space<hbm>> -> memref<10x128xi32, #tpu.memory_space<hbm>>
        tpu.enqueue_dma source(%dma_start3A_880 : memref<10x128xi32, #tpu.memory_space<hbm>>) target(%arg10 : memref<10x128xi32, #tpu.memory_space<vmem>>) target_semaphore(%run_scoped3A : memref<!tpu.dma_semaphore, #tpu.memory_space<semaphore_mem>>)
        %dma_wait3A_881 = arith.constant 0 : i32
        %dma_wait3A_882 = tpu.memref_slice %arg4[%add3A_239, %dma_wait3A_881] : memref<6400x128xi32, #tpu.memory_space<hbm>> -> memref<10x128xi32, #tpu.memory_space<hbm>>
        %dma_wait3A_883 = arith.constant 0 : i32
        %dma_wait3A_884 = tpu.memref_slice %arg4[%add3A_239, %dma_wait3A_883] : memref<6400x128xi32, #tpu.memory_space<hbm>> -> memref<10x128xi32, #tpu.memory_space<hbm>>
        tpu.wait_dma2 semaphore(%run_scoped3A : memref<!tpu.dma_semaphore, #tpu.memory_space<semaphore_mem>>) src(%dma_wait3A_884 : memref<10x128xi32, #tpu.memory_space<hbm>>) dst(%arg10 : memref<10x128xi32, #tpu.memory_space<vmem>>)
        tpu.yield
      }) : () -> ()
      %gt3A = arith.constant 0 : i32
      %gt3A_240 = arith.cmpi sgt, %scan3A_232, %gt3A : i32
      %convert_element_type3A = arith.extui %gt3A_240 : i1 to i32
      %cond3A = arith.constant 0 : i32
      %cond3A_241 = arith.cmpi ne, %convert_element_type3A, %cond3A : i32
      scf.if %cond3A_241 {
        %mul3A_877 = arith.constant 128 : i32
        %mul3A_878 = arith.muli %mul3A_2, %mul3A_877 : i32
        %dma_wait3A_879 = arith.constant 0 : i32
        %dma_wait3A_880 = tpu.memref_slice %arg5[%mul3A_878, %dma_wait3A_879] : memref<819200x8xf32, #tpu.memory_space<hbm>> -> memref<1280x8xf32, #tpu.memory_space<hbm>>
        %dma_wait3A_881 = arith.constant 0 : i32
        %dma_wait3A_882 = tpu.memref_slice %arg5[%mul3A_878, %dma_wait3A_881] : memref<819200x8xf32, #tpu.memory_space<hbm>> -> memref<1280x8xf32, #tpu.memory_space<hbm>>
        tpu.wait_dma2 semaphore(%arg17 : memref<!tpu.dma_semaphore, #tpu.memory_space<semaphore_mem>>) src(%arg13 : memref<1280x8xf32, #tpu.memory_space<vmem>>) dst(%dma_wait3A_882 : memref<1280x8xf32, #tpu.memory_space<hbm>>)
        %mul3A_883 = arith.constant 128 : i32
        %mul3A_884 = arith.muli %mul3A_2, %mul3A_883 : i32
        %dma_wait3A_885 = arith.constant 0 : i32
        %dma_wait3A_886 = tpu.memref_slice %arg6[%mul3A_884, %dma_wait3A_885] : memref<819200x8xf32, #tpu.memory_space<hbm>> -> memref<1280x8xf32, #tpu.memory_space<hbm>>
        %dma_wait3A_887 = arith.constant 0 : i32
        %dma_wait3A_888 = tpu.memref_slice %arg6[%mul3A_884, %dma_wait3A_887] : memref<819200x8xf32, #tpu.memory_space<hbm>> -> memref<1280x8xf32, #tpu.memory_space<hbm>>
        tpu.wait_dma2 semaphore(%arg17 : memref<!tpu.dma_semaphore, #tpu.memory_space<semaphore_mem>>) src(%arg14 : memref<1280x8xf32, #tpu.memory_space<vmem>>) dst(%dma_wait3A_888 : memref<1280x8xf32, #tpu.memory_space<hbm>>)
      } else {
      }
      %dma_wait3A_242 = arith.constant 0 : i32
      %dma_wait3A_243 = arith.constant 0 : i32
      %dma_wait3A_244 = arith.constant 0 : i32
      %dma_wait3A_245 = tpu.memref_slice %arg11[%dma_wait3A_243, %dma_wait3A_244] : memref<1280x8xf32, #tpu.memory_space<vmem>> -> memref<128x8xf32, #tpu.memory_space<vmem>>
      %dma_wait3A_246 = arith.constant 0 : i32
      %dma_wait3A_247 = tpu.memref_slice %arg7[%dma_wait3A_242, %dma_wait3A_246] : memref<10x128xi32, #tpu.memory_space<vmem>> -> memref<1x128xi32, #tpu.memory_space<vmem>>
      %dma_wait3A_248 = tpu.memref_squeeze %dma_wait3A_247 : memref<1x128xi32, #tpu.memory_space<vmem>> -> memref<128xi32, #tpu.memory_space<vmem>>
      %dma_wait3A_249 = arith.constant 0 : i32
      %dma_wait3A_250 = arith.constant 0 : i32
      %dma_wait3A_251 = tpu.memref_slice %arg2[%dma_wait3A_249, %dma_wait3A_250] : memref<50000x8xf32, #tpu.memory_space<hbm>> -> memref<50000x8xf32, #tpu.memory_space<hbm>>
      tpu.wait_indirect_dma semaphore(%arg15 : memref<!tpu.dma_semaphore, #tpu.memory_space<semaphore_mem>>) src(%dma_wait3A_251 : memref<50000x8xf32, #tpu.memory_space<hbm>>) dst(%dma_wait3A_245 : memref<128x8xf32, #tpu.memory_space<vmem>>)
      %dma_wait3A_252 = arith.constant 0 : i32
      %dma_wait3A_253 = arith.constant 0 : i32
      %dma_wait3A_254 = arith.constant 0 : i32
      %dma_wait3A_255 = tpu.memref_slice %arg12[%dma_wait3A_253, %dma_wait3A_254] : memref<1280x8xf32, #tpu.memory_space<vmem>> -> memref<128x8xf32, #tpu.memory_space<vmem>>
      %dma_wait3A_256 = arith.constant 0 : i32
      %dma_wait3A_257 = tpu.memref_slice %arg8[%dma_wait3A_252, %dma_wait3A_256] : memref<10x128xi32, #tpu.memory_space<vmem>> -> memref<1x128xi32, #tpu.memory_space<vmem>>
      %dma_wait3A_258 = tpu.memref_squeeze %dma_wait3A_257 : memref<1x128xi32, #tpu.memory_space<vmem>> -> memref<128xi32, #tpu.memory_space<vmem>>
      %dma_wait3A_259 = arith.constant 0 : i32
      %dma_wait3A_260 = arith.constant 0 : i32
      %dma_wait3A_261 = tpu.memref_slice %arg2[%dma_wait3A_259, %dma_wait3A_260] : memref<50000x8xf32, #tpu.memory_space<hbm>> -> memref<50000x8xf32, #tpu.memory_space<hbm>>
      tpu.wait_indirect_dma semaphore(%arg15 : memref<!tpu.dma_semaphore, #tpu.memory_space<semaphore_mem>>) src(%dma_wait3A_261 : memref<50000x8xf32, #tpu.memory_space<hbm>>) dst(%dma_wait3A_255 : memref<128x8xf32, #tpu.memory_space<vmem>>)
      %dma_wait3A_262 = arith.constant 1 : i32
      %dma_wait3A_263 = arith.constant 128 : i32
      %dma_wait3A_264 = arith.constant 0 : i32
      %dma_wait3A_265 = tpu.memref_slice %arg11[%dma_wait3A_263, %dma_wait3A_264] : memref<1280x8xf32, #tpu.memory_space<vmem>> -> memref<128x8xf32, #tpu.memory_space<vmem>>
      %dma_wait3A_266 = arith.constant 0 : i32
      %dma_wait3A_267 = tpu.memref_slice %arg7[%dma_wait3A_262, %dma_wait3A_266] : memref<10x128xi32, #tpu.memory_space<vmem>> -> memref<1x128xi32, #tpu.memory_space<vmem>>
      %dma_wait3A_268 = tpu.memref_squeeze %dma_wait3A_267 : memref<1x128xi32, #tpu.memory_space<vmem>> -> memref<128xi32, #tpu.memory_space<vmem>>
      %dma_wait3A_269 = arith.constant 0 : i32
      %dma_wait3A_270 = arith.constant 0 : i32
      %dma_wait3A_271 = tpu.memref_slice %arg2[%dma_wait3A_269, %dma_wait3A_270] : memref<50000x8xf32, #tpu.memory_space<hbm>> -> memref<50000x8xf32, #tpu.memory_space<hbm>>
      tpu.wait_indirect_dma semaphore(%arg15 : memref<!tpu.dma_semaphore, #tpu.memory_space<semaphore_mem>>) src(%dma_wait3A_271 : memref<50000x8xf32, #tpu.memory_space<hbm>>) dst(%dma_wait3A_265 : memref<128x8xf32, #tpu.memory_space<vmem>>)
      %dma_wait3A_272 = arith.constant 1 : i32
      %dma_wait3A_273 = arith.constant 128 : i32
      %dma_wait3A_274 = arith.constant 0 : i32
      %dma_wait3A_275 = tpu.memref_slice %arg12[%dma_wait3A_273, %dma_wait3A_274] : memref<1280x8xf32, #tpu.memory_space<vmem>> -> memref<128x8xf32, #tpu.memory_space<vmem>>
      %dma_wait3A_276 = arith.constant 0 : i32
      %dma_wait3A_277 = tpu.memref_slice %arg8[%dma_wait3A_272, %dma_wait3A_276] : memref<10x128xi32, #tpu.memory_space<vmem>> -> memref<1x128xi32, #tpu.memory_space<vmem>>
      %dma_wait3A_278 = tpu.memref_squeeze %dma_wait3A_277 : memref<1x128xi32, #tpu.memory_space<vmem>> -> memref<128xi32, #tpu.memory_space<vmem>>
      %dma_wait3A_279 = arith.constant 0 : i32
      %dma_wait3A_280 = arith.constant 0 : i32
      %dma_wait3A_281 = tpu.memref_slice %arg2[%dma_wait3A_279, %dma_wait3A_280] : memref<50000x8xf32, #tpu.memory_space<hbm>> -> memref<50000x8xf32, #tpu.memory_space<hbm>>
      tpu.wait_indirect_dma semaphore(%arg15 : memref<!tpu.dma_semaphore, #tpu.memory_space<semaphore_mem>>) src(%dma_wait3A_281 : memref<50000x8xf32, #tpu.memory_space<hbm>>) dst(%dma_wait3A_275 : memref<128x8xf32, #tpu.memory_space<vmem>>)
      %dma_wait3A_282 = arith.constant 2 : i32
      %dma_wait3A_283 = arith.constant 256 : i32
      %dma_wait3A_284 = arith.constant 0 : i32
      %dma_wait3A_285 = tpu.memref_slice %arg11[%dma_wait3A_283, %dma_wait3A_284] : memref<1280x8xf32, #tpu.memory_space<vmem>> -> memref<128x8xf32, #tpu.memory_space<vmem>>
      %dma_wait3A_286 = arith.constant 0 : i32
      %dma_wait3A_287 = tpu.memref_slice %arg7[%dma_wait3A_282, %dma_wait3A_286] : memref<10x128xi32, #tpu.memory_space<vmem>> -> memref<1x128xi32, #tpu.memory_space<vmem>>
      %dma_wait3A_288 = tpu.memref_squeeze %dma_wait3A_287 : memref<1x128xi32, #tpu.memory_space<vmem>> -> memref<128xi32, #tpu.memory_space<vmem>>
      %dma_wait3A_289 = arith.constant 0 : i32
      %dma_wait3A_290 = arith.constant 0 : i32
      %dma_wait3A_291 = tpu.memref_slice %arg2[%dma_wait3A_289, %dma_wait3A_290] : memref<50000x8xf32, #tpu.memory_space<hbm>> -> memref<50000x8xf32, #tpu.memory_space<hbm>>
      tpu.wait_indirect_dma semaphore(%arg15 : memref<!tpu.dma_semaphore, #tpu.memory_space<semaphore_mem>>) src(%dma_wait3A_291 : memref<50000x8xf32, #tpu.memory_space<hbm>>) dst(%dma_wait3A_285 : memref<128x8xf32, #tpu.memory_space<vmem>>)
      %dma_wait3A_292 = arith.constant 2 : i32
      %dma_wait3A_293 = arith.constant 256 : i32
      %dma_wait3A_294 = arith.constant 0 : i32
      %dma_wait3A_295 = tpu.memref_slice %arg12[%dma_wait3A_293, %dma_wait3A_294] : memref<1280x8xf32, #tpu.memory_space<vmem>> -> memref<128x8xf32, #tpu.memory_space<vmem>>
      %dma_wait3A_296 = arith.constant 0 : i32
      %dma_wait3A_297 = tpu.memref_slice %arg8[%dma_wait3A_292, %dma_wait3A_296] : memref<10x128xi32, #tpu.memory_space<vmem>> -> memref<1x128xi32, #tpu.memory_space<vmem>>
      %dma_wait3A_298 = tpu.memref_squeeze %dma_wait3A_297 : memref<1x128xi32, #tpu.memory_space<vmem>> -> memref<128xi32, #tpu.memory_space<vmem>>
      %dma_wait3A_299 = arith.constant 0 : i32
      %dma_wait3A_300 = arith.constant 0 : i32
      %dma_wait3A_301 = tpu.memref_slice %arg2[%dma_wait3A_299, %dma_wait3A_300] : memref<50000x8xf32, #tpu.memory_space<hbm>> -> memref<50000x8xf32, #tpu.memory_space<hbm>>
      tpu.wait_indirect_dma semaphore(%arg15 : memref<!tpu.dma_semaphore, #tpu.memory_space<semaphore_mem>>) src(%dma_wait3A_301 : memref<50000x8xf32, #tpu.memory_space<hbm>>) dst(%dma_wait3A_295 : memref<128x8xf32, #tpu.memory_space<vmem>>)
      %dma_wait3A_302 = arith.constant 3 : i32
      %dma_wait3A_303 = arith.constant 384 : i32
      %dma_wait3A_304 = arith.constant 0 : i32
      %dma_wait3A_305 = tpu.memref_slice %arg11[%dma_wait3A_303, %dma_wait3A_304] : memref<1280x8xf32, #tpu.memory_space<vmem>> -> memref<128x8xf32, #tpu.memory_space<vmem>>
      %dma_wait3A_306 = arith.constant 0 : i32
      %dma_wait3A_307 = tpu.memref_slice %arg7[%dma_wait3A_302, %dma_wait3A_306] : memref<10x128xi32, #tpu.memory_space<vmem>> -> memref<1x128xi32, #tpu.memory_space<vmem>>
      %dma_wait3A_308 = tpu.memref_squeeze %dma_wait3A_307 : memref<1x128xi32, #tpu.memory_space<vmem>> -> memref<128xi32, #tpu.memory_space<vmem>>
      %dma_wait3A_309 = arith.constant 0 : i32
      %dma_wait3A_310 = arith.constant 0 : i32
      %dma_wait3A_311 = tpu.memref_slice %arg2[%dma_wait3A_309, %dma_wait3A_310] : memref<50000x8xf32, #tpu.memory_space<hbm>> -> memref<50000x8xf32, #tpu.memory_space<hbm>>
      tpu.wait_indirect_dma semaphore(%arg15 : memref<!tpu.dma_semaphore, #tpu.memory_space<semaphore_mem>>) src(%dma_wait3A_311 : memref<50000x8xf32, #tpu.memory_space<hbm>>) dst(%dma_wait3A_305 : memref<128x8xf32, #tpu.memory_space<vmem>>)
      %dma_wait3A_312 = arith.constant 3 : i32
      %dma_wait3A_313 = arith.constant 384 : i32
      %dma_wait3A_314 = arith.constant 0 : i32
      %dma_wait3A_315 = tpu.memref_slice %arg12[%dma_wait3A_313, %dma_wait3A_314] : memref<1280x8xf32, #tpu.memory_space<vmem>> -> memref<128x8xf32, #tpu.memory_space<vmem>>
      %dma_wait3A_316 = arith.constant 0 : i32
      %dma_wait3A_317 = tpu.memref_slice %arg8[%dma_wait3A_312, %dma_wait3A_316] : memref<10x128xi32, #tpu.memory_space<vmem>> -> memref<1x128xi32, #tpu.memory_space<vmem>>
      %dma_wait3A_318 = tpu.memref_squeeze %dma_wait3A_317 : memref<1x128xi32, #tpu.memory_space<vmem>> -> memref<128xi32, #tpu.memory_space<vmem>>
      %dma_wait3A_319 = arith.constant 0 : i32
      %dma_wait3A_320 = arith.constant 0 : i32
      %dma_wait3A_321 = tpu.memref_slice %arg2[%dma_wait3A_319, %dma_wait3A_320] : memref<50000x8xf32, #tpu.memory_space<hbm>> -> memref<50000x8xf32, #tpu.memory_space<hbm>>
      tpu.wait_indirect_dma semaphore(%arg15 : memref<!tpu.dma_semaphore, #tpu.memory_space<semaphore_mem>>) src(%dma_wait3A_321 : memref<50000x8xf32, #tpu.memory_space<hbm>>) dst(%dma_wait3A_315 : memref<128x8xf32, #tpu.memory_space<vmem>>)
      %dma_wait3A_322 = arith.constant 4 : i32
      %dma_wait3A_323 = arith.constant 512 : i32
      %dma_wait3A_324 = arith.constant 0 : i32
      %dma_wait3A_325 = tpu.memref_slice %arg11[%dma_wait3A_323, %dma_wait3A_324] : memref<1280x8xf32, #tpu.memory_space<vmem>> -> memref<128x8xf32, #tpu.memory_space<vmem>>
      %dma_wait3A_326 = arith.constant 0 : i32
      %dma_wait3A_327 = tpu.memref_slice %arg7[%dma_wait3A_322, %dma_wait3A_326] : memref<10x128xi32, #tpu.memory_space<vmem>> -> memref<1x128xi32, #tpu.memory_space<vmem>>
      %dma_wait3A_328 = tpu.memref_squeeze %dma_wait3A_327 : memref<1x128xi32, #tpu.memory_space<vmem>> -> memref<128xi32, #tpu.memory_space<vmem>>
      %dma_wait3A_329 = arith.constant 0 : i32
      %dma_wait3A_330 = arith.constant 0 : i32
      %dma_wait3A_331 = tpu.memref_slice %arg2[%dma_wait3A_329, %dma_wait3A_330] : memref<50000x8xf32, #tpu.memory_space<hbm>> -> memref<50000x8xf32, #tpu.memory_space<hbm>>
      tpu.wait_indirect_dma semaphore(%arg15 : memref<!tpu.dma_semaphore, #tpu.memory_space<semaphore_mem>>) src(%dma_wait3A_331 : memref<50000x8xf32, #tpu.memory_space<hbm>>) dst(%dma_wait3A_325 : memref<128x8xf32, #tpu.memory_space<vmem>>)
      %dma_wait3A_332 = arith.constant 4 : i32
      %dma_wait3A_333 = arith.constant 512 : i32
      %dma_wait3A_334 = arith.constant 0 : i32
      %dma_wait3A_335 = tpu.memref_slice %arg12[%dma_wait3A_333, %dma_wait3A_334] : memref<1280x8xf32, #tpu.memory_space<vmem>> -> memref<128x8xf32, #tpu.memory_space<vmem>>
      %dma_wait3A_336 = arith.constant 0 : i32
      %dma_wait3A_337 = tpu.memref_slice %arg8[%dma_wait3A_332, %dma_wait3A_336] : memref<10x128xi32, #tpu.memory_space<vmem>> -> memref<1x128xi32, #tpu.memory_space<vmem>>
      %dma_wait3A_338 = tpu.memref_squeeze %dma_wait3A_337 : memref<1x128xi32, #tpu.memory_space<vmem>> -> memref<128xi32, #tpu.memory_space<vmem>>
      %dma_wait3A_339 = arith.constant 0 : i32
      %dma_wait3A_340 = arith.constant 0 : i32
      %dma_wait3A_341 = tpu.memref_slice %arg2[%dma_wait3A_339, %dma_wait3A_340] : memref<50000x8xf32, #tpu.memory_space<hbm>> -> memref<50000x8xf32, #tpu.memory_space<hbm>>
      tpu.wait_indirect_dma semaphore(%arg15 : memref<!tpu.dma_semaphore, #tpu.memory_space<semaphore_mem>>) src(%dma_wait3A_341 : memref<50000x8xf32, #tpu.memory_space<hbm>>) dst(%dma_wait3A_335 : memref<128x8xf32, #tpu.memory_space<vmem>>)
      %dma_wait3A_342 = arith.constant 5 : i32
      %dma_wait3A_343 = arith.constant 640 : i32
      %dma_wait3A_344 = arith.constant 0 : i32
      %dma_wait3A_345 = tpu.memref_slice %arg11[%dma_wait3A_343, %dma_wait3A_344] : memref<1280x8xf32, #tpu.memory_space<vmem>> -> memref<128x8xf32, #tpu.memory_space<vmem>>
      %dma_wait3A_346 = arith.constant 0 : i32
      %dma_wait3A_347 = tpu.memref_slice %arg7[%dma_wait3A_342, %dma_wait3A_346] : memref<10x128xi32, #tpu.memory_space<vmem>> -> memref<1x128xi32, #tpu.memory_space<vmem>>
      %dma_wait3A_348 = tpu.memref_squeeze %dma_wait3A_347 : memref<1x128xi32, #tpu.memory_space<vmem>> -> memref<128xi32, #tpu.memory_space<vmem>>
      %dma_wait3A_349 = arith.constant 0 : i32
      %dma_wait3A_350 = arith.constant 0 : i32
      %dma_wait3A_351 = tpu.memref_slice %arg2[%dma_wait3A_349, %dma_wait3A_350] : memref<50000x8xf32, #tpu.memory_space<hbm>> -> memref<50000x8xf32, #tpu.memory_space<hbm>>
      tpu.wait_indirect_dma semaphore(%arg15 : memref<!tpu.dma_semaphore, #tpu.memory_space<semaphore_mem>>) src(%dma_wait3A_351 : memref<50000x8xf32, #tpu.memory_space<hbm>>) dst(%dma_wait3A_345 : memref<128x8xf32, #tpu.memory_space<vmem>>)
      %dma_wait3A_352 = arith.constant 5 : i32
      %dma_wait3A_353 = arith.constant 640 : i32
      %dma_wait3A_354 = arith.constant 0 : i32
      %dma_wait3A_355 = tpu.memref_slice %arg12[%dma_wait3A_353, %dma_wait3A_354] : memref<1280x8xf32, #tpu.memory_space<vmem>> -> memref<128x8xf32, #tpu.memory_space<vmem>>
      %dma_wait3A_356 = arith.constant 0 : i32
      %dma_wait3A_357 = tpu.memref_slice %arg8[%dma_wait3A_352, %dma_wait3A_356] : memref<10x128xi32, #tpu.memory_space<vmem>> -> memref<1x128xi32, #tpu.memory_space<vmem>>
      %dma_wait3A_358 = tpu.memref_squeeze %dma_wait3A_357 : memref<1x128xi32, #tpu.memory_space<vmem>> -> memref<128xi32, #tpu.memory_space<vmem>>
      %dma_wait3A_359 = arith.constant 0 : i32
      %dma_wait3A_360 = arith.constant 0 : i32
      %dma_wait3A_361 = tpu.memref_slice %arg2[%dma_wait3A_359, %dma_wait3A_360] : memref<50000x8xf32, #tpu.memory_space<hbm>> -> memref<50000x8xf32, #tpu.memory_space<hbm>>
      tpu.wait_indirect_dma semaphore(%arg15 : memref<!tpu.dma_semaphore, #tpu.memory_space<semaphore_mem>>) src(%dma_wait3A_361 : memref<50000x8xf32, #tpu.memory_space<hbm>>) dst(%dma_wait3A_355 : memref<128x8xf32, #tpu.memory_space<vmem>>)
      %dma_wait3A_362 = arith.constant 6 : i32
      %dma_wait3A_363 = arith.constant 768 : i32
      %dma_wait3A_364 = arith.constant 0 : i32
      %dma_wait3A_365 = tpu.memref_slice %arg11[%dma_wait3A_363, %dma_wait3A_364] : memref<1280x8xf32, #tpu.memory_space<vmem>> -> memref<128x8xf32, #tpu.memory_space<vmem>>
      %dma_wait3A_366 = arith.constant 0 : i32
      %dma_wait3A_367 = tpu.memref_slice %arg7[%dma_wait3A_362, %dma_wait3A_366] : memref<10x128xi32, #tpu.memory_space<vmem>> -> memref<1x128xi32, #tpu.memory_space<vmem>>
      %dma_wait3A_368 = tpu.memref_squeeze %dma_wait3A_367 : memref<1x128xi32, #tpu.memory_space<vmem>> -> memref<128xi32, #tpu.memory_space<vmem>>
      %dma_wait3A_369 = arith.constant 0 : i32
      %dma_wait3A_370 = arith.constant 0 : i32
      %dma_wait3A_371 = tpu.memref_slice %arg2[%dma_wait3A_369, %dma_wait3A_370] : memref<50000x8xf32, #tpu.memory_space<hbm>> -> memref<50000x8xf32, #tpu.memory_space<hbm>>
      tpu.wait_indirect_dma semaphore(%arg15 : memref<!tpu.dma_semaphore, #tpu.memory_space<semaphore_mem>>) src(%dma_wait3A_371 : memref<50000x8xf32, #tpu.memory_space<hbm>>) dst(%dma_wait3A_365 : memref<128x8xf32, #tpu.memory_space<vmem>>)
      %dma_wait3A_372 = arith.constant 6 : i32
      %dma_wait3A_373 = arith.constant 768 : i32
      %dma_wait3A_374 = arith.constant 0 : i32
      %dma_wait3A_375 = tpu.memref_slice %arg12[%dma_wait3A_373, %dma_wait3A_374] : memref<1280x8xf32, #tpu.memory_space<vmem>> -> memref<128x8xf32, #tpu.memory_space<vmem>>
      %dma_wait3A_376 = arith.constant 0 : i32
      %dma_wait3A_377 = tpu.memref_slice %arg8[%dma_wait3A_372, %dma_wait3A_376] : memref<10x128xi32, #tpu.memory_space<vmem>> -> memref<1x128xi32, #tpu.memory_space<vmem>>
      %dma_wait3A_378 = tpu.memref_squeeze %dma_wait3A_377 : memref<1x128xi32, #tpu.memory_space<vmem>> -> memref<128xi32, #tpu.memory_space<vmem>>
      %dma_wait3A_379 = arith.constant 0 : i32
      %dma_wait3A_380 = arith.constant 0 : i32
      %dma_wait3A_381 = tpu.memref_slice %arg2[%dma_wait3A_379, %dma_wait3A_380] : memref<50000x8xf32, #tpu.memory_space<hbm>> -> memref<50000x8xf32, #tpu.memory_space<hbm>>
      tpu.wait_indirect_dma semaphore(%arg15 : memref<!tpu.dma_semaphore, #tpu.memory_space<semaphore_mem>>) src(%dma_wait3A_381 : memref<50000x8xf32, #tpu.memory_space<hbm>>) dst(%dma_wait3A_375 : memref<128x8xf32, #tpu.memory_space<vmem>>)
      %dma_wait3A_382 = arith.constant 7 : i32
      %dma_wait3A_383 = arith.constant 896 : i32
      %dma_wait3A_384 = arith.constant 0 : i32
      %dma_wait3A_385 = tpu.memref_slice %arg11[%dma_wait3A_383, %dma_wait3A_384] : memref<1280x8xf32, #tpu.memory_space<vmem>> -> memref<128x8xf32, #tpu.memory_space<vmem>>
      %dma_wait3A_386 = arith.constant 0 : i32
      %dma_wait3A_387 = tpu.memref_slice %arg7[%dma_wait3A_382, %dma_wait3A_386] : memref<10x128xi32, #tpu.memory_space<vmem>> -> memref<1x128xi32, #tpu.memory_space<vmem>>
      %dma_wait3A_388 = tpu.memref_squeeze %dma_wait3A_387 : memref<1x128xi32, #tpu.memory_space<vmem>> -> memref<128xi32, #tpu.memory_space<vmem>>
      %dma_wait3A_389 = arith.constant 0 : i32
      %dma_wait3A_390 = arith.constant 0 : i32
      %dma_wait3A_391 = tpu.memref_slice %arg2[%dma_wait3A_389, %dma_wait3A_390] : memref<50000x8xf32, #tpu.memory_space<hbm>> -> memref<50000x8xf32, #tpu.memory_space<hbm>>
      tpu.wait_indirect_dma semaphore(%arg15 : memref<!tpu.dma_semaphore, #tpu.memory_space<semaphore_mem>>) src(%dma_wait3A_391 : memref<50000x8xf32, #tpu.memory_space<hbm>>) dst(%dma_wait3A_385 : memref<128x8xf32, #tpu.memory_space<vmem>>)
      %dma_wait3A_392 = arith.constant 7 : i32
      %dma_wait3A_393 = arith.constant 896 : i32
      %dma_wait3A_394 = arith.constant 0 : i32
      %dma_wait3A_395 = tpu.memref_slice %arg12[%dma_wait3A_393, %dma_wait3A_394] : memref<1280x8xf32, #tpu.memory_space<vmem>> -> memref<128x8xf32, #tpu.memory_space<vmem>>
      %dma_wait3A_396 = arith.constant 0 : i32
      %dma_wait3A_397 = tpu.memref_slice %arg8[%dma_wait3A_392, %dma_wait3A_396] : memref<10x128xi32, #tpu.memory_space<vmem>> -> memref<1x128xi32, #tpu.memory_space<vmem>>
      %dma_wait3A_398 = tpu.memref_squeeze %dma_wait3A_397 : memref<1x128xi32, #tpu.memory_space<vmem>> -> memref<128xi32, #tpu.memory_space<vmem>>
      %dma_wait3A_399 = arith.constant 0 : i32
      %dma_wait3A_400 = arith.constant 0 : i32
      %dma_wait3A_401 = tpu.memref_slice %arg2[%dma_wait3A_399, %dma_wait3A_400] : memref<50000x8xf32, #tpu.memory_space<hbm>> -> memref<50000x8xf32, #tpu.memory_space<hbm>>
      tpu.wait_indirect_dma semaphore(%arg15 : memref<!tpu.dma_semaphore, #tpu.memory_space<semaphore_mem>>) src(%dma_wait3A_401 : memref<50000x8xf32, #tpu.memory_space<hbm>>) dst(%dma_wait3A_395 : memref<128x8xf32, #tpu.memory_space<vmem>>)
      %dma_wait3A_402 = arith.constant 8 : i32
      %dma_wait3A_403 = arith.constant 1024 : i32
      %dma_wait3A_404 = arith.constant 0 : i32
      %dma_wait3A_405 = tpu.memref_slice %arg11[%dma_wait3A_403, %dma_wait3A_404] : memref<1280x8xf32, #tpu.memory_space<vmem>> -> memref<128x8xf32, #tpu.memory_space<vmem>>
      %dma_wait3A_406 = arith.constant 0 : i32
      %dma_wait3A_407 = tpu.memref_slice %arg7[%dma_wait3A_402, %dma_wait3A_406] : memref<10x128xi32, #tpu.memory_space<vmem>> -> memref<1x128xi32, #tpu.memory_space<vmem>>
      %dma_wait3A_408 = tpu.memref_squeeze %dma_wait3A_407 : memref<1x128xi32, #tpu.memory_space<vmem>> -> memref<128xi32, #tpu.memory_space<vmem>>
      %dma_wait3A_409 = arith.constant 0 : i32
      %dma_wait3A_410 = arith.constant 0 : i32
      %dma_wait3A_411 = tpu.memref_slice %arg2[%dma_wait3A_409, %dma_wait3A_410] : memref<50000x8xf32, #tpu.memory_space<hbm>> -> memref<50000x8xf32, #tpu.memory_space<hbm>>
      tpu.wait_indirect_dma semaphore(%arg15 : memref<!tpu.dma_semaphore, #tpu.memory_space<semaphore_mem>>) src(%dma_wait3A_411 : memref<50000x8xf32, #tpu.memory_space<hbm>>) dst(%dma_wait3A_405 : memref<128x8xf32, #tpu.memory_space<vmem>>)
      %dma_wait3A_412 = arith.constant 8 : i32
      %dma_wait3A_413 = arith.constant 1024 : i32
      %dma_wait3A_414 = arith.constant 0 : i32
      %dma_wait3A_415 = tpu.memref_slice %arg12[%dma_wait3A_413, %dma_wait3A_414] : memref<1280x8xf32, #tpu.memory_space<vmem>> -> memref<128x8xf32, #tpu.memory_space<vmem>>
      %dma_wait3A_416 = arith.constant 0 : i32
      %dma_wait3A_417 = tpu.memref_slice %arg8[%dma_wait3A_412, %dma_wait3A_416] : memref<10x128xi32, #tpu.memory_space<vmem>> -> memref<1x128xi32, #tpu.memory_space<vmem>>
      %dma_wait3A_418 = tpu.memref_squeeze %dma_wait3A_417 : memref<1x128xi32, #tpu.memory_space<vmem>> -> memref<128xi32, #tpu.memory_space<vmem>>
      %dma_wait3A_419 = arith.constant 0 : i32
      %dma_wait3A_420 = arith.constant 0 : i32
      %dma_wait3A_421 = tpu.memref_slice %arg2[%dma_wait3A_419, %dma_wait3A_420] : memref<50000x8xf32, #tpu.memory_space<hbm>> -> memref<50000x8xf32, #tpu.memory_space<hbm>>
      tpu.wait_indirect_dma semaphore(%arg15 : memref<!tpu.dma_semaphore, #tpu.memory_space<semaphore_mem>>) src(%dma_wait3A_421 : memref<50000x8xf32, #tpu.memory_space<hbm>>) dst(%dma_wait3A_415 : memref<128x8xf32, #tpu.memory_space<vmem>>)
      %dma_wait3A_422 = arith.constant 9 : i32
      %dma_wait3A_423 = arith.constant 1152 : i32
      %dma_wait3A_424 = arith.constant 0 : i32
      %dma_wait3A_425 = tpu.memref_slice %arg11[%dma_wait3A_423, %dma_wait3A_424] : memref<1280x8xf32, #tpu.memory_space<vmem>> -> memref<128x8xf32, #tpu.memory_space<vmem>>
      %dma_wait3A_426 = arith.constant 0 : i32
      %dma_wait3A_427 = tpu.memref_slice %arg7[%dma_wait3A_422, %dma_wait3A_426] : memref<10x128xi32, #tpu.memory_space<vmem>> -> memref<1x128xi32, #tpu.memory_space<vmem>>
      %dma_wait3A_428 = tpu.memref_squeeze %dma_wait3A_427 : memref<1x128xi32, #tpu.memory_space<vmem>> -> memref<128xi32, #tpu.memory_space<vmem>>
      %dma_wait3A_429 = arith.constant 0 : i32
      %dma_wait3A_430 = arith.constant 0 : i32
      %dma_wait3A_431 = tpu.memref_slice %arg2[%dma_wait3A_429, %dma_wait3A_430] : memref<50000x8xf32, #tpu.memory_space<hbm>> -> memref<50000x8xf32, #tpu.memory_space<hbm>>
      tpu.wait_indirect_dma semaphore(%arg15 : memref<!tpu.dma_semaphore, #tpu.memory_space<semaphore_mem>>) src(%dma_wait3A_431 : memref<50000x8xf32, #tpu.memory_space<hbm>>) dst(%dma_wait3A_425 : memref<128x8xf32, #tpu.memory_space<vmem>>)
      %dma_wait3A_432 = arith.constant 9 : i32
      %dma_wait3A_433 = arith.constant 1152 : i32
      %dma_wait3A_434 = arith.constant 0 : i32
      %dma_wait3A_435 = tpu.memref_slice %arg12[%dma_wait3A_433, %dma_wait3A_434] : memref<1280x8xf32, #tpu.memory_space<vmem>> -> memref<128x8xf32, #tpu.memory_space<vmem>>
      %dma_wait3A_436 = arith.constant 0 : i32
      %dma_wait3A_437 = tpu.memref_slice %arg8[%dma_wait3A_432, %dma_wait3A_436] : memref<10x128xi32, #tpu.memory_space<vmem>> -> memref<1x128xi32, #tpu.memory_space<vmem>>
      %dma_wait3A_438 = tpu.memref_squeeze %dma_wait3A_437 : memref<1x128xi32, #tpu.memory_space<vmem>> -> memref<128xi32, #tpu.memory_space<vmem>>
      %dma_wait3A_439 = arith.constant 0 : i32
      %dma_wait3A_440 = arith.constant 0 : i32
      %dma_wait3A_441 = tpu.memref_slice %arg2[%dma_wait3A_439, %dma_wait3A_440] : memref<50000x8xf32, #tpu.memory_space<hbm>> -> memref<50000x8xf32, #tpu.memory_space<hbm>>
      tpu.wait_indirect_dma semaphore(%arg15 : memref<!tpu.dma_semaphore, #tpu.memory_space<semaphore_mem>>) src(%dma_wait3A_441 : memref<50000x8xf32, #tpu.memory_space<hbm>>) dst(%dma_wait3A_435 : memref<128x8xf32, #tpu.memory_space<vmem>>)
      %mul3A_442 = arith.constant 10 : i32
      %mul3A_443 = arith.muli %mul3A_234, %mul3A_442 : i32
      %add3A_444 = arith.addi %mul3A_2, %mul3A_443 : i32
      %mul3A_445 = arith.constant 128 : i32
      %mul3A_446 = arith.muli %add3A_444, %mul3A_445 : i32
      %dma_start3A_447 = arith.constant 0 : i32
      %dma_start3A_448 = tpu.memref_slice %arg5[%mul3A_446, %dma_start3A_447] : memref<819200x8xf32, #tpu.memory_space<hbm>> -> memref<1280x8xf32, #tpu.memory_space<hbm>>
      %dma_start3A_449 = arith.constant 0 : i32
      %dma_start3A_450 = tpu.memref_slice %arg5[%mul3A_446, %dma_start3A_449] : memref<819200x8xf32, #tpu.memory_space<hbm>> -> memref<1280x8xf32, #tpu.memory_space<hbm>>
      tpu.enqueue_dma source(%arg11 : memref<1280x8xf32, #tpu.memory_space<vmem>>) target(%dma_start3A_450 : memref<1280x8xf32, #tpu.memory_space<hbm>>) target_semaphore(%arg17 : memref<!tpu.dma_semaphore, #tpu.memory_space<semaphore_mem>>)
      %dma_start3A_451 = arith.constant 0 : i32
      %dma_start3A_452 = tpu.memref_slice %arg6[%mul3A_446, %dma_start3A_451] : memref<819200x8xf32, #tpu.memory_space<hbm>> -> memref<1280x8xf32, #tpu.memory_space<hbm>>
      %dma_start3A_453 = arith.constant 0 : i32
      %dma_start3A_454 = tpu.memref_slice %arg6[%mul3A_446, %dma_start3A_453] : memref<819200x8xf32, #tpu.memory_space<hbm>> -> memref<1280x8xf32, #tpu.memory_space<hbm>>
      tpu.enqueue_dma source(%arg12 : memref<1280x8xf32, #tpu.memory_space<vmem>>) target(%dma_start3A_454 : memref<1280x8xf32, #tpu.memory_space<hbm>>) target_semaphore(%arg17 : memref<!tpu.dma_semaphore, #tpu.memory_space<semaphore_mem>>)
      %dma_start3A_455 = arith.constant 0 : i32
      %dma_start3A_456 = arith.constant 0 : i32
      %dma_start3A_457 = arith.constant 0 : i32
      %dma_start3A_458 = tpu.memref_slice %arg13[%dma_start3A_456, %dma_start3A_457] : memref<1280x8xf32, #tpu.memory_space<vmem>> -> memref<128x8xf32, #tpu.memory_space<vmem>>
      %dma_start3A_459 = arith.constant 0 : i32
      %dma_start3A_460 = tpu.memref_slice %arg9[%dma_start3A_455, %dma_start3A_459] : memref<10x128xi32, #tpu.memory_space<vmem>> -> memref<1x128xi32, #tpu.memory_space<vmem>>
      %dma_start3A_461 = tpu.memref_squeeze %dma_start3A_460 : memref<1x128xi32, #tpu.memory_space<vmem>> -> memref<128xi32, #tpu.memory_space<vmem>>
      %dma_start3A_462 = arith.constant 0 : i32
      %dma_start3A_463 = arith.constant 0 : i32
      %dma_start3A_464 = tpu.memref_slice %arg2[%dma_start3A_462, %dma_start3A_463] : memref<50000x8xf32, #tpu.memory_space<hbm>> -> memref<50000x8xf32, #tpu.memory_space<hbm>>
      tpu.enqueue_indirect_dma source(%dma_start3A_464 : memref<50000x8xf32, #tpu.memory_space<hbm>>) target(%dma_start3A_458 : memref<128x8xf32, #tpu.memory_space<vmem>>) offsets(%dma_start3A_461 : memref<128xi32, #tpu.memory_space<vmem>>) semaphore(%arg16 : memref<!tpu.dma_semaphore, #tpu.memory_space<semaphore_mem>>)
      %dma_start3A_465 = arith.constant 0 : i32
      %dma_start3A_466 = arith.constant 0 : i32
      %dma_start3A_467 = arith.constant 0 : i32
      %dma_start3A_468 = tpu.memref_slice %arg14[%dma_start3A_466, %dma_start3A_467] : memref<1280x8xf32, #tpu.memory_space<vmem>> -> memref<128x8xf32, #tpu.memory_space<vmem>>
      %dma_start3A_469 = arith.constant 0 : i32
      %dma_start3A_470 = tpu.memref_slice %arg10[%dma_start3A_465, %dma_start3A_469] : memref<10x128xi32, #tpu.memory_space<vmem>> -> memref<1x128xi32, #tpu.memory_space<vmem>>
      %dma_start3A_471 = tpu.memref_squeeze %dma_start3A_470 : memref<1x128xi32, #tpu.memory_space<vmem>> -> memref<128xi32, #tpu.memory_space<vmem>>
      %dma_start3A_472 = arith.constant 0 : i32
      %dma_start3A_473 = arith.constant 0 : i32
      %dma_start3A_474 = tpu.memref_slice %arg2[%dma_start3A_472, %dma_start3A_473] : memref<50000x8xf32, #tpu.memory_space<hbm>> -> memref<50000x8xf32, #tpu.memory_space<hbm>>
      tpu.enqueue_indirect_dma source(%dma_start3A_474 : memref<50000x8xf32, #tpu.memory_space<hbm>>) target(%dma_start3A_468 : memref<128x8xf32, #tpu.memory_space<vmem>>) offsets(%dma_start3A_471 : memref<128xi32, #tpu.memory_space<vmem>>) semaphore(%arg16 : memref<!tpu.dma_semaphore, #tpu.memory_space<semaphore_mem>>)
      %dma_start3A_475 = arith.constant 1 : i32
      %dma_start3A_476 = arith.constant 128 : i32
      %dma_start3A_477 = arith.constant 0 : i32
      %dma_start3A_478 = tpu.memref_slice %arg13[%dma_start3A_476, %dma_start3A_477] : memref<1280x8xf32, #tpu.memory_space<vmem>> -> memref<128x8xf32, #tpu.memory_space<vmem>>
      %dma_start3A_479 = arith.constant 0 : i32
      %dma_start3A_480 = tpu.memref_slice %arg9[%dma_start3A_475, %dma_start3A_479] : memref<10x128xi32, #tpu.memory_space<vmem>> -> memref<1x128xi32, #tpu.memory_space<vmem>>
      %dma_start3A_481 = tpu.memref_squeeze %dma_start3A_480 : memref<1x128xi32, #tpu.memory_space<vmem>> -> memref<128xi32, #tpu.memory_space<vmem>>
      %dma_start3A_482 = arith.constant 0 : i32
      %dma_start3A_483 = arith.constant 0 : i32
      %dma_start3A_484 = tpu.memref_slice %arg2[%dma_start3A_482, %dma_start3A_483] : memref<50000x8xf32, #tpu.memory_space<hbm>> -> memref<50000x8xf32, #tpu.memory_space<hbm>>
      tpu.enqueue_indirect_dma source(%dma_start3A_484 : memref<50000x8xf32, #tpu.memory_space<hbm>>) target(%dma_start3A_478 : memref<128x8xf32, #tpu.memory_space<vmem>>) offsets(%dma_start3A_481 : memref<128xi32, #tpu.memory_space<vmem>>) semaphore(%arg16 : memref<!tpu.dma_semaphore, #tpu.memory_space<semaphore_mem>>)
      %dma_start3A_485 = arith.constant 1 : i32
      %dma_start3A_486 = arith.constant 128 : i32
      %dma_start3A_487 = arith.constant 0 : i32
      %dma_start3A_488 = tpu.memref_slice %arg14[%dma_start3A_486, %dma_start3A_487] : memref<1280x8xf32, #tpu.memory_space<vmem>> -> memref<128x8xf32, #tpu.memory_space<vmem>>
      %dma_start3A_489 = arith.constant 0 : i32
      %dma_start3A_490 = tpu.memref_slice %arg10[%dma_start3A_485, %dma_start3A_489] : memref<10x128xi32, #tpu.memory_space<vmem>> -> memref<1x128xi32, #tpu.memory_space<vmem>>
      %dma_start3A_491 = tpu.memref_squeeze %dma_start3A_490 : memref<1x128xi32, #tpu.memory_space<vmem>> -> memref<128xi32, #tpu.memory_space<vmem>>
      %dma_start3A_492 = arith.constant 0 : i32
      %dma_start3A_493 = arith.constant 0 : i32
      %dma_start3A_494 = tpu.memref_slice %arg2[%dma_start3A_492, %dma_start3A_493] : memref<50000x8xf32, #tpu.memory_space<hbm>> -> memref<50000x8xf32, #tpu.memory_space<hbm>>
      tpu.enqueue_indirect_dma source(%dma_start3A_494 : memref<50000x8xf32, #tpu.memory_space<hbm>>) target(%dma_start3A_488 : memref<128x8xf32, #tpu.memory_space<vmem>>) offsets(%dma_start3A_491 : memref<128xi32, #tpu.memory_space<vmem>>) semaphore(%arg16 : memref<!tpu.dma_semaphore, #tpu.memory_space<semaphore_mem>>)
      %dma_start3A_495 = arith.constant 2 : i32
      %dma_start3A_496 = arith.constant 256 : i32
      %dma_start3A_497 = arith.constant 0 : i32
      %dma_start3A_498 = tpu.memref_slice %arg13[%dma_start3A_496, %dma_start3A_497] : memref<1280x8xf32, #tpu.memory_space<vmem>> -> memref<128x8xf32, #tpu.memory_space<vmem>>
      %dma_start3A_499 = arith.constant 0 : i32
      %dma_start3A_500 = tpu.memref_slice %arg9[%dma_start3A_495, %dma_start3A_499] : memref<10x128xi32, #tpu.memory_space<vmem>> -> memref<1x128xi32, #tpu.memory_space<vmem>>
      %dma_start3A_501 = tpu.memref_squeeze %dma_start3A_500 : memref<1x128xi32, #tpu.memory_space<vmem>> -> memref<128xi32, #tpu.memory_space<vmem>>
      %dma_start3A_502 = arith.constant 0 : i32
      %dma_start3A_503 = arith.constant 0 : i32
      %dma_start3A_504 = tpu.memref_slice %arg2[%dma_start3A_502, %dma_start3A_503] : memref<50000x8xf32, #tpu.memory_space<hbm>> -> memref<50000x8xf32, #tpu.memory_space<hbm>>
      tpu.enqueue_indirect_dma source(%dma_start3A_504 : memref<50000x8xf32, #tpu.memory_space<hbm>>) target(%dma_start3A_498 : memref<128x8xf32, #tpu.memory_space<vmem>>) offsets(%dma_start3A_501 : memref<128xi32, #tpu.memory_space<vmem>>) semaphore(%arg16 : memref<!tpu.dma_semaphore, #tpu.memory_space<semaphore_mem>>)
      %dma_start3A_505 = arith.constant 2 : i32
      %dma_start3A_506 = arith.constant 256 : i32
      %dma_start3A_507 = arith.constant 0 : i32
      %dma_start3A_508 = tpu.memref_slice %arg14[%dma_start3A_506, %dma_start3A_507] : memref<1280x8xf32, #tpu.memory_space<vmem>> -> memref<128x8xf32, #tpu.memory_space<vmem>>
      %dma_start3A_509 = arith.constant 0 : i32
      %dma_start3A_510 = tpu.memref_slice %arg10[%dma_start3A_505, %dma_start3A_509] : memref<10x128xi32, #tpu.memory_space<vmem>> -> memref<1x128xi32, #tpu.memory_space<vmem>>
      %dma_start3A_511 = tpu.memref_squeeze %dma_start3A_510 : memref<1x128xi32, #tpu.memory_space<vmem>> -> memref<128xi32, #tpu.memory_space<vmem>>
      %dma_start3A_512 = arith.constant 0 : i32
      %dma_start3A_513 = arith.constant 0 : i32
      %dma_start3A_514 = tpu.memref_slice %arg2[%dma_start3A_512, %dma_start3A_513] : memref<50000x8xf32, #tpu.memory_space<hbm>> -> memref<50000x8xf32, #tpu.memory_space<hbm>>
      tpu.enqueue_indirect_dma source(%dma_start3A_514 : memref<50000x8xf32, #tpu.memory_space<hbm>>) target(%dma_start3A_508 : memref<128x8xf32, #tpu.memory_space<vmem>>) offsets(%dma_start3A_511 : memref<128xi32, #tpu.memory_space<vmem>>) semaphore(%arg16 : memref<!tpu.dma_semaphore, #tpu.memory_space<semaphore_mem>>)
      %dma_start3A_515 = arith.constant 3 : i32
      %dma_start3A_516 = arith.constant 384 : i32
      %dma_start3A_517 = arith.constant 0 : i32
      %dma_start3A_518 = tpu.memref_slice %arg13[%dma_start3A_516, %dma_start3A_517] : memref<1280x8xf32, #tpu.memory_space<vmem>> -> memref<128x8xf32, #tpu.memory_space<vmem>>
      %dma_start3A_519 = arith.constant 0 : i32
      %dma_start3A_520 = tpu.memref_slice %arg9[%dma_start3A_515, %dma_start3A_519] : memref<10x128xi32, #tpu.memory_space<vmem>> -> memref<1x128xi32, #tpu.memory_space<vmem>>
      %dma_start3A_521 = tpu.memref_squeeze %dma_start3A_520 : memref<1x128xi32, #tpu.memory_space<vmem>> -> memref<128xi32, #tpu.memory_space<vmem>>
      %dma_start3A_522 = arith.constant 0 : i32
      %dma_start3A_523 = arith.constant 0 : i32
      %dma_start3A_524 = tpu.memref_slice %arg2[%dma_start3A_522, %dma_start3A_523] : memref<50000x8xf32, #tpu.memory_space<hbm>> -> memref<50000x8xf32, #tpu.memory_space<hbm>>
      tpu.enqueue_indirect_dma source(%dma_start3A_524 : memref<50000x8xf32, #tpu.memory_space<hbm>>) target(%dma_start3A_518 : memref<128x8xf32, #tpu.memory_space<vmem>>) offsets(%dma_start3A_521 : memref<128xi32, #tpu.memory_space<vmem>>) semaphore(%arg16 : memref<!tpu.dma_semaphore, #tpu.memory_space<semaphore_mem>>)
      %dma_start3A_525 = arith.constant 3 : i32
      %dma_start3A_526 = arith.constant 384 : i32
      %dma_start3A_527 = arith.constant 0 : i32
      %dma_start3A_528 = tpu.memref_slice %arg14[%dma_start3A_526, %dma_start3A_527] : memref<1280x8xf32, #tpu.memory_space<vmem>> -> memref<128x8xf32, #tpu.memory_space<vmem>>
      %dma_start3A_529 = arith.constant 0 : i32
      %dma_start3A_530 = tpu.memref_slice %arg10[%dma_start3A_525, %dma_start3A_529] : memref<10x128xi32, #tpu.memory_space<vmem>> -> memref<1x128xi32, #tpu.memory_space<vmem>>
      %dma_start3A_531 = tpu.memref_squeeze %dma_start3A_530 : memref<1x128xi32, #tpu.memory_space<vmem>> -> memref<128xi32, #tpu.memory_space<vmem>>
      %dma_start3A_532 = arith.constant 0 : i32
      %dma_start3A_533 = arith.constant 0 : i32
      %dma_start3A_534 = tpu.memref_slice %arg2[%dma_start3A_532, %dma_start3A_533] : memref<50000x8xf32, #tpu.memory_space<hbm>> -> memref<50000x8xf32, #tpu.memory_space<hbm>>
      tpu.enqueue_indirect_dma source(%dma_start3A_534 : memref<50000x8xf32, #tpu.memory_space<hbm>>) target(%dma_start3A_528 : memref<128x8xf32, #tpu.memory_space<vmem>>) offsets(%dma_start3A_531 : memref<128xi32, #tpu.memory_space<vmem>>) semaphore(%arg16 : memref<!tpu.dma_semaphore, #tpu.memory_space<semaphore_mem>>)
      %dma_start3A_535 = arith.constant 4 : i32
      %dma_start3A_536 = arith.constant 512 : i32
      %dma_start3A_537 = arith.constant 0 : i32
      %dma_start3A_538 = tpu.memref_slice %arg13[%dma_start3A_536, %dma_start3A_537] : memref<1280x8xf32, #tpu.memory_space<vmem>> -> memref<128x8xf32, #tpu.memory_space<vmem>>
      %dma_start3A_539 = arith.constant 0 : i32
      %dma_start3A_540 = tpu.memref_slice %arg9[%dma_start3A_535, %dma_start3A_539] : memref<10x128xi32, #tpu.memory_space<vmem>> -> memref<1x128xi32, #tpu.memory_space<vmem>>
      %dma_start3A_541 = tpu.memref_squeeze %dma_start3A_540 : memref<1x128xi32, #tpu.memory_space<vmem>> -> memref<128xi32, #tpu.memory_space<vmem>>
      %dma_start3A_542 = arith.constant 0 : i32
      %dma_start3A_543 = arith.constant 0 : i32
      %dma_start3A_544 = tpu.memref_slice %arg2[%dma_start3A_542, %dma_start3A_543] : memref<50000x8xf32, #tpu.memory_space<hbm>> -> memref<50000x8xf32, #tpu.memory_space<hbm>>
      tpu.enqueue_indirect_dma source(%dma_start3A_544 : memref<50000x8xf32, #tpu.memory_space<hbm>>) target(%dma_start3A_538 : memref<128x8xf32, #tpu.memory_space<vmem>>) offsets(%dma_start3A_541 : memref<128xi32, #tpu.memory_space<vmem>>) semaphore(%arg16 : memref<!tpu.dma_semaphore, #tpu.memory_space<semaphore_mem>>)
      %dma_start3A_545 = arith.constant 4 : i32
      %dma_start3A_546 = arith.constant 512 : i32
      %dma_start3A_547 = arith.constant 0 : i32
      %dma_start3A_548 = tpu.memref_slice %arg14[%dma_start3A_546, %dma_start3A_547] : memref<1280x8xf32, #tpu.memory_space<vmem>> -> memref<128x8xf32, #tpu.memory_space<vmem>>
      %dma_start3A_549 = arith.constant 0 : i32
      %dma_start3A_550 = tpu.memref_slice %arg10[%dma_start3A_545, %dma_start3A_549] : memref<10x128xi32, #tpu.memory_space<vmem>> -> memref<1x128xi32, #tpu.memory_space<vmem>>
      %dma_start3A_551 = tpu.memref_squeeze %dma_start3A_550 : memref<1x128xi32, #tpu.memory_space<vmem>> -> memref<128xi32, #tpu.memory_space<vmem>>
      %dma_start3A_552 = arith.constant 0 : i32
      %dma_start3A_553 = arith.constant 0 : i32
      %dma_start3A_554 = tpu.memref_slice %arg2[%dma_start3A_552, %dma_start3A_553] : memref<50000x8xf32, #tpu.memory_space<hbm>> -> memref<50000x8xf32, #tpu.memory_space<hbm>>
      tpu.enqueue_indirect_dma source(%dma_start3A_554 : memref<50000x8xf32, #tpu.memory_space<hbm>>) target(%dma_start3A_548 : memref<128x8xf32, #tpu.memory_space<vmem>>) offsets(%dma_start3A_551 : memref<128xi32, #tpu.memory_space<vmem>>) semaphore(%arg16 : memref<!tpu.dma_semaphore, #tpu.memory_space<semaphore_mem>>)
      %dma_start3A_555 = arith.constant 5 : i32
      %dma_start3A_556 = arith.constant 640 : i32
      %dma_start3A_557 = arith.constant 0 : i32
      %dma_start3A_558 = tpu.memref_slice %arg13[%dma_start3A_556, %dma_start3A_557] : memref<1280x8xf32, #tpu.memory_space<vmem>> -> memref<128x8xf32, #tpu.memory_space<vmem>>
      %dma_start3A_559 = arith.constant 0 : i32
      %dma_start3A_560 = tpu.memref_slice %arg9[%dma_start3A_555, %dma_start3A_559] : memref<10x128xi32, #tpu.memory_space<vmem>> -> memref<1x128xi32, #tpu.memory_space<vmem>>
      %dma_start3A_561 = tpu.memref_squeeze %dma_start3A_560 : memref<1x128xi32, #tpu.memory_space<vmem>> -> memref<128xi32, #tpu.memory_space<vmem>>
      %dma_start3A_562 = arith.constant 0 : i32
      %dma_start3A_563 = arith.constant 0 : i32
      %dma_start3A_564 = tpu.memref_slice %arg2[%dma_start3A_562, %dma_start3A_563] : memref<50000x8xf32, #tpu.memory_space<hbm>> -> memref<50000x8xf32, #tpu.memory_space<hbm>>
      tpu.enqueue_indirect_dma source(%dma_start3A_564 : memref<50000x8xf32, #tpu.memory_space<hbm>>) target(%dma_start3A_558 : memref<128x8xf32, #tpu.memory_space<vmem>>) offsets(%dma_start3A_561 : memref<128xi32, #tpu.memory_space<vmem>>) semaphore(%arg16 : memref<!tpu.dma_semaphore, #tpu.memory_space<semaphore_mem>>)
      %dma_start3A_565 = arith.constant 5 : i32
      %dma_start3A_566 = arith.constant 640 : i32
      %dma_start3A_567 = arith.constant 0 : i32
      %dma_start3A_568 = tpu.memref_slice %arg14[%dma_start3A_566, %dma_start3A_567] : memref<1280x8xf32, #tpu.memory_space<vmem>> -> memref<128x8xf32, #tpu.memory_space<vmem>>
      %dma_start3A_569 = arith.constant 0 : i32
      %dma_start3A_570 = tpu.memref_slice %arg10[%dma_start3A_565, %dma_start3A_569] : memref<10x128xi32, #tpu.memory_space<vmem>> -> memref<1x128xi32, #tpu.memory_space<vmem>>
      %dma_start3A_571 = tpu.memref_squeeze %dma_start3A_570 : memref<1x128xi32, #tpu.memory_space<vmem>> -> memref<128xi32, #tpu.memory_space<vmem>>
      %dma_start3A_572 = arith.constant 0 : i32
      %dma_start3A_573 = arith.constant 0 : i32
      %dma_start3A_574 = tpu.memref_slice %arg2[%dma_start3A_572, %dma_start3A_573] : memref<50000x8xf32, #tpu.memory_space<hbm>> -> memref<50000x8xf32, #tpu.memory_space<hbm>>
      tpu.enqueue_indirect_dma source(%dma_start3A_574 : memref<50000x8xf32, #tpu.memory_space<hbm>>) target(%dma_start3A_568 : memref<128x8xf32, #tpu.memory_space<vmem>>) offsets(%dma_start3A_571 : memref<128xi32, #tpu.memory_space<vmem>>) semaphore(%arg16 : memref<!tpu.dma_semaphore, #tpu.memory_space<semaphore_mem>>)
      %dma_start3A_575 = arith.constant 6 : i32
      %dma_start3A_576 = arith.constant 768 : i32
      %dma_start3A_577 = arith.constant 0 : i32
      %dma_start3A_578 = tpu.memref_slice %arg13[%dma_start3A_576, %dma_start3A_577] : memref<1280x8xf32, #tpu.memory_space<vmem>> -> memref<128x8xf32, #tpu.memory_space<vmem>>
      %dma_start3A_579 = arith.constant 0 : i32
      %dma_start3A_580 = tpu.memref_slice %arg9[%dma_start3A_575, %dma_start3A_579] : memref<10x128xi32, #tpu.memory_space<vmem>> -> memref<1x128xi32, #tpu.memory_space<vmem>>
      %dma_start3A_581 = tpu.memref_squeeze %dma_start3A_580 : memref<1x128xi32, #tpu.memory_space<vmem>> -> memref<128xi32, #tpu.memory_space<vmem>>
      %dma_start3A_582 = arith.constant 0 : i32
      %dma_start3A_583 = arith.constant 0 : i32
      %dma_start3A_584 = tpu.memref_slice %arg2[%dma_start3A_582, %dma_start3A_583] : memref<50000x8xf32, #tpu.memory_space<hbm>> -> memref<50000x8xf32, #tpu.memory_space<hbm>>
      tpu.enqueue_indirect_dma source(%dma_start3A_584 : memref<50000x8xf32, #tpu.memory_space<hbm>>) target(%dma_start3A_578 : memref<128x8xf32, #tpu.memory_space<vmem>>) offsets(%dma_start3A_581 : memref<128xi32, #tpu.memory_space<vmem>>) semaphore(%arg16 : memref<!tpu.dma_semaphore, #tpu.memory_space<semaphore_mem>>)
      %dma_start3A_585 = arith.constant 6 : i32
      %dma_start3A_586 = arith.constant 768 : i32
      %dma_start3A_587 = arith.constant 0 : i32
      %dma_start3A_588 = tpu.memref_slice %arg14[%dma_start3A_586, %dma_start3A_587] : memref<1280x8xf32, #tpu.memory_space<vmem>> -> memref<128x8xf32, #tpu.memory_space<vmem>>
      %dma_start3A_589 = arith.constant 0 : i32
      %dma_start3A_590 = tpu.memref_slice %arg10[%dma_start3A_585, %dma_start3A_589] : memref<10x128xi32, #tpu.memory_space<vmem>> -> memref<1x128xi32, #tpu.memory_space<vmem>>
      %dma_start3A_591 = tpu.memref_squeeze %dma_start3A_590 : memref<1x128xi32, #tpu.memory_space<vmem>> -> memref<128xi32, #tpu.memory_space<vmem>>
      %dma_start3A_592 = arith.constant 0 : i32
      %dma_start3A_593 = arith.constant 0 : i32
      %dma_start3A_594 = tpu.memref_slice %arg2[%dma_start3A_592, %dma_start3A_593] : memref<50000x8xf32, #tpu.memory_space<hbm>> -> memref<50000x8xf32, #tpu.memory_space<hbm>>
      tpu.enqueue_indirect_dma source(%dma_start3A_594 : memref<50000x8xf32, #tpu.memory_space<hbm>>) target(%dma_start3A_588 : memref<128x8xf32, #tpu.memory_space<vmem>>) offsets(%dma_start3A_591 : memref<128xi32, #tpu.memory_space<vmem>>) semaphore(%arg16 : memref<!tpu.dma_semaphore, #tpu.memory_space<semaphore_mem>>)
      %dma_start3A_595 = arith.constant 7 : i32
      %dma_start3A_596 = arith.constant 896 : i32
      %dma_start3A_597 = arith.constant 0 : i32
      %dma_start3A_598 = tpu.memref_slice %arg13[%dma_start3A_596, %dma_start3A_597] : memref<1280x8xf32, #tpu.memory_space<vmem>> -> memref<128x8xf32, #tpu.memory_space<vmem>>
      %dma_start3A_599 = arith.constant 0 : i32
      %dma_start3A_600 = tpu.memref_slice %arg9[%dma_start3A_595, %dma_start3A_599] : memref<10x128xi32, #tpu.memory_space<vmem>> -> memref<1x128xi32, #tpu.memory_space<vmem>>
      %dma_start3A_601 = tpu.memref_squeeze %dma_start3A_600 : memref<1x128xi32, #tpu.memory_space<vmem>> -> memref<128xi32, #tpu.memory_space<vmem>>
      %dma_start3A_602 = arith.constant 0 : i32
      %dma_start3A_603 = arith.constant 0 : i32
      %dma_start3A_604 = tpu.memref_slice %arg2[%dma_start3A_602, %dma_start3A_603] : memref<50000x8xf32, #tpu.memory_space<hbm>> -> memref<50000x8xf32, #tpu.memory_space<hbm>>
      tpu.enqueue_indirect_dma source(%dma_start3A_604 : memref<50000x8xf32, #tpu.memory_space<hbm>>) target(%dma_start3A_598 : memref<128x8xf32, #tpu.memory_space<vmem>>) offsets(%dma_start3A_601 : memref<128xi32, #tpu.memory_space<vmem>>) semaphore(%arg16 : memref<!tpu.dma_semaphore, #tpu.memory_space<semaphore_mem>>)
      %dma_start3A_605 = arith.constant 7 : i32
      %dma_start3A_606 = arith.constant 896 : i32
      %dma_start3A_607 = arith.constant 0 : i32
      %dma_start3A_608 = tpu.memref_slice %arg14[%dma_start3A_606, %dma_start3A_607] : memref<1280x8xf32, #tpu.memory_space<vmem>> -> memref<128x8xf32, #tpu.memory_space<vmem>>
      %dma_start3A_609 = arith.constant 0 : i32
      %dma_start3A_610 = tpu.memref_slice %arg10[%dma_start3A_605, %dma_start3A_609] : memref<10x128xi32, #tpu.memory_space<vmem>> -> memref<1x128xi32, #tpu.memory_space<vmem>>
      %dma_start3A_611 = tpu.memref_squeeze %dma_start3A_610 : memref<1x128xi32, #tpu.memory_space<vmem>> -> memref<128xi32, #tpu.memory_space<vmem>>
      %dma_start3A_612 = arith.constant 0 : i32
      %dma_start3A_613 = arith.constant 0 : i32
      %dma_start3A_614 = tpu.memref_slice %arg2[%dma_start3A_612, %dma_start3A_613] : memref<50000x8xf32, #tpu.memory_space<hbm>> -> memref<50000x8xf32, #tpu.memory_space<hbm>>
      tpu.enqueue_indirect_dma source(%dma_start3A_614 : memref<50000x8xf32, #tpu.memory_space<hbm>>) target(%dma_start3A_608 : memref<128x8xf32, #tpu.memory_space<vmem>>) offsets(%dma_start3A_611 : memref<128xi32, #tpu.memory_space<vmem>>) semaphore(%arg16 : memref<!tpu.dma_semaphore, #tpu.memory_space<semaphore_mem>>)
      %dma_start3A_615 = arith.constant 8 : i32
      %dma_start3A_616 = arith.constant 1024 : i32
      %dma_start3A_617 = arith.constant 0 : i32
      %dma_start3A_618 = tpu.memref_slice %arg13[%dma_start3A_616, %dma_start3A_617] : memref<1280x8xf32, #tpu.memory_space<vmem>> -> memref<128x8xf32, #tpu.memory_space<vmem>>
      %dma_start3A_619 = arith.constant 0 : i32
      %dma_start3A_620 = tpu.memref_slice %arg9[%dma_start3A_615, %dma_start3A_619] : memref<10x128xi32, #tpu.memory_space<vmem>> -> memref<1x128xi32, #tpu.memory_space<vmem>>
      %dma_start3A_621 = tpu.memref_squeeze %dma_start3A_620 : memref<1x128xi32, #tpu.memory_space<vmem>> -> memref<128xi32, #tpu.memory_space<vmem>>
      %dma_start3A_622 = arith.constant 0 : i32
      %dma_start3A_623 = arith.constant 0 : i32
      %dma_start3A_624 = tpu.memref_slice %arg2[%dma_start3A_622, %dma_start3A_623] : memref<50000x8xf32, #tpu.memory_space<hbm>> -> memref<50000x8xf32, #tpu.memory_space<hbm>>
      tpu.enqueue_indirect_dma source(%dma_start3A_624 : memref<50000x8xf32, #tpu.memory_space<hbm>>) target(%dma_start3A_618 : memref<128x8xf32, #tpu.memory_space<vmem>>) offsets(%dma_start3A_621 : memref<128xi32, #tpu.memory_space<vmem>>) semaphore(%arg16 : memref<!tpu.dma_semaphore, #tpu.memory_space<semaphore_mem>>)
      %dma_start3A_625 = arith.constant 8 : i32
      %dma_start3A_626 = arith.constant 1024 : i32
      %dma_start3A_627 = arith.constant 0 : i32
      %dma_start3A_628 = tpu.memref_slice %arg14[%dma_start3A_626, %dma_start3A_627] : memref<1280x8xf32, #tpu.memory_space<vmem>> -> memref<128x8xf32, #tpu.memory_space<vmem>>
      %dma_start3A_629 = arith.constant 0 : i32
      %dma_start3A_630 = tpu.memref_slice %arg10[%dma_start3A_625, %dma_start3A_629] : memref<10x128xi32, #tpu.memory_space<vmem>> -> memref<1x128xi32, #tpu.memory_space<vmem>>
      %dma_start3A_631 = tpu.memref_squeeze %dma_start3A_630 : memref<1x128xi32, #tpu.memory_space<vmem>> -> memref<128xi32, #tpu.memory_space<vmem>>
      %dma_start3A_632 = arith.constant 0 : i32
      %dma_start3A_633 = arith.constant 0 : i32
      %dma_start3A_634 = tpu.memref_slice %arg2[%dma_start3A_632, %dma_start3A_633] : memref<50000x8xf32, #tpu.memory_space<hbm>> -> memref<50000x8xf32, #tpu.memory_space<hbm>>
      tpu.enqueue_indirect_dma source(%dma_start3A_634 : memref<50000x8xf32, #tpu.memory_space<hbm>>) target(%dma_start3A_628 : memref<128x8xf32, #tpu.memory_space<vmem>>) offsets(%dma_start3A_631 : memref<128xi32, #tpu.memory_space<vmem>>) semaphore(%arg16 : memref<!tpu.dma_semaphore, #tpu.memory_space<semaphore_mem>>)
      %dma_start3A_635 = arith.constant 9 : i32
      %dma_start3A_636 = arith.constant 1152 : i32
      %dma_start3A_637 = arith.constant 0 : i32
      %dma_start3A_638 = tpu.memref_slice %arg13[%dma_start3A_636, %dma_start3A_637] : memref<1280x8xf32, #tpu.memory_space<vmem>> -> memref<128x8xf32, #tpu.memory_space<vmem>>
      %dma_start3A_639 = arith.constant 0 : i32
      %dma_start3A_640 = tpu.memref_slice %arg9[%dma_start3A_635, %dma_start3A_639] : memref<10x128xi32, #tpu.memory_space<vmem>> -> memref<1x128xi32, #tpu.memory_space<vmem>>
      %dma_start3A_641 = tpu.memref_squeeze %dma_start3A_640 : memref<1x128xi32, #tpu.memory_space<vmem>> -> memref<128xi32, #tpu.memory_space<vmem>>
      %dma_start3A_642 = arith.constant 0 : i32
      %dma_start3A_643 = arith.constant 0 : i32
      %dma_start3A_644 = tpu.memref_slice %arg2[%dma_start3A_642, %dma_start3A_643] : memref<50000x8xf32, #tpu.memory_space<hbm>> -> memref<50000x8xf32, #tpu.memory_space<hbm>>
      tpu.enqueue_indirect_dma source(%dma_start3A_644 : memref<50000x8xf32, #tpu.memory_space<hbm>>) target(%dma_start3A_638 : memref<128x8xf32, #tpu.memory_space<vmem>>) offsets(%dma_start3A_641 : memref<128xi32, #tpu.memory_space<vmem>>) semaphore(%arg16 : memref<!tpu.dma_semaphore, #tpu.memory_space<semaphore_mem>>)
      %dma_start3A_645 = arith.constant 9 : i32
      %dma_start3A_646 = arith.constant 1152 : i32
      %dma_start3A_647 = arith.constant 0 : i32
      %dma_start3A_648 = tpu.memref_slice %arg14[%dma_start3A_646, %dma_start3A_647] : memref<1280x8xf32, #tpu.memory_space<vmem>> -> memref<128x8xf32, #tpu.memory_space<vmem>>
      %dma_start3A_649 = arith.constant 0 : i32
      %dma_start3A_650 = tpu.memref_slice %arg10[%dma_start3A_645, %dma_start3A_649] : memref<10x128xi32, #tpu.memory_space<vmem>> -> memref<1x128xi32, #tpu.memory_space<vmem>>
      %dma_start3A_651 = tpu.memref_squeeze %dma_start3A_650 : memref<1x128xi32, #tpu.memory_space<vmem>> -> memref<128xi32, #tpu.memory_space<vmem>>
      %dma_start3A_652 = arith.constant 0 : i32
      %dma_start3A_653 = arith.constant 0 : i32
      %dma_start3A_654 = tpu.memref_slice %arg2[%dma_start3A_652, %dma_start3A_653] : memref<50000x8xf32, #tpu.memory_space<hbm>> -> memref<50000x8xf32, #tpu.memory_space<hbm>>
      tpu.enqueue_indirect_dma source(%dma_start3A_654 : memref<50000x8xf32, #tpu.memory_space<hbm>>) target(%dma_start3A_648 : memref<128x8xf32, #tpu.memory_space<vmem>>) offsets(%dma_start3A_651 : memref<128xi32, #tpu.memory_space<vmem>>) semaphore(%arg16 : memref<!tpu.dma_semaphore, #tpu.memory_space<semaphore_mem>>)
      %lt3A = arith.constant 9 : i32
      %lt3A_655 = arith.cmpi slt, %scan3A_232, %lt3A : i32
      %convert_element_type3A_656 = arith.extui %lt3A_655 : i1 to i32
      %cond3A_657 = arith.constant 0 : i32
      %cond3A_658 = arith.cmpi ne, %convert_element_type3A_656, %cond3A_657 : i32
      scf.if %cond3A_658 {
        %add3A_877 = arith.constant 2 : i32
        %add3A_878 = arith.addi %mul3A_234, %add3A_877 : i32
        %mul3A_879 = arith.constant 10 : i32
        %mul3A_880 = arith.muli %add3A_878, %mul3A_879 : i32
        %add3A_881 = arith.addi %mul3A_2, %mul3A_880 : i32
        "tpu.region"() ({
          %run_scoped3A = tpu.sem_alloc : memref<!tpu.dma_semaphore, #tpu.memory_space<semaphore_mem>>
          %dma_start3A_882 = arith.constant 0 : i32
          %dma_start3A_883 = tpu.memref_slice %arg3[%add3A_881, %dma_start3A_882] : memref<6400x128xi32, #tpu.memory_space<hbm>> -> memref<10x128xi32, #tpu.memory_space<hbm>>
          %dma_start3A_884 = arith.constant 0 : i32
          %dma_start3A_885 = tpu.memref_slice %arg3[%add3A_881, %dma_start3A_884] : memref<6400x128xi32, #tpu.memory_space<hbm>> -> memref<10x128xi32, #tpu.memory_space<hbm>>
          tpu.enqueue_dma source(%dma_start3A_885 : memref<10x128xi32, #tpu.memory_space<hbm>>) target(%arg7 : memref<10x128xi32, #tpu.memory_space<vmem>>) target_semaphore(%run_scoped3A : memref<!tpu.dma_semaphore, #tpu.memory_space<semaphore_mem>>)
          %dma_wait3A_886 = arith.constant 0 : i32
          %dma_wait3A_887 = tpu.memref_slice %arg3[%add3A_881, %dma_wait3A_886] : memref<6400x128xi32, #tpu.memory_space<hbm>> -> memref<10x128xi32, #tpu.memory_space<hbm>>
          %dma_wait3A_888 = arith.constant 0 : i32
          %dma_wait3A_889 = tpu.memref_slice %arg3[%add3A_881, %dma_wait3A_888] : memref<6400x128xi32, #tpu.memory_space<hbm>> -> memref<10x128xi32, #tpu.memory_space<hbm>>
          tpu.wait_dma2 semaphore(%run_scoped3A : memref<!tpu.dma_semaphore, #tpu.memory_space<semaphore_mem>>) src(%dma_wait3A_889 : memref<10x128xi32, #tpu.memory_space<hbm>>) dst(%arg7 : memref<10x128xi32, #tpu.memory_space<vmem>>)
          tpu.yield
        }) : () -> ()
        "tpu.region"() ({
          %run_scoped3A = tpu.sem_alloc : memref<!tpu.dma_semaphore, #tpu.memory_space<semaphore_mem>>
          %dma_start3A_882 = arith.constant 0 : i32
          %dma_start3A_883 = tpu.memref_slice %arg4[%add3A_881, %dma_start3A_882] : memref<6400x128xi32, #tpu.memory_space<hbm>> -> memref<10x128xi32, #tpu.memory_space<hbm>>
          %dma_start3A_884 = arith.constant 0 : i32
          %dma_start3A_885 = tpu.memref_slice %arg4[%add3A_881, %dma_start3A_884] : memref<6400x128xi32, #tpu.memory_space<hbm>> -> memref<10x128xi32, #tpu.memory_space<hbm>>
          tpu.enqueue_dma source(%dma_start3A_885 : memref<10x128xi32, #tpu.memory_space<hbm>>) target(%arg8 : memref<10x128xi32, #tpu.memory_space<vmem>>) target_semaphore(%run_scoped3A : memref<!tpu.dma_semaphore, #tpu.memory_space<semaphore_mem>>)
          %dma_wait3A_886 = arith.constant 0 : i32
          %dma_wait3A_887 = tpu.memref_slice %arg4[%add3A_881, %dma_wait3A_886] : memref<6400x128xi32, #tpu.memory_space<hbm>> -> memref<10x128xi32, #tpu.memory_space<hbm>>
          %dma_wait3A_888 = arith.constant 0 : i32
          %dma_wait3A_889 = tpu.memref_slice %arg4[%add3A_881, %dma_wait3A_888] : memref<6400x128xi32, #tpu.memory_space<hbm>> -> memref<10x128xi32, #tpu.memory_space<hbm>>
          tpu.wait_dma2 semaphore(%run_scoped3A : memref<!tpu.dma_semaphore, #tpu.memory_space<semaphore_mem>>) src(%dma_wait3A_889 : memref<10x128xi32, #tpu.memory_space<hbm>>) dst(%arg8 : memref<10x128xi32, #tpu.memory_space<vmem>>)
          tpu.yield
        }) : () -> ()
      } else {
      }
      %dma_wait3A_659 = arith.constant 0 : i32
      %dma_wait3A_660 = arith.constant 0 : i32
      %dma_wait3A_661 = arith.constant 0 : i32
      %dma_wait3A_662 = tpu.memref_slice %arg13[%dma_wait3A_660, %dma_wait3A_661] : memref<1280x8xf32, #tpu.memory_space<vmem>> -> memref<128x8xf32, #tpu.memory_space<vmem>>
      %dma_wait3A_663 = arith.constant 0 : i32
      %dma_wait3A_664 = tpu.memref_slice %arg9[%dma_wait3A_659, %dma_wait3A_663] : memref<10x128xi32, #tpu.memory_space<vmem>> -> memref<1x128xi32, #tpu.memory_space<vmem>>
      %dma_wait3A_665 = tpu.memref_squeeze %dma_wait3A_664 : memref<1x128xi32, #tpu.memory_space<vmem>> -> memref<128xi32, #tpu.memory_space<vmem>>
      %dma_wait3A_666 = arith.constant 0 : i32
      %dma_wait3A_667 = arith.constant 0 : i32
      %dma_wait3A_668 = tpu.memref_slice %arg2[%dma_wait3A_666, %dma_wait3A_667] : memref<50000x8xf32, #tpu.memory_space<hbm>> -> memref<50000x8xf32, #tpu.memory_space<hbm>>
      tpu.wait_indirect_dma semaphore(%arg16 : memref<!tpu.dma_semaphore, #tpu.memory_space<semaphore_mem>>) src(%dma_wait3A_668 : memref<50000x8xf32, #tpu.memory_space<hbm>>) dst(%dma_wait3A_662 : memref<128x8xf32, #tpu.memory_space<vmem>>)
      %dma_wait3A_669 = arith.constant 0 : i32
      %dma_wait3A_670 = arith.constant 0 : i32
      %dma_wait3A_671 = arith.constant 0 : i32
      %dma_wait3A_672 = tpu.memref_slice %arg14[%dma_wait3A_670, %dma_wait3A_671] : memref<1280x8xf32, #tpu.memory_space<vmem>> -> memref<128x8xf32, #tpu.memory_space<vmem>>
      %dma_wait3A_673 = arith.constant 0 : i32
      %dma_wait3A_674 = tpu.memref_slice %arg10[%dma_wait3A_669, %dma_wait3A_673] : memref<10x128xi32, #tpu.memory_space<vmem>> -> memref<1x128xi32, #tpu.memory_space<vmem>>
      %dma_wait3A_675 = tpu.memref_squeeze %dma_wait3A_674 : memref<1x128xi32, #tpu.memory_space<vmem>> -> memref<128xi32, #tpu.memory_space<vmem>>
      %dma_wait3A_676 = arith.constant 0 : i32
      %dma_wait3A_677 = arith.constant 0 : i32
      %dma_wait3A_678 = tpu.memref_slice %arg2[%dma_wait3A_676, %dma_wait3A_677] : memref<50000x8xf32, #tpu.memory_space<hbm>> -> memref<50000x8xf32, #tpu.memory_space<hbm>>
      tpu.wait_indirect_dma semaphore(%arg16 : memref<!tpu.dma_semaphore, #tpu.memory_space<semaphore_mem>>) src(%dma_wait3A_678 : memref<50000x8xf32, #tpu.memory_space<hbm>>) dst(%dma_wait3A_672 : memref<128x8xf32, #tpu.memory_space<vmem>>)
      %dma_wait3A_679 = arith.constant 1 : i32
      %dma_wait3A_680 = arith.constant 128 : i32
      %dma_wait3A_681 = arith.constant 0 : i32
      %dma_wait3A_682 = tpu.memref_slice %arg13[%dma_wait3A_680, %dma_wait3A_681] : memref<1280x8xf32, #tpu.memory_space<vmem>> -> memref<128x8xf32, #tpu.memory_space<vmem>>
      %dma_wait3A_683 = arith.constant 0 : i32
      %dma_wait3A_684 = tpu.memref_slice %arg9[%dma_wait3A_679, %dma_wait3A_683] : memref<10x128xi32, #tpu.memory_space<vmem>> -> memref<1x128xi32, #tpu.memory_space<vmem>>
      %dma_wait3A_685 = tpu.memref_squeeze %dma_wait3A_684 : memref<1x128xi32, #tpu.memory_space<vmem>> -> memref<128xi32, #tpu.memory_space<vmem>>
      %dma_wait3A_686 = arith.constant 0 : i32
      %dma_wait3A_687 = arith.constant 0 : i32
      %dma_wait3A_688 = tpu.memref_slice %arg2[%dma_wait3A_686, %dma_wait3A_687] : memref<50000x8xf32, #tpu.memory_space<hbm>> -> memref<50000x8xf32, #tpu.memory_space<hbm>>
      tpu.wait_indirect_dma semaphore(%arg16 : memref<!tpu.dma_semaphore, #tpu.memory_space<semaphore_mem>>) src(%dma_wait3A_688 : memref<50000x8xf32, #tpu.memory_space<hbm>>) dst(%dma_wait3A_682 : memref<128x8xf32, #tpu.memory_space<vmem>>)
      %dma_wait3A_689 = arith.constant 1 : i32
      %dma_wait3A_690 = arith.constant 128 : i32
      %dma_wait3A_691 = arith.constant 0 : i32
      %dma_wait3A_692 = tpu.memref_slice %arg14[%dma_wait3A_690, %dma_wait3A_691] : memref<1280x8xf32, #tpu.memory_space<vmem>> -> memref<128x8xf32, #tpu.memory_space<vmem>>
      %dma_wait3A_693 = arith.constant 0 : i32
      %dma_wait3A_694 = tpu.memref_slice %arg10[%dma_wait3A_689, %dma_wait3A_693] : memref<10x128xi32, #tpu.memory_space<vmem>> -> memref<1x128xi32, #tpu.memory_space<vmem>>
      %dma_wait3A_695 = tpu.memref_squeeze %dma_wait3A_694 : memref<1x128xi32, #tpu.memory_space<vmem>> -> memref<128xi32, #tpu.memory_space<vmem>>
      %dma_wait3A_696 = arith.constant 0 : i32
      %dma_wait3A_697 = arith.constant 0 : i32
      %dma_wait3A_698 = tpu.memref_slice %arg2[%dma_wait3A_696, %dma_wait3A_697] : memref<50000x8xf32, #tpu.memory_space<hbm>> -> memref<50000x8xf32, #tpu.memory_space<hbm>>
      tpu.wait_indirect_dma semaphore(%arg16 : memref<!tpu.dma_semaphore, #tpu.memory_space<semaphore_mem>>) src(%dma_wait3A_698 : memref<50000x8xf32, #tpu.memory_space<hbm>>) dst(%dma_wait3A_692 : memref<128x8xf32, #tpu.memory_space<vmem>>)
      %dma_wait3A_699 = arith.constant 2 : i32
      %dma_wait3A_700 = arith.constant 256 : i32
      %dma_wait3A_701 = arith.constant 0 : i32
      %dma_wait3A_702 = tpu.memref_slice %arg13[%dma_wait3A_700, %dma_wait3A_701] : memref<1280x8xf32, #tpu.memory_space<vmem>> -> memref<128x8xf32, #tpu.memory_space<vmem>>
      %dma_wait3A_703 = arith.constant 0 : i32
      %dma_wait3A_704 = tpu.memref_slice %arg9[%dma_wait3A_699, %dma_wait3A_703] : memref<10x128xi32, #tpu.memory_space<vmem>> -> memref<1x128xi32, #tpu.memory_space<vmem>>
      %dma_wait3A_705 = tpu.memref_squeeze %dma_wait3A_704 : memref<1x128xi32, #tpu.memory_space<vmem>> -> memref<128xi32, #tpu.memory_space<vmem>>
      %dma_wait3A_706 = arith.constant 0 : i32
      %dma_wait3A_707 = arith.constant 0 : i32
      %dma_wait3A_708 = tpu.memref_slice %arg2[%dma_wait3A_706, %dma_wait3A_707] : memref<50000x8xf32, #tpu.memory_space<hbm>> -> memref<50000x8xf32, #tpu.memory_space<hbm>>
      tpu.wait_indirect_dma semaphore(%arg16 : memref<!tpu.dma_semaphore, #tpu.memory_space<semaphore_mem>>) src(%dma_wait3A_708 : memref<50000x8xf32, #tpu.memory_space<hbm>>) dst(%dma_wait3A_702 : memref<128x8xf32, #tpu.memory_space<vmem>>)
      %dma_wait3A_709 = arith.constant 2 : i32
      %dma_wait3A_710 = arith.constant 256 : i32
      %dma_wait3A_711 = arith.constant 0 : i32
      %dma_wait3A_712 = tpu.memref_slice %arg14[%dma_wait3A_710, %dma_wait3A_711] : memref<1280x8xf32, #tpu.memory_space<vmem>> -> memref<128x8xf32, #tpu.memory_space<vmem>>
      %dma_wait3A_713 = arith.constant 0 : i32
      %dma_wait3A_714 = tpu.memref_slice %arg10[%dma_wait3A_709, %dma_wait3A_713] : memref<10x128xi32, #tpu.memory_space<vmem>> -> memref<1x128xi32, #tpu.memory_space<vmem>>
      %dma_wait3A_715 = tpu.memref_squeeze %dma_wait3A_714 : memref<1x128xi32, #tpu.memory_space<vmem>> -> memref<128xi32, #tpu.memory_space<vmem>>
      %dma_wait3A_716 = arith.constant 0 : i32
      %dma_wait3A_717 = arith.constant 0 : i32
      %dma_wait3A_718 = tpu.memref_slice %arg2[%dma_wait3A_716, %dma_wait3A_717] : memref<50000x8xf32, #tpu.memory_space<hbm>> -> memref<50000x8xf32, #tpu.memory_space<hbm>>
      tpu.wait_indirect_dma semaphore(%arg16 : memref<!tpu.dma_semaphore, #tpu.memory_space<semaphore_mem>>) src(%dma_wait3A_718 : memref<50000x8xf32, #tpu.memory_space<hbm>>) dst(%dma_wait3A_712 : memref<128x8xf32, #tpu.memory_space<vmem>>)
      %dma_wait3A_719 = arith.constant 3 : i32
      %dma_wait3A_720 = arith.constant 384 : i32
      %dma_wait3A_721 = arith.constant 0 : i32
      %dma_wait3A_722 = tpu.memref_slice %arg13[%dma_wait3A_720, %dma_wait3A_721] : memref<1280x8xf32, #tpu.memory_space<vmem>> -> memref<128x8xf32, #tpu.memory_space<vmem>>
      %dma_wait3A_723 = arith.constant 0 : i32
      %dma_wait3A_724 = tpu.memref_slice %arg9[%dma_wait3A_719, %dma_wait3A_723] : memref<10x128xi32, #tpu.memory_space<vmem>> -> memref<1x128xi32, #tpu.memory_space<vmem>>
      %dma_wait3A_725 = tpu.memref_squeeze %dma_wait3A_724 : memref<1x128xi32, #tpu.memory_space<vmem>> -> memref<128xi32, #tpu.memory_space<vmem>>
      %dma_wait3A_726 = arith.constant 0 : i32
      %dma_wait3A_727 = arith.constant 0 : i32
      %dma_wait3A_728 = tpu.memref_slice %arg2[%dma_wait3A_726, %dma_wait3A_727] : memref<50000x8xf32, #tpu.memory_space<hbm>> -> memref<50000x8xf32, #tpu.memory_space<hbm>>
      tpu.wait_indirect_dma semaphore(%arg16 : memref<!tpu.dma_semaphore, #tpu.memory_space<semaphore_mem>>) src(%dma_wait3A_728 : memref<50000x8xf32, #tpu.memory_space<hbm>>) dst(%dma_wait3A_722 : memref<128x8xf32, #tpu.memory_space<vmem>>)
      %dma_wait3A_729 = arith.constant 3 : i32
      %dma_wait3A_730 = arith.constant 384 : i32
      %dma_wait3A_731 = arith.constant 0 : i32
      %dma_wait3A_732 = tpu.memref_slice %arg14[%dma_wait3A_730, %dma_wait3A_731] : memref<1280x8xf32, #tpu.memory_space<vmem>> -> memref<128x8xf32, #tpu.memory_space<vmem>>
      %dma_wait3A_733 = arith.constant 0 : i32
      %dma_wait3A_734 = tpu.memref_slice %arg10[%dma_wait3A_729, %dma_wait3A_733] : memref<10x128xi32, #tpu.memory_space<vmem>> -> memref<1x128xi32, #tpu.memory_space<vmem>>
      %dma_wait3A_735 = tpu.memref_squeeze %dma_wait3A_734 : memref<1x128xi32, #tpu.memory_space<vmem>> -> memref<128xi32, #tpu.memory_space<vmem>>
      %dma_wait3A_736 = arith.constant 0 : i32
      %dma_wait3A_737 = arith.constant 0 : i32
      %dma_wait3A_738 = tpu.memref_slice %arg2[%dma_wait3A_736, %dma_wait3A_737] : memref<50000x8xf32, #tpu.memory_space<hbm>> -> memref<50000x8xf32, #tpu.memory_space<hbm>>
      tpu.wait_indirect_dma semaphore(%arg16 : memref<!tpu.dma_semaphore, #tpu.memory_space<semaphore_mem>>) src(%dma_wait3A_738 : memref<50000x8xf32, #tpu.memory_space<hbm>>) dst(%dma_wait3A_732 : memref<128x8xf32, #tpu.memory_space<vmem>>)
      %dma_wait3A_739 = arith.constant 4 : i32
      %dma_wait3A_740 = arith.constant 512 : i32
      %dma_wait3A_741 = arith.constant 0 : i32
      %dma_wait3A_742 = tpu.memref_slice %arg13[%dma_wait3A_740, %dma_wait3A_741] : memref<1280x8xf32, #tpu.memory_space<vmem>> -> memref<128x8xf32, #tpu.memory_space<vmem>>
      %dma_wait3A_743 = arith.constant 0 : i32
      %dma_wait3A_744 = tpu.memref_slice %arg9[%dma_wait3A_739, %dma_wait3A_743] : memref<10x128xi32, #tpu.memory_space<vmem>> -> memref<1x128xi32, #tpu.memory_space<vmem>>
      %dma_wait3A_745 = tpu.memref_squeeze %dma_wait3A_744 : memref<1x128xi32, #tpu.memory_space<vmem>> -> memref<128xi32, #tpu.memory_space<vmem>>
      %dma_wait3A_746 = arith.constant 0 : i32
      %dma_wait3A_747 = arith.constant 0 : i32
      %dma_wait3A_748 = tpu.memref_slice %arg2[%dma_wait3A_746, %dma_wait3A_747] : memref<50000x8xf32, #tpu.memory_space<hbm>> -> memref<50000x8xf32, #tpu.memory_space<hbm>>
      tpu.wait_indirect_dma semaphore(%arg16 : memref<!tpu.dma_semaphore, #tpu.memory_space<semaphore_mem>>) src(%dma_wait3A_748 : memref<50000x8xf32, #tpu.memory_space<hbm>>) dst(%dma_wait3A_742 : memref<128x8xf32, #tpu.memory_space<vmem>>)
      %dma_wait3A_749 = arith.constant 4 : i32
      %dma_wait3A_750 = arith.constant 512 : i32
      %dma_wait3A_751 = arith.constant 0 : i32
      %dma_wait3A_752 = tpu.memref_slice %arg14[%dma_wait3A_750, %dma_wait3A_751] : memref<1280x8xf32, #tpu.memory_space<vmem>> -> memref<128x8xf32, #tpu.memory_space<vmem>>
      %dma_wait3A_753 = arith.constant 0 : i32
      %dma_wait3A_754 = tpu.memref_slice %arg10[%dma_wait3A_749, %dma_wait3A_753] : memref<10x128xi32, #tpu.memory_space<vmem>> -> memref<1x128xi32, #tpu.memory_space<vmem>>
      %dma_wait3A_755 = tpu.memref_squeeze %dma_wait3A_754 : memref<1x128xi32, #tpu.memory_space<vmem>> -> memref<128xi32, #tpu.memory_space<vmem>>
      %dma_wait3A_756 = arith.constant 0 : i32
      %dma_wait3A_757 = arith.constant 0 : i32
      %dma_wait3A_758 = tpu.memref_slice %arg2[%dma_wait3A_756, %dma_wait3A_757] : memref<50000x8xf32, #tpu.memory_space<hbm>> -> memref<50000x8xf32, #tpu.memory_space<hbm>>
      tpu.wait_indirect_dma semaphore(%arg16 : memref<!tpu.dma_semaphore, #tpu.memory_space<semaphore_mem>>) src(%dma_wait3A_758 : memref<50000x8xf32, #tpu.memory_space<hbm>>) dst(%dma_wait3A_752 : memref<128x8xf32, #tpu.memory_space<vmem>>)
      %dma_wait3A_759 = arith.constant 5 : i32
      %dma_wait3A_760 = arith.constant 640 : i32
      %dma_wait3A_761 = arith.constant 0 : i32
      %dma_wait3A_762 = tpu.memref_slice %arg13[%dma_wait3A_760, %dma_wait3A_761] : memref<1280x8xf32, #tpu.memory_space<vmem>> -> memref<128x8xf32, #tpu.memory_space<vmem>>
      %dma_wait3A_763 = arith.constant 0 : i32
      %dma_wait3A_764 = tpu.memref_slice %arg9[%dma_wait3A_759, %dma_wait3A_763] : memref<10x128xi32, #tpu.memory_space<vmem>> -> memref<1x128xi32, #tpu.memory_space<vmem>>
      %dma_wait3A_765 = tpu.memref_squeeze %dma_wait3A_764 : memref<1x128xi32, #tpu.memory_space<vmem>> -> memref<128xi32, #tpu.memory_space<vmem>>
      %dma_wait3A_766 = arith.constant 0 : i32
      %dma_wait3A_767 = arith.constant 0 : i32
      %dma_wait3A_768 = tpu.memref_slice %arg2[%dma_wait3A_766, %dma_wait3A_767] : memref<50000x8xf32, #tpu.memory_space<hbm>> -> memref<50000x8xf32, #tpu.memory_space<hbm>>
      tpu.wait_indirect_dma semaphore(%arg16 : memref<!tpu.dma_semaphore, #tpu.memory_space<semaphore_mem>>) src(%dma_wait3A_768 : memref<50000x8xf32, #tpu.memory_space<hbm>>) dst(%dma_wait3A_762 : memref<128x8xf32, #tpu.memory_space<vmem>>)
      %dma_wait3A_769 = arith.constant 5 : i32
      %dma_wait3A_770 = arith.constant 640 : i32
      %dma_wait3A_771 = arith.constant 0 : i32
      %dma_wait3A_772 = tpu.memref_slice %arg14[%dma_wait3A_770, %dma_wait3A_771] : memref<1280x8xf32, #tpu.memory_space<vmem>> -> memref<128x8xf32, #tpu.memory_space<vmem>>
      %dma_wait3A_773 = arith.constant 0 : i32
      %dma_wait3A_774 = tpu.memref_slice %arg10[%dma_wait3A_769, %dma_wait3A_773] : memref<10x128xi32, #tpu.memory_space<vmem>> -> memref<1x128xi32, #tpu.memory_space<vmem>>
      %dma_wait3A_775 = tpu.memref_squeeze %dma_wait3A_774 : memref<1x128xi32, #tpu.memory_space<vmem>> -> memref<128xi32, #tpu.memory_space<vmem>>
      %dma_wait3A_776 = arith.constant 0 : i32
      %dma_wait3A_777 = arith.constant 0 : i32
      %dma_wait3A_778 = tpu.memref_slice %arg2[%dma_wait3A_776, %dma_wait3A_777] : memref<50000x8xf32, #tpu.memory_space<hbm>> -> memref<50000x8xf32, #tpu.memory_space<hbm>>
      tpu.wait_indirect_dma semaphore(%arg16 : memref<!tpu.dma_semaphore, #tpu.memory_space<semaphore_mem>>) src(%dma_wait3A_778 : memref<50000x8xf32, #tpu.memory_space<hbm>>) dst(%dma_wait3A_772 : memref<128x8xf32, #tpu.memory_space<vmem>>)
      %dma_wait3A_779 = arith.constant 6 : i32
      %dma_wait3A_780 = arith.constant 768 : i32
      %dma_wait3A_781 = arith.constant 0 : i32
      %dma_wait3A_782 = tpu.memref_slice %arg13[%dma_wait3A_780, %dma_wait3A_781] : memref<1280x8xf32, #tpu.memory_space<vmem>> -> memref<128x8xf32, #tpu.memory_space<vmem>>
      %dma_wait3A_783 = arith.constant 0 : i32
      %dma_wait3A_784 = tpu.memref_slice %arg9[%dma_wait3A_779, %dma_wait3A_783] : memref<10x128xi32, #tpu.memory_space<vmem>> -> memref<1x128xi32, #tpu.memory_space<vmem>>
      %dma_wait3A_785 = tpu.memref_squeeze %dma_wait3A_784 : memref<1x128xi32, #tpu.memory_space<vmem>> -> memref<128xi32, #tpu.memory_space<vmem>>
      %dma_wait3A_786 = arith.constant 0 : i32
      %dma_wait3A_787 = arith.constant 0 : i32
      %dma_wait3A_788 = tpu.memref_slice %arg2[%dma_wait3A_786, %dma_wait3A_787] : memref<50000x8xf32, #tpu.memory_space<hbm>> -> memref<50000x8xf32, #tpu.memory_space<hbm>>
      tpu.wait_indirect_dma semaphore(%arg16 : memref<!tpu.dma_semaphore, #tpu.memory_space<semaphore_mem>>) src(%dma_wait3A_788 : memref<50000x8xf32, #tpu.memory_space<hbm>>) dst(%dma_wait3A_782 : memref<128x8xf32, #tpu.memory_space<vmem>>)
      %dma_wait3A_789 = arith.constant 6 : i32
      %dma_wait3A_790 = arith.constant 768 : i32
      %dma_wait3A_791 = arith.constant 0 : i32
      %dma_wait3A_792 = tpu.memref_slice %arg14[%dma_wait3A_790, %dma_wait3A_791] : memref<1280x8xf32, #tpu.memory_space<vmem>> -> memref<128x8xf32, #tpu.memory_space<vmem>>
      %dma_wait3A_793 = arith.constant 0 : i32
      %dma_wait3A_794 = tpu.memref_slice %arg10[%dma_wait3A_789, %dma_wait3A_793] : memref<10x128xi32, #tpu.memory_space<vmem>> -> memref<1x128xi32, #tpu.memory_space<vmem>>
      %dma_wait3A_795 = tpu.memref_squeeze %dma_wait3A_794 : memref<1x128xi32, #tpu.memory_space<vmem>> -> memref<128xi32, #tpu.memory_space<vmem>>
      %dma_wait3A_796 = arith.constant 0 : i32
      %dma_wait3A_797 = arith.constant 0 : i32
      %dma_wait3A_798 = tpu.memref_slice %arg2[%dma_wait3A_796, %dma_wait3A_797] : memref<50000x8xf32, #tpu.memory_space<hbm>> -> memref<50000x8xf32, #tpu.memory_space<hbm>>
      tpu.wait_indirect_dma semaphore(%arg16 : memref<!tpu.dma_semaphore, #tpu.memory_space<semaphore_mem>>) src(%dma_wait3A_798 : memref<50000x8xf32, #tpu.memory_space<hbm>>) dst(%dma_wait3A_792 : memref<128x8xf32, #tpu.memory_space<vmem>>)
      %dma_wait3A_799 = arith.constant 7 : i32
      %dma_wait3A_800 = arith.constant 896 : i32
      %dma_wait3A_801 = arith.constant 0 : i32
      %dma_wait3A_802 = tpu.memref_slice %arg13[%dma_wait3A_800, %dma_wait3A_801] : memref<1280x8xf32, #tpu.memory_space<vmem>> -> memref<128x8xf32, #tpu.memory_space<vmem>>
      %dma_wait3A_803 = arith.constant 0 : i32
      %dma_wait3A_804 = tpu.memref_slice %arg9[%dma_wait3A_799, %dma_wait3A_803] : memref<10x128xi32, #tpu.memory_space<vmem>> -> memref<1x128xi32, #tpu.memory_space<vmem>>
      %dma_wait3A_805 = tpu.memref_squeeze %dma_wait3A_804 : memref<1x128xi32, #tpu.memory_space<vmem>> -> memref<128xi32, #tpu.memory_space<vmem>>
      %dma_wait3A_806 = arith.constant 0 : i32
      %dma_wait3A_807 = arith.constant 0 : i32
      %dma_wait3A_808 = tpu.memref_slice %arg2[%dma_wait3A_806, %dma_wait3A_807] : memref<50000x8xf32, #tpu.memory_space<hbm>> -> memref<50000x8xf32, #tpu.memory_space<hbm>>
      tpu.wait_indirect_dma semaphore(%arg16 : memref<!tpu.dma_semaphore, #tpu.memory_space<semaphore_mem>>) src(%dma_wait3A_808 : memref<50000x8xf32, #tpu.memory_space<hbm>>) dst(%dma_wait3A_802 : memref<128x8xf32, #tpu.memory_space<vmem>>)
      %dma_wait3A_809 = arith.constant 7 : i32
      %dma_wait3A_810 = arith.constant 896 : i32
      %dma_wait3A_811 = arith.constant 0 : i32
      %dma_wait3A_812 = tpu.memref_slice %arg14[%dma_wait3A_810, %dma_wait3A_811] : memref<1280x8xf32, #tpu.memory_space<vmem>> -> memref<128x8xf32, #tpu.memory_space<vmem>>
      %dma_wait3A_813 = arith.constant 0 : i32
      %dma_wait3A_814 = tpu.memref_slice %arg10[%dma_wait3A_809, %dma_wait3A_813] : memref<10x128xi32, #tpu.memory_space<vmem>> -> memref<1x128xi32, #tpu.memory_space<vmem>>
      %dma_wait3A_815 = tpu.memref_squeeze %dma_wait3A_814 : memref<1x128xi32, #tpu.memory_space<vmem>> -> memref<128xi32, #tpu.memory_space<vmem>>
      %dma_wait3A_816 = arith.constant 0 : i32
      %dma_wait3A_817 = arith.constant 0 : i32
      %dma_wait3A_818 = tpu.memref_slice %arg2[%dma_wait3A_816, %dma_wait3A_817] : memref<50000x8xf32, #tpu.memory_space<hbm>> -> memref<50000x8xf32, #tpu.memory_space<hbm>>
      tpu.wait_indirect_dma semaphore(%arg16 : memref<!tpu.dma_semaphore, #tpu.memory_space<semaphore_mem>>) src(%dma_wait3A_818 : memref<50000x8xf32, #tpu.memory_space<hbm>>) dst(%dma_wait3A_812 : memref<128x8xf32, #tpu.memory_space<vmem>>)
      %dma_wait3A_819 = arith.constant 8 : i32
      %dma_wait3A_820 = arith.constant 1024 : i32
      %dma_wait3A_821 = arith.constant 0 : i32
      %dma_wait3A_822 = tpu.memref_slice %arg13[%dma_wait3A_820, %dma_wait3A_821] : memref<1280x8xf32, #tpu.memory_space<vmem>> -> memref<128x8xf32, #tpu.memory_space<vmem>>
      %dma_wait3A_823 = arith.constant 0 : i32
      %dma_wait3A_824 = tpu.memref_slice %arg9[%dma_wait3A_819, %dma_wait3A_823] : memref<10x128xi32, #tpu.memory_space<vmem>> -> memref<1x128xi32, #tpu.memory_space<vmem>>
      %dma_wait3A_825 = tpu.memref_squeeze %dma_wait3A_824 : memref<1x128xi32, #tpu.memory_space<vmem>> -> memref<128xi32, #tpu.memory_space<vmem>>
      %dma_wait3A_826 = arith.constant 0 : i32
      %dma_wait3A_827 = arith.constant 0 : i32
      %dma_wait3A_828 = tpu.memref_slice %arg2[%dma_wait3A_826, %dma_wait3A_827] : memref<50000x8xf32, #tpu.memory_space<hbm>> -> memref<50000x8xf32, #tpu.memory_space<hbm>>
      tpu.wait_indirect_dma semaphore(%arg16 : memref<!tpu.dma_semaphore, #tpu.memory_space<semaphore_mem>>) src(%dma_wait3A_828 : memref<50000x8xf32, #tpu.memory_space<hbm>>) dst(%dma_wait3A_822 : memref<128x8xf32, #tpu.memory_space<vmem>>)
      %dma_wait3A_829 = arith.constant 8 : i32
      %dma_wait3A_830 = arith.constant 1024 : i32
      %dma_wait3A_831 = arith.constant 0 : i32
      %dma_wait3A_832 = tpu.memref_slice %arg14[%dma_wait3A_830, %dma_wait3A_831] : memref<1280x8xf32, #tpu.memory_space<vmem>> -> memref<128x8xf32, #tpu.memory_space<vmem>>
      %dma_wait3A_833 = arith.constant 0 : i32
      %dma_wait3A_834 = tpu.memref_slice %arg10[%dma_wait3A_829, %dma_wait3A_833] : memref<10x128xi32, #tpu.memory_space<vmem>> -> memref<1x128xi32, #tpu.memory_space<vmem>>
      %dma_wait3A_835 = tpu.memref_squeeze %dma_wait3A_834 : memref<1x128xi32, #tpu.memory_space<vmem>> -> memref<128xi32, #tpu.memory_space<vmem>>
      %dma_wait3A_836 = arith.constant 0 : i32
      %dma_wait3A_837 = arith.constant 0 : i32
      %dma_wait3A_838 = tpu.memref_slice %arg2[%dma_wait3A_836, %dma_wait3A_837] : memref<50000x8xf32, #tpu.memory_space<hbm>> -> memref<50000x8xf32, #tpu.memory_space<hbm>>
      tpu.wait_indirect_dma semaphore(%arg16 : memref<!tpu.dma_semaphore, #tpu.memory_space<semaphore_mem>>) src(%dma_wait3A_838 : memref<50000x8xf32, #tpu.memory_space<hbm>>) dst(%dma_wait3A_832 : memref<128x8xf32, #tpu.memory_space<vmem>>)
      %dma_wait3A_839 = arith.constant 9 : i32
      %dma_wait3A_840 = arith.constant 1152 : i32
      %dma_wait3A_841 = arith.constant 0 : i32
      %dma_wait3A_842 = tpu.memref_slice %arg13[%dma_wait3A_840, %dma_wait3A_841] : memref<1280x8xf32, #tpu.memory_space<vmem>> -> memref<128x8xf32, #tpu.memory_space<vmem>>
      %dma_wait3A_843 = arith.constant 0 : i32
      %dma_wait3A_844 = tpu.memref_slice %arg9[%dma_wait3A_839, %dma_wait3A_843] : memref<10x128xi32, #tpu.memory_space<vmem>> -> memref<1x128xi32, #tpu.memory_space<vmem>>
      %dma_wait3A_845 = tpu.memref_squeeze %dma_wait3A_844 : memref<1x128xi32, #tpu.memory_space<vmem>> -> memref<128xi32, #tpu.memory_space<vmem>>
      %dma_wait3A_846 = arith.constant 0 : i32
      %dma_wait3A_847 = arith.constant 0 : i32
      %dma_wait3A_848 = tpu.memref_slice %arg2[%dma_wait3A_846, %dma_wait3A_847] : memref<50000x8xf32, #tpu.memory_space<hbm>> -> memref<50000x8xf32, #tpu.memory_space<hbm>>
      tpu.wait_indirect_dma semaphore(%arg16 : memref<!tpu.dma_semaphore, #tpu.memory_space<semaphore_mem>>) src(%dma_wait3A_848 : memref<50000x8xf32, #tpu.memory_space<hbm>>) dst(%dma_wait3A_842 : memref<128x8xf32, #tpu.memory_space<vmem>>)
      %dma_wait3A_849 = arith.constant 9 : i32
      %dma_wait3A_850 = arith.constant 1152 : i32
      %dma_wait3A_851 = arith.constant 0 : i32
      %dma_wait3A_852 = tpu.memref_slice %arg14[%dma_wait3A_850, %dma_wait3A_851] : memref<1280x8xf32, #tpu.memory_space<vmem>> -> memref<128x8xf32, #tpu.memory_space<vmem>>
      %dma_wait3A_853 = arith.constant 0 : i32
      %dma_wait3A_854 = tpu.memref_slice %arg10[%dma_wait3A_849, %dma_wait3A_853] : memref<10x128xi32, #tpu.memory_space<vmem>> -> memref<1x128xi32, #tpu.memory_space<vmem>>
      %dma_wait3A_855 = tpu.memref_squeeze %dma_wait3A_854 : memref<1x128xi32, #tpu.memory_space<vmem>> -> memref<128xi32, #tpu.memory_space<vmem>>
      %dma_wait3A_856 = arith.constant 0 : i32
      %dma_wait3A_857 = arith.constant 0 : i32
      %dma_wait3A_858 = tpu.memref_slice %arg2[%dma_wait3A_856, %dma_wait3A_857] : memref<50000x8xf32, #tpu.memory_space<hbm>> -> memref<50000x8xf32, #tpu.memory_space<hbm>>
      tpu.wait_indirect_dma semaphore(%arg16 : memref<!tpu.dma_semaphore, #tpu.memory_space<semaphore_mem>>) src(%dma_wait3A_858 : memref<50000x8xf32, #tpu.memory_space<hbm>>) dst(%dma_wait3A_852 : memref<128x8xf32, #tpu.memory_space<vmem>>)
      %mul3A_859 = arith.constant 10 : i32
      %mul3A_860 = arith.muli %add3A_236, %mul3A_859 : i32
      %add3A_861 = arith.addi %mul3A_2, %mul3A_860 : i32
      %mul3A_862 = arith.constant 128 : i32
      %mul3A_863 = arith.muli %add3A_861, %mul3A_862 : i32
      %dma_start3A_864 = arith.constant 0 : i32
      %dma_start3A_865 = tpu.memref_slice %arg5[%mul3A_863, %dma_start3A_864] : memref<819200x8xf32, #tpu.memory_space<hbm>> -> memref<1280x8xf32, #tpu.memory_space<hbm>>
      %dma_start3A_866 = arith.constant 0 : i32
      %dma_start3A_867 = tpu.memref_slice %arg5[%mul3A_863, %dma_start3A_866] : memref<819200x8xf32, #tpu.memory_space<hbm>> -> memref<1280x8xf32, #tpu.memory_space<hbm>>
      tpu.enqueue_dma source(%arg13 : memref<1280x8xf32, #tpu.memory_space<vmem>>) target(%dma_start3A_867 : memref<1280x8xf32, #tpu.memory_space<hbm>>) target_semaphore(%arg17 : memref<!tpu.dma_semaphore, #tpu.memory_space<semaphore_mem>>)
      %dma_start3A_868 = arith.constant 0 : i32
      %dma_start3A_869 = tpu.memref_slice %arg6[%mul3A_863, %dma_start3A_868] : memref<819200x8xf32, #tpu.memory_space<hbm>> -> memref<1280x8xf32, #tpu.memory_space<hbm>>
      %dma_start3A_870 = arith.constant 0 : i32
      %dma_start3A_871 = tpu.memref_slice %arg6[%mul3A_863, %dma_start3A_870] : memref<819200x8xf32, #tpu.memory_space<hbm>> -> memref<1280x8xf32, #tpu.memory_space<hbm>>
      tpu.enqueue_dma source(%arg14 : memref<1280x8xf32, #tpu.memory_space<vmem>>) target(%dma_start3A_871 : memref<1280x8xf32, #tpu.memory_space<hbm>>) target_semaphore(%arg17 : memref<!tpu.dma_semaphore, #tpu.memory_space<semaphore_mem>>)
      %lt3A_872 = arith.constant 9 : i32
      %lt3A_873 = arith.cmpi slt, %scan3A_232, %lt3A_872 : i32
      %convert_element_type3A_874 = arith.extui %lt3A_873 : i1 to i32
      %cond3A_875 = arith.constant 0 : i32
      %cond3A_876 = arith.cmpi ne, %convert_element_type3A_874, %cond3A_875 : i32
      scf.if %cond3A_876 {
        %mul3A_877 = arith.constant 128 : i32
        %mul3A_878 = arith.muli %mul3A_2, %mul3A_877 : i32
        %dma_wait3A_879 = arith.constant 0 : i32
        %dma_wait3A_880 = tpu.memref_slice %arg5[%mul3A_878, %dma_wait3A_879] : memref<819200x8xf32, #tpu.memory_space<hbm>> -> memref<1280x8xf32, #tpu.memory_space<hbm>>
        %dma_wait3A_881 = arith.constant 0 : i32
        %dma_wait3A_882 = tpu.memref_slice %arg5[%mul3A_878, %dma_wait3A_881] : memref<819200x8xf32, #tpu.memory_space<hbm>> -> memref<1280x8xf32, #tpu.memory_space<hbm>>
        tpu.wait_dma2 semaphore(%arg17 : memref<!tpu.dma_semaphore, #tpu.memory_space<semaphore_mem>>) src(%arg11 : memref<1280x8xf32, #tpu.memory_space<vmem>>) dst(%dma_wait3A_882 : memref<1280x8xf32, #tpu.memory_space<hbm>>)
        %mul3A_883 = arith.constant 128 : i32
        %mul3A_884 = arith.muli %mul3A_2, %mul3A_883 : i32
        %dma_wait3A_885 = arith.constant 0 : i32
        %dma_wait3A_886 = tpu.memref_slice %arg6[%mul3A_884, %dma_wait3A_885] : memref<819200x8xf32, #tpu.memory_space<hbm>> -> memref<1280x8xf32, #tpu.memory_space<hbm>>
        %dma_wait3A_887 = arith.constant 0 : i32
        %dma_wait3A_888 = tpu.memref_slice %arg6[%mul3A_884, %dma_wait3A_887] : memref<819200x8xf32, #tpu.memory_space<hbm>> -> memref<1280x8xf32, #tpu.memory_space<hbm>>
        tpu.wait_dma2 semaphore(%arg17 : memref<!tpu.dma_semaphore, #tpu.memory_space<semaphore_mem>>) src(%arg12 : memref<1280x8xf32, #tpu.memory_space<vmem>>) dst(%dma_wait3A_888 : memref<1280x8xf32, #tpu.memory_space<hbm>>)
        %dma_start3A_889 = arith.constant 0 : i32
        %dma_start3A_890 = arith.constant 0 : i32
        %dma_start3A_891 = arith.constant 0 : i32
        %dma_start3A_892 = tpu.memref_slice %arg11[%dma_start3A_890, %dma_start3A_891] : memref<1280x8xf32, #tpu.memory_space<vmem>> -> memref<128x8xf32, #tpu.memory_space<vmem>>
        %dma_start3A_893 = arith.constant 0 : i32
        %dma_start3A_894 = tpu.memref_slice %arg7[%dma_start3A_889, %dma_start3A_893] : memref<10x128xi32, #tpu.memory_space<vmem>> -> memref<1x128xi32, #tpu.memory_space<vmem>>
        %dma_start3A_895 = tpu.memref_squeeze %dma_start3A_894 : memref<1x128xi32, #tpu.memory_space<vmem>> -> memref<128xi32, #tpu.memory_space<vmem>>
        %dma_start3A_896 = arith.constant 0 : i32
        %dma_start3A_897 = arith.constant 0 : i32
        %dma_start3A_898 = tpu.memref_slice %arg2[%dma_start3A_896, %dma_start3A_897] : memref<50000x8xf32, #tpu.memory_space<hbm>> -> memref<50000x8xf32, #tpu.memory_space<hbm>>
        tpu.enqueue_indirect_dma source(%dma_start3A_898 : memref<50000x8xf32, #tpu.memory_space<hbm>>) target(%dma_start3A_892 : memref<128x8xf32, #tpu.memory_space<vmem>>) offsets(%dma_start3A_895 : memref<128xi32, #tpu.memory_space<vmem>>) semaphore(%arg15 : memref<!tpu.dma_semaphore, #tpu.memory_space<semaphore_mem>>)
        %dma_start3A_899 = arith.constant 0 : i32
        %dma_start3A_900 = arith.constant 0 : i32
        %dma_start3A_901 = arith.constant 0 : i32
        %dma_start3A_902 = tpu.memref_slice %arg12[%dma_start3A_900, %dma_start3A_901] : memref<1280x8xf32, #tpu.memory_space<vmem>> -> memref<128x8xf32, #tpu.memory_space<vmem>>
        %dma_start3A_903 = arith.constant 0 : i32
        %dma_start3A_904 = tpu.memref_slice %arg8[%dma_start3A_899, %dma_start3A_903] : memref<10x128xi32, #tpu.memory_space<vmem>> -> memref<1x128xi32, #tpu.memory_space<vmem>>
        %dma_start3A_905 = tpu.memref_squeeze %dma_start3A_904 : memref<1x128xi32, #tpu.memory_space<vmem>> -> memref<128xi32, #tpu.memory_space<vmem>>
        %dma_start3A_906 = arith.constant 0 : i32
        %dma_start3A_907 = arith.constant 0 : i32
        %dma_start3A_908 = tpu.memref_slice %arg2[%dma_start3A_906, %dma_start3A_907] : memref<50000x8xf32, #tpu.memory_space<hbm>> -> memref<50000x8xf32, #tpu.memory_space<hbm>>
        tpu.enqueue_indirect_dma source(%dma_start3A_908 : memref<50000x8xf32, #tpu.memory_space<hbm>>) target(%dma_start3A_902 : memref<128x8xf32, #tpu.memory_space<vmem>>) offsets(%dma_start3A_905 : memref<128xi32, #tpu.memory_space<vmem>>) semaphore(%arg15 : memref<!tpu.dma_semaphore, #tpu.memory_space<semaphore_mem>>)
        %dma_start3A_909 = arith.constant 1 : i32
        %dma_start3A_910 = arith.constant 128 : i32
        %dma_start3A_911 = arith.constant 0 : i32
        %dma_start3A_912 = tpu.memref_slice %arg11[%dma_start3A_910, %dma_start3A_911] : memref<1280x8xf32, #tpu.memory_space<vmem>> -> memref<128x8xf32, #tpu.memory_space<vmem>>
        %dma_start3A_913 = arith.constant 0 : i32
        %dma_start3A_914 = tpu.memref_slice %arg7[%dma_start3A_909, %dma_start3A_913] : memref<10x128xi32, #tpu.memory_space<vmem>> -> memref<1x128xi32, #tpu.memory_space<vmem>>
        %dma_start3A_915 = tpu.memref_squeeze %dma_start3A_914 : memref<1x128xi32, #tpu.memory_space<vmem>> -> memref<128xi32, #tpu.memory_space<vmem>>
        %dma_start3A_916 = arith.constant 0 : i32
        %dma_start3A_917 = arith.constant 0 : i32
        %dma_start3A_918 = tpu.memref_slice %arg2[%dma_start3A_916, %dma_start3A_917] : memref<50000x8xf32, #tpu.memory_space<hbm>> -> memref<50000x8xf32, #tpu.memory_space<hbm>>
        tpu.enqueue_indirect_dma source(%dma_start3A_918 : memref<50000x8xf32, #tpu.memory_space<hbm>>) target(%dma_start3A_912 : memref<128x8xf32, #tpu.memory_space<vmem>>) offsets(%dma_start3A_915 : memref<128xi32, #tpu.memory_space<vmem>>) semaphore(%arg15 : memref<!tpu.dma_semaphore, #tpu.memory_space<semaphore_mem>>)
        %dma_start3A_919 = arith.constant 1 : i32
        %dma_start3A_920 = arith.constant 128 : i32
        %dma_start3A_921 = arith.constant 0 : i32
        %dma_start3A_922 = tpu.memref_slice %arg12[%dma_start3A_920, %dma_start3A_921] : memref<1280x8xf32, #tpu.memory_space<vmem>> -> memref<128x8xf32, #tpu.memory_space<vmem>>
        %dma_start3A_923 = arith.constant 0 : i32
        %dma_start3A_924 = tpu.memref_slice %arg8[%dma_start3A_919, %dma_start3A_923] : memref<10x128xi32, #tpu.memory_space<vmem>> -> memref<1x128xi32, #tpu.memory_space<vmem>>
        %dma_start3A_925 = tpu.memref_squeeze %dma_start3A_924 : memref<1x128xi32, #tpu.memory_space<vmem>> -> memref<128xi32, #tpu.memory_space<vmem>>
        %dma_start3A_926 = arith.constant 0 : i32
        %dma_start3A_927 = arith.constant 0 : i32
        %dma_start3A_928 = tpu.memref_slice %arg2[%dma_start3A_926, %dma_start3A_927] : memref<50000x8xf32, #tpu.memory_space<hbm>> -> memref<50000x8xf32, #tpu.memory_space<hbm>>
        tpu.enqueue_indirect_dma source(%dma_start3A_928 : memref<50000x8xf32, #tpu.memory_space<hbm>>) target(%dma_start3A_922 : memref<128x8xf32, #tpu.memory_space<vmem>>) offsets(%dma_start3A_925 : memref<128xi32, #tpu.memory_space<vmem>>) semaphore(%arg15 : memref<!tpu.dma_semaphore, #tpu.memory_space<semaphore_mem>>)
        %dma_start3A_929 = arith.constant 2 : i32
        %dma_start3A_930 = arith.constant 256 : i32
        %dma_start3A_931 = arith.constant 0 : i32
        %dma_start3A_932 = tpu.memref_slice %arg11[%dma_start3A_930, %dma_start3A_931] : memref<1280x8xf32, #tpu.memory_space<vmem>> -> memref<128x8xf32, #tpu.memory_space<vmem>>
        %dma_start3A_933 = arith.constant 0 : i32
        %dma_start3A_934 = tpu.memref_slice %arg7[%dma_start3A_929, %dma_start3A_933] : memref<10x128xi32, #tpu.memory_space<vmem>> -> memref<1x128xi32, #tpu.memory_space<vmem>>
        %dma_start3A_935 = tpu.memref_squeeze %dma_start3A_934 : memref<1x128xi32, #tpu.memory_space<vmem>> -> memref<128xi32, #tpu.memory_space<vmem>>
        %dma_start3A_936 = arith.constant 0 : i32
        %dma_start3A_937 = arith.constant 0 : i32
        %dma_start3A_938 = tpu.memref_slice %arg2[%dma_start3A_936, %dma_start3A_937] : memref<50000x8xf32, #tpu.memory_space<hbm>> -> memref<50000x8xf32, #tpu.memory_space<hbm>>
        tpu.enqueue_indirect_dma source(%dma_start3A_938 : memref<50000x8xf32, #tpu.memory_space<hbm>>) target(%dma_start3A_932 : memref<128x8xf32, #tpu.memory_space<vmem>>) offsets(%dma_start3A_935 : memref<128xi32, #tpu.memory_space<vmem>>) semaphore(%arg15 : memref<!tpu.dma_semaphore, #tpu.memory_space<semaphore_mem>>)
        %dma_start3A_939 = arith.constant 2 : i32
        %dma_start3A_940 = arith.constant 256 : i32
        %dma_start3A_941 = arith.constant 0 : i32
        %dma_start3A_942 = tpu.memref_slice %arg12[%dma_start3A_940, %dma_start3A_941] : memref<1280x8xf32, #tpu.memory_space<vmem>> -> memref<128x8xf32, #tpu.memory_space<vmem>>
        %dma_start3A_943 = arith.constant 0 : i32
        %dma_start3A_944 = tpu.memref_slice %arg8[%dma_start3A_939, %dma_start3A_943] : memref<10x128xi32, #tpu.memory_space<vmem>> -> memref<1x128xi32, #tpu.memory_space<vmem>>
        %dma_start3A_945 = tpu.memref_squeeze %dma_start3A_944 : memref<1x128xi32, #tpu.memory_space<vmem>> -> memref<128xi32, #tpu.memory_space<vmem>>
        %dma_start3A_946 = arith.constant 0 : i32
        %dma_start3A_947 = arith.constant 0 : i32
        %dma_start3A_948 = tpu.memref_slice %arg2[%dma_start3A_946, %dma_start3A_947] : memref<50000x8xf32, #tpu.memory_space<hbm>> -> memref<50000x8xf32, #tpu.memory_space<hbm>>
        tpu.enqueue_indirect_dma source(%dma_start3A_948 : memref<50000x8xf32, #tpu.memory_space<hbm>>) target(%dma_start3A_942 : memref<128x8xf32, #tpu.memory_space<vmem>>) offsets(%dma_start3A_945 : memref<128xi32, #tpu.memory_space<vmem>>) semaphore(%arg15 : memref<!tpu.dma_semaphore, #tpu.memory_space<semaphore_mem>>)
        %dma_start3A_949 = arith.constant 3 : i32
        %dma_start3A_950 = arith.constant 384 : i32
        %dma_start3A_951 = arith.constant 0 : i32
        %dma_start3A_952 = tpu.memref_slice %arg11[%dma_start3A_950, %dma_start3A_951] : memref<1280x8xf32, #tpu.memory_space<vmem>> -> memref<128x8xf32, #tpu.memory_space<vmem>>
        %dma_start3A_953 = arith.constant 0 : i32
        %dma_start3A_954 = tpu.memref_slice %arg7[%dma_start3A_949, %dma_start3A_953] : memref<10x128xi32, #tpu.memory_space<vmem>> -> memref<1x128xi32, #tpu.memory_space<vmem>>
        %dma_start3A_955 = tpu.memref_squeeze %dma_start3A_954 : memref<1x128xi32, #tpu.memory_space<vmem>> -> memref<128xi32, #tpu.memory_space<vmem>>
        %dma_start3A_956 = arith.constant 0 : i32
        %dma_start3A_957 = arith.constant 0 : i32
        %dma_start3A_958 = tpu.memref_slice %arg2[%dma_start3A_956, %dma_start3A_957] : memref<50000x8xf32, #tpu.memory_space<hbm>> -> memref<50000x8xf32, #tpu.memory_space<hbm>>
        tpu.enqueue_indirect_dma source(%dma_start3A_958 : memref<50000x8xf32, #tpu.memory_space<hbm>>) target(%dma_start3A_952 : memref<128x8xf32, #tpu.memory_space<vmem>>) offsets(%dma_start3A_955 : memref<128xi32, #tpu.memory_space<vmem>>) semaphore(%arg15 : memref<!tpu.dma_semaphore, #tpu.memory_space<semaphore_mem>>)
        %dma_start3A_959 = arith.constant 3 : i32
        %dma_start3A_960 = arith.constant 384 : i32
        %dma_start3A_961 = arith.constant 0 : i32
        %dma_start3A_962 = tpu.memref_slice %arg12[%dma_start3A_960, %dma_start3A_961] : memref<1280x8xf32, #tpu.memory_space<vmem>> -> memref<128x8xf32, #tpu.memory_space<vmem>>
        %dma_start3A_963 = arith.constant 0 : i32
        %dma_start3A_964 = tpu.memref_slice %arg8[%dma_start3A_959, %dma_start3A_963] : memref<10x128xi32, #tpu.memory_space<vmem>> -> memref<1x128xi32, #tpu.memory_space<vmem>>
        %dma_start3A_965 = tpu.memref_squeeze %dma_start3A_964 : memref<1x128xi32, #tpu.memory_space<vmem>> -> memref<128xi32, #tpu.memory_space<vmem>>
        %dma_start3A_966 = arith.constant 0 : i32
        %dma_start3A_967 = arith.constant 0 : i32
        %dma_start3A_968 = tpu.memref_slice %arg2[%dma_start3A_966, %dma_start3A_967] : memref<50000x8xf32, #tpu.memory_space<hbm>> -> memref<50000x8xf32, #tpu.memory_space<hbm>>
        tpu.enqueue_indirect_dma source(%dma_start3A_968 : memref<50000x8xf32, #tpu.memory_space<hbm>>) target(%dma_start3A_962 : memref<128x8xf32, #tpu.memory_space<vmem>>) offsets(%dma_start3A_965 : memref<128xi32, #tpu.memory_space<vmem>>) semaphore(%arg15 : memref<!tpu.dma_semaphore, #tpu.memory_space<semaphore_mem>>)
        %dma_start3A_969 = arith.constant 4 : i32
        %dma_start3A_970 = arith.constant 512 : i32
        %dma_start3A_971 = arith.constant 0 : i32
        %dma_start3A_972 = tpu.memref_slice %arg11[%dma_start3A_970, %dma_start3A_971] : memref<1280x8xf32, #tpu.memory_space<vmem>> -> memref<128x8xf32, #tpu.memory_space<vmem>>
        %dma_start3A_973 = arith.constant 0 : i32
        %dma_start3A_974 = tpu.memref_slice %arg7[%dma_start3A_969, %dma_start3A_973] : memref<10x128xi32, #tpu.memory_space<vmem>> -> memref<1x128xi32, #tpu.memory_space<vmem>>
        %dma_start3A_975 = tpu.memref_squeeze %dma_start3A_974 : memref<1x128xi32, #tpu.memory_space<vmem>> -> memref<128xi32, #tpu.memory_space<vmem>>
        %dma_start3A_976 = arith.constant 0 : i32
        %dma_start3A_977 = arith.constant 0 : i32
        %dma_start3A_978 = tpu.memref_slice %arg2[%dma_start3A_976, %dma_start3A_977] : memref<50000x8xf32, #tpu.memory_space<hbm>> -> memref<50000x8xf32, #tpu.memory_space<hbm>>
        tpu.enqueue_indirect_dma source(%dma_start3A_978 : memref<50000x8xf32, #tpu.memory_space<hbm>>) target(%dma_start3A_972 : memref<128x8xf32, #tpu.memory_space<vmem>>) offsets(%dma_start3A_975 : memref<128xi32, #tpu.memory_space<vmem>>) semaphore(%arg15 : memref<!tpu.dma_semaphore, #tpu.memory_space<semaphore_mem>>)
        %dma_start3A_979 = arith.constant 4 : i32
        %dma_start3A_980 = arith.constant 512 : i32
        %dma_start3A_981 = arith.constant 0 : i32
        %dma_start3A_982 = tpu.memref_slice %arg12[%dma_start3A_980, %dma_start3A_981] : memref<1280x8xf32, #tpu.memory_space<vmem>> -> memref<128x8xf32, #tpu.memory_space<vmem>>
        %dma_start3A_983 = arith.constant 0 : i32
        %dma_start3A_984 = tpu.memref_slice %arg8[%dma_start3A_979, %dma_start3A_983] : memref<10x128xi32, #tpu.memory_space<vmem>> -> memref<1x128xi32, #tpu.memory_space<vmem>>
        %dma_start3A_985 = tpu.memref_squeeze %dma_start3A_984 : memref<1x128xi32, #tpu.memory_space<vmem>> -> memref<128xi32, #tpu.memory_space<vmem>>
        %dma_start3A_986 = arith.constant 0 : i32
        %dma_start3A_987 = arith.constant 0 : i32
        %dma_start3A_988 = tpu.memref_slice %arg2[%dma_start3A_986, %dma_start3A_987] : memref<50000x8xf32, #tpu.memory_space<hbm>> -> memref<50000x8xf32, #tpu.memory_space<hbm>>
        tpu.enqueue_indirect_dma source(%dma_start3A_988 : memref<50000x8xf32, #tpu.memory_space<hbm>>) target(%dma_start3A_982 : memref<128x8xf32, #tpu.memory_space<vmem>>) offsets(%dma_start3A_985 : memref<128xi32, #tpu.memory_space<vmem>>) semaphore(%arg15 : memref<!tpu.dma_semaphore, #tpu.memory_space<semaphore_mem>>)
        %dma_start3A_989 = arith.constant 5 : i32
        %dma_start3A_990 = arith.constant 640 : i32
        %dma_start3A_991 = arith.constant 0 : i32
        %dma_start3A_992 = tpu.memref_slice %arg11[%dma_start3A_990, %dma_start3A_991] : memref<1280x8xf32, #tpu.memory_space<vmem>> -> memref<128x8xf32, #tpu.memory_space<vmem>>
        %dma_start3A_993 = arith.constant 0 : i32
        %dma_start3A_994 = tpu.memref_slice %arg7[%dma_start3A_989, %dma_start3A_993] : memref<10x128xi32, #tpu.memory_space<vmem>> -> memref<1x128xi32, #tpu.memory_space<vmem>>
        %dma_start3A_995 = tpu.memref_squeeze %dma_start3A_994 : memref<1x128xi32, #tpu.memory_space<vmem>> -> memref<128xi32, #tpu.memory_space<vmem>>
        %dma_start3A_996 = arith.constant 0 : i32
        %dma_start3A_997 = arith.constant 0 : i32
        %dma_start3A_998 = tpu.memref_slice %arg2[%dma_start3A_996, %dma_start3A_997] : memref<50000x8xf32, #tpu.memory_space<hbm>> -> memref<50000x8xf32, #tpu.memory_space<hbm>>
        tpu.enqueue_indirect_dma source(%dma_start3A_998 : memref<50000x8xf32, #tpu.memory_space<hbm>>) target(%dma_start3A_992 : memref<128x8xf32, #tpu.memory_space<vmem>>) offsets(%dma_start3A_995 : memref<128xi32, #tpu.memory_space<vmem>>) semaphore(%arg15 : memref<!tpu.dma_semaphore, #tpu.memory_space<semaphore_mem>>)
        %dma_start3A_999 = arith.constant 5 : i32
        %dma_start3A_1000 = arith.constant 640 : i32
        %dma_start3A_1001 = arith.constant 0 : i32
        %dma_start3A_1002 = tpu.memref_slice %arg12[%dma_start3A_1000, %dma_start3A_1001] : memref<1280x8xf32, #tpu.memory_space<vmem>> -> memref<128x8xf32, #tpu.memory_space<vmem>>
        %dma_start3A_1003 = arith.constant 0 : i32
        %dma_start3A_1004 = tpu.memref_slice %arg8[%dma_start3A_999, %dma_start3A_1003] : memref<10x128xi32, #tpu.memory_space<vmem>> -> memref<1x128xi32, #tpu.memory_space<vmem>>
        %dma_start3A_1005 = tpu.memref_squeeze %dma_start3A_1004 : memref<1x128xi32, #tpu.memory_space<vmem>> -> memref<128xi32, #tpu.memory_space<vmem>>
        %dma_start3A_1006 = arith.constant 0 : i32
        %dma_start3A_1007 = arith.constant 0 : i32
        %dma_start3A_1008 = tpu.memref_slice %arg2[%dma_start3A_1006, %dma_start3A_1007] : memref<50000x8xf32, #tpu.memory_space<hbm>> -> memref<50000x8xf32, #tpu.memory_space<hbm>>
        tpu.enqueue_indirect_dma source(%dma_start3A_1008 : memref<50000x8xf32, #tpu.memory_space<hbm>>) target(%dma_start3A_1002 : memref<128x8xf32, #tpu.memory_space<vmem>>) offsets(%dma_start3A_1005 : memref<128xi32, #tpu.memory_space<vmem>>) semaphore(%arg15 : memref<!tpu.dma_semaphore, #tpu.memory_space<semaphore_mem>>)
        %dma_start3A_1009 = arith.constant 6 : i32
        %dma_start3A_1010 = arith.constant 768 : i32
        %dma_start3A_1011 = arith.constant 0 : i32
        %dma_start3A_1012 = tpu.memref_slice %arg11[%dma_start3A_1010, %dma_start3A_1011] : memref<1280x8xf32, #tpu.memory_space<vmem>> -> memref<128x8xf32, #tpu.memory_space<vmem>>
        %dma_start3A_1013 = arith.constant 0 : i32
        %dma_start3A_1014 = tpu.memref_slice %arg7[%dma_start3A_1009, %dma_start3A_1013] : memref<10x128xi32, #tpu.memory_space<vmem>> -> memref<1x128xi32, #tpu.memory_space<vmem>>
        %dma_start3A_1015 = tpu.memref_squeeze %dma_start3A_1014 : memref<1x128xi32, #tpu.memory_space<vmem>> -> memref<128xi32, #tpu.memory_space<vmem>>
        %dma_start3A_1016 = arith.constant 0 : i32
        %dma_start3A_1017 = arith.constant 0 : i32
        %dma_start3A_1018 = tpu.memref_slice %arg2[%dma_start3A_1016, %dma_start3A_1017] : memref<50000x8xf32, #tpu.memory_space<hbm>> -> memref<50000x8xf32, #tpu.memory_space<hbm>>
        tpu.enqueue_indirect_dma source(%dma_start3A_1018 : memref<50000x8xf32, #tpu.memory_space<hbm>>) target(%dma_start3A_1012 : memref<128x8xf32, #tpu.memory_space<vmem>>) offsets(%dma_start3A_1015 : memref<128xi32, #tpu.memory_space<vmem>>) semaphore(%arg15 : memref<!tpu.dma_semaphore, #tpu.memory_space<semaphore_mem>>)
        %dma_start3A_1019 = arith.constant 6 : i32
        %dma_start3A_1020 = arith.constant 768 : i32
        %dma_start3A_1021 = arith.constant 0 : i32
        %dma_start3A_1022 = tpu.memref_slice %arg12[%dma_start3A_1020, %dma_start3A_1021] : memref<1280x8xf32, #tpu.memory_space<vmem>> -> memref<128x8xf32, #tpu.memory_space<vmem>>
        %dma_start3A_1023 = arith.constant 0 : i32
        %dma_start3A_1024 = tpu.memref_slice %arg8[%dma_start3A_1019, %dma_start3A_1023] : memref<10x128xi32, #tpu.memory_space<vmem>> -> memref<1x128xi32, #tpu.memory_space<vmem>>
        %dma_start3A_1025 = tpu.memref_squeeze %dma_start3A_1024 : memref<1x128xi32, #tpu.memory_space<vmem>> -> memref<128xi32, #tpu.memory_space<vmem>>
        %dma_start3A_1026 = arith.constant 0 : i32
        %dma_start3A_1027 = arith.constant 0 : i32
        %dma_start3A_1028 = tpu.memref_slice %arg2[%dma_start3A_1026, %dma_start3A_1027] : memref<50000x8xf32, #tpu.memory_space<hbm>> -> memref<50000x8xf32, #tpu.memory_space<hbm>>
        tpu.enqueue_indirect_dma source(%dma_start3A_1028 : memref<50000x8xf32, #tpu.memory_space<hbm>>) target(%dma_start3A_1022 : memref<128x8xf32, #tpu.memory_space<vmem>>) offsets(%dma_start3A_1025 : memref<128xi32, #tpu.memory_space<vmem>>) semaphore(%arg15 : memref<!tpu.dma_semaphore, #tpu.memory_space<semaphore_mem>>)
        %dma_start3A_1029 = arith.constant 7 : i32
        %dma_start3A_1030 = arith.constant 896 : i32
        %dma_start3A_1031 = arith.constant 0 : i32
        %dma_start3A_1032 = tpu.memref_slice %arg11[%dma_start3A_1030, %dma_start3A_1031] : memref<1280x8xf32, #tpu.memory_space<vmem>> -> memref<128x8xf32, #tpu.memory_space<vmem>>
        %dma_start3A_1033 = arith.constant 0 : i32
        %dma_start3A_1034 = tpu.memref_slice %arg7[%dma_start3A_1029, %dma_start3A_1033] : memref<10x128xi32, #tpu.memory_space<vmem>> -> memref<1x128xi32, #tpu.memory_space<vmem>>
        %dma_start3A_1035 = tpu.memref_squeeze %dma_start3A_1034 : memref<1x128xi32, #tpu.memory_space<vmem>> -> memref<128xi32, #tpu.memory_space<vmem>>
        %dma_start3A_1036 = arith.constant 0 : i32
        %dma_start3A_1037 = arith.constant 0 : i32
        %dma_start3A_1038 = tpu.memref_slice %arg2[%dma_start3A_1036, %dma_start3A_1037] : memref<50000x8xf32, #tpu.memory_space<hbm>> -> memref<50000x8xf32, #tpu.memory_space<hbm>>
        tpu.enqueue_indirect_dma source(%dma_start3A_1038 : memref<50000x8xf32, #tpu.memory_space<hbm>>) target(%dma_start3A_1032 : memref<128x8xf32, #tpu.memory_space<vmem>>) offsets(%dma_start3A_1035 : memref<128xi32, #tpu.memory_space<vmem>>) semaphore(%arg15 : memref<!tpu.dma_semaphore, #tpu.memory_space<semaphore_mem>>)
        %dma_start3A_1039 = arith.constant 7 : i32
        %dma_start3A_1040 = arith.constant 896 : i32
        %dma_start3A_1041 = arith.constant 0 : i32
        %dma_start3A_1042 = tpu.memref_slice %arg12[%dma_start3A_1040, %dma_start3A_1041] : memref<1280x8xf32, #tpu.memory_space<vmem>> -> memref<128x8xf32, #tpu.memory_space<vmem>>
        %dma_start3A_1043 = arith.constant 0 : i32
        %dma_start3A_1044 = tpu.memref_slice %arg8[%dma_start3A_1039, %dma_start3A_1043] : memref<10x128xi32, #tpu.memory_space<vmem>> -> memref<1x128xi32, #tpu.memory_space<vmem>>
        %dma_start3A_1045 = tpu.memref_squeeze %dma_start3A_1044 : memref<1x128xi32, #tpu.memory_space<vmem>> -> memref<128xi32, #tpu.memory_space<vmem>>
        %dma_start3A_1046 = arith.constant 0 : i32
        %dma_start3A_1047 = arith.constant 0 : i32
        %dma_start3A_1048 = tpu.memref_slice %arg2[%dma_start3A_1046, %dma_start3A_1047] : memref<50000x8xf32, #tpu.memory_space<hbm>> -> memref<50000x8xf32, #tpu.memory_space<hbm>>
        tpu.enqueue_indirect_dma source(%dma_start3A_1048 : memref<50000x8xf32, #tpu.memory_space<hbm>>) target(%dma_start3A_1042 : memref<128x8xf32, #tpu.memory_space<vmem>>) offsets(%dma_start3A_1045 : memref<128xi32, #tpu.memory_space<vmem>>) semaphore(%arg15 : memref<!tpu.dma_semaphore, #tpu.memory_space<semaphore_mem>>)
        %dma_start3A_1049 = arith.constant 8 : i32
        %dma_start3A_1050 = arith.constant 1024 : i32
        %dma_start3A_1051 = arith.constant 0 : i32
        %dma_start3A_1052 = tpu.memref_slice %arg11[%dma_start3A_1050, %dma_start3A_1051] : memref<1280x8xf32, #tpu.memory_space<vmem>> -> memref<128x8xf32, #tpu.memory_space<vmem>>
        %dma_start3A_1053 = arith.constant 0 : i32
        %dma_start3A_1054 = tpu.memref_slice %arg7[%dma_start3A_1049, %dma_start3A_1053] : memref<10x128xi32, #tpu.memory_space<vmem>> -> memref<1x128xi32, #tpu.memory_space<vmem>>
        %dma_start3A_1055 = tpu.memref_squeeze %dma_start3A_1054 : memref<1x128xi32, #tpu.memory_space<vmem>> -> memref<128xi32, #tpu.memory_space<vmem>>
        %dma_start3A_1056 = arith.constant 0 : i32
        %dma_start3A_1057 = arith.constant 0 : i32
        %dma_start3A_1058 = tpu.memref_slice %arg2[%dma_start3A_1056, %dma_start3A_1057] : memref<50000x8xf32, #tpu.memory_space<hbm>> -> memref<50000x8xf32, #tpu.memory_space<hbm>>
        tpu.enqueue_indirect_dma source(%dma_start3A_1058 : memref<50000x8xf32, #tpu.memory_space<hbm>>) target(%dma_start3A_1052 : memref<128x8xf32, #tpu.memory_space<vmem>>) offsets(%dma_start3A_1055 : memref<128xi32, #tpu.memory_space<vmem>>) semaphore(%arg15 : memref<!tpu.dma_semaphore, #tpu.memory_space<semaphore_mem>>)
        %dma_start3A_1059 = arith.constant 8 : i32
        %dma_start3A_1060 = arith.constant 1024 : i32
        %dma_start3A_1061 = arith.constant 0 : i32
        %dma_start3A_1062 = tpu.memref_slice %arg12[%dma_start3A_1060, %dma_start3A_1061] : memref<1280x8xf32, #tpu.memory_space<vmem>> -> memref<128x8xf32, #tpu.memory_space<vmem>>
        %dma_start3A_1063 = arith.constant 0 : i32
        %dma_start3A_1064 = tpu.memref_slice %arg8[%dma_start3A_1059, %dma_start3A_1063] : memref<10x128xi32, #tpu.memory_space<vmem>> -> memref<1x128xi32, #tpu.memory_space<vmem>>
        %dma_start3A_1065 = tpu.memref_squeeze %dma_start3A_1064 : memref<1x128xi32, #tpu.memory_space<vmem>> -> memref<128xi32, #tpu.memory_space<vmem>>
        %dma_start3A_1066 = arith.constant 0 : i32
        %dma_start3A_1067 = arith.constant 0 : i32
        %dma_start3A_1068 = tpu.memref_slice %arg2[%dma_start3A_1066, %dma_start3A_1067] : memref<50000x8xf32, #tpu.memory_space<hbm>> -> memref<50000x8xf32, #tpu.memory_space<hbm>>
        tpu.enqueue_indirect_dma source(%dma_start3A_1068 : memref<50000x8xf32, #tpu.memory_space<hbm>>) target(%dma_start3A_1062 : memref<128x8xf32, #tpu.memory_space<vmem>>) offsets(%dma_start3A_1065 : memref<128xi32, #tpu.memory_space<vmem>>) semaphore(%arg15 : memref<!tpu.dma_semaphore, #tpu.memory_space<semaphore_mem>>)
        %dma_start3A_1069 = arith.constant 9 : i32
        %dma_start3A_1070 = arith.constant 1152 : i32
        %dma_start3A_1071 = arith.constant 0 : i32
        %dma_start3A_1072 = tpu.memref_slice %arg11[%dma_start3A_1070, %dma_start3A_1071] : memref<1280x8xf32, #tpu.memory_space<vmem>> -> memref<128x8xf32, #tpu.memory_space<vmem>>
        %dma_start3A_1073 = arith.constant 0 : i32
        %dma_start3A_1074 = tpu.memref_slice %arg7[%dma_start3A_1069, %dma_start3A_1073] : memref<10x128xi32, #tpu.memory_space<vmem>> -> memref<1x128xi32, #tpu.memory_space<vmem>>
        %dma_start3A_1075 = tpu.memref_squeeze %dma_start3A_1074 : memref<1x128xi32, #tpu.memory_space<vmem>> -> memref<128xi32, #tpu.memory_space<vmem>>
        %dma_start3A_1076 = arith.constant 0 : i32
        %dma_start3A_1077 = arith.constant 0 : i32
        %dma_start3A_1078 = tpu.memref_slice %arg2[%dma_start3A_1076, %dma_start3A_1077] : memref<50000x8xf32, #tpu.memory_space<hbm>> -> memref<50000x8xf32, #tpu.memory_space<hbm>>
        tpu.enqueue_indirect_dma source(%dma_start3A_1078 : memref<50000x8xf32, #tpu.memory_space<hbm>>) target(%dma_start3A_1072 : memref<128x8xf32, #tpu.memory_space<vmem>>) offsets(%dma_start3A_1075 : memref<128xi32, #tpu.memory_space<vmem>>) semaphore(%arg15 : memref<!tpu.dma_semaphore, #tpu.memory_space<semaphore_mem>>)
        %dma_start3A_1079 = arith.constant 9 : i32
        %dma_start3A_1080 = arith.constant 1152 : i32
        %dma_start3A_1081 = arith.constant 0 : i32
        %dma_start3A_1082 = tpu.memref_slice %arg12[%dma_start3A_1080, %dma_start3A_1081] : memref<1280x8xf32, #tpu.memory_space<vmem>> -> memref<128x8xf32, #tpu.memory_space<vmem>>
        %dma_start3A_1083 = arith.constant 0 : i32
        %dma_start3A_1084 = tpu.memref_slice %arg8[%dma_start3A_1079, %dma_start3A_1083] : memref<10x128xi32, #tpu.memory_space<vmem>> -> memref<1x128xi32, #tpu.memory_space<vmem>>
        %dma_start3A_1085 = tpu.memref_squeeze %dma_start3A_1084 : memref<1x128xi32, #tpu.memory_space<vmem>> -> memref<128xi32, #tpu.memory_space<vmem>>
        %dma_start3A_1086 = arith.constant 0 : i32
        %dma_start3A_1087 = arith.constant 0 : i32
        %dma_start3A_1088 = tpu.memref_slice %arg2[%dma_start3A_1086, %dma_start3A_1087] : memref<50000x8xf32, #tpu.memory_space<hbm>> -> memref<50000x8xf32, #tpu.memory_space<hbm>>
        tpu.enqueue_indirect_dma source(%dma_start3A_1088 : memref<50000x8xf32, #tpu.memory_space<hbm>>) target(%dma_start3A_1082 : memref<128x8xf32, #tpu.memory_space<vmem>>) offsets(%dma_start3A_1085 : memref<128xi32, #tpu.memory_space<vmem>>) semaphore(%arg15 : memref<!tpu.dma_semaphore, #tpu.memory_space<semaphore_mem>>)
      } else {
      }
    }
    %scan3A_208 = arith.constant 10 : i32
    %mul3A_209 = arith.constant 128 : i32
    %mul3A_210 = arith.muli %mul3A_2, %mul3A_209 : i32
    %dma_wait3A = arith.constant 0 : i32
    %dma_wait3A_211 = tpu.memref_slice %arg5[%mul3A_210, %dma_wait3A] : memref<819200x8xf32, #tpu.memory_space<hbm>> -> memref<1280x8xf32, #tpu.memory_space<hbm>>
    %dma_wait3A_212 = arith.constant 0 : i32
    %dma_wait3A_213 = tpu.memref_slice %arg5[%mul3A_210, %dma_wait3A_212] : memref<819200x8xf32, #tpu.memory_space<hbm>> -> memref<1280x8xf32, #tpu.memory_space<hbm>>
    tpu.wait_dma2 semaphore(%arg17 : memref<!tpu.dma_semaphore, #tpu.memory_space<semaphore_mem>>) src(%arg11 : memref<1280x8xf32, #tpu.memory_space<vmem>>) dst(%dma_wait3A_213 : memref<1280x8xf32, #tpu.memory_space<hbm>>)
    %mul3A_214 = arith.constant 128 : i32
    %mul3A_215 = arith.muli %mul3A_2, %mul3A_214 : i32
    %dma_wait3A_216 = arith.constant 0 : i32
    %dma_wait3A_217 = tpu.memref_slice %arg6[%mul3A_215, %dma_wait3A_216] : memref<819200x8xf32, #tpu.memory_space<hbm>> -> memref<1280x8xf32, #tpu.memory_space<hbm>>
    %dma_wait3A_218 = arith.constant 0 : i32
    %dma_wait3A_219 = tpu.memref_slice %arg6[%mul3A_215, %dma_wait3A_218] : memref<819200x8xf32, #tpu.memory_space<hbm>> -> memref<1280x8xf32, #tpu.memory_space<hbm>>
    tpu.wait_dma2 semaphore(%arg17 : memref<!tpu.dma_semaphore, #tpu.memory_space<semaphore_mem>>) src(%arg12 : memref<1280x8xf32, #tpu.memory_space<vmem>>) dst(%dma_wait3A_219 : memref<1280x8xf32, #tpu.memory_space<hbm>>)
    %mul3A_220 = arith.constant 128 : i32
    %mul3A_221 = arith.muli %mul3A_2, %mul3A_220 : i32
    %dma_wait3A_222 = arith.constant 0 : i32
    %dma_wait3A_223 = tpu.memref_slice %arg5[%mul3A_221, %dma_wait3A_222] : memref<819200x8xf32, #tpu.memory_space<hbm>> -> memref<1280x8xf32, #tpu.memory_space<hbm>>
    %dma_wait3A_224 = arith.constant 0 : i32
    %dma_wait3A_225 = tpu.memref_slice %arg5[%mul3A_221, %dma_wait3A_224] : memref<819200x8xf32, #tpu.memory_space<hbm>> -> memref<1280x8xf32, #tpu.memory_space<hbm>>
    tpu.wait_dma2 semaphore(%arg17 : memref<!tpu.dma_semaphore, #tpu.memory_space<semaphore_mem>>) src(%arg13 : memref<1280x8xf32, #tpu.memory_space<vmem>>) dst(%dma_wait3A_225 : memref<1280x8xf32, #tpu.memory_space<hbm>>)
    %mul3A_226 = arith.constant 128 : i32
    %mul3A_227 = arith.muli %mul3A_2, %mul3A_226 : i32
    %dma_wait3A_228 = arith.constant 0 : i32
    %dma_wait3A_229 = tpu.memref_slice %arg6[%mul3A_227, %dma_wait3A_228] : memref<819200x8xf32, #tpu.memory_space<hbm>> -> memref<1280x8xf32, #tpu.memory_space<hbm>>
    %dma_wait3A_230 = arith.constant 0 : i32
    %dma_wait3A_231 = tpu.memref_slice %arg6[%mul3A_227, %dma_wait3A_230] : memref<819200x8xf32, #tpu.memory_space<hbm>> -> memref<1280x8xf32, #tpu.memory_space<hbm>>
    tpu.wait_dma2 semaphore(%arg17 : memref<!tpu.dma_semaphore, #tpu.memory_space<semaphore_mem>>) src(%arg14 : memref<1280x8xf32, #tpu.memory_space<vmem>>) dst(%dma_wait3A_231 : memref<1280x8xf32, #tpu.memory_space<hbm>>)
    return
  }
}

#map = affine_map<(d0, d1) -> (0, 0)>
#map1 = affine_map<(d0, d1) -> (0, 0, 0)>
module attributes {stable_mosaic.version = 14 : i64} {
  func.func @sc_scatter(%arg0: i32, %arg1: i32, %arg2: memref<819200x8xf32, #tpu.memory_space<hbm>>, %arg3: memref<6400x128xi32, #tpu.memory_space<hbm>>, %arg4: memref<3128x8xf32, #tpu.memory_space<hbm>>, %arg5: memref<2x50048x8xf32, #tpu.memory_space<hbm>>, %arg6: memref<50048x8xf32, #tpu.memory_space<vmem_shared>>, %arg7: memref<10x128xi32, #tpu.memory_space<vmem>>, %arg8: memref<1280x8xf32, #tpu.memory_space<vmem>>, %arg9: memref<3128x8xf32, #tpu.memory_space<vmem>>) attributes {dimension_semantics = [#tpu.dimension_semantics<core_parallel>, #tpu.dimension_semantics<subcore_parallel>], iteration_bounds = array<i64: 2, 16>, scalar_prefetch = 0 : i64, scratch_operands = 4 : i64, tpu.core_type = #tpu.core_type<sc_vector_subcore>, window_params = [{transform_indices = #map}, {transform_indices = #map}, {transform_indices = #map}, {transform_indices = #map1}]} {
    %mul3A = arith.constant 2 : i32
    %mul3A_0 = arith.muli %arg1, %mul3A : i32
    %add3A = arith.addi %mul3A_0, %arg0 : i32
    %mul3A_1 = arith.constant 3128 : i32
    %mul3A_2 = arith.muli %arg1, %mul3A_1 : i32
    "tpu.region"() ({
      %run_scoped3A = tpu.sem_alloc : memref<!tpu.dma_semaphore, #tpu.memory_space<semaphore_mem>>
      tpu.enqueue_dma source(%arg4 : memref<3128x8xf32, #tpu.memory_space<hbm>>) target(%arg9 : memref<3128x8xf32, #tpu.memory_space<vmem>>) target_semaphore(%run_scoped3A : memref<!tpu.dma_semaphore, #tpu.memory_space<semaphore_mem>>)
      tpu.wait_dma2 semaphore(%run_scoped3A : memref<!tpu.dma_semaphore, #tpu.memory_space<semaphore_mem>>) src(%arg4 : memref<3128x8xf32, #tpu.memory_space<hbm>>) dst(%arg9 : memref<3128x8xf32, #tpu.memory_space<vmem>>)
      tpu.yield
    }) : () -> ()
    "tpu.region"() ({
      %run_scoped3A = tpu.sem_alloc : memref<!tpu.dma_semaphore, #tpu.memory_space<semaphore_mem>>
      %dma_start3A = arith.constant 0 : i32
      %dma_start3A_9 = tpu.memref_slice %arg6[%mul3A_2, %dma_start3A] : memref<50048x8xf32, #tpu.memory_space<vmem_shared>> -> memref<3128x8xf32, #tpu.memory_space<vmem_shared>>
      %dma_start3A_10 = arith.constant 0 : i32
      %dma_start3A_11 = tpu.memref_slice %arg6[%mul3A_2, %dma_start3A_10] : memref<50048x8xf32, #tpu.memory_space<vmem_shared>> -> memref<3128x8xf32, #tpu.memory_space<vmem_shared>>
      tpu.enqueue_dma source(%arg9 : memref<3128x8xf32, #tpu.memory_space<vmem>>) target(%dma_start3A_11 : memref<3128x8xf32, #tpu.memory_space<vmem_shared>>) target_semaphore(%run_scoped3A : memref<!tpu.dma_semaphore, #tpu.memory_space<semaphore_mem>>)
      %dma_wait3A = arith.constant 0 : i32
      %dma_wait3A_12 = tpu.memref_slice %arg6[%mul3A_2, %dma_wait3A] : memref<50048x8xf32, #tpu.memory_space<vmem_shared>> -> memref<3128x8xf32, #tpu.memory_space<vmem_shared>>
      %dma_wait3A_13 = arith.constant 0 : i32
      %dma_wait3A_14 = tpu.memref_slice %arg6[%mul3A_2, %dma_wait3A_13] : memref<50048x8xf32, #tpu.memory_space<vmem_shared>> -> memref<3128x8xf32, #tpu.memory_space<vmem_shared>>
      tpu.wait_dma2 semaphore(%run_scoped3A : memref<!tpu.dma_semaphore, #tpu.memory_space<semaphore_mem>>) src(%arg9 : memref<3128x8xf32, #tpu.memory_space<vmem>>) dst(%dma_wait3A_14 : memref<3128x8xf32, #tpu.memory_space<vmem_shared>>)
      tpu.yield
    }) : () -> ()
    %barrier3A = arith.constant 0 : index
    tpu.barrier barrier_id(%barrier3A)
    %scan3A = arith.constant 0 : i32
    %scan3A_3 = arith.constant 0 : i32
    %scan3A_4 = arith.constant 20 : i32
    %scan3A_5 = arith.addi %scan3A_3, %scan3A_4 : i32
    %scan3A_6 = arith.constant 1 : i32
    scf.for %scan3A_9 = %scan3A_3 to %scan3A_5 step %scan3A_6  : i32 {
      %mul3A_10 = arith.constant 200 : i32
      %mul3A_11 = arith.muli %add3A, %mul3A_10 : i32
      %mul3A_12 = arith.constant 10 : i32
      %mul3A_13 = arith.muli %scan3A_9, %mul3A_12 : i32
      %add3A_14 = arith.addi %mul3A_11, %mul3A_13 : i32
      %mul3A_15 = arith.constant 128 : i32
      %mul3A_16 = arith.muli %add3A_14, %mul3A_15 : i32
      "tpu.region"() ({
        %run_scoped3A_26 = tpu.sem_alloc : memref<!tpu.dma_semaphore, #tpu.memory_space<semaphore_mem>>
        %dma_start3A = arith.constant 0 : i32
        %dma_start3A_27 = tpu.memref_slice %arg3[%add3A_14, %dma_start3A] : memref<6400x128xi32, #tpu.memory_space<hbm>> -> memref<10x128xi32, #tpu.memory_space<hbm>>
        %dma_start3A_28 = arith.constant 0 : i32
        %dma_start3A_29 = tpu.memref_slice %arg3[%add3A_14, %dma_start3A_28] : memref<6400x128xi32, #tpu.memory_space<hbm>> -> memref<10x128xi32, #tpu.memory_space<hbm>>
        tpu.enqueue_dma source(%dma_start3A_29 : memref<10x128xi32, #tpu.memory_space<hbm>>) target(%arg7 : memref<10x128xi32, #tpu.memory_space<vmem>>) target_semaphore(%run_scoped3A_26 : memref<!tpu.dma_semaphore, #tpu.memory_space<semaphore_mem>>)
        %dma_wait3A = arith.constant 0 : i32
        %dma_wait3A_30 = tpu.memref_slice %arg3[%add3A_14, %dma_wait3A] : memref<6400x128xi32, #tpu.memory_space<hbm>> -> memref<10x128xi32, #tpu.memory_space<hbm>>
        %dma_wait3A_31 = arith.constant 0 : i32
        %dma_wait3A_32 = tpu.memref_slice %arg3[%add3A_14, %dma_wait3A_31] : memref<6400x128xi32, #tpu.memory_space<hbm>> -> memref<10x128xi32, #tpu.memory_space<hbm>>
        tpu.wait_dma2 semaphore(%run_scoped3A_26 : memref<!tpu.dma_semaphore, #tpu.memory_space<semaphore_mem>>) src(%dma_wait3A_32 : memref<10x128xi32, #tpu.memory_space<hbm>>) dst(%arg7 : memref<10x128xi32, #tpu.memory_space<vmem>>)
        tpu.yield
      }) : () -> ()
      "tpu.region"() ({
        %run_scoped3A_26 = tpu.sem_alloc : memref<!tpu.dma_semaphore, #tpu.memory_space<semaphore_mem>>
        %dma_start3A = arith.constant 0 : i32
        %dma_start3A_27 = tpu.memref_slice %arg2[%mul3A_16, %dma_start3A] : memref<819200x8xf32, #tpu.memory_space<hbm>> -> memref<1280x8xf32, #tpu.memory_space<hbm>>
        %dma_start3A_28 = arith.constant 0 : i32
        %dma_start3A_29 = tpu.memref_slice %arg2[%mul3A_16, %dma_start3A_28] : memref<819200x8xf32, #tpu.memory_space<hbm>> -> memref<1280x8xf32, #tpu.memory_space<hbm>>
        tpu.enqueue_dma source(%dma_start3A_29 : memref<1280x8xf32, #tpu.memory_space<hbm>>) target(%arg8 : memref<1280x8xf32, #tpu.memory_space<vmem>>) target_semaphore(%run_scoped3A_26 : memref<!tpu.dma_semaphore, #tpu.memory_space<semaphore_mem>>)
        %dma_wait3A = arith.constant 0 : i32
        %dma_wait3A_30 = tpu.memref_slice %arg2[%mul3A_16, %dma_wait3A] : memref<819200x8xf32, #tpu.memory_space<hbm>> -> memref<1280x8xf32, #tpu.memory_space<hbm>>
        %dma_wait3A_31 = arith.constant 0 : i32
        %dma_wait3A_32 = tpu.memref_slice %arg2[%mul3A_16, %dma_wait3A_31] : memref<819200x8xf32, #tpu.memory_space<hbm>> -> memref<1280x8xf32, #tpu.memory_space<hbm>>
        tpu.wait_dma2 semaphore(%run_scoped3A_26 : memref<!tpu.dma_semaphore, #tpu.memory_space<semaphore_mem>>) src(%dma_wait3A_32 : memref<1280x8xf32, #tpu.memory_space<hbm>>) dst(%arg8 : memref<1280x8xf32, #tpu.memory_space<vmem>>)
        tpu.yield
      }) : () -> ()
      %run_scoped3A = arith.constant 0 : i32
      "tpu.region"() ({
        %run_scoped3A_26 = tpu.sem_alloc : memref<!tpu.dma_semaphore, #tpu.memory_space<semaphore_mem>>
        %dma_start3A = arith.constant 0 : i32
        %dma_start3A_27 = arith.constant 0 : i32
        %dma_start3A_28 = tpu.memref_slice %arg8[%dma_start3A, %dma_start3A_27] : memref<1280x8xf32, #tpu.memory_space<vmem>> -> memref<128x8xf32, #tpu.memory_space<vmem>>
        %dma_start3A_29 = arith.constant 0 : i32
        %dma_start3A_30 = tpu.memref_slice %arg7[%run_scoped3A, %dma_start3A_29] : memref<10x128xi32, #tpu.memory_space<vmem>> -> memref<1x128xi32, #tpu.memory_space<vmem>>
        %dma_start3A_31 = tpu.memref_squeeze %dma_start3A_30 : memref<1x128xi32, #tpu.memory_space<vmem>> -> memref<128xi32, #tpu.memory_space<vmem>>
        %dma_start3A_32 = arith.constant 0 : i32
        %dma_start3A_33 = arith.constant 0 : i32
        %dma_start3A_34 = tpu.memref_slice %arg6[%dma_start3A_32, %dma_start3A_33] : memref<50048x8xf32, #tpu.memory_space<vmem_shared>> -> memref<50048x8xf32, #tpu.memory_space<vmem_shared>>
        tpu.enqueue_indirect_dma source(%dma_start3A_28 : memref<128x8xf32, #tpu.memory_space<vmem>>) target(%dma_start3A_34 : memref<50048x8xf32, #tpu.memory_space<vmem_shared>>) offsets(%dma_start3A_31 : memref<128xi32, #tpu.memory_space<vmem>>) semaphore(%run_scoped3A_26 : memref<!tpu.dma_semaphore, #tpu.memory_space<semaphore_mem>>) {add = true}
        %dma_wait3A = arith.constant 0 : i32
        %dma_wait3A_35 = arith.constant 0 : i32
        %dma_wait3A_36 = tpu.memref_slice %arg8[%dma_wait3A, %dma_wait3A_35] : memref<1280x8xf32, #tpu.memory_space<vmem>> -> memref<128x8xf32, #tpu.memory_space<vmem>>
        %dma_wait3A_37 = arith.constant 0 : i32
        %dma_wait3A_38 = tpu.memref_slice %arg7[%run_scoped3A, %dma_wait3A_37] : memref<10x128xi32, #tpu.memory_space<vmem>> -> memref<1x128xi32, #tpu.memory_space<vmem>>
        %dma_wait3A_39 = tpu.memref_squeeze %dma_wait3A_38 : memref<1x128xi32, #tpu.memory_space<vmem>> -> memref<128xi32, #tpu.memory_space<vmem>>
        %dma_wait3A_40 = arith.constant 0 : i32
        %dma_wait3A_41 = arith.constant 0 : i32
        %dma_wait3A_42 = tpu.memref_slice %arg6[%dma_wait3A_40, %dma_wait3A_41] : memref<50048x8xf32, #tpu.memory_space<vmem_shared>> -> memref<50048x8xf32, #tpu.memory_space<vmem_shared>>
        tpu.wait_indirect_dma semaphore(%run_scoped3A_26 : memref<!tpu.dma_semaphore, #tpu.memory_space<semaphore_mem>>) src(%dma_wait3A_36 : memref<128x8xf32, #tpu.memory_space<vmem>>) dst(%dma_wait3A_42 : memref<50048x8xf32, #tpu.memory_space<vmem_shared>>)
        tpu.yield
      }) : () -> ()
      %run_scoped3A_17 = arith.constant 1 : i32
      "tpu.region"() ({
        %run_scoped3A_26 = tpu.sem_alloc : memref<!tpu.dma_semaphore, #tpu.memory_space<semaphore_mem>>
        %dma_start3A = arith.constant 128 : i32
        %dma_start3A_27 = arith.constant 0 : i32
        %dma_start3A_28 = tpu.memref_slice %arg8[%dma_start3A, %dma_start3A_27] : memref<1280x8xf32, #tpu.memory_space<vmem>> -> memref<128x8xf32, #tpu.memory_space<vmem>>
        %dma_start3A_29 = arith.constant 0 : i32
        %dma_start3A_30 = tpu.memref_slice %arg7[%run_scoped3A_17, %dma_start3A_29] : memref<10x128xi32, #tpu.memory_space<vmem>> -> memref<1x128xi32, #tpu.memory_space<vmem>>
        %dma_start3A_31 = tpu.memref_squeeze %dma_start3A_30 : memref<1x128xi32, #tpu.memory_space<vmem>> -> memref<128xi32, #tpu.memory_space<vmem>>
        %dma_start3A_32 = arith.constant 0 : i32
        %dma_start3A_33 = arith.constant 0 : i32
        %dma_start3A_34 = tpu.memref_slice %arg6[%dma_start3A_32, %dma_start3A_33] : memref<50048x8xf32, #tpu.memory_space<vmem_shared>> -> memref<50048x8xf32, #tpu.memory_space<vmem_shared>>
        tpu.enqueue_indirect_dma source(%dma_start3A_28 : memref<128x8xf32, #tpu.memory_space<vmem>>) target(%dma_start3A_34 : memref<50048x8xf32, #tpu.memory_space<vmem_shared>>) offsets(%dma_start3A_31 : memref<128xi32, #tpu.memory_space<vmem>>) semaphore(%run_scoped3A_26 : memref<!tpu.dma_semaphore, #tpu.memory_space<semaphore_mem>>) {add = true}
        %dma_wait3A = arith.constant 128 : i32
        %dma_wait3A_35 = arith.constant 0 : i32
        %dma_wait3A_36 = tpu.memref_slice %arg8[%dma_wait3A, %dma_wait3A_35] : memref<1280x8xf32, #tpu.memory_space<vmem>> -> memref<128x8xf32, #tpu.memory_space<vmem>>
        %dma_wait3A_37 = arith.constant 0 : i32
        %dma_wait3A_38 = tpu.memref_slice %arg7[%run_scoped3A_17, %dma_wait3A_37] : memref<10x128xi32, #tpu.memory_space<vmem>> -> memref<1x128xi32, #tpu.memory_space<vmem>>
        %dma_wait3A_39 = tpu.memref_squeeze %dma_wait3A_38 : memref<1x128xi32, #tpu.memory_space<vmem>> -> memref<128xi32, #tpu.memory_space<vmem>>
        %dma_wait3A_40 = arith.constant 0 : i32
        %dma_wait3A_41 = arith.constant 0 : i32
        %dma_wait3A_42 = tpu.memref_slice %arg6[%dma_wait3A_40, %dma_wait3A_41] : memref<50048x8xf32, #tpu.memory_space<vmem_shared>> -> memref<50048x8xf32, #tpu.memory_space<vmem_shared>>
        tpu.wait_indirect_dma semaphore(%run_scoped3A_26 : memref<!tpu.dma_semaphore, #tpu.memory_space<semaphore_mem>>) src(%dma_wait3A_36 : memref<128x8xf32, #tpu.memory_space<vmem>>) dst(%dma_wait3A_42 : memref<50048x8xf32, #tpu.memory_space<vmem_shared>>)
        tpu.yield
      }) : () -> ()
      %run_scoped3A_18 = arith.constant 2 : i32
      "tpu.region"() ({
        %run_scoped3A_26 = tpu.sem_alloc : memref<!tpu.dma_semaphore, #tpu.memory_space<semaphore_mem>>
        %dma_start3A = arith.constant 256 : i32
        %dma_start3A_27 = arith.constant 0 : i32
        %dma_start3A_28 = tpu.memref_slice %arg8[%dma_start3A, %dma_start3A_27] : memref<1280x8xf32, #tpu.memory_space<vmem>> -> memref<128x8xf32, #tpu.memory_space<vmem>>
        %dma_start3A_29 = arith.constant 0 : i32
        %dma_start3A_30 = tpu.memref_slice %arg7[%run_scoped3A_18, %dma_start3A_29] : memref<10x128xi32, #tpu.memory_space<vmem>> -> memref<1x128xi32, #tpu.memory_space<vmem>>
        %dma_start3A_31 = tpu.memref_squeeze %dma_start3A_30 : memref<1x128xi32, #tpu.memory_space<vmem>> -> memref<128xi32, #tpu.memory_space<vmem>>
        %dma_start3A_32 = arith.constant 0 : i32
        %dma_start3A_33 = arith.constant 0 : i32
        %dma_start3A_34 = tpu.memref_slice %arg6[%dma_start3A_32, %dma_start3A_33] : memref<50048x8xf32, #tpu.memory_space<vmem_shared>> -> memref<50048x8xf32, #tpu.memory_space<vmem_shared>>
        tpu.enqueue_indirect_dma source(%dma_start3A_28 : memref<128x8xf32, #tpu.memory_space<vmem>>) target(%dma_start3A_34 : memref<50048x8xf32, #tpu.memory_space<vmem_shared>>) offsets(%dma_start3A_31 : memref<128xi32, #tpu.memory_space<vmem>>) semaphore(%run_scoped3A_26 : memref<!tpu.dma_semaphore, #tpu.memory_space<semaphore_mem>>) {add = true}
        %dma_wait3A = arith.constant 256 : i32
        %dma_wait3A_35 = arith.constant 0 : i32
        %dma_wait3A_36 = tpu.memref_slice %arg8[%dma_wait3A, %dma_wait3A_35] : memref<1280x8xf32, #tpu.memory_space<vmem>> -> memref<128x8xf32, #tpu.memory_space<vmem>>
        %dma_wait3A_37 = arith.constant 0 : i32
        %dma_wait3A_38 = tpu.memref_slice %arg7[%run_scoped3A_18, %dma_wait3A_37] : memref<10x128xi32, #tpu.memory_space<vmem>> -> memref<1x128xi32, #tpu.memory_space<vmem>>
        %dma_wait3A_39 = tpu.memref_squeeze %dma_wait3A_38 : memref<1x128xi32, #tpu.memory_space<vmem>> -> memref<128xi32, #tpu.memory_space<vmem>>
        %dma_wait3A_40 = arith.constant 0 : i32
        %dma_wait3A_41 = arith.constant 0 : i32
        %dma_wait3A_42 = tpu.memref_slice %arg6[%dma_wait3A_40, %dma_wait3A_41] : memref<50048x8xf32, #tpu.memory_space<vmem_shared>> -> memref<50048x8xf32, #tpu.memory_space<vmem_shared>>
        tpu.wait_indirect_dma semaphore(%run_scoped3A_26 : memref<!tpu.dma_semaphore, #tpu.memory_space<semaphore_mem>>) src(%dma_wait3A_36 : memref<128x8xf32, #tpu.memory_space<vmem>>) dst(%dma_wait3A_42 : memref<50048x8xf32, #tpu.memory_space<vmem_shared>>)
        tpu.yield
      }) : () -> ()
      %run_scoped3A_19 = arith.constant 3 : i32
      "tpu.region"() ({
        %run_scoped3A_26 = tpu.sem_alloc : memref<!tpu.dma_semaphore, #tpu.memory_space<semaphore_mem>>
        %dma_start3A = arith.constant 384 : i32
        %dma_start3A_27 = arith.constant 0 : i32
        %dma_start3A_28 = tpu.memref_slice %arg8[%dma_start3A, %dma_start3A_27] : memref<1280x8xf32, #tpu.memory_space<vmem>> -> memref<128x8xf32, #tpu.memory_space<vmem>>
        %dma_start3A_29 = arith.constant 0 : i32
        %dma_start3A_30 = tpu.memref_slice %arg7[%run_scoped3A_19, %dma_start3A_29] : memref<10x128xi32, #tpu.memory_space<vmem>> -> memref<1x128xi32, #tpu.memory_space<vmem>>
        %dma_start3A_31 = tpu.memref_squeeze %dma_start3A_30 : memref<1x128xi32, #tpu.memory_space<vmem>> -> memref<128xi32, #tpu.memory_space<vmem>>
        %dma_start3A_32 = arith.constant 0 : i32
        %dma_start3A_33 = arith.constant 0 : i32
        %dma_start3A_34 = tpu.memref_slice %arg6[%dma_start3A_32, %dma_start3A_33] : memref<50048x8xf32, #tpu.memory_space<vmem_shared>> -> memref<50048x8xf32, #tpu.memory_space<vmem_shared>>
        tpu.enqueue_indirect_dma source(%dma_start3A_28 : memref<128x8xf32, #tpu.memory_space<vmem>>) target(%dma_start3A_34 : memref<50048x8xf32, #tpu.memory_space<vmem_shared>>) offsets(%dma_start3A_31 : memref<128xi32, #tpu.memory_space<vmem>>) semaphore(%run_scoped3A_26 : memref<!tpu.dma_semaphore, #tpu.memory_space<semaphore_mem>>) {add = true}
        %dma_wait3A = arith.constant 384 : i32
        %dma_wait3A_35 = arith.constant 0 : i32
        %dma_wait3A_36 = tpu.memref_slice %arg8[%dma_wait3A, %dma_wait3A_35] : memref<1280x8xf32, #tpu.memory_space<vmem>> -> memref<128x8xf32, #tpu.memory_space<vmem>>
        %dma_wait3A_37 = arith.constant 0 : i32
        %dma_wait3A_38 = tpu.memref_slice %arg7[%run_scoped3A_19, %dma_wait3A_37] : memref<10x128xi32, #tpu.memory_space<vmem>> -> memref<1x128xi32, #tpu.memory_space<vmem>>
        %dma_wait3A_39 = tpu.memref_squeeze %dma_wait3A_38 : memref<1x128xi32, #tpu.memory_space<vmem>> -> memref<128xi32, #tpu.memory_space<vmem>>
        %dma_wait3A_40 = arith.constant 0 : i32
        %dma_wait3A_41 = arith.constant 0 : i32
        %dma_wait3A_42 = tpu.memref_slice %arg6[%dma_wait3A_40, %dma_wait3A_41] : memref<50048x8xf32, #tpu.memory_space<vmem_shared>> -> memref<50048x8xf32, #tpu.memory_space<vmem_shared>>
        tpu.wait_indirect_dma semaphore(%run_scoped3A_26 : memref<!tpu.dma_semaphore, #tpu.memory_space<semaphore_mem>>) src(%dma_wait3A_36 : memref<128x8xf32, #tpu.memory_space<vmem>>) dst(%dma_wait3A_42 : memref<50048x8xf32, #tpu.memory_space<vmem_shared>>)
        tpu.yield
      }) : () -> ()
      %run_scoped3A_20 = arith.constant 4 : i32
      "tpu.region"() ({
        %run_scoped3A_26 = tpu.sem_alloc : memref<!tpu.dma_semaphore, #tpu.memory_space<semaphore_mem>>
        %dma_start3A = arith.constant 512 : i32
        %dma_start3A_27 = arith.constant 0 : i32
        %dma_start3A_28 = tpu.memref_slice %arg8[%dma_start3A, %dma_start3A_27] : memref<1280x8xf32, #tpu.memory_space<vmem>> -> memref<128x8xf32, #tpu.memory_space<vmem>>
        %dma_start3A_29 = arith.constant 0 : i32
        %dma_start3A_30 = tpu.memref_slice %arg7[%run_scoped3A_20, %dma_start3A_29] : memref<10x128xi32, #tpu.memory_space<vmem>> -> memref<1x128xi32, #tpu.memory_space<vmem>>
        %dma_start3A_31 = tpu.memref_squeeze %dma_start3A_30 : memref<1x128xi32, #tpu.memory_space<vmem>> -> memref<128xi32, #tpu.memory_space<vmem>>
        %dma_start3A_32 = arith.constant 0 : i32
        %dma_start3A_33 = arith.constant 0 : i32
        %dma_start3A_34 = tpu.memref_slice %arg6[%dma_start3A_32, %dma_start3A_33] : memref<50048x8xf32, #tpu.memory_space<vmem_shared>> -> memref<50048x8xf32, #tpu.memory_space<vmem_shared>>
        tpu.enqueue_indirect_dma source(%dma_start3A_28 : memref<128x8xf32, #tpu.memory_space<vmem>>) target(%dma_start3A_34 : memref<50048x8xf32, #tpu.memory_space<vmem_shared>>) offsets(%dma_start3A_31 : memref<128xi32, #tpu.memory_space<vmem>>) semaphore(%run_scoped3A_26 : memref<!tpu.dma_semaphore, #tpu.memory_space<semaphore_mem>>) {add = true}
        %dma_wait3A = arith.constant 512 : i32
        %dma_wait3A_35 = arith.constant 0 : i32
        %dma_wait3A_36 = tpu.memref_slice %arg8[%dma_wait3A, %dma_wait3A_35] : memref<1280x8xf32, #tpu.memory_space<vmem>> -> memref<128x8xf32, #tpu.memory_space<vmem>>
        %dma_wait3A_37 = arith.constant 0 : i32
        %dma_wait3A_38 = tpu.memref_slice %arg7[%run_scoped3A_20, %dma_wait3A_37] : memref<10x128xi32, #tpu.memory_space<vmem>> -> memref<1x128xi32, #tpu.memory_space<vmem>>
        %dma_wait3A_39 = tpu.memref_squeeze %dma_wait3A_38 : memref<1x128xi32, #tpu.memory_space<vmem>> -> memref<128xi32, #tpu.memory_space<vmem>>
        %dma_wait3A_40 = arith.constant 0 : i32
        %dma_wait3A_41 = arith.constant 0 : i32
        %dma_wait3A_42 = tpu.memref_slice %arg6[%dma_wait3A_40, %dma_wait3A_41] : memref<50048x8xf32, #tpu.memory_space<vmem_shared>> -> memref<50048x8xf32, #tpu.memory_space<vmem_shared>>
        tpu.wait_indirect_dma semaphore(%run_scoped3A_26 : memref<!tpu.dma_semaphore, #tpu.memory_space<semaphore_mem>>) src(%dma_wait3A_36 : memref<128x8xf32, #tpu.memory_space<vmem>>) dst(%dma_wait3A_42 : memref<50048x8xf32, #tpu.memory_space<vmem_shared>>)
        tpu.yield
      }) : () -> ()
      %run_scoped3A_21 = arith.constant 5 : i32
      "tpu.region"() ({
        %run_scoped3A_26 = tpu.sem_alloc : memref<!tpu.dma_semaphore, #tpu.memory_space<semaphore_mem>>
        %dma_start3A = arith.constant 640 : i32
        %dma_start3A_27 = arith.constant 0 : i32
        %dma_start3A_28 = tpu.memref_slice %arg8[%dma_start3A, %dma_start3A_27] : memref<1280x8xf32, #tpu.memory_space<vmem>> -> memref<128x8xf32, #tpu.memory_space<vmem>>
        %dma_start3A_29 = arith.constant 0 : i32
        %dma_start3A_30 = tpu.memref_slice %arg7[%run_scoped3A_21, %dma_start3A_29] : memref<10x128xi32, #tpu.memory_space<vmem>> -> memref<1x128xi32, #tpu.memory_space<vmem>>
        %dma_start3A_31 = tpu.memref_squeeze %dma_start3A_30 : memref<1x128xi32, #tpu.memory_space<vmem>> -> memref<128xi32, #tpu.memory_space<vmem>>
        %dma_start3A_32 = arith.constant 0 : i32
        %dma_start3A_33 = arith.constant 0 : i32
        %dma_start3A_34 = tpu.memref_slice %arg6[%dma_start3A_32, %dma_start3A_33] : memref<50048x8xf32, #tpu.memory_space<vmem_shared>> -> memref<50048x8xf32, #tpu.memory_space<vmem_shared>>
        tpu.enqueue_indirect_dma source(%dma_start3A_28 : memref<128x8xf32, #tpu.memory_space<vmem>>) target(%dma_start3A_34 : memref<50048x8xf32, #tpu.memory_space<vmem_shared>>) offsets(%dma_start3A_31 : memref<128xi32, #tpu.memory_space<vmem>>) semaphore(%run_scoped3A_26 : memref<!tpu.dma_semaphore, #tpu.memory_space<semaphore_mem>>) {add = true}
        %dma_wait3A = arith.constant 640 : i32
        %dma_wait3A_35 = arith.constant 0 : i32
        %dma_wait3A_36 = tpu.memref_slice %arg8[%dma_wait3A, %dma_wait3A_35] : memref<1280x8xf32, #tpu.memory_space<vmem>> -> memref<128x8xf32, #tpu.memory_space<vmem>>
        %dma_wait3A_37 = arith.constant 0 : i32
        %dma_wait3A_38 = tpu.memref_slice %arg7[%run_scoped3A_21, %dma_wait3A_37] : memref<10x128xi32, #tpu.memory_space<vmem>> -> memref<1x128xi32, #tpu.memory_space<vmem>>
        %dma_wait3A_39 = tpu.memref_squeeze %dma_wait3A_38 : memref<1x128xi32, #tpu.memory_space<vmem>> -> memref<128xi32, #tpu.memory_space<vmem>>
        %dma_wait3A_40 = arith.constant 0 : i32
        %dma_wait3A_41 = arith.constant 0 : i32
        %dma_wait3A_42 = tpu.memref_slice %arg6[%dma_wait3A_40, %dma_wait3A_41] : memref<50048x8xf32, #tpu.memory_space<vmem_shared>> -> memref<50048x8xf32, #tpu.memory_space<vmem_shared>>
        tpu.wait_indirect_dma semaphore(%run_scoped3A_26 : memref<!tpu.dma_semaphore, #tpu.memory_space<semaphore_mem>>) src(%dma_wait3A_36 : memref<128x8xf32, #tpu.memory_space<vmem>>) dst(%dma_wait3A_42 : memref<50048x8xf32, #tpu.memory_space<vmem_shared>>)
        tpu.yield
      }) : () -> ()
      %run_scoped3A_22 = arith.constant 6 : i32
      "tpu.region"() ({
        %run_scoped3A_26 = tpu.sem_alloc : memref<!tpu.dma_semaphore, #tpu.memory_space<semaphore_mem>>
        %dma_start3A = arith.constant 768 : i32
        %dma_start3A_27 = arith.constant 0 : i32
        %dma_start3A_28 = tpu.memref_slice %arg8[%dma_start3A, %dma_start3A_27] : memref<1280x8xf32, #tpu.memory_space<vmem>> -> memref<128x8xf32, #tpu.memory_space<vmem>>
        %dma_start3A_29 = arith.constant 0 : i32
        %dma_start3A_30 = tpu.memref_slice %arg7[%run_scoped3A_22, %dma_start3A_29] : memref<10x128xi32, #tpu.memory_space<vmem>> -> memref<1x128xi32, #tpu.memory_space<vmem>>
        %dma_start3A_31 = tpu.memref_squeeze %dma_start3A_30 : memref<1x128xi32, #tpu.memory_space<vmem>> -> memref<128xi32, #tpu.memory_space<vmem>>
        %dma_start3A_32 = arith.constant 0 : i32
        %dma_start3A_33 = arith.constant 0 : i32
        %dma_start3A_34 = tpu.memref_slice %arg6[%dma_start3A_32, %dma_start3A_33] : memref<50048x8xf32, #tpu.memory_space<vmem_shared>> -> memref<50048x8xf32, #tpu.memory_space<vmem_shared>>
        tpu.enqueue_indirect_dma source(%dma_start3A_28 : memref<128x8xf32, #tpu.memory_space<vmem>>) target(%dma_start3A_34 : memref<50048x8xf32, #tpu.memory_space<vmem_shared>>) offsets(%dma_start3A_31 : memref<128xi32, #tpu.memory_space<vmem>>) semaphore(%run_scoped3A_26 : memref<!tpu.dma_semaphore, #tpu.memory_space<semaphore_mem>>) {add = true}
        %dma_wait3A = arith.constant 768 : i32
        %dma_wait3A_35 = arith.constant 0 : i32
        %dma_wait3A_36 = tpu.memref_slice %arg8[%dma_wait3A, %dma_wait3A_35] : memref<1280x8xf32, #tpu.memory_space<vmem>> -> memref<128x8xf32, #tpu.memory_space<vmem>>
        %dma_wait3A_37 = arith.constant 0 : i32
        %dma_wait3A_38 = tpu.memref_slice %arg7[%run_scoped3A_22, %dma_wait3A_37] : memref<10x128xi32, #tpu.memory_space<vmem>> -> memref<1x128xi32, #tpu.memory_space<vmem>>
        %dma_wait3A_39 = tpu.memref_squeeze %dma_wait3A_38 : memref<1x128xi32, #tpu.memory_space<vmem>> -> memref<128xi32, #tpu.memory_space<vmem>>
        %dma_wait3A_40 = arith.constant 0 : i32
        %dma_wait3A_41 = arith.constant 0 : i32
        %dma_wait3A_42 = tpu.memref_slice %arg6[%dma_wait3A_40, %dma_wait3A_41] : memref<50048x8xf32, #tpu.memory_space<vmem_shared>> -> memref<50048x8xf32, #tpu.memory_space<vmem_shared>>
        tpu.wait_indirect_dma semaphore(%run_scoped3A_26 : memref<!tpu.dma_semaphore, #tpu.memory_space<semaphore_mem>>) src(%dma_wait3A_36 : memref<128x8xf32, #tpu.memory_space<vmem>>) dst(%dma_wait3A_42 : memref<50048x8xf32, #tpu.memory_space<vmem_shared>>)
        tpu.yield
      }) : () -> ()
      %run_scoped3A_23 = arith.constant 7 : i32
      "tpu.region"() ({
        %run_scoped3A_26 = tpu.sem_alloc : memref<!tpu.dma_semaphore, #tpu.memory_space<semaphore_mem>>
        %dma_start3A = arith.constant 896 : i32
        %dma_start3A_27 = arith.constant 0 : i32
        %dma_start3A_28 = tpu.memref_slice %arg8[%dma_start3A, %dma_start3A_27] : memref<1280x8xf32, #tpu.memory_space<vmem>> -> memref<128x8xf32, #tpu.memory_space<vmem>>
        %dma_start3A_29 = arith.constant 0 : i32
        %dma_start3A_30 = tpu.memref_slice %arg7[%run_scoped3A_23, %dma_start3A_29] : memref<10x128xi32, #tpu.memory_space<vmem>> -> memref<1x128xi32, #tpu.memory_space<vmem>>
        %dma_start3A_31 = tpu.memref_squeeze %dma_start3A_30 : memref<1x128xi32, #tpu.memory_space<vmem>> -> memref<128xi32, #tpu.memory_space<vmem>>
        %dma_start3A_32 = arith.constant 0 : i32
        %dma_start3A_33 = arith.constant 0 : i32
        %dma_start3A_34 = tpu.memref_slice %arg6[%dma_start3A_32, %dma_start3A_33] : memref<50048x8xf32, #tpu.memory_space<vmem_shared>> -> memref<50048x8xf32, #tpu.memory_space<vmem_shared>>
        tpu.enqueue_indirect_dma source(%dma_start3A_28 : memref<128x8xf32, #tpu.memory_space<vmem>>) target(%dma_start3A_34 : memref<50048x8xf32, #tpu.memory_space<vmem_shared>>) offsets(%dma_start3A_31 : memref<128xi32, #tpu.memory_space<vmem>>) semaphore(%run_scoped3A_26 : memref<!tpu.dma_semaphore, #tpu.memory_space<semaphore_mem>>) {add = true}
        %dma_wait3A = arith.constant 896 : i32
        %dma_wait3A_35 = arith.constant 0 : i32
        %dma_wait3A_36 = tpu.memref_slice %arg8[%dma_wait3A, %dma_wait3A_35] : memref<1280x8xf32, #tpu.memory_space<vmem>> -> memref<128x8xf32, #tpu.memory_space<vmem>>
        %dma_wait3A_37 = arith.constant 0 : i32
        %dma_wait3A_38 = tpu.memref_slice %arg7[%run_scoped3A_23, %dma_wait3A_37] : memref<10x128xi32, #tpu.memory_space<vmem>> -> memref<1x128xi32, #tpu.memory_space<vmem>>
        %dma_wait3A_39 = tpu.memref_squeeze %dma_wait3A_38 : memref<1x128xi32, #tpu.memory_space<vmem>> -> memref<128xi32, #tpu.memory_space<vmem>>
        %dma_wait3A_40 = arith.constant 0 : i32
        %dma_wait3A_41 = arith.constant 0 : i32
        %dma_wait3A_42 = tpu.memref_slice %arg6[%dma_wait3A_40, %dma_wait3A_41] : memref<50048x8xf32, #tpu.memory_space<vmem_shared>> -> memref<50048x8xf32, #tpu.memory_space<vmem_shared>>
        tpu.wait_indirect_dma semaphore(%run_scoped3A_26 : memref<!tpu.dma_semaphore, #tpu.memory_space<semaphore_mem>>) src(%dma_wait3A_36 : memref<128x8xf32, #tpu.memory_space<vmem>>) dst(%dma_wait3A_42 : memref<50048x8xf32, #tpu.memory_space<vmem_shared>>)
        tpu.yield
      }) : () -> ()
      %run_scoped3A_24 = arith.constant 8 : i32
      "tpu.region"() ({
        %run_scoped3A_26 = tpu.sem_alloc : memref<!tpu.dma_semaphore, #tpu.memory_space<semaphore_mem>>
        %dma_start3A = arith.constant 1024 : i32
        %dma_start3A_27 = arith.constant 0 : i32
        %dma_start3A_28 = tpu.memref_slice %arg8[%dma_start3A, %dma_start3A_27] : memref<1280x8xf32, #tpu.memory_space<vmem>> -> memref<128x8xf32, #tpu.memory_space<vmem>>
        %dma_start3A_29 = arith.constant 0 : i32
        %dma_start3A_30 = tpu.memref_slice %arg7[%run_scoped3A_24, %dma_start3A_29] : memref<10x128xi32, #tpu.memory_space<vmem>> -> memref<1x128xi32, #tpu.memory_space<vmem>>
        %dma_start3A_31 = tpu.memref_squeeze %dma_start3A_30 : memref<1x128xi32, #tpu.memory_space<vmem>> -> memref<128xi32, #tpu.memory_space<vmem>>
        %dma_start3A_32 = arith.constant 0 : i32
        %dma_start3A_33 = arith.constant 0 : i32
        %dma_start3A_34 = tpu.memref_slice %arg6[%dma_start3A_32, %dma_start3A_33] : memref<50048x8xf32, #tpu.memory_space<vmem_shared>> -> memref<50048x8xf32, #tpu.memory_space<vmem_shared>>
        tpu.enqueue_indirect_dma source(%dma_start3A_28 : memref<128x8xf32, #tpu.memory_space<vmem>>) target(%dma_start3A_34 : memref<50048x8xf32, #tpu.memory_space<vmem_shared>>) offsets(%dma_start3A_31 : memref<128xi32, #tpu.memory_space<vmem>>) semaphore(%run_scoped3A_26 : memref<!tpu.dma_semaphore, #tpu.memory_space<semaphore_mem>>) {add = true}
        %dma_wait3A = arith.constant 1024 : i32
        %dma_wait3A_35 = arith.constant 0 : i32
        %dma_wait3A_36 = tpu.memref_slice %arg8[%dma_wait3A, %dma_wait3A_35] : memref<1280x8xf32, #tpu.memory_space<vmem>> -> memref<128x8xf32, #tpu.memory_space<vmem>>
        %dma_wait3A_37 = arith.constant 0 : i32
        %dma_wait3A_38 = tpu.memref_slice %arg7[%run_scoped3A_24, %dma_wait3A_37] : memref<10x128xi32, #tpu.memory_space<vmem>> -> memref<1x128xi32, #tpu.memory_space<vmem>>
        %dma_wait3A_39 = tpu.memref_squeeze %dma_wait3A_38 : memref<1x128xi32, #tpu.memory_space<vmem>> -> memref<128xi32, #tpu.memory_space<vmem>>
        %dma_wait3A_40 = arith.constant 0 : i32
        %dma_wait3A_41 = arith.constant 0 : i32
        %dma_wait3A_42 = tpu.memref_slice %arg6[%dma_wait3A_40, %dma_wait3A_41] : memref<50048x8xf32, #tpu.memory_space<vmem_shared>> -> memref<50048x8xf32, #tpu.memory_space<vmem_shared>>
        tpu.wait_indirect_dma semaphore(%run_scoped3A_26 : memref<!tpu.dma_semaphore, #tpu.memory_space<semaphore_mem>>) src(%dma_wait3A_36 : memref<128x8xf32, #tpu.memory_space<vmem>>) dst(%dma_wait3A_42 : memref<50048x8xf32, #tpu.memory_space<vmem_shared>>)
        tpu.yield
      }) : () -> ()
      %run_scoped3A_25 = arith.constant 9 : i32
      "tpu.region"() ({
        %run_scoped3A_26 = tpu.sem_alloc : memref<!tpu.dma_semaphore, #tpu.memory_space<semaphore_mem>>
        %dma_start3A = arith.constant 1152 : i32
        %dma_start3A_27 = arith.constant 0 : i32
        %dma_start3A_28 = tpu.memref_slice %arg8[%dma_start3A, %dma_start3A_27] : memref<1280x8xf32, #tpu.memory_space<vmem>> -> memref<128x8xf32, #tpu.memory_space<vmem>>
        %dma_start3A_29 = arith.constant 0 : i32
        %dma_start3A_30 = tpu.memref_slice %arg7[%run_scoped3A_25, %dma_start3A_29] : memref<10x128xi32, #tpu.memory_space<vmem>> -> memref<1x128xi32, #tpu.memory_space<vmem>>
        %dma_start3A_31 = tpu.memref_squeeze %dma_start3A_30 : memref<1x128xi32, #tpu.memory_space<vmem>> -> memref<128xi32, #tpu.memory_space<vmem>>
        %dma_start3A_32 = arith.constant 0 : i32
        %dma_start3A_33 = arith.constant 0 : i32
        %dma_start3A_34 = tpu.memref_slice %arg6[%dma_start3A_32, %dma_start3A_33] : memref<50048x8xf32, #tpu.memory_space<vmem_shared>> -> memref<50048x8xf32, #tpu.memory_space<vmem_shared>>
        tpu.enqueue_indirect_dma source(%dma_start3A_28 : memref<128x8xf32, #tpu.memory_space<vmem>>) target(%dma_start3A_34 : memref<50048x8xf32, #tpu.memory_space<vmem_shared>>) offsets(%dma_start3A_31 : memref<128xi32, #tpu.memory_space<vmem>>) semaphore(%run_scoped3A_26 : memref<!tpu.dma_semaphore, #tpu.memory_space<semaphore_mem>>) {add = true}
        %dma_wait3A = arith.constant 1152 : i32
        %dma_wait3A_35 = arith.constant 0 : i32
        %dma_wait3A_36 = tpu.memref_slice %arg8[%dma_wait3A, %dma_wait3A_35] : memref<1280x8xf32, #tpu.memory_space<vmem>> -> memref<128x8xf32, #tpu.memory_space<vmem>>
        %dma_wait3A_37 = arith.constant 0 : i32
        %dma_wait3A_38 = tpu.memref_slice %arg7[%run_scoped3A_25, %dma_wait3A_37] : memref<10x128xi32, #tpu.memory_space<vmem>> -> memref<1x128xi32, #tpu.memory_space<vmem>>
        %dma_wait3A_39 = tpu.memref_squeeze %dma_wait3A_38 : memref<1x128xi32, #tpu.memory_space<vmem>> -> memref<128xi32, #tpu.memory_space<vmem>>
        %dma_wait3A_40 = arith.constant 0 : i32
        %dma_wait3A_41 = arith.constant 0 : i32
        %dma_wait3A_42 = tpu.memref_slice %arg6[%dma_wait3A_40, %dma_wait3A_41] : memref<50048x8xf32, #tpu.memory_space<vmem_shared>> -> memref<50048x8xf32, #tpu.memory_space<vmem_shared>>
        tpu.wait_indirect_dma semaphore(%run_scoped3A_26 : memref<!tpu.dma_semaphore, #tpu.memory_space<semaphore_mem>>) src(%dma_wait3A_36 : memref<128x8xf32, #tpu.memory_space<vmem>>) dst(%dma_wait3A_42 : memref<50048x8xf32, #tpu.memory_space<vmem_shared>>)
        tpu.yield
      }) : () -> ()
    }
    %scan3A_7 = arith.constant 20 : i32
    %barrier3A_8 = arith.constant 0 : index
    tpu.barrier barrier_id(%barrier3A_8)
    "tpu.region"() ({
      %run_scoped3A = tpu.sem_alloc : memref<!tpu.dma_semaphore, #tpu.memory_space<semaphore_mem>>
      %dma_start3A = arith.constant 0 : i32
      %dma_start3A_9 = tpu.memref_slice %arg6[%mul3A_2, %dma_start3A] : memref<50048x8xf32, #tpu.memory_space<vmem_shared>> -> memref<3128x8xf32, #tpu.memory_space<vmem_shared>>
      %dma_start3A_10 = arith.constant 0 : i32
      %dma_start3A_11 = tpu.memref_slice %arg6[%mul3A_2, %dma_start3A_10] : memref<50048x8xf32, #tpu.memory_space<vmem_shared>> -> memref<3128x8xf32, #tpu.memory_space<vmem_shared>>
      tpu.enqueue_dma source(%dma_start3A_11 : memref<3128x8xf32, #tpu.memory_space<vmem_shared>>) target(%arg9 : memref<3128x8xf32, #tpu.memory_space<vmem>>) target_semaphore(%run_scoped3A : memref<!tpu.dma_semaphore, #tpu.memory_space<semaphore_mem>>)
      %dma_wait3A = arith.constant 0 : i32
      %dma_wait3A_12 = tpu.memref_slice %arg6[%mul3A_2, %dma_wait3A] : memref<50048x8xf32, #tpu.memory_space<vmem_shared>> -> memref<3128x8xf32, #tpu.memory_space<vmem_shared>>
      %dma_wait3A_13 = arith.constant 0 : i32
      %dma_wait3A_14 = tpu.memref_slice %arg6[%mul3A_2, %dma_wait3A_13] : memref<50048x8xf32, #tpu.memory_space<vmem_shared>> -> memref<3128x8xf32, #tpu.memory_space<vmem_shared>>
      tpu.wait_dma2 semaphore(%run_scoped3A : memref<!tpu.dma_semaphore, #tpu.memory_space<semaphore_mem>>) src(%dma_wait3A_14 : memref<3128x8xf32, #tpu.memory_space<vmem_shared>>) dst(%arg9 : memref<3128x8xf32, #tpu.memory_space<vmem>>)
      tpu.yield
    }) : () -> ()
    "tpu.region"() ({
      %run_scoped3A = tpu.sem_alloc : memref<!tpu.dma_semaphore, #tpu.memory_space<semaphore_mem>>
      %dma_start3A = arith.constant 0 : i32
      %dma_start3A_9 = tpu.memref_slice %arg5[%arg0, %mul3A_2, %dma_start3A] : memref<2x50048x8xf32, #tpu.memory_space<hbm>> -> memref<1x3128x8xf32, #tpu.memory_space<hbm>>
      %dma_start3A_10 = tpu.memref_squeeze %dma_start3A_9 : memref<1x3128x8xf32, #tpu.memory_space<hbm>> -> memref<3128x8xf32, #tpu.memory_space<hbm>>
      %dma_start3A_11 = arith.constant 0 : i32
      %dma_start3A_12 = tpu.memref_slice %arg5[%arg0, %mul3A_2, %dma_start3A_11] : memref<2x50048x8xf32, #tpu.memory_space<hbm>> -> memref<1x3128x8xf32, #tpu.memory_space<hbm>>
      %dma_start3A_13 = tpu.memref_squeeze %dma_start3A_12 : memref<1x3128x8xf32, #tpu.memory_space<hbm>> -> memref<3128x8xf32, #tpu.memory_space<hbm>>
      tpu.enqueue_dma source(%arg9 : memref<3128x8xf32, #tpu.memory_space<vmem>>) target(%dma_start3A_13 : memref<3128x8xf32, #tpu.memory_space<hbm>>) target_semaphore(%run_scoped3A : memref<!tpu.dma_semaphore, #tpu.memory_space<semaphore_mem>>)
      %dma_wait3A = arith.constant 0 : i32
      %dma_wait3A_14 = tpu.memref_slice %arg5[%arg0, %mul3A_2, %dma_wait3A] : memref<2x50048x8xf32, #tpu.memory_space<hbm>> -> memref<1x3128x8xf32, #tpu.memory_space<hbm>>
      %dma_wait3A_15 = tpu.memref_squeeze %dma_wait3A_14 : memref<1x3128x8xf32, #tpu.memory_space<hbm>> -> memref<3128x8xf32, #tpu.memory_space<hbm>>
      %dma_wait3A_16 = arith.constant 0 : i32
      %dma_wait3A_17 = tpu.memref_slice %arg5[%arg0, %mul3A_2, %dma_wait3A_16] : memref<2x50048x8xf32, #tpu.memory_space<hbm>> -> memref<1x3128x8xf32, #tpu.memory_space<hbm>>
      %dma_wait3A_18 = tpu.memref_squeeze %dma_wait3A_17 : memref<1x3128x8xf32, #tpu.memory_space<hbm>> -> memref<3128x8xf32, #tpu.memory_space<hbm>>
      tpu.wait_dma2 semaphore(%run_scoped3A : memref<!tpu.dma_semaphore, #tpu.memory_space<semaphore_mem>>) src(%arg9 : memref<3128x8xf32, #tpu.memory_space<vmem>>) dst(%dma_wait3A_18 : memref<3128x8xf32, #tpu.memory_space<hbm>>)
      tpu.yield
    }) : () -> ()
    return
  }
}

module attributes {stable_mosaic.version = 14 : i64} {
  func.func @_edge_body(%arg0: i32, %arg1: memref<512x128xf32, #tpu.memory_space<vmem>>, %arg2: memref<512x128xf32, #tpu.memory_space<vmem>>, %arg3: memref<512x16xf32, #tpu.memory_space<vmem>>, %arg4: memref<512x16xf32, #tpu.memory_space<vmem>>, %arg5: memref<512x16xf32, #tpu.memory_space<vmem>>, %arg6: memref<128x256xf32, #tpu.memory_space<vmem>>, %arg7: memref<128x256xf32, #tpu.memory_space<vmem>>, %arg8: memref<1x256xf32, #tpu.memory_space<vmem>>, %arg9: memref<256x512xf32, #tpu.memory_space<vmem>>, %arg10: memref<1x512xf32, #tpu.memory_space<vmem>>, %arg11: memref<512x512xf32, #tpu.memory_space<vmem>>, %arg12: memref<1x512xf32, #tpu.memory_space<vmem>>, %arg13: memref<512x512xf32, #tpu.memory_space<vmem>>, %arg14: memref<1x512xf32, #tpu.memory_space<vmem>>, %arg15: memref<512x256xf32, #tpu.memory_space<vmem>>, %arg16: memref<1x256xf32, #tpu.memory_space<vmem>>, %arg17: memref<16x192xf32, #tpu.memory_space<vmem>>, %arg18: memref<16x192xf32, #tpu.memory_space<vmem>>, %arg19: memref<16x192xf32, #tpu.memory_space<vmem>>, %arg20: memref<48x192xf32, #tpu.memory_space<vmem>>, %arg21: memref<256x192xf32, #tpu.memory_space<vmem>>, %arg22: memref<1x192xf32, #tpu.memory_space<vmem>>, %arg23: memref<192x192xf32, #tpu.memory_space<vmem>>, %arg24: memref<1x192xf32, #tpu.memory_space<vmem>>, %arg25: memref<192x192xf32, #tpu.memory_space<vmem>>, %arg26: memref<1x192xf32, #tpu.memory_space<vmem>>, %arg27: memref<192x128xf32, #tpu.memory_space<vmem>>, %arg28: memref<1x128xf32, #tpu.memory_space<vmem>>, %arg29: memref<128x48xf32, #tpu.memory_space<vmem>>, %arg30: memref<1x48xf32, #tpu.memory_space<vmem>>, %arg31: memref<48x128xf32, #tpu.memory_space<vmem>>, %arg32: memref<512x128xf32, #tpu.memory_space<vmem>>) attributes {dimension_semantics = [#tpu.dimension_semantics<arbitrary>], iteration_bounds = array<i64: 100>, scalar_prefetch = 0 : i64, scratch_operands = 0 : i64, tpu.core_type = #tpu.core_type<tc>, window_params = [{transform_indices = @transform_0, window_bounds = array<i64: 512, 128>}, {transform_indices = @transform_1, window_bounds = array<i64: 512, 128>}, {transform_indices = @transform_2, window_bounds = array<i64: 512, 16>}, {transform_indices = @transform_3, window_bounds = array<i64: 512, 16>}, {transform_indices = @transform_4, window_bounds = array<i64: 512, 16>}, {pipeline_mode = #tpu.pipeline_mode<synchronous>, transform_indices = @transform_5, window_bounds = array<i64: 128, 256>}, {pipeline_mode = #tpu.pipeline_mode<synchronous>, transform_indices = @transform_6, window_bounds = array<i64: 128, 256>}, {pipeline_mode = #tpu.pipeline_mode<synchronous>, transform_indices = @transform_7, window_bounds = array<i64: 1, 256>}, {pipeline_mode = #tpu.pipeline_mode<synchronous>, transform_indices = @transform_8, window_bounds = array<i64: 256, 512>}, {pipeline_mode = #tpu.pipeline_mode<synchronous>, transform_indices = @transform_9, window_bounds = array<i64: 1, 512>}, {pipeline_mode = #tpu.pipeline_mode<synchronous>, transform_indices = @transform_10, window_bounds = array<i64: 512, 512>}, {pipeline_mode = #tpu.pipeline_mode<synchronous>, transform_indices = @transform_11, window_bounds = array<i64: 1, 512>}, {pipeline_mode = #tpu.pipeline_mode<synchronous>, transform_indices = @transform_12, window_bounds = array<i64: 512, 512>}, {pipeline_mode = #tpu.pipeline_mode<synchronous>, transform_indices = @transform_13, window_bounds = array<i64: 1, 512>}, {pipeline_mode = #tpu.pipeline_mode<synchronous>, transform_indices = @transform_14, window_bounds = array<i64: 512, 256>}, {pipeline_mode = #tpu.pipeline_mode<synchronous>, transform_indices = @transform_15, window_bounds = array<i64: 1, 256>}, {pipeline_mode = #tpu.pipeline_mode<synchronous>, transform_indices = @transform_16, window_bounds = array<i64: 16, 192>}, {pipeline_mode = #tpu.pipeline_mode<synchronous>, transform_indices = @transform_17, window_bounds = array<i64: 16, 192>}, {pipeline_mode = #tpu.pipeline_mode<synchronous>, transform_indices = @transform_18, window_bounds = array<i64: 16, 192>}, {pipeline_mode = #tpu.pipeline_mode<synchronous>, transform_indices = @transform_19, window_bounds = array<i64: 48, 192>}, {pipeline_mode = #tpu.pipeline_mode<synchronous>, transform_indices = @transform_20, window_bounds = array<i64: 256, 192>}, {pipeline_mode = #tpu.pipeline_mode<synchronous>, transform_indices = @transform_21, window_bounds = array<i64: 1, 192>}, {pipeline_mode = #tpu.pipeline_mode<synchronous>, transform_indices = @transform_22, window_bounds = array<i64: 192, 192>}, {pipeline_mode = #tpu.pipeline_mode<synchronous>, transform_indices = @transform_23, window_bounds = array<i64: 1, 192>}, {pipeline_mode = #tpu.pipeline_mode<synchronous>, transform_indices = @transform_24, window_bounds = array<i64: 192, 192>}, {pipeline_mode = #tpu.pipeline_mode<synchronous>, transform_indices = @transform_25, window_bounds = array<i64: 1, 192>}, {pipeline_mode = #tpu.pipeline_mode<synchronous>, transform_indices = @transform_26, window_bounds = array<i64: 192, 128>}, {pipeline_mode = #tpu.pipeline_mode<synchronous>, transform_indices = @transform_27, window_bounds = array<i64: 1, 128>}, {pipeline_mode = #tpu.pipeline_mode<synchronous>, transform_indices = @transform_28, window_bounds = array<i64: 128, 48>}, {pipeline_mode = #tpu.pipeline_mode<synchronous>, transform_indices = @transform_29, window_bounds = array<i64: 1, 48>}, {pipeline_mode = #tpu.pipeline_mode<synchronous>, transform_indices = @transform_30, window_bounds = array<i64: 48, 128>}, {transform_indices = @transform_31, window_bounds = array<i64: 512, 128>}]} {
    %get3A = arith.constant 0 : index
    %get3A_0 = arith.constant 0 : index
    %get3A_1 = vector.load %arg1[%get3A, %get3A_0] : memref<512x128xf32, #tpu.memory_space<vmem>>, vector<512x128xf32>
    %get3A_2 = arith.constant 0 : index
    %get3A_3 = arith.constant 0 : index
    %get3A_4 = vector.load %arg6[%get3A_2, %get3A_3] : memref<128x256xf32, #tpu.memory_space<vmem>>, vector<128x256xf32>
    %dot_general3A = arith.constant dense<0.000000e+00> : vector<512x256xf32>
    %dot_general3A_5 = tpu.matmul %get3A_1, %get3A_4, %dot_general3A {dimension_numbers = #tpu.dot_dimension_numbers<[1], [0], [0], [1], [0, 0, 1, 1], [], []>, transpose_lhs_hint = false} : vector<512x128xf32>, vector<128x256xf32>, vector<512x256xf32> -> vector<512x256xf32>
    %get3A_6 = arith.constant 0 : index
    %get3A_7 = arith.constant 0 : index
    %get3A_8 = vector.load %arg2[%get3A_6, %get3A_7] : memref<512x128xf32, #tpu.memory_space<vmem>>, vector<512x128xf32>
    %get3A_9 = arith.constant 0 : index
    %get3A_10 = arith.constant 0 : index
    %get3A_11 = vector.load %arg7[%get3A_9, %get3A_10] : memref<128x256xf32, #tpu.memory_space<vmem>>, vector<128x256xf32>
    %dot_general3A_12 = arith.constant dense<0.000000e+00> : vector<512x256xf32>
    %dot_general3A_13 = tpu.matmul %get3A_8, %get3A_11, %dot_general3A_12 {dimension_numbers = #tpu.dot_dimension_numbers<[1], [0], [0], [1], [0, 0, 1, 1], [], []>, transpose_lhs_hint = false} : vector<512x128xf32>, vector<128x256xf32>, vector<512x256xf32> -> vector<512x256xf32>
    %add3A = arith.addf %dot_general3A_5, %dot_general3A_13 : vector<512x256xf32>
    %get3A_14 = arith.constant 0 : index
    %get3A_15 = arith.constant 0 : index
    %get3A_16 = vector.load %arg8[%get3A_14, %get3A_15] : memref<1x256xf32, #tpu.memory_space<vmem>>, vector<1x256xf32>
    %add3A_17 = vector.broadcast %get3A_16 : vector<1x256xf32> to vector<512x256xf32>
    %add3A_18 = arith.addf %add3A, %add3A_17 : vector<512x256xf32>
    %gt3A = arith.constant 0.000000e+00 : f32
    %gt3A_19 = vector.broadcast %gt3A : f32 to vector<512x256xf32>
    %gt3A_20 = arith.cmpf ogt, %add3A_18, %gt3A_19 : vector<512x256xf32>
    %exp3A = math.exp %add3A_18 : vector<512x256xf32>
    %sub3A = arith.constant 1.000000e+00 : f32
    %sub3A_21 = vector.broadcast %sub3A : f32 to vector<512x256xf32>
    %sub3A_22 = arith.subf %exp3A, %sub3A_21 : vector<512x256xf32>
    %mul3A = arith.constant 1.67326319 : f32
    %mul3A_23 = vector.broadcast %mul3A : f32 to vector<512x256xf32>
    %mul3A_24 = arith.mulf %mul3A_23, %sub3A_22 : vector<512x256xf32>
    %select_n3A = arith.select %gt3A_20, %add3A_18, %mul3A_24 : vector<512x256xi1>, vector<512x256xf32>
    %mul3A_25 = arith.constant 1.05070102 : f32
    %mul3A_26 = vector.broadcast %mul3A_25 : f32 to vector<512x256xf32>
    %mul3A_27 = arith.mulf %mul3A_26, %select_n3A : vector<512x256xf32>
    %get3A_28 = arith.constant 0 : index
    %get3A_29 = arith.constant 0 : index
    %get3A_30 = vector.load %arg9[%get3A_28, %get3A_29] : memref<256x512xf32, #tpu.memory_space<vmem>>, vector<256x512xf32>
    %dot_general3A_31 = arith.constant dense<0.000000e+00> : vector<512x512xf32>
    %dot_general3A_32 = tpu.matmul %mul3A_27, %get3A_30, %dot_general3A_31 {dimension_numbers = #tpu.dot_dimension_numbers<[1], [0], [0], [1], [0, 0, 1, 1], [], []>, transpose_lhs_hint = false} : vector<512x256xf32>, vector<256x512xf32>, vector<512x512xf32> -> vector<512x512xf32>
    %get3A_33 = arith.constant 0 : index
    %get3A_34 = arith.constant 0 : index
    %get3A_35 = vector.load %arg10[%get3A_33, %get3A_34] : memref<1x512xf32, #tpu.memory_space<vmem>>, vector<1x512xf32>
    %add3A_36 = vector.broadcast %get3A_35 : vector<1x512xf32> to vector<512x512xf32>
    %add3A_37 = arith.addf %dot_general3A_32, %add3A_36 : vector<512x512xf32>
    %gt3A_38 = arith.constant 0.000000e+00 : f32
    %gt3A_39 = vector.broadcast %gt3A_38 : f32 to vector<512x512xf32>
    %gt3A_40 = arith.cmpf ogt, %add3A_37, %gt3A_39 : vector<512x512xf32>
    %exp3A_41 = math.exp %add3A_37 : vector<512x512xf32>
    %sub3A_42 = arith.constant 1.000000e+00 : f32
    %sub3A_43 = vector.broadcast %sub3A_42 : f32 to vector<512x512xf32>
    %sub3A_44 = arith.subf %exp3A_41, %sub3A_43 : vector<512x512xf32>
    %mul3A_45 = arith.constant 1.67326319 : f32
    %mul3A_46 = vector.broadcast %mul3A_45 : f32 to vector<512x512xf32>
    %mul3A_47 = arith.mulf %mul3A_46, %sub3A_44 : vector<512x512xf32>
    %select_n3A_48 = arith.select %gt3A_40, %add3A_37, %mul3A_47 : vector<512x512xi1>, vector<512x512xf32>
    %mul3A_49 = arith.constant 1.05070102 : f32
    %mul3A_50 = vector.broadcast %mul3A_49 : f32 to vector<512x512xf32>
    %mul3A_51 = arith.mulf %mul3A_50, %select_n3A_48 : vector<512x512xf32>
    %get3A_52 = arith.constant 0 : index
    %get3A_53 = arith.constant 0 : index
    %get3A_54 = vector.load %arg11[%get3A_52, %get3A_53] : memref<512x512xf32, #tpu.memory_space<vmem>>, vector<512x512xf32>
    %dot_general3A_55 = arith.constant dense<0.000000e+00> : vector<512x512xf32>
    %dot_general3A_56 = tpu.matmul %mul3A_51, %get3A_54, %dot_general3A_55 {dimension_numbers = #tpu.dot_dimension_numbers<[1], [0], [0], [1], [0, 0, 1, 1], [], []>, transpose_lhs_hint = false} : vector<512x512xf32>, vector<512x512xf32>, vector<512x512xf32> -> vector<512x512xf32>
    %get3A_57 = arith.constant 0 : index
    %get3A_58 = arith.constant 0 : index
    %get3A_59 = vector.load %arg12[%get3A_57, %get3A_58] : memref<1x512xf32, #tpu.memory_space<vmem>>, vector<1x512xf32>
    %add3A_60 = vector.broadcast %get3A_59 : vector<1x512xf32> to vector<512x512xf32>
    %add3A_61 = arith.addf %dot_general3A_56, %add3A_60 : vector<512x512xf32>
    %gt3A_62 = arith.constant 0.000000e+00 : f32
    %gt3A_63 = vector.broadcast %gt3A_62 : f32 to vector<512x512xf32>
    %gt3A_64 = arith.cmpf ogt, %add3A_61, %gt3A_63 : vector<512x512xf32>
    %exp3A_65 = math.exp %add3A_61 : vector<512x512xf32>
    %sub3A_66 = arith.constant 1.000000e+00 : f32
    %sub3A_67 = vector.broadcast %sub3A_66 : f32 to vector<512x512xf32>
    %sub3A_68 = arith.subf %exp3A_65, %sub3A_67 : vector<512x512xf32>
    %mul3A_69 = arith.constant 1.67326319 : f32
    %mul3A_70 = vector.broadcast %mul3A_69 : f32 to vector<512x512xf32>
    %mul3A_71 = arith.mulf %mul3A_70, %sub3A_68 : vector<512x512xf32>
    %select_n3A_72 = arith.select %gt3A_64, %add3A_61, %mul3A_71 : vector<512x512xi1>, vector<512x512xf32>
    %mul3A_73 = arith.constant 1.05070102 : f32
    %mul3A_74 = vector.broadcast %mul3A_73 : f32 to vector<512x512xf32>
    %mul3A_75 = arith.mulf %mul3A_74, %select_n3A_72 : vector<512x512xf32>
    %get3A_76 = arith.constant 0 : index
    %get3A_77 = arith.constant 0 : index
    %get3A_78 = vector.load %arg13[%get3A_76, %get3A_77] : memref<512x512xf32, #tpu.memory_space<vmem>>, vector<512x512xf32>
    %dot_general3A_79 = arith.constant dense<0.000000e+00> : vector<512x512xf32>
    %dot_general3A_80 = tpu.matmul %mul3A_75, %get3A_78, %dot_general3A_79 {dimension_numbers = #tpu.dot_dimension_numbers<[1], [0], [0], [1], [0, 0, 1, 1], [], []>, transpose_lhs_hint = false} : vector<512x512xf32>, vector<512x512xf32>, vector<512x512xf32> -> vector<512x512xf32>
    %get3A_81 = arith.constant 0 : index
    %get3A_82 = arith.constant 0 : index
    %get3A_83 = vector.load %arg14[%get3A_81, %get3A_82] : memref<1x512xf32, #tpu.memory_space<vmem>>, vector<1x512xf32>
    %add3A_84 = vector.broadcast %get3A_83 : vector<1x512xf32> to vector<512x512xf32>
    %add3A_85 = arith.addf %dot_general3A_80, %add3A_84 : vector<512x512xf32>
    %gt3A_86 = arith.constant 0.000000e+00 : f32
    %gt3A_87 = vector.broadcast %gt3A_86 : f32 to vector<512x512xf32>
    %gt3A_88 = arith.cmpf ogt, %add3A_85, %gt3A_87 : vector<512x512xf32>
    %exp3A_89 = math.exp %add3A_85 : vector<512x512xf32>
    %sub3A_90 = arith.constant 1.000000e+00 : f32
    %sub3A_91 = vector.broadcast %sub3A_90 : f32 to vector<512x512xf32>
    %sub3A_92 = arith.subf %exp3A_89, %sub3A_91 : vector<512x512xf32>
    %mul3A_93 = arith.constant 1.67326319 : f32
    %mul3A_94 = vector.broadcast %mul3A_93 : f32 to vector<512x512xf32>
    %mul3A_95 = arith.mulf %mul3A_94, %sub3A_92 : vector<512x512xf32>
    %select_n3A_96 = arith.select %gt3A_88, %add3A_85, %mul3A_95 : vector<512x512xi1>, vector<512x512xf32>
    %mul3A_97 = arith.constant 1.05070102 : f32
    %mul3A_98 = vector.broadcast %mul3A_97 : f32 to vector<512x512xf32>
    %mul3A_99 = arith.mulf %mul3A_98, %select_n3A_96 : vector<512x512xf32>
    %get3A_100 = arith.constant 0 : index
    %get3A_101 = arith.constant 0 : index
    %get3A_102 = vector.load %arg15[%get3A_100, %get3A_101] : memref<512x256xf32, #tpu.memory_space<vmem>>, vector<512x256xf32>
    %dot_general3A_103 = arith.constant dense<0.000000e+00> : vector<512x256xf32>
    %dot_general3A_104 = tpu.matmul %mul3A_99, %get3A_102, %dot_general3A_103 {dimension_numbers = #tpu.dot_dimension_numbers<[1], [0], [0], [1], [0, 0, 1, 1], [], []>, transpose_lhs_hint = false} : vector<512x512xf32>, vector<512x256xf32>, vector<512x256xf32> -> vector<512x256xf32>
    %get3A_105 = arith.constant 0 : index
    %get3A_106 = arith.constant 0 : index
    %get3A_107 = vector.load %arg16[%get3A_105, %get3A_106] : memref<1x256xf32, #tpu.memory_space<vmem>>, vector<1x256xf32>
    %add3A_108 = vector.broadcast %get3A_107 : vector<1x256xf32> to vector<512x256xf32>
    %add3A_109 = arith.addf %dot_general3A_104, %add3A_108 : vector<512x256xf32>
    %get3A_110 = arith.constant 0 : index
    %get3A_111 = arith.constant 0 : index
    %get3A_112 = vector.load %arg21[%get3A_110, %get3A_111] : memref<256x192xf32, #tpu.memory_space<vmem>>, vector<256x192xf32>
    %dot_general3A_113 = arith.constant dense<0.000000e+00> : vector<512x192xf32>
    %dot_general3A_114 = tpu.matmul %add3A_109, %get3A_112, %dot_general3A_113 {dimension_numbers = #tpu.dot_dimension_numbers<[1], [0], [0], [1], [0, 0, 1, 1], [], []>, transpose_lhs_hint = false} : vector<512x256xf32>, vector<256x192xf32>, vector<512x192xf32> -> vector<512x192xf32>
    %get3A_115 = arith.constant 0 : index
    %get3A_116 = arith.constant 0 : index
    %get3A_117 = vector.load %arg22[%get3A_115, %get3A_116] : memref<1x192xf32, #tpu.memory_space<vmem>>, vector<1x192xf32>
    %add3A_118 = vector.broadcast %get3A_117 : vector<1x192xf32> to vector<512x192xf32>
    %add3A_119 = arith.addf %dot_general3A_114, %add3A_118 : vector<512x192xf32>
    %get3A_120 = arith.constant 0 : index
    %get3A_121 = arith.constant 0 : index
    %get3A_122 = vector.load %arg3[%get3A_120, %get3A_121] : memref<512x16xf32, #tpu.memory_space<vmem>>, vector<512x16xf32>
    %get3A_123 = arith.constant 0 : index
    %get3A_124 = arith.constant 0 : index
    %get3A_125 = vector.load %arg17[%get3A_123, %get3A_124] : memref<16x192xf32, #tpu.memory_space<vmem>>, vector<16x192xf32>
    %dot_general3A_126 = arith.constant dense<0.000000e+00> : vector<512x192xf32>
    %dot_general3A_127 = tpu.matmul %get3A_122, %get3A_125, %dot_general3A_126 {dimension_numbers = #tpu.dot_dimension_numbers<[1], [0], [0], [1], [0, 0, 1, 1], [], []>, transpose_lhs_hint = false} : vector<512x16xf32>, vector<16x192xf32>, vector<512x192xf32> -> vector<512x192xf32>
    %get3A_128 = arith.constant 0 : index
    %get3A_129 = arith.constant 0 : index
    %get3A_130 = vector.load %arg4[%get3A_128, %get3A_129] : memref<512x16xf32, #tpu.memory_space<vmem>>, vector<512x16xf32>
    %get3A_131 = arith.constant 0 : index
    %get3A_132 = arith.constant 0 : index
    %get3A_133 = vector.load %arg18[%get3A_131, %get3A_132] : memref<16x192xf32, #tpu.memory_space<vmem>>, vector<16x192xf32>
    %dot_general3A_134 = arith.constant dense<0.000000e+00> : vector<512x192xf32>
    %dot_general3A_135 = tpu.matmul %get3A_130, %get3A_133, %dot_general3A_134 {dimension_numbers = #tpu.dot_dimension_numbers<[1], [0], [0], [1], [0, 0, 1, 1], [], []>, transpose_lhs_hint = false} : vector<512x16xf32>, vector<16x192xf32>, vector<512x192xf32> -> vector<512x192xf32>
    %add3A_136 = arith.addf %dot_general3A_127, %dot_general3A_135 : vector<512x192xf32>
    %get3A_137 = arith.constant 0 : index
    %get3A_138 = arith.constant 0 : index
    %get3A_139 = vector.load %arg5[%get3A_137, %get3A_138] : memref<512x16xf32, #tpu.memory_space<vmem>>, vector<512x16xf32>
    %get3A_140 = arith.constant 0 : index
    %get3A_141 = arith.constant 0 : index
    %get3A_142 = vector.load %arg19[%get3A_140, %get3A_141] : memref<16x192xf32, #tpu.memory_space<vmem>>, vector<16x192xf32>
    %dot_general3A_143 = arith.constant dense<0.000000e+00> : vector<512x192xf32>
    %dot_general3A_144 = tpu.matmul %get3A_139, %get3A_142, %dot_general3A_143 {dimension_numbers = #tpu.dot_dimension_numbers<[1], [0], [0], [1], [0, 0, 1, 1], [], []>, transpose_lhs_hint = false} : vector<512x16xf32>, vector<16x192xf32>, vector<512x192xf32> -> vector<512x192xf32>
    %add3A_145 = arith.addf %add3A_136, %dot_general3A_144 : vector<512x192xf32>
    %add3A_146 = arith.addf %add3A_145, %add3A_119 : vector<512x192xf32>
    %gt3A_147 = arith.constant 0.000000e+00 : f32
    %gt3A_148 = vector.broadcast %gt3A_147 : f32 to vector<512x192xf32>
    %gt3A_149 = arith.cmpf ogt, %add3A_146, %gt3A_148 : vector<512x192xf32>
    %exp3A_150 = math.exp %add3A_146 : vector<512x192xf32>
    %sub3A_151 = arith.constant 1.000000e+00 : f32
    %sub3A_152 = vector.broadcast %sub3A_151 : f32 to vector<512x192xf32>
    %sub3A_153 = arith.subf %exp3A_150, %sub3A_152 : vector<512x192xf32>
    %mul3A_154 = arith.constant 1.67326319 : f32
    %mul3A_155 = vector.broadcast %mul3A_154 : f32 to vector<512x192xf32>
    %mul3A_156 = arith.mulf %mul3A_155, %sub3A_153 : vector<512x192xf32>
    %select_n3A_157 = arith.select %gt3A_149, %add3A_146, %mul3A_156 : vector<512x192xi1>, vector<512x192xf32>
    %mul3A_158 = arith.constant 1.05070102 : f32
    %mul3A_159 = vector.broadcast %mul3A_158 : f32 to vector<512x192xf32>
    %mul3A_160 = arith.mulf %mul3A_159, %select_n3A_157 : vector<512x192xf32>
    %get3A_161 = arith.constant 0 : index
    %get3A_162 = arith.constant 0 : index
    %get3A_163 = vector.load %arg23[%get3A_161, %get3A_162] : memref<192x192xf32, #tpu.memory_space<vmem>>, vector<192x192xf32>
    %dot_general3A_164 = arith.constant dense<0.000000e+00> : vector<512x192xf32>
    %dot_general3A_165 = tpu.matmul %mul3A_160, %get3A_163, %dot_general3A_164 {dimension_numbers = #tpu.dot_dimension_numbers<[1], [0], [0], [1], [0, 0, 1, 1], [], []>, transpose_lhs_hint = false} : vector<512x192xf32>, vector<192x192xf32>, vector<512x192xf32> -> vector<512x192xf32>
    %get3A_166 = arith.constant 0 : index
    %get3A_167 = arith.constant 0 : index
    %get3A_168 = vector.load %arg24[%get3A_166, %get3A_167] : memref<1x192xf32, #tpu.memory_space<vmem>>, vector<1x192xf32>
    %add3A_169 = vector.broadcast %get3A_168 : vector<1x192xf32> to vector<512x192xf32>
    %add3A_170 = arith.addf %dot_general3A_165, %add3A_169 : vector<512x192xf32>
    %gt3A_171 = arith.constant 0.000000e+00 : f32
    %gt3A_172 = vector.broadcast %gt3A_171 : f32 to vector<512x192xf32>
    %gt3A_173 = arith.cmpf ogt, %add3A_170, %gt3A_172 : vector<512x192xf32>
    %exp3A_174 = math.exp %add3A_170 : vector<512x192xf32>
    %sub3A_175 = arith.constant 1.000000e+00 : f32
    %sub3A_176 = vector.broadcast %sub3A_175 : f32 to vector<512x192xf32>
    %sub3A_177 = arith.subf %exp3A_174, %sub3A_176 : vector<512x192xf32>
    %mul3A_178 = arith.constant 1.67326319 : f32
    %mul3A_179 = vector.broadcast %mul3A_178 : f32 to vector<512x192xf32>
    %mul3A_180 = arith.mulf %mul3A_179, %sub3A_177 : vector<512x192xf32>
    %select_n3A_181 = arith.select %gt3A_173, %add3A_170, %mul3A_180 : vector<512x192xi1>, vector<512x192xf32>
    %mul3A_182 = arith.constant 1.05070102 : f32
    %mul3A_183 = vector.broadcast %mul3A_182 : f32 to vector<512x192xf32>
    %mul3A_184 = arith.mulf %mul3A_183, %select_n3A_181 : vector<512x192xf32>
    %get3A_185 = arith.constant 0 : index
    %get3A_186 = arith.constant 0 : index
    %get3A_187 = vector.load %arg25[%get3A_185, %get3A_186] : memref<192x192xf32, #tpu.memory_space<vmem>>, vector<192x192xf32>
    %dot_general3A_188 = arith.constant dense<0.000000e+00> : vector<512x192xf32>
    %dot_general3A_189 = tpu.matmul %mul3A_184, %get3A_187, %dot_general3A_188 {dimension_numbers = #tpu.dot_dimension_numbers<[1], [0], [0], [1], [0, 0, 1, 1], [], []>, transpose_lhs_hint = false} : vector<512x192xf32>, vector<192x192xf32>, vector<512x192xf32> -> vector<512x192xf32>
    %get3A_190 = arith.constant 0 : index
    %get3A_191 = arith.constant 0 : index
    %get3A_192 = vector.load %arg26[%get3A_190, %get3A_191] : memref<1x192xf32, #tpu.memory_space<vmem>>, vector<1x192xf32>
    %add3A_193 = vector.broadcast %get3A_192 : vector<1x192xf32> to vector<512x192xf32>
    %add3A_194 = arith.addf %dot_general3A_189, %add3A_193 : vector<512x192xf32>
    %gt3A_195 = arith.constant 0.000000e+00 : f32
    %gt3A_196 = vector.broadcast %gt3A_195 : f32 to vector<512x192xf32>
    %gt3A_197 = arith.cmpf ogt, %add3A_194, %gt3A_196 : vector<512x192xf32>
    %exp3A_198 = math.exp %add3A_194 : vector<512x192xf32>
    %sub3A_199 = arith.constant 1.000000e+00 : f32
    %sub3A_200 = vector.broadcast %sub3A_199 : f32 to vector<512x192xf32>
    %sub3A_201 = arith.subf %exp3A_198, %sub3A_200 : vector<512x192xf32>
    %mul3A_202 = arith.constant 1.67326319 : f32
    %mul3A_203 = vector.broadcast %mul3A_202 : f32 to vector<512x192xf32>
    %mul3A_204 = arith.mulf %mul3A_203, %sub3A_201 : vector<512x192xf32>
    %select_n3A_205 = arith.select %gt3A_197, %add3A_194, %mul3A_204 : vector<512x192xi1>, vector<512x192xf32>
    %mul3A_206 = arith.constant 1.05070102 : f32
    %mul3A_207 = vector.broadcast %mul3A_206 : f32 to vector<512x192xf32>
    %mul3A_208 = arith.mulf %mul3A_207, %select_n3A_205 : vector<512x192xf32>
    %get3A_209 = arith.constant 0 : index
    %get3A_210 = arith.constant 0 : index
    %get3A_211 = vector.load %arg27[%get3A_209, %get3A_210] : memref<192x128xf32, #tpu.memory_space<vmem>>, vector<192x128xf32>
    %dot_general3A_212 = arith.constant dense<0.000000e+00> : vector<512x128xf32>
    %dot_general3A_213 = tpu.matmul %mul3A_208, %get3A_211, %dot_general3A_212 {dimension_numbers = #tpu.dot_dimension_numbers<[1], [0], [0], [1], [0, 0, 1, 1], [], []>, transpose_lhs_hint = false} : vector<512x192xf32>, vector<192x128xf32>, vector<512x128xf32> -> vector<512x128xf32>
    %get3A_214 = arith.constant 0 : index
    %get3A_215 = arith.constant 0 : index
    %get3A_216 = vector.load %arg28[%get3A_214, %get3A_215] : memref<1x128xf32, #tpu.memory_space<vmem>>, vector<1x128xf32>
    %add3A_217 = vector.broadcast %get3A_216 : vector<1x128xf32> to vector<512x128xf32>
    %add3A_218 = arith.addf %dot_general3A_213, %add3A_217 : vector<512x128xf32>
    %gt3A_219 = arith.constant 0.000000e+00 : f32
    %gt3A_220 = vector.broadcast %gt3A_219 : f32 to vector<512x128xf32>
    %gt3A_221 = arith.cmpf ogt, %add3A_218, %gt3A_220 : vector<512x128xf32>
    %exp3A_222 = math.exp %add3A_218 : vector<512x128xf32>
    %sub3A_223 = arith.constant 1.000000e+00 : f32
    %sub3A_224 = vector.broadcast %sub3A_223 : f32 to vector<512x128xf32>
    %sub3A_225 = arith.subf %exp3A_222, %sub3A_224 : vector<512x128xf32>
    %mul3A_226 = arith.constant 1.67326319 : f32
    %mul3A_227 = vector.broadcast %mul3A_226 : f32 to vector<512x128xf32>
    %mul3A_228 = arith.mulf %mul3A_227, %sub3A_225 : vector<512x128xf32>
    %select_n3A_229 = arith.select %gt3A_221, %add3A_218, %mul3A_228 : vector<512x128xi1>, vector<512x128xf32>
    %mul3A_230 = arith.constant 1.05070102 : f32
    %mul3A_231 = vector.broadcast %mul3A_230 : f32 to vector<512x128xf32>
    %mul3A_232 = arith.mulf %mul3A_231, %select_n3A_229 : vector<512x128xf32>
    %get3A_233 = arith.constant 0 : index
    %get3A_234 = arith.constant 0 : index
    %get3A_235 = vector.load %arg29[%get3A_233, %get3A_234] : memref<128x48xf32, #tpu.memory_space<vmem>>, vector<128x48xf32>
    %dot_general3A_236 = arith.constant dense<0.000000e+00> : vector<512x48xf32>
    %dot_general3A_237 = tpu.matmul %mul3A_232, %get3A_235, %dot_general3A_236 {dimension_numbers = #tpu.dot_dimension_numbers<[1], [0], [0], [1], [0, 0, 1, 1], [], []>, transpose_lhs_hint = false} : vector<512x128xf32>, vector<128x48xf32>, vector<512x48xf32> -> vector<512x48xf32>
    %get3A_238 = arith.constant 0 : index
    %get3A_239 = arith.constant 0 : index
    %get3A_240 = vector.load %arg30[%get3A_238, %get3A_239] : memref<1x48xf32, #tpu.memory_space<vmem>>, vector<1x48xf32>
    %add3A_241 = vector.broadcast %get3A_240 : vector<1x48xf32> to vector<512x48xf32>
    %add3A_242 = arith.addf %dot_general3A_237, %add3A_241 : vector<512x48xf32>
    %get3A_243 = arith.constant 0 : index
    %get3A_244 = arith.constant 0 : index
    %get3A_245 = vector.load %arg20[%get3A_243, %get3A_244] : memref<48x192xf32, #tpu.memory_space<vmem>>, vector<48x192xf32>
    %dot_general3A_246 = arith.constant dense<0.000000e+00> : vector<512x192xf32>
    %dot_general3A_247 = tpu.matmul %add3A_242, %get3A_245, %dot_general3A_246 {dimension_numbers = #tpu.dot_dimension_numbers<[1], [0], [0], [1], [0, 0, 1, 1], [], []>, transpose_lhs_hint = false} : vector<512x48xf32>, vector<48x192xf32>, vector<512x192xf32> -> vector<512x192xf32>
    %add3A_248 = arith.addf %dot_general3A_247, %add3A_119 : vector<512x192xf32>
    %gt3A_249 = arith.constant 0.000000e+00 : f32
    %gt3A_250 = vector.broadcast %gt3A_249 : f32 to vector<512x192xf32>
    %gt3A_251 = arith.cmpf ogt, %add3A_248, %gt3A_250 : vector<512x192xf32>
    %exp3A_252 = math.exp %add3A_248 : vector<512x192xf32>
    %sub3A_253 = arith.constant 1.000000e+00 : f32
    %sub3A_254 = vector.broadcast %sub3A_253 : f32 to vector<512x192xf32>
    %sub3A_255 = arith.subf %exp3A_252, %sub3A_254 : vector<512x192xf32>
    %mul3A_256 = arith.constant 1.67326319 : f32
    %mul3A_257 = vector.broadcast %mul3A_256 : f32 to vector<512x192xf32>
    %mul3A_258 = arith.mulf %mul3A_257, %sub3A_255 : vector<512x192xf32>
    %select_n3A_259 = arith.select %gt3A_251, %add3A_248, %mul3A_258 : vector<512x192xi1>, vector<512x192xf32>
    %mul3A_260 = arith.constant 1.05070102 : f32
    %mul3A_261 = vector.broadcast %mul3A_260 : f32 to vector<512x192xf32>
    %mul3A_262 = arith.mulf %mul3A_261, %select_n3A_259 : vector<512x192xf32>
    %get3A_263 = arith.constant 0 : index
    %get3A_264 = arith.constant 0 : index
    %get3A_265 = vector.load %arg23[%get3A_263, %get3A_264] : memref<192x192xf32, #tpu.memory_space<vmem>>, vector<192x192xf32>
    %dot_general3A_266 = arith.constant dense<0.000000e+00> : vector<512x192xf32>
    %dot_general3A_267 = tpu.matmul %mul3A_262, %get3A_265, %dot_general3A_266 {dimension_numbers = #tpu.dot_dimension_numbers<[1], [0], [0], [1], [0, 0, 1, 1], [], []>, transpose_lhs_hint = false} : vector<512x192xf32>, vector<192x192xf32>, vector<512x192xf32> -> vector<512x192xf32>
    %get3A_268 = arith.constant 0 : index
    %get3A_269 = arith.constant 0 : index
    %get3A_270 = vector.load %arg24[%get3A_268, %get3A_269] : memref<1x192xf32, #tpu.memory_space<vmem>>, vector<1x192xf32>
    %add3A_271 = vector.broadcast %get3A_270 : vector<1x192xf32> to vector<512x192xf32>
    %add3A_272 = arith.addf %dot_general3A_267, %add3A_271 : vector<512x192xf32>
    %gt3A_273 = arith.constant 0.000000e+00 : f32
    %gt3A_274 = vector.broadcast %gt3A_273 : f32 to vector<512x192xf32>
    %gt3A_275 = arith.cmpf ogt, %add3A_272, %gt3A_274 : vector<512x192xf32>
    %exp3A_276 = math.exp %add3A_272 : vector<512x192xf32>
    %sub3A_277 = arith.constant 1.000000e+00 : f32
    %sub3A_278 = vector.broadcast %sub3A_277 : f32 to vector<512x192xf32>
    %sub3A_279 = arith.subf %exp3A_276, %sub3A_278 : vector<512x192xf32>
    %mul3A_280 = arith.constant 1.67326319 : f32
    %mul3A_281 = vector.broadcast %mul3A_280 : f32 to vector<512x192xf32>
    %mul3A_282 = arith.mulf %mul3A_281, %sub3A_279 : vector<512x192xf32>
    %select_n3A_283 = arith.select %gt3A_275, %add3A_272, %mul3A_282 : vector<512x192xi1>, vector<512x192xf32>
    %mul3A_284 = arith.constant 1.05070102 : f32
    %mul3A_285 = vector.broadcast %mul3A_284 : f32 to vector<512x192xf32>
    %mul3A_286 = arith.mulf %mul3A_285, %select_n3A_283 : vector<512x192xf32>
    %get3A_287 = arith.constant 0 : index
    %get3A_288 = arith.constant 0 : index
    %get3A_289 = vector.load %arg25[%get3A_287, %get3A_288] : memref<192x192xf32, #tpu.memory_space<vmem>>, vector<192x192xf32>
    %dot_general3A_290 = arith.constant dense<0.000000e+00> : vector<512x192xf32>
    %dot_general3A_291 = tpu.matmul %mul3A_286, %get3A_289, %dot_general3A_290 {dimension_numbers = #tpu.dot_dimension_numbers<[1], [0], [0], [1], [0, 0, 1, 1], [], []>, transpose_lhs_hint = false} : vector<512x192xf32>, vector<192x192xf32>, vector<512x192xf32> -> vector<512x192xf32>
    %get3A_292 = arith.constant 0 : index
    %get3A_293 = arith.constant 0 : index
    %get3A_294 = vector.load %arg26[%get3A_292, %get3A_293] : memref<1x192xf32, #tpu.memory_space<vmem>>, vector<1x192xf32>
    %add3A_295 = vector.broadcast %get3A_294 : vector<1x192xf32> to vector<512x192xf32>
    %add3A_296 = arith.addf %dot_general3A_291, %add3A_295 : vector<512x192xf32>
    %gt3A_297 = arith.constant 0.000000e+00 : f32
    %gt3A_298 = vector.broadcast %gt3A_297 : f32 to vector<512x192xf32>
    %gt3A_299 = arith.cmpf ogt, %add3A_296, %gt3A_298 : vector<512x192xf32>
    %exp3A_300 = math.exp %add3A_296 : vector<512x192xf32>
    %sub3A_301 = arith.constant 1.000000e+00 : f32
    %sub3A_302 = vector.broadcast %sub3A_301 : f32 to vector<512x192xf32>
    %sub3A_303 = arith.subf %exp3A_300, %sub3A_302 : vector<512x192xf32>
    %mul3A_304 = arith.constant 1.67326319 : f32
    %mul3A_305 = vector.broadcast %mul3A_304 : f32 to vector<512x192xf32>
    %mul3A_306 = arith.mulf %mul3A_305, %sub3A_303 : vector<512x192xf32>
    %select_n3A_307 = arith.select %gt3A_299, %add3A_296, %mul3A_306 : vector<512x192xi1>, vector<512x192xf32>
    %mul3A_308 = arith.constant 1.05070102 : f32
    %mul3A_309 = vector.broadcast %mul3A_308 : f32 to vector<512x192xf32>
    %mul3A_310 = arith.mulf %mul3A_309, %select_n3A_307 : vector<512x192xf32>
    %get3A_311 = arith.constant 0 : index
    %get3A_312 = arith.constant 0 : index
    %get3A_313 = vector.load %arg27[%get3A_311, %get3A_312] : memref<192x128xf32, #tpu.memory_space<vmem>>, vector<192x128xf32>
    %dot_general3A_314 = arith.constant dense<0.000000e+00> : vector<512x128xf32>
    %dot_general3A_315 = tpu.matmul %mul3A_310, %get3A_313, %dot_general3A_314 {dimension_numbers = #tpu.dot_dimension_numbers<[1], [0], [0], [1], [0, 0, 1, 1], [], []>, transpose_lhs_hint = false} : vector<512x192xf32>, vector<192x128xf32>, vector<512x128xf32> -> vector<512x128xf32>
    %get3A_316 = arith.constant 0 : index
    %get3A_317 = arith.constant 0 : index
    %get3A_318 = vector.load %arg28[%get3A_316, %get3A_317] : memref<1x128xf32, #tpu.memory_space<vmem>>, vector<1x128xf32>
    %add3A_319 = vector.broadcast %get3A_318 : vector<1x128xf32> to vector<512x128xf32>
    %add3A_320 = arith.addf %dot_general3A_315, %add3A_319 : vector<512x128xf32>
    %gt3A_321 = arith.constant 0.000000e+00 : f32
    %gt3A_322 = vector.broadcast %gt3A_321 : f32 to vector<512x128xf32>
    %gt3A_323 = arith.cmpf ogt, %add3A_320, %gt3A_322 : vector<512x128xf32>
    %exp3A_324 = math.exp %add3A_320 : vector<512x128xf32>
    %sub3A_325 = arith.constant 1.000000e+00 : f32
    %sub3A_326 = vector.broadcast %sub3A_325 : f32 to vector<512x128xf32>
    %sub3A_327 = arith.subf %exp3A_324, %sub3A_326 : vector<512x128xf32>
    %mul3A_328 = arith.constant 1.67326319 : f32
    %mul3A_329 = vector.broadcast %mul3A_328 : f32 to vector<512x128xf32>
    %mul3A_330 = arith.mulf %mul3A_329, %sub3A_327 : vector<512x128xf32>
    %select_n3A_331 = arith.select %gt3A_323, %add3A_320, %mul3A_330 : vector<512x128xi1>, vector<512x128xf32>
    %mul3A_332 = arith.constant 1.05070102 : f32
    %mul3A_333 = vector.broadcast %mul3A_332 : f32 to vector<512x128xf32>
    %mul3A_334 = arith.mulf %mul3A_333, %select_n3A_331 : vector<512x128xf32>
    %get3A_335 = arith.constant 0 : index
    %get3A_336 = arith.constant 0 : index
    %get3A_337 = vector.load %arg29[%get3A_335, %get3A_336] : memref<128x48xf32, #tpu.memory_space<vmem>>, vector<128x48xf32>
    %dot_general3A_338 = arith.constant dense<0.000000e+00> : vector<512x48xf32>
    %dot_general3A_339 = tpu.matmul %mul3A_334, %get3A_337, %dot_general3A_338 {dimension_numbers = #tpu.dot_dimension_numbers<[1], [0], [0], [1], [0, 0, 1, 1], [], []>, transpose_lhs_hint = false} : vector<512x128xf32>, vector<128x48xf32>, vector<512x48xf32> -> vector<512x48xf32>
    %get3A_340 = arith.constant 0 : index
    %get3A_341 = arith.constant 0 : index
    %get3A_342 = vector.load %arg30[%get3A_340, %get3A_341] : memref<1x48xf32, #tpu.memory_space<vmem>>, vector<1x48xf32>
    %add3A_343 = vector.broadcast %get3A_342 : vector<1x48xf32> to vector<512x48xf32>
    %add3A_344 = arith.addf %dot_general3A_339, %add3A_343 : vector<512x48xf32>
    %get3A_345 = arith.constant 0 : index
    %get3A_346 = arith.constant 0 : index
    %get3A_347 = vector.load %arg20[%get3A_345, %get3A_346] : memref<48x192xf32, #tpu.memory_space<vmem>>, vector<48x192xf32>
    %dot_general3A_348 = arith.constant dense<0.000000e+00> : vector<512x192xf32>
    %dot_general3A_349 = tpu.matmul %add3A_344, %get3A_347, %dot_general3A_348 {dimension_numbers = #tpu.dot_dimension_numbers<[1], [0], [0], [1], [0, 0, 1, 1], [], []>, transpose_lhs_hint = false} : vector<512x48xf32>, vector<48x192xf32>, vector<512x192xf32> -> vector<512x192xf32>
    %add3A_350 = arith.addf %dot_general3A_349, %add3A_119 : vector<512x192xf32>
    %gt3A_351 = arith.constant 0.000000e+00 : f32
    %gt3A_352 = vector.broadcast %gt3A_351 : f32 to vector<512x192xf32>
    %gt3A_353 = arith.cmpf ogt, %add3A_350, %gt3A_352 : vector<512x192xf32>
    %exp3A_354 = math.exp %add3A_350 : vector<512x192xf32>
    %sub3A_355 = arith.constant 1.000000e+00 : f32
    %sub3A_356 = vector.broadcast %sub3A_355 : f32 to vector<512x192xf32>
    %sub3A_357 = arith.subf %exp3A_354, %sub3A_356 : vector<512x192xf32>
    %mul3A_358 = arith.constant 1.67326319 : f32
    %mul3A_359 = vector.broadcast %mul3A_358 : f32 to vector<512x192xf32>
    %mul3A_360 = arith.mulf %mul3A_359, %sub3A_357 : vector<512x192xf32>
    %select_n3A_361 = arith.select %gt3A_353, %add3A_350, %mul3A_360 : vector<512x192xi1>, vector<512x192xf32>
    %mul3A_362 = arith.constant 1.05070102 : f32
    %mul3A_363 = vector.broadcast %mul3A_362 : f32 to vector<512x192xf32>
    %mul3A_364 = arith.mulf %mul3A_363, %select_n3A_361 : vector<512x192xf32>
    %get3A_365 = arith.constant 0 : index
    %get3A_366 = arith.constant 0 : index
    %get3A_367 = vector.load %arg23[%get3A_365, %get3A_366] : memref<192x192xf32, #tpu.memory_space<vmem>>, vector<192x192xf32>
    %dot_general3A_368 = arith.constant dense<0.000000e+00> : vector<512x192xf32>
    %dot_general3A_369 = tpu.matmul %mul3A_364, %get3A_367, %dot_general3A_368 {dimension_numbers = #tpu.dot_dimension_numbers<[1], [0], [0], [1], [0, 0, 1, 1], [], []>, transpose_lhs_hint = false} : vector<512x192xf32>, vector<192x192xf32>, vector<512x192xf32> -> vector<512x192xf32>
    %get3A_370 = arith.constant 0 : index
    %get3A_371 = arith.constant 0 : index
    %get3A_372 = vector.load %arg24[%get3A_370, %get3A_371] : memref<1x192xf32, #tpu.memory_space<vmem>>, vector<1x192xf32>
    %add3A_373 = vector.broadcast %get3A_372 : vector<1x192xf32> to vector<512x192xf32>
    %add3A_374 = arith.addf %dot_general3A_369, %add3A_373 : vector<512x192xf32>
    %gt3A_375 = arith.constant 0.000000e+00 : f32
    %gt3A_376 = vector.broadcast %gt3A_375 : f32 to vector<512x192xf32>
    %gt3A_377 = arith.cmpf ogt, %add3A_374, %gt3A_376 : vector<512x192xf32>
    %exp3A_378 = math.exp %add3A_374 : vector<512x192xf32>
    %sub3A_379 = arith.constant 1.000000e+00 : f32
    %sub3A_380 = vector.broadcast %sub3A_379 : f32 to vector<512x192xf32>
    %sub3A_381 = arith.subf %exp3A_378, %sub3A_380 : vector<512x192xf32>
    %mul3A_382 = arith.constant 1.67326319 : f32
    %mul3A_383 = vector.broadcast %mul3A_382 : f32 to vector<512x192xf32>
    %mul3A_384 = arith.mulf %mul3A_383, %sub3A_381 : vector<512x192xf32>
    %select_n3A_385 = arith.select %gt3A_377, %add3A_374, %mul3A_384 : vector<512x192xi1>, vector<512x192xf32>
    %mul3A_386 = arith.constant 1.05070102 : f32
    %mul3A_387 = vector.broadcast %mul3A_386 : f32 to vector<512x192xf32>
    %mul3A_388 = arith.mulf %mul3A_387, %select_n3A_385 : vector<512x192xf32>
    %get3A_389 = arith.constant 0 : index
    %get3A_390 = arith.constant 0 : index
    %get3A_391 = vector.load %arg25[%get3A_389, %get3A_390] : memref<192x192xf32, #tpu.memory_space<vmem>>, vector<192x192xf32>
    %dot_general3A_392 = arith.constant dense<0.000000e+00> : vector<512x192xf32>
    %dot_general3A_393 = tpu.matmul %mul3A_388, %get3A_391, %dot_general3A_392 {dimension_numbers = #tpu.dot_dimension_numbers<[1], [0], [0], [1], [0, 0, 1, 1], [], []>, transpose_lhs_hint = false} : vector<512x192xf32>, vector<192x192xf32>, vector<512x192xf32> -> vector<512x192xf32>
    %get3A_394 = arith.constant 0 : index
    %get3A_395 = arith.constant 0 : index
    %get3A_396 = vector.load %arg26[%get3A_394, %get3A_395] : memref<1x192xf32, #tpu.memory_space<vmem>>, vector<1x192xf32>
    %add3A_397 = vector.broadcast %get3A_396 : vector<1x192xf32> to vector<512x192xf32>
    %add3A_398 = arith.addf %dot_general3A_393, %add3A_397 : vector<512x192xf32>
    %gt3A_399 = arith.constant 0.000000e+00 : f32
    %gt3A_400 = vector.broadcast %gt3A_399 : f32 to vector<512x192xf32>
    %gt3A_401 = arith.cmpf ogt, %add3A_398, %gt3A_400 : vector<512x192xf32>
    %exp3A_402 = math.exp %add3A_398 : vector<512x192xf32>
    %sub3A_403 = arith.constant 1.000000e+00 : f32
    %sub3A_404 = vector.broadcast %sub3A_403 : f32 to vector<512x192xf32>
    %sub3A_405 = arith.subf %exp3A_402, %sub3A_404 : vector<512x192xf32>
    %mul3A_406 = arith.constant 1.67326319 : f32
    %mul3A_407 = vector.broadcast %mul3A_406 : f32 to vector<512x192xf32>
    %mul3A_408 = arith.mulf %mul3A_407, %sub3A_405 : vector<512x192xf32>
    %select_n3A_409 = arith.select %gt3A_401, %add3A_398, %mul3A_408 : vector<512x192xi1>, vector<512x192xf32>
    %mul3A_410 = arith.constant 1.05070102 : f32
    %mul3A_411 = vector.broadcast %mul3A_410 : f32 to vector<512x192xf32>
    %mul3A_412 = arith.mulf %mul3A_411, %select_n3A_409 : vector<512x192xf32>
    %get3A_413 = arith.constant 0 : index
    %get3A_414 = arith.constant 0 : index
    %get3A_415 = vector.load %arg27[%get3A_413, %get3A_414] : memref<192x128xf32, #tpu.memory_space<vmem>>, vector<192x128xf32>
    %dot_general3A_416 = arith.constant dense<0.000000e+00> : vector<512x128xf32>
    %dot_general3A_417 = tpu.matmul %mul3A_412, %get3A_415, %dot_general3A_416 {dimension_numbers = #tpu.dot_dimension_numbers<[1], [0], [0], [1], [0, 0, 1, 1], [], []>, transpose_lhs_hint = false} : vector<512x192xf32>, vector<192x128xf32>, vector<512x128xf32> -> vector<512x128xf32>
    %get3A_418 = arith.constant 0 : index
    %get3A_419 = arith.constant 0 : index
    %get3A_420 = vector.load %arg28[%get3A_418, %get3A_419] : memref<1x128xf32, #tpu.memory_space<vmem>>, vector<1x128xf32>
    %add3A_421 = vector.broadcast %get3A_420 : vector<1x128xf32> to vector<512x128xf32>
    %add3A_422 = arith.addf %dot_general3A_417, %add3A_421 : vector<512x128xf32>
    %gt3A_423 = arith.constant 0.000000e+00 : f32
    %gt3A_424 = vector.broadcast %gt3A_423 : f32 to vector<512x128xf32>
    %gt3A_425 = arith.cmpf ogt, %add3A_422, %gt3A_424 : vector<512x128xf32>
    %exp3A_426 = math.exp %add3A_422 : vector<512x128xf32>
    %sub3A_427 = arith.constant 1.000000e+00 : f32
    %sub3A_428 = vector.broadcast %sub3A_427 : f32 to vector<512x128xf32>
    %sub3A_429 = arith.subf %exp3A_426, %sub3A_428 : vector<512x128xf32>
    %mul3A_430 = arith.constant 1.67326319 : f32
    %mul3A_431 = vector.broadcast %mul3A_430 : f32 to vector<512x128xf32>
    %mul3A_432 = arith.mulf %mul3A_431, %sub3A_429 : vector<512x128xf32>
    %select_n3A_433 = arith.select %gt3A_425, %add3A_422, %mul3A_432 : vector<512x128xi1>, vector<512x128xf32>
    %mul3A_434 = arith.constant 1.05070102 : f32
    %mul3A_435 = vector.broadcast %mul3A_434 : f32 to vector<512x128xf32>
    %mul3A_436 = arith.mulf %mul3A_435, %select_n3A_433 : vector<512x128xf32>
    %get3A_437 = arith.constant 0 : index
    %get3A_438 = arith.constant 0 : index
    %get3A_439 = vector.load %arg29[%get3A_437, %get3A_438] : memref<128x48xf32, #tpu.memory_space<vmem>>, vector<128x48xf32>
    %dot_general3A_440 = arith.constant dense<0.000000e+00> : vector<512x48xf32>
    %dot_general3A_441 = tpu.matmul %mul3A_436, %get3A_439, %dot_general3A_440 {dimension_numbers = #tpu.dot_dimension_numbers<[1], [0], [0], [1], [0, 0, 1, 1], [], []>, transpose_lhs_hint = false} : vector<512x128xf32>, vector<128x48xf32>, vector<512x48xf32> -> vector<512x48xf32>
    %get3A_442 = arith.constant 0 : index
    %get3A_443 = arith.constant 0 : index
    %get3A_444 = vector.load %arg30[%get3A_442, %get3A_443] : memref<1x48xf32, #tpu.memory_space<vmem>>, vector<1x48xf32>
    %add3A_445 = vector.broadcast %get3A_444 : vector<1x48xf32> to vector<512x48xf32>
    %add3A_446 = arith.addf %dot_general3A_441, %add3A_445 : vector<512x48xf32>
    %get3A_447 = arith.constant 0 : index
    %get3A_448 = arith.constant 0 : index
    %get3A_449 = vector.load %arg20[%get3A_447, %get3A_448] : memref<48x192xf32, #tpu.memory_space<vmem>>, vector<48x192xf32>
    %dot_general3A_450 = arith.constant dense<0.000000e+00> : vector<512x192xf32>
    %dot_general3A_451 = tpu.matmul %add3A_446, %get3A_449, %dot_general3A_450 {dimension_numbers = #tpu.dot_dimension_numbers<[1], [0], [0], [1], [0, 0, 1, 1], [], []>, transpose_lhs_hint = false} : vector<512x48xf32>, vector<48x192xf32>, vector<512x192xf32> -> vector<512x192xf32>
    %add3A_452 = arith.addf %dot_general3A_451, %add3A_119 : vector<512x192xf32>
    %gt3A_453 = arith.constant 0.000000e+00 : f32
    %gt3A_454 = vector.broadcast %gt3A_453 : f32 to vector<512x192xf32>
    %gt3A_455 = arith.cmpf ogt, %add3A_452, %gt3A_454 : vector<512x192xf32>
    %exp3A_456 = math.exp %add3A_452 : vector<512x192xf32>
    %sub3A_457 = arith.constant 1.000000e+00 : f32
    %sub3A_458 = vector.broadcast %sub3A_457 : f32 to vector<512x192xf32>
    %sub3A_459 = arith.subf %exp3A_456, %sub3A_458 : vector<512x192xf32>
    %mul3A_460 = arith.constant 1.67326319 : f32
    %mul3A_461 = vector.broadcast %mul3A_460 : f32 to vector<512x192xf32>
    %mul3A_462 = arith.mulf %mul3A_461, %sub3A_459 : vector<512x192xf32>
    %select_n3A_463 = arith.select %gt3A_455, %add3A_452, %mul3A_462 : vector<512x192xi1>, vector<512x192xf32>
    %mul3A_464 = arith.constant 1.05070102 : f32
    %mul3A_465 = vector.broadcast %mul3A_464 : f32 to vector<512x192xf32>
    %mul3A_466 = arith.mulf %mul3A_465, %select_n3A_463 : vector<512x192xf32>
    %get3A_467 = arith.constant 0 : index
    %get3A_468 = arith.constant 0 : index
    %get3A_469 = vector.load %arg23[%get3A_467, %get3A_468] : memref<192x192xf32, #tpu.memory_space<vmem>>, vector<192x192xf32>
    %dot_general3A_470 = arith.constant dense<0.000000e+00> : vector<512x192xf32>
    %dot_general3A_471 = tpu.matmul %mul3A_466, %get3A_469, %dot_general3A_470 {dimension_numbers = #tpu.dot_dimension_numbers<[1], [0], [0], [1], [0, 0, 1, 1], [], []>, transpose_lhs_hint = false} : vector<512x192xf32>, vector<192x192xf32>, vector<512x192xf32> -> vector<512x192xf32>
    %get3A_472 = arith.constant 0 : index
    %get3A_473 = arith.constant 0 : index
    %get3A_474 = vector.load %arg24[%get3A_472, %get3A_473] : memref<1x192xf32, #tpu.memory_space<vmem>>, vector<1x192xf32>
    %add3A_475 = vector.broadcast %get3A_474 : vector<1x192xf32> to vector<512x192xf32>
    %add3A_476 = arith.addf %dot_general3A_471, %add3A_475 : vector<512x192xf32>
    %gt3A_477 = arith.constant 0.000000e+00 : f32
    %gt3A_478 = vector.broadcast %gt3A_477 : f32 to vector<512x192xf32>
    %gt3A_479 = arith.cmpf ogt, %add3A_476, %gt3A_478 : vector<512x192xf32>
    %exp3A_480 = math.exp %add3A_476 : vector<512x192xf32>
    %sub3A_481 = arith.constant 1.000000e+00 : f32
    %sub3A_482 = vector.broadcast %sub3A_481 : f32 to vector<512x192xf32>
    %sub3A_483 = arith.subf %exp3A_480, %sub3A_482 : vector<512x192xf32>
    %mul3A_484 = arith.constant 1.67326319 : f32
    %mul3A_485 = vector.broadcast %mul3A_484 : f32 to vector<512x192xf32>
    %mul3A_486 = arith.mulf %mul3A_485, %sub3A_483 : vector<512x192xf32>
    %select_n3A_487 = arith.select %gt3A_479, %add3A_476, %mul3A_486 : vector<512x192xi1>, vector<512x192xf32>
    %mul3A_488 = arith.constant 1.05070102 : f32
    %mul3A_489 = vector.broadcast %mul3A_488 : f32 to vector<512x192xf32>
    %mul3A_490 = arith.mulf %mul3A_489, %select_n3A_487 : vector<512x192xf32>
    %get3A_491 = arith.constant 0 : index
    %get3A_492 = arith.constant 0 : index
    %get3A_493 = vector.load %arg25[%get3A_491, %get3A_492] : memref<192x192xf32, #tpu.memory_space<vmem>>, vector<192x192xf32>
    %dot_general3A_494 = arith.constant dense<0.000000e+00> : vector<512x192xf32>
    %dot_general3A_495 = tpu.matmul %mul3A_490, %get3A_493, %dot_general3A_494 {dimension_numbers = #tpu.dot_dimension_numbers<[1], [0], [0], [1], [0, 0, 1, 1], [], []>, transpose_lhs_hint = false} : vector<512x192xf32>, vector<192x192xf32>, vector<512x192xf32> -> vector<512x192xf32>
    %get3A_496 = arith.constant 0 : index
    %get3A_497 = arith.constant 0 : index
    %get3A_498 = vector.load %arg26[%get3A_496, %get3A_497] : memref<1x192xf32, #tpu.memory_space<vmem>>, vector<1x192xf32>
    %add3A_499 = vector.broadcast %get3A_498 : vector<1x192xf32> to vector<512x192xf32>
    %add3A_500 = arith.addf %dot_general3A_495, %add3A_499 : vector<512x192xf32>
    %gt3A_501 = arith.constant 0.000000e+00 : f32
    %gt3A_502 = vector.broadcast %gt3A_501 : f32 to vector<512x192xf32>
    %gt3A_503 = arith.cmpf ogt, %add3A_500, %gt3A_502 : vector<512x192xf32>
    %exp3A_504 = math.exp %add3A_500 : vector<512x192xf32>
    %sub3A_505 = arith.constant 1.000000e+00 : f32
    %sub3A_506 = vector.broadcast %sub3A_505 : f32 to vector<512x192xf32>
    %sub3A_507 = arith.subf %exp3A_504, %sub3A_506 : vector<512x192xf32>
    %mul3A_508 = arith.constant 1.67326319 : f32
    %mul3A_509 = vector.broadcast %mul3A_508 : f32 to vector<512x192xf32>
    %mul3A_510 = arith.mulf %mul3A_509, %sub3A_507 : vector<512x192xf32>
    %select_n3A_511 = arith.select %gt3A_503, %add3A_500, %mul3A_510 : vector<512x192xi1>, vector<512x192xf32>
    %mul3A_512 = arith.constant 1.05070102 : f32
    %mul3A_513 = vector.broadcast %mul3A_512 : f32 to vector<512x192xf32>
    %mul3A_514 = arith.mulf %mul3A_513, %select_n3A_511 : vector<512x192xf32>
    %get3A_515 = arith.constant 0 : index
    %get3A_516 = arith.constant 0 : index
    %get3A_517 = vector.load %arg27[%get3A_515, %get3A_516] : memref<192x128xf32, #tpu.memory_space<vmem>>, vector<192x128xf32>
    %dot_general3A_518 = arith.constant dense<0.000000e+00> : vector<512x128xf32>
    %dot_general3A_519 = tpu.matmul %mul3A_514, %get3A_517, %dot_general3A_518 {dimension_numbers = #tpu.dot_dimension_numbers<[1], [0], [0], [1], [0, 0, 1, 1], [], []>, transpose_lhs_hint = false} : vector<512x192xf32>, vector<192x128xf32>, vector<512x128xf32> -> vector<512x128xf32>
    %get3A_520 = arith.constant 0 : index
    %get3A_521 = arith.constant 0 : index
    %get3A_522 = vector.load %arg28[%get3A_520, %get3A_521] : memref<1x128xf32, #tpu.memory_space<vmem>>, vector<1x128xf32>
    %add3A_523 = vector.broadcast %get3A_522 : vector<1x128xf32> to vector<512x128xf32>
    %add3A_524 = arith.addf %dot_general3A_519, %add3A_523 : vector<512x128xf32>
    %gt3A_525 = arith.constant 0.000000e+00 : f32
    %gt3A_526 = vector.broadcast %gt3A_525 : f32 to vector<512x128xf32>
    %gt3A_527 = arith.cmpf ogt, %add3A_524, %gt3A_526 : vector<512x128xf32>
    %exp3A_528 = math.exp %add3A_524 : vector<512x128xf32>
    %sub3A_529 = arith.constant 1.000000e+00 : f32
    %sub3A_530 = vector.broadcast %sub3A_529 : f32 to vector<512x128xf32>
    %sub3A_531 = arith.subf %exp3A_528, %sub3A_530 : vector<512x128xf32>
    %mul3A_532 = arith.constant 1.67326319 : f32
    %mul3A_533 = vector.broadcast %mul3A_532 : f32 to vector<512x128xf32>
    %mul3A_534 = arith.mulf %mul3A_533, %sub3A_531 : vector<512x128xf32>
    %select_n3A_535 = arith.select %gt3A_527, %add3A_524, %mul3A_534 : vector<512x128xi1>, vector<512x128xf32>
    %mul3A_536 = arith.constant 1.05070102 : f32
    %mul3A_537 = vector.broadcast %mul3A_536 : f32 to vector<512x128xf32>
    %mul3A_538 = arith.mulf %mul3A_537, %select_n3A_535 : vector<512x128xf32>
    %get3A_539 = arith.constant 0 : index
    %get3A_540 = arith.constant 0 : index
    %get3A_541 = vector.load %arg29[%get3A_539, %get3A_540] : memref<128x48xf32, #tpu.memory_space<vmem>>, vector<128x48xf32>
    %dot_general3A_542 = arith.constant dense<0.000000e+00> : vector<512x48xf32>
    %dot_general3A_543 = tpu.matmul %mul3A_538, %get3A_541, %dot_general3A_542 {dimension_numbers = #tpu.dot_dimension_numbers<[1], [0], [0], [1], [0, 0, 1, 1], [], []>, transpose_lhs_hint = false} : vector<512x128xf32>, vector<128x48xf32>, vector<512x48xf32> -> vector<512x48xf32>
    %get3A_544 = arith.constant 0 : index
    %get3A_545 = arith.constant 0 : index
    %get3A_546 = vector.load %arg30[%get3A_544, %get3A_545] : memref<1x48xf32, #tpu.memory_space<vmem>>, vector<1x48xf32>
    %add3A_547 = vector.broadcast %get3A_546 : vector<1x48xf32> to vector<512x48xf32>
    %add3A_548 = arith.addf %dot_general3A_543, %add3A_547 : vector<512x48xf32>
    %get3A_549 = arith.constant 0 : index
    %get3A_550 = arith.constant 0 : index
    %get3A_551 = vector.load %arg20[%get3A_549, %get3A_550] : memref<48x192xf32, #tpu.memory_space<vmem>>, vector<48x192xf32>
    %dot_general3A_552 = arith.constant dense<0.000000e+00> : vector<512x192xf32>
    %dot_general3A_553 = tpu.matmul %add3A_548, %get3A_551, %dot_general3A_552 {dimension_numbers = #tpu.dot_dimension_numbers<[1], [0], [0], [1], [0, 0, 1, 1], [], []>, transpose_lhs_hint = false} : vector<512x48xf32>, vector<48x192xf32>, vector<512x192xf32> -> vector<512x192xf32>
    %add3A_554 = arith.addf %dot_general3A_553, %add3A_119 : vector<512x192xf32>
    %gt3A_555 = arith.constant 0.000000e+00 : f32
    %gt3A_556 = vector.broadcast %gt3A_555 : f32 to vector<512x192xf32>
    %gt3A_557 = arith.cmpf ogt, %add3A_554, %gt3A_556 : vector<512x192xf32>
    %exp3A_558 = math.exp %add3A_554 : vector<512x192xf32>
    %sub3A_559 = arith.constant 1.000000e+00 : f32
    %sub3A_560 = vector.broadcast %sub3A_559 : f32 to vector<512x192xf32>
    %sub3A_561 = arith.subf %exp3A_558, %sub3A_560 : vector<512x192xf32>
    %mul3A_562 = arith.constant 1.67326319 : f32
    %mul3A_563 = vector.broadcast %mul3A_562 : f32 to vector<512x192xf32>
    %mul3A_564 = arith.mulf %mul3A_563, %sub3A_561 : vector<512x192xf32>
    %select_n3A_565 = arith.select %gt3A_557, %add3A_554, %mul3A_564 : vector<512x192xi1>, vector<512x192xf32>
    %mul3A_566 = arith.constant 1.05070102 : f32
    %mul3A_567 = vector.broadcast %mul3A_566 : f32 to vector<512x192xf32>
    %mul3A_568 = arith.mulf %mul3A_567, %select_n3A_565 : vector<512x192xf32>
    %get3A_569 = arith.constant 0 : index
    %get3A_570 = arith.constant 0 : index
    %get3A_571 = vector.load %arg23[%get3A_569, %get3A_570] : memref<192x192xf32, #tpu.memory_space<vmem>>, vector<192x192xf32>
    %dot_general3A_572 = arith.constant dense<0.000000e+00> : vector<512x192xf32>
    %dot_general3A_573 = tpu.matmul %mul3A_568, %get3A_571, %dot_general3A_572 {dimension_numbers = #tpu.dot_dimension_numbers<[1], [0], [0], [1], [0, 0, 1, 1], [], []>, transpose_lhs_hint = false} : vector<512x192xf32>, vector<192x192xf32>, vector<512x192xf32> -> vector<512x192xf32>
    %get3A_574 = arith.constant 0 : index
    %get3A_575 = arith.constant 0 : index
    %get3A_576 = vector.load %arg24[%get3A_574, %get3A_575] : memref<1x192xf32, #tpu.memory_space<vmem>>, vector<1x192xf32>
    %add3A_577 = vector.broadcast %get3A_576 : vector<1x192xf32> to vector<512x192xf32>
    %add3A_578 = arith.addf %dot_general3A_573, %add3A_577 : vector<512x192xf32>
    %gt3A_579 = arith.constant 0.000000e+00 : f32
    %gt3A_580 = vector.broadcast %gt3A_579 : f32 to vector<512x192xf32>
    %gt3A_581 = arith.cmpf ogt, %add3A_578, %gt3A_580 : vector<512x192xf32>
    %exp3A_582 = math.exp %add3A_578 : vector<512x192xf32>
    %sub3A_583 = arith.constant 1.000000e+00 : f32
    %sub3A_584 = vector.broadcast %sub3A_583 : f32 to vector<512x192xf32>
    %sub3A_585 = arith.subf %exp3A_582, %sub3A_584 : vector<512x192xf32>
    %mul3A_586 = arith.constant 1.67326319 : f32
    %mul3A_587 = vector.broadcast %mul3A_586 : f32 to vector<512x192xf32>
    %mul3A_588 = arith.mulf %mul3A_587, %sub3A_585 : vector<512x192xf32>
    %select_n3A_589 = arith.select %gt3A_581, %add3A_578, %mul3A_588 : vector<512x192xi1>, vector<512x192xf32>
    %mul3A_590 = arith.constant 1.05070102 : f32
    %mul3A_591 = vector.broadcast %mul3A_590 : f32 to vector<512x192xf32>
    %mul3A_592 = arith.mulf %mul3A_591, %select_n3A_589 : vector<512x192xf32>
    %get3A_593 = arith.constant 0 : index
    %get3A_594 = arith.constant 0 : index
    %get3A_595 = vector.load %arg25[%get3A_593, %get3A_594] : memref<192x192xf32, #tpu.memory_space<vmem>>, vector<192x192xf32>
    %dot_general3A_596 = arith.constant dense<0.000000e+00> : vector<512x192xf32>
    %dot_general3A_597 = tpu.matmul %mul3A_592, %get3A_595, %dot_general3A_596 {dimension_numbers = #tpu.dot_dimension_numbers<[1], [0], [0], [1], [0, 0, 1, 1], [], []>, transpose_lhs_hint = false} : vector<512x192xf32>, vector<192x192xf32>, vector<512x192xf32> -> vector<512x192xf32>
    %get3A_598 = arith.constant 0 : index
    %get3A_599 = arith.constant 0 : index
    %get3A_600 = vector.load %arg26[%get3A_598, %get3A_599] : memref<1x192xf32, #tpu.memory_space<vmem>>, vector<1x192xf32>
    %add3A_601 = vector.broadcast %get3A_600 : vector<1x192xf32> to vector<512x192xf32>
    %add3A_602 = arith.addf %dot_general3A_597, %add3A_601 : vector<512x192xf32>
    %gt3A_603 = arith.constant 0.000000e+00 : f32
    %gt3A_604 = vector.broadcast %gt3A_603 : f32 to vector<512x192xf32>
    %gt3A_605 = arith.cmpf ogt, %add3A_602, %gt3A_604 : vector<512x192xf32>
    %exp3A_606 = math.exp %add3A_602 : vector<512x192xf32>
    %sub3A_607 = arith.constant 1.000000e+00 : f32
    %sub3A_608 = vector.broadcast %sub3A_607 : f32 to vector<512x192xf32>
    %sub3A_609 = arith.subf %exp3A_606, %sub3A_608 : vector<512x192xf32>
    %mul3A_610 = arith.constant 1.67326319 : f32
    %mul3A_611 = vector.broadcast %mul3A_610 : f32 to vector<512x192xf32>
    %mul3A_612 = arith.mulf %mul3A_611, %sub3A_609 : vector<512x192xf32>
    %select_n3A_613 = arith.select %gt3A_605, %add3A_602, %mul3A_612 : vector<512x192xi1>, vector<512x192xf32>
    %mul3A_614 = arith.constant 1.05070102 : f32
    %mul3A_615 = vector.broadcast %mul3A_614 : f32 to vector<512x192xf32>
    %mul3A_616 = arith.mulf %mul3A_615, %select_n3A_613 : vector<512x192xf32>
    %get3A_617 = arith.constant 0 : index
    %get3A_618 = arith.constant 0 : index
    %get3A_619 = vector.load %arg27[%get3A_617, %get3A_618] : memref<192x128xf32, #tpu.memory_space<vmem>>, vector<192x128xf32>
    %dot_general3A_620 = arith.constant dense<0.000000e+00> : vector<512x128xf32>
    %dot_general3A_621 = tpu.matmul %mul3A_616, %get3A_619, %dot_general3A_620 {dimension_numbers = #tpu.dot_dimension_numbers<[1], [0], [0], [1], [0, 0, 1, 1], [], []>, transpose_lhs_hint = false} : vector<512x192xf32>, vector<192x128xf32>, vector<512x128xf32> -> vector<512x128xf32>
    %get3A_622 = arith.constant 0 : index
    %get3A_623 = arith.constant 0 : index
    %get3A_624 = vector.load %arg28[%get3A_622, %get3A_623] : memref<1x128xf32, #tpu.memory_space<vmem>>, vector<1x128xf32>
    %add3A_625 = vector.broadcast %get3A_624 : vector<1x128xf32> to vector<512x128xf32>
    %add3A_626 = arith.addf %dot_general3A_621, %add3A_625 : vector<512x128xf32>
    %gt3A_627 = arith.constant 0.000000e+00 : f32
    %gt3A_628 = vector.broadcast %gt3A_627 : f32 to vector<512x128xf32>
    %gt3A_629 = arith.cmpf ogt, %add3A_626, %gt3A_628 : vector<512x128xf32>
    %exp3A_630 = math.exp %add3A_626 : vector<512x128xf32>
    %sub3A_631 = arith.constant 1.000000e+00 : f32
    %sub3A_632 = vector.broadcast %sub3A_631 : f32 to vector<512x128xf32>
    %sub3A_633 = arith.subf %exp3A_630, %sub3A_632 : vector<512x128xf32>
    %mul3A_634 = arith.constant 1.67326319 : f32
    %mul3A_635 = vector.broadcast %mul3A_634 : f32 to vector<512x128xf32>
    %mul3A_636 = arith.mulf %mul3A_635, %sub3A_633 : vector<512x128xf32>
    %select_n3A_637 = arith.select %gt3A_629, %add3A_626, %mul3A_636 : vector<512x128xi1>, vector<512x128xf32>
    %mul3A_638 = arith.constant 1.05070102 : f32
    %mul3A_639 = vector.broadcast %mul3A_638 : f32 to vector<512x128xf32>
    %mul3A_640 = arith.mulf %mul3A_639, %select_n3A_637 : vector<512x128xf32>
    %get3A_641 = arith.constant 0 : index
    %get3A_642 = arith.constant 0 : index
    %get3A_643 = vector.load %arg29[%get3A_641, %get3A_642] : memref<128x48xf32, #tpu.memory_space<vmem>>, vector<128x48xf32>
    %dot_general3A_644 = arith.constant dense<0.000000e+00> : vector<512x48xf32>
    %dot_general3A_645 = tpu.matmul %mul3A_640, %get3A_643, %dot_general3A_644 {dimension_numbers = #tpu.dot_dimension_numbers<[1], [0], [0], [1], [0, 0, 1, 1], [], []>, transpose_lhs_hint = false} : vector<512x128xf32>, vector<128x48xf32>, vector<512x48xf32> -> vector<512x48xf32>
    %get3A_646 = arith.constant 0 : index
    %get3A_647 = arith.constant 0 : index
    %get3A_648 = vector.load %arg30[%get3A_646, %get3A_647] : memref<1x48xf32, #tpu.memory_space<vmem>>, vector<1x48xf32>
    %add3A_649 = vector.broadcast %get3A_648 : vector<1x48xf32> to vector<512x48xf32>
    %add3A_650 = arith.addf %dot_general3A_645, %add3A_649 : vector<512x48xf32>
    %get3A_651 = arith.constant 0 : index
    %get3A_652 = arith.constant 0 : index
    %get3A_653 = vector.load %arg20[%get3A_651, %get3A_652] : memref<48x192xf32, #tpu.memory_space<vmem>>, vector<48x192xf32>
    %dot_general3A_654 = arith.constant dense<0.000000e+00> : vector<512x192xf32>
    %dot_general3A_655 = tpu.matmul %add3A_650, %get3A_653, %dot_general3A_654 {dimension_numbers = #tpu.dot_dimension_numbers<[1], [0], [0], [1], [0, 0, 1, 1], [], []>, transpose_lhs_hint = false} : vector<512x48xf32>, vector<48x192xf32>, vector<512x192xf32> -> vector<512x192xf32>
    %add3A_656 = arith.addf %dot_general3A_655, %add3A_119 : vector<512x192xf32>
    %gt3A_657 = arith.constant 0.000000e+00 : f32
    %gt3A_658 = vector.broadcast %gt3A_657 : f32 to vector<512x192xf32>
    %gt3A_659 = arith.cmpf ogt, %add3A_656, %gt3A_658 : vector<512x192xf32>
    %exp3A_660 = math.exp %add3A_656 : vector<512x192xf32>
    %sub3A_661 = arith.constant 1.000000e+00 : f32
    %sub3A_662 = vector.broadcast %sub3A_661 : f32 to vector<512x192xf32>
    %sub3A_663 = arith.subf %exp3A_660, %sub3A_662 : vector<512x192xf32>
    %mul3A_664 = arith.constant 1.67326319 : f32
    %mul3A_665 = vector.broadcast %mul3A_664 : f32 to vector<512x192xf32>
    %mul3A_666 = arith.mulf %mul3A_665, %sub3A_663 : vector<512x192xf32>
    %select_n3A_667 = arith.select %gt3A_659, %add3A_656, %mul3A_666 : vector<512x192xi1>, vector<512x192xf32>
    %mul3A_668 = arith.constant 1.05070102 : f32
    %mul3A_669 = vector.broadcast %mul3A_668 : f32 to vector<512x192xf32>
    %mul3A_670 = arith.mulf %mul3A_669, %select_n3A_667 : vector<512x192xf32>
    %get3A_671 = arith.constant 0 : index
    %get3A_672 = arith.constant 0 : index
    %get3A_673 = vector.load %arg23[%get3A_671, %get3A_672] : memref<192x192xf32, #tpu.memory_space<vmem>>, vector<192x192xf32>
    %dot_general3A_674 = arith.constant dense<0.000000e+00> : vector<512x192xf32>
    %dot_general3A_675 = tpu.matmul %mul3A_670, %get3A_673, %dot_general3A_674 {dimension_numbers = #tpu.dot_dimension_numbers<[1], [0], [0], [1], [0, 0, 1, 1], [], []>, transpose_lhs_hint = false} : vector<512x192xf32>, vector<192x192xf32>, vector<512x192xf32> -> vector<512x192xf32>
    %get3A_676 = arith.constant 0 : index
    %get3A_677 = arith.constant 0 : index
    %get3A_678 = vector.load %arg24[%get3A_676, %get3A_677] : memref<1x192xf32, #tpu.memory_space<vmem>>, vector<1x192xf32>
    %add3A_679 = vector.broadcast %get3A_678 : vector<1x192xf32> to vector<512x192xf32>
    %add3A_680 = arith.addf %dot_general3A_675, %add3A_679 : vector<512x192xf32>
    %gt3A_681 = arith.constant 0.000000e+00 : f32
    %gt3A_682 = vector.broadcast %gt3A_681 : f32 to vector<512x192xf32>
    %gt3A_683 = arith.cmpf ogt, %add3A_680, %gt3A_682 : vector<512x192xf32>
    %exp3A_684 = math.exp %add3A_680 : vector<512x192xf32>
    %sub3A_685 = arith.constant 1.000000e+00 : f32
    %sub3A_686 = vector.broadcast %sub3A_685 : f32 to vector<512x192xf32>
    %sub3A_687 = arith.subf %exp3A_684, %sub3A_686 : vector<512x192xf32>
    %mul3A_688 = arith.constant 1.67326319 : f32
    %mul3A_689 = vector.broadcast %mul3A_688 : f32 to vector<512x192xf32>
    %mul3A_690 = arith.mulf %mul3A_689, %sub3A_687 : vector<512x192xf32>
    %select_n3A_691 = arith.select %gt3A_683, %add3A_680, %mul3A_690 : vector<512x192xi1>, vector<512x192xf32>
    %mul3A_692 = arith.constant 1.05070102 : f32
    %mul3A_693 = vector.broadcast %mul3A_692 : f32 to vector<512x192xf32>
    %mul3A_694 = arith.mulf %mul3A_693, %select_n3A_691 : vector<512x192xf32>
    %get3A_695 = arith.constant 0 : index
    %get3A_696 = arith.constant 0 : index
    %get3A_697 = vector.load %arg25[%get3A_695, %get3A_696] : memref<192x192xf32, #tpu.memory_space<vmem>>, vector<192x192xf32>
    %dot_general3A_698 = arith.constant dense<0.000000e+00> : vector<512x192xf32>
    %dot_general3A_699 = tpu.matmul %mul3A_694, %get3A_697, %dot_general3A_698 {dimension_numbers = #tpu.dot_dimension_numbers<[1], [0], [0], [1], [0, 0, 1, 1], [], []>, transpose_lhs_hint = false} : vector<512x192xf32>, vector<192x192xf32>, vector<512x192xf32> -> vector<512x192xf32>
    %get3A_700 = arith.constant 0 : index
    %get3A_701 = arith.constant 0 : index
    %get3A_702 = vector.load %arg26[%get3A_700, %get3A_701] : memref<1x192xf32, #tpu.memory_space<vmem>>, vector<1x192xf32>
    %add3A_703 = vector.broadcast %get3A_702 : vector<1x192xf32> to vector<512x192xf32>
    %add3A_704 = arith.addf %dot_general3A_699, %add3A_703 : vector<512x192xf32>
    %gt3A_705 = arith.constant 0.000000e+00 : f32
    %gt3A_706 = vector.broadcast %gt3A_705 : f32 to vector<512x192xf32>
    %gt3A_707 = arith.cmpf ogt, %add3A_704, %gt3A_706 : vector<512x192xf32>
    %exp3A_708 = math.exp %add3A_704 : vector<512x192xf32>
    %sub3A_709 = arith.constant 1.000000e+00 : f32
    %sub3A_710 = vector.broadcast %sub3A_709 : f32 to vector<512x192xf32>
    %sub3A_711 = arith.subf %exp3A_708, %sub3A_710 : vector<512x192xf32>
    %mul3A_712 = arith.constant 1.67326319 : f32
    %mul3A_713 = vector.broadcast %mul3A_712 : f32 to vector<512x192xf32>
    %mul3A_714 = arith.mulf %mul3A_713, %sub3A_711 : vector<512x192xf32>
    %select_n3A_715 = arith.select %gt3A_707, %add3A_704, %mul3A_714 : vector<512x192xi1>, vector<512x192xf32>
    %mul3A_716 = arith.constant 1.05070102 : f32
    %mul3A_717 = vector.broadcast %mul3A_716 : f32 to vector<512x192xf32>
    %mul3A_718 = arith.mulf %mul3A_717, %select_n3A_715 : vector<512x192xf32>
    %get3A_719 = arith.constant 0 : index
    %get3A_720 = arith.constant 0 : index
    %get3A_721 = vector.load %arg27[%get3A_719, %get3A_720] : memref<192x128xf32, #tpu.memory_space<vmem>>, vector<192x128xf32>
    %dot_general3A_722 = arith.constant dense<0.000000e+00> : vector<512x128xf32>
    %dot_general3A_723 = tpu.matmul %mul3A_718, %get3A_721, %dot_general3A_722 {dimension_numbers = #tpu.dot_dimension_numbers<[1], [0], [0], [1], [0, 0, 1, 1], [], []>, transpose_lhs_hint = false} : vector<512x192xf32>, vector<192x128xf32>, vector<512x128xf32> -> vector<512x128xf32>
    %get3A_724 = arith.constant 0 : index
    %get3A_725 = arith.constant 0 : index
    %get3A_726 = vector.load %arg28[%get3A_724, %get3A_725] : memref<1x128xf32, #tpu.memory_space<vmem>>, vector<1x128xf32>
    %add3A_727 = vector.broadcast %get3A_726 : vector<1x128xf32> to vector<512x128xf32>
    %add3A_728 = arith.addf %dot_general3A_723, %add3A_727 : vector<512x128xf32>
    %gt3A_729 = arith.constant 0.000000e+00 : f32
    %gt3A_730 = vector.broadcast %gt3A_729 : f32 to vector<512x128xf32>
    %gt3A_731 = arith.cmpf ogt, %add3A_728, %gt3A_730 : vector<512x128xf32>
    %exp3A_732 = math.exp %add3A_728 : vector<512x128xf32>
    %sub3A_733 = arith.constant 1.000000e+00 : f32
    %sub3A_734 = vector.broadcast %sub3A_733 : f32 to vector<512x128xf32>
    %sub3A_735 = arith.subf %exp3A_732, %sub3A_734 : vector<512x128xf32>
    %mul3A_736 = arith.constant 1.67326319 : f32
    %mul3A_737 = vector.broadcast %mul3A_736 : f32 to vector<512x128xf32>
    %mul3A_738 = arith.mulf %mul3A_737, %sub3A_735 : vector<512x128xf32>
    %select_n3A_739 = arith.select %gt3A_731, %add3A_728, %mul3A_738 : vector<512x128xi1>, vector<512x128xf32>
    %mul3A_740 = arith.constant 1.05070102 : f32
    %mul3A_741 = vector.broadcast %mul3A_740 : f32 to vector<512x128xf32>
    %mul3A_742 = arith.mulf %mul3A_741, %select_n3A_739 : vector<512x128xf32>
    %get3A_743 = arith.constant 0 : index
    %get3A_744 = arith.constant 0 : index
    %get3A_745 = vector.load %arg29[%get3A_743, %get3A_744] : memref<128x48xf32, #tpu.memory_space<vmem>>, vector<128x48xf32>
    %dot_general3A_746 = arith.constant dense<0.000000e+00> : vector<512x48xf32>
    %dot_general3A_747 = tpu.matmul %mul3A_742, %get3A_745, %dot_general3A_746 {dimension_numbers = #tpu.dot_dimension_numbers<[1], [0], [0], [1], [0, 0, 1, 1], [], []>, transpose_lhs_hint = false} : vector<512x128xf32>, vector<128x48xf32>, vector<512x48xf32> -> vector<512x48xf32>
    %get3A_748 = arith.constant 0 : index
    %get3A_749 = arith.constant 0 : index
    %get3A_750 = vector.load %arg30[%get3A_748, %get3A_749] : memref<1x48xf32, #tpu.memory_space<vmem>>, vector<1x48xf32>
    %add3A_751 = vector.broadcast %get3A_750 : vector<1x48xf32> to vector<512x48xf32>
    %add3A_752 = arith.addf %dot_general3A_747, %add3A_751 : vector<512x48xf32>
    %get3A_753 = arith.constant 0 : index
    %get3A_754 = arith.constant 0 : index
    %get3A_755 = vector.load %arg20[%get3A_753, %get3A_754] : memref<48x192xf32, #tpu.memory_space<vmem>>, vector<48x192xf32>
    %dot_general3A_756 = arith.constant dense<0.000000e+00> : vector<512x192xf32>
    %dot_general3A_757 = tpu.matmul %add3A_752, %get3A_755, %dot_general3A_756 {dimension_numbers = #tpu.dot_dimension_numbers<[1], [0], [0], [1], [0, 0, 1, 1], [], []>, transpose_lhs_hint = false} : vector<512x48xf32>, vector<48x192xf32>, vector<512x192xf32> -> vector<512x192xf32>
    %add3A_758 = arith.addf %dot_general3A_757, %add3A_119 : vector<512x192xf32>
    %gt3A_759 = arith.constant 0.000000e+00 : f32
    %gt3A_760 = vector.broadcast %gt3A_759 : f32 to vector<512x192xf32>
    %gt3A_761 = arith.cmpf ogt, %add3A_758, %gt3A_760 : vector<512x192xf32>
    %exp3A_762 = math.exp %add3A_758 : vector<512x192xf32>
    %sub3A_763 = arith.constant 1.000000e+00 : f32
    %sub3A_764 = vector.broadcast %sub3A_763 : f32 to vector<512x192xf32>
    %sub3A_765 = arith.subf %exp3A_762, %sub3A_764 : vector<512x192xf32>
    %mul3A_766 = arith.constant 1.67326319 : f32
    %mul3A_767 = vector.broadcast %mul3A_766 : f32 to vector<512x192xf32>
    %mul3A_768 = arith.mulf %mul3A_767, %sub3A_765 : vector<512x192xf32>
    %select_n3A_769 = arith.select %gt3A_761, %add3A_758, %mul3A_768 : vector<512x192xi1>, vector<512x192xf32>
    %mul3A_770 = arith.constant 1.05070102 : f32
    %mul3A_771 = vector.broadcast %mul3A_770 : f32 to vector<512x192xf32>
    %mul3A_772 = arith.mulf %mul3A_771, %select_n3A_769 : vector<512x192xf32>
    %get3A_773 = arith.constant 0 : index
    %get3A_774 = arith.constant 0 : index
    %get3A_775 = vector.load %arg23[%get3A_773, %get3A_774] : memref<192x192xf32, #tpu.memory_space<vmem>>, vector<192x192xf32>
    %dot_general3A_776 = arith.constant dense<0.000000e+00> : vector<512x192xf32>
    %dot_general3A_777 = tpu.matmul %mul3A_772, %get3A_775, %dot_general3A_776 {dimension_numbers = #tpu.dot_dimension_numbers<[1], [0], [0], [1], [0, 0, 1, 1], [], []>, transpose_lhs_hint = false} : vector<512x192xf32>, vector<192x192xf32>, vector<512x192xf32> -> vector<512x192xf32>
    %get3A_778 = arith.constant 0 : index
    %get3A_779 = arith.constant 0 : index
    %get3A_780 = vector.load %arg24[%get3A_778, %get3A_779] : memref<1x192xf32, #tpu.memory_space<vmem>>, vector<1x192xf32>
    %add3A_781 = vector.broadcast %get3A_780 : vector<1x192xf32> to vector<512x192xf32>
    %add3A_782 = arith.addf %dot_general3A_777, %add3A_781 : vector<512x192xf32>
    %gt3A_783 = arith.constant 0.000000e+00 : f32
    %gt3A_784 = vector.broadcast %gt3A_783 : f32 to vector<512x192xf32>
    %gt3A_785 = arith.cmpf ogt, %add3A_782, %gt3A_784 : vector<512x192xf32>
    %exp3A_786 = math.exp %add3A_782 : vector<512x192xf32>
    %sub3A_787 = arith.constant 1.000000e+00 : f32
    %sub3A_788 = vector.broadcast %sub3A_787 : f32 to vector<512x192xf32>
    %sub3A_789 = arith.subf %exp3A_786, %sub3A_788 : vector<512x192xf32>
    %mul3A_790 = arith.constant 1.67326319 : f32
    %mul3A_791 = vector.broadcast %mul3A_790 : f32 to vector<512x192xf32>
    %mul3A_792 = arith.mulf %mul3A_791, %sub3A_789 : vector<512x192xf32>
    %select_n3A_793 = arith.select %gt3A_785, %add3A_782, %mul3A_792 : vector<512x192xi1>, vector<512x192xf32>
    %mul3A_794 = arith.constant 1.05070102 : f32
    %mul3A_795 = vector.broadcast %mul3A_794 : f32 to vector<512x192xf32>
    %mul3A_796 = arith.mulf %mul3A_795, %select_n3A_793 : vector<512x192xf32>
    %get3A_797 = arith.constant 0 : index
    %get3A_798 = arith.constant 0 : index
    %get3A_799 = vector.load %arg25[%get3A_797, %get3A_798] : memref<192x192xf32, #tpu.memory_space<vmem>>, vector<192x192xf32>
    %dot_general3A_800 = arith.constant dense<0.000000e+00> : vector<512x192xf32>
    %dot_general3A_801 = tpu.matmul %mul3A_796, %get3A_799, %dot_general3A_800 {dimension_numbers = #tpu.dot_dimension_numbers<[1], [0], [0], [1], [0, 0, 1, 1], [], []>, transpose_lhs_hint = false} : vector<512x192xf32>, vector<192x192xf32>, vector<512x192xf32> -> vector<512x192xf32>
    %get3A_802 = arith.constant 0 : index
    %get3A_803 = arith.constant 0 : index
    %get3A_804 = vector.load %arg26[%get3A_802, %get3A_803] : memref<1x192xf32, #tpu.memory_space<vmem>>, vector<1x192xf32>
    %add3A_805 = vector.broadcast %get3A_804 : vector<1x192xf32> to vector<512x192xf32>
    %add3A_806 = arith.addf %dot_general3A_801, %add3A_805 : vector<512x192xf32>
    %gt3A_807 = arith.constant 0.000000e+00 : f32
    %gt3A_808 = vector.broadcast %gt3A_807 : f32 to vector<512x192xf32>
    %gt3A_809 = arith.cmpf ogt, %add3A_806, %gt3A_808 : vector<512x192xf32>
    %exp3A_810 = math.exp %add3A_806 : vector<512x192xf32>
    %sub3A_811 = arith.constant 1.000000e+00 : f32
    %sub3A_812 = vector.broadcast %sub3A_811 : f32 to vector<512x192xf32>
    %sub3A_813 = arith.subf %exp3A_810, %sub3A_812 : vector<512x192xf32>
    %mul3A_814 = arith.constant 1.67326319 : f32
    %mul3A_815 = vector.broadcast %mul3A_814 : f32 to vector<512x192xf32>
    %mul3A_816 = arith.mulf %mul3A_815, %sub3A_813 : vector<512x192xf32>
    %select_n3A_817 = arith.select %gt3A_809, %add3A_806, %mul3A_816 : vector<512x192xi1>, vector<512x192xf32>
    %mul3A_818 = arith.constant 1.05070102 : f32
    %mul3A_819 = vector.broadcast %mul3A_818 : f32 to vector<512x192xf32>
    %mul3A_820 = arith.mulf %mul3A_819, %select_n3A_817 : vector<512x192xf32>
    %get3A_821 = arith.constant 0 : index
    %get3A_822 = arith.constant 0 : index
    %get3A_823 = vector.load %arg27[%get3A_821, %get3A_822] : memref<192x128xf32, #tpu.memory_space<vmem>>, vector<192x128xf32>
    %dot_general3A_824 = arith.constant dense<0.000000e+00> : vector<512x128xf32>
    %dot_general3A_825 = tpu.matmul %mul3A_820, %get3A_823, %dot_general3A_824 {dimension_numbers = #tpu.dot_dimension_numbers<[1], [0], [0], [1], [0, 0, 1, 1], [], []>, transpose_lhs_hint = false} : vector<512x192xf32>, vector<192x128xf32>, vector<512x128xf32> -> vector<512x128xf32>
    %get3A_826 = arith.constant 0 : index
    %get3A_827 = arith.constant 0 : index
    %get3A_828 = vector.load %arg28[%get3A_826, %get3A_827] : memref<1x128xf32, #tpu.memory_space<vmem>>, vector<1x128xf32>
    %add3A_829 = vector.broadcast %get3A_828 : vector<1x128xf32> to vector<512x128xf32>
    %add3A_830 = arith.addf %dot_general3A_825, %add3A_829 : vector<512x128xf32>
    %gt3A_831 = arith.constant 0.000000e+00 : f32
    %gt3A_832 = vector.broadcast %gt3A_831 : f32 to vector<512x128xf32>
    %gt3A_833 = arith.cmpf ogt, %add3A_830, %gt3A_832 : vector<512x128xf32>
    %exp3A_834 = math.exp %add3A_830 : vector<512x128xf32>
    %sub3A_835 = arith.constant 1.000000e+00 : f32
    %sub3A_836 = vector.broadcast %sub3A_835 : f32 to vector<512x128xf32>
    %sub3A_837 = arith.subf %exp3A_834, %sub3A_836 : vector<512x128xf32>
    %mul3A_838 = arith.constant 1.67326319 : f32
    %mul3A_839 = vector.broadcast %mul3A_838 : f32 to vector<512x128xf32>
    %mul3A_840 = arith.mulf %mul3A_839, %sub3A_837 : vector<512x128xf32>
    %select_n3A_841 = arith.select %gt3A_833, %add3A_830, %mul3A_840 : vector<512x128xi1>, vector<512x128xf32>
    %mul3A_842 = arith.constant 1.05070102 : f32
    %mul3A_843 = vector.broadcast %mul3A_842 : f32 to vector<512x128xf32>
    %mul3A_844 = arith.mulf %mul3A_843, %select_n3A_841 : vector<512x128xf32>
    %get3A_845 = arith.constant 0 : index
    %get3A_846 = arith.constant 0 : index
    %get3A_847 = vector.load %arg29[%get3A_845, %get3A_846] : memref<128x48xf32, #tpu.memory_space<vmem>>, vector<128x48xf32>
    %dot_general3A_848 = arith.constant dense<0.000000e+00> : vector<512x48xf32>
    %dot_general3A_849 = tpu.matmul %mul3A_844, %get3A_847, %dot_general3A_848 {dimension_numbers = #tpu.dot_dimension_numbers<[1], [0], [0], [1], [0, 0, 1, 1], [], []>, transpose_lhs_hint = false} : vector<512x128xf32>, vector<128x48xf32>, vector<512x48xf32> -> vector<512x48xf32>
    %get3A_850 = arith.constant 0 : index
    %get3A_851 = arith.constant 0 : index
    %get3A_852 = vector.load %arg30[%get3A_850, %get3A_851] : memref<1x48xf32, #tpu.memory_space<vmem>>, vector<1x48xf32>
    %add3A_853 = vector.broadcast %get3A_852 : vector<1x48xf32> to vector<512x48xf32>
    %add3A_854 = arith.addf %dot_general3A_849, %add3A_853 : vector<512x48xf32>
    %get3A_855 = arith.constant 0 : index
    %get3A_856 = arith.constant 0 : index
    %get3A_857 = vector.load %arg20[%get3A_855, %get3A_856] : memref<48x192xf32, #tpu.memory_space<vmem>>, vector<48x192xf32>
    %dot_general3A_858 = arith.constant dense<0.000000e+00> : vector<512x192xf32>
    %dot_general3A_859 = tpu.matmul %add3A_854, %get3A_857, %dot_general3A_858 {dimension_numbers = #tpu.dot_dimension_numbers<[1], [0], [0], [1], [0, 0, 1, 1], [], []>, transpose_lhs_hint = false} : vector<512x48xf32>, vector<48x192xf32>, vector<512x192xf32> -> vector<512x192xf32>
    %add3A_860 = arith.addf %dot_general3A_859, %add3A_119 : vector<512x192xf32>
    %gt3A_861 = arith.constant 0.000000e+00 : f32
    %gt3A_862 = vector.broadcast %gt3A_861 : f32 to vector<512x192xf32>
    %gt3A_863 = arith.cmpf ogt, %add3A_860, %gt3A_862 : vector<512x192xf32>
    %exp3A_864 = math.exp %add3A_860 : vector<512x192xf32>
    %sub3A_865 = arith.constant 1.000000e+00 : f32
    %sub3A_866 = vector.broadcast %sub3A_865 : f32 to vector<512x192xf32>
    %sub3A_867 = arith.subf %exp3A_864, %sub3A_866 : vector<512x192xf32>
    %mul3A_868 = arith.constant 1.67326319 : f32
    %mul3A_869 = vector.broadcast %mul3A_868 : f32 to vector<512x192xf32>
    %mul3A_870 = arith.mulf %mul3A_869, %sub3A_867 : vector<512x192xf32>
    %select_n3A_871 = arith.select %gt3A_863, %add3A_860, %mul3A_870 : vector<512x192xi1>, vector<512x192xf32>
    %mul3A_872 = arith.constant 1.05070102 : f32
    %mul3A_873 = vector.broadcast %mul3A_872 : f32 to vector<512x192xf32>
    %mul3A_874 = arith.mulf %mul3A_873, %select_n3A_871 : vector<512x192xf32>
    %get3A_875 = arith.constant 0 : index
    %get3A_876 = arith.constant 0 : index
    %get3A_877 = vector.load %arg23[%get3A_875, %get3A_876] : memref<192x192xf32, #tpu.memory_space<vmem>>, vector<192x192xf32>
    %dot_general3A_878 = arith.constant dense<0.000000e+00> : vector<512x192xf32>
    %dot_general3A_879 = tpu.matmul %mul3A_874, %get3A_877, %dot_general3A_878 {dimension_numbers = #tpu.dot_dimension_numbers<[1], [0], [0], [1], [0, 0, 1, 1], [], []>, transpose_lhs_hint = false} : vector<512x192xf32>, vector<192x192xf32>, vector<512x192xf32> -> vector<512x192xf32>
    %get3A_880 = arith.constant 0 : index
    %get3A_881 = arith.constant 0 : index
    %get3A_882 = vector.load %arg24[%get3A_880, %get3A_881] : memref<1x192xf32, #tpu.memory_space<vmem>>, vector<1x192xf32>
    %add3A_883 = vector.broadcast %get3A_882 : vector<1x192xf32> to vector<512x192xf32>
    %add3A_884 = arith.addf %dot_general3A_879, %add3A_883 : vector<512x192xf32>
    %gt3A_885 = arith.constant 0.000000e+00 : f32
    %gt3A_886 = vector.broadcast %gt3A_885 : f32 to vector<512x192xf32>
    %gt3A_887 = arith.cmpf ogt, %add3A_884, %gt3A_886 : vector<512x192xf32>
    %exp3A_888 = math.exp %add3A_884 : vector<512x192xf32>
    %sub3A_889 = arith.constant 1.000000e+00 : f32
    %sub3A_890 = vector.broadcast %sub3A_889 : f32 to vector<512x192xf32>
    %sub3A_891 = arith.subf %exp3A_888, %sub3A_890 : vector<512x192xf32>
    %mul3A_892 = arith.constant 1.67326319 : f32
    %mul3A_893 = vector.broadcast %mul3A_892 : f32 to vector<512x192xf32>
    %mul3A_894 = arith.mulf %mul3A_893, %sub3A_891 : vector<512x192xf32>
    %select_n3A_895 = arith.select %gt3A_887, %add3A_884, %mul3A_894 : vector<512x192xi1>, vector<512x192xf32>
    %mul3A_896 = arith.constant 1.05070102 : f32
    %mul3A_897 = vector.broadcast %mul3A_896 : f32 to vector<512x192xf32>
    %mul3A_898 = arith.mulf %mul3A_897, %select_n3A_895 : vector<512x192xf32>
    %get3A_899 = arith.constant 0 : index
    %get3A_900 = arith.constant 0 : index
    %get3A_901 = vector.load %arg25[%get3A_899, %get3A_900] : memref<192x192xf32, #tpu.memory_space<vmem>>, vector<192x192xf32>
    %dot_general3A_902 = arith.constant dense<0.000000e+00> : vector<512x192xf32>
    %dot_general3A_903 = tpu.matmul %mul3A_898, %get3A_901, %dot_general3A_902 {dimension_numbers = #tpu.dot_dimension_numbers<[1], [0], [0], [1], [0, 0, 1, 1], [], []>, transpose_lhs_hint = false} : vector<512x192xf32>, vector<192x192xf32>, vector<512x192xf32> -> vector<512x192xf32>
    %get3A_904 = arith.constant 0 : index
    %get3A_905 = arith.constant 0 : index
    %get3A_906 = vector.load %arg26[%get3A_904, %get3A_905] : memref<1x192xf32, #tpu.memory_space<vmem>>, vector<1x192xf32>
    %add3A_907 = vector.broadcast %get3A_906 : vector<1x192xf32> to vector<512x192xf32>
    %add3A_908 = arith.addf %dot_general3A_903, %add3A_907 : vector<512x192xf32>
    %gt3A_909 = arith.constant 0.000000e+00 : f32
    %gt3A_910 = vector.broadcast %gt3A_909 : f32 to vector<512x192xf32>
    %gt3A_911 = arith.cmpf ogt, %add3A_908, %gt3A_910 : vector<512x192xf32>
    %exp3A_912 = math.exp %add3A_908 : vector<512x192xf32>
    %sub3A_913 = arith.constant 1.000000e+00 : f32
    %sub3A_914 = vector.broadcast %sub3A_913 : f32 to vector<512x192xf32>
    %sub3A_915 = arith.subf %exp3A_912, %sub3A_914 : vector<512x192xf32>
    %mul3A_916 = arith.constant 1.67326319 : f32
    %mul3A_917 = vector.broadcast %mul3A_916 : f32 to vector<512x192xf32>
    %mul3A_918 = arith.mulf %mul3A_917, %sub3A_915 : vector<512x192xf32>
    %select_n3A_919 = arith.select %gt3A_911, %add3A_908, %mul3A_918 : vector<512x192xi1>, vector<512x192xf32>
    %mul3A_920 = arith.constant 1.05070102 : f32
    %mul3A_921 = vector.broadcast %mul3A_920 : f32 to vector<512x192xf32>
    %mul3A_922 = arith.mulf %mul3A_921, %select_n3A_919 : vector<512x192xf32>
    %get3A_923 = arith.constant 0 : index
    %get3A_924 = arith.constant 0 : index
    %get3A_925 = vector.load %arg27[%get3A_923, %get3A_924] : memref<192x128xf32, #tpu.memory_space<vmem>>, vector<192x128xf32>
    %dot_general3A_926 = arith.constant dense<0.000000e+00> : vector<512x128xf32>
    %dot_general3A_927 = tpu.matmul %mul3A_922, %get3A_925, %dot_general3A_926 {dimension_numbers = #tpu.dot_dimension_numbers<[1], [0], [0], [1], [0, 0, 1, 1], [], []>, transpose_lhs_hint = false} : vector<512x192xf32>, vector<192x128xf32>, vector<512x128xf32> -> vector<512x128xf32>
    %get3A_928 = arith.constant 0 : index
    %get3A_929 = arith.constant 0 : index
    %get3A_930 = vector.load %arg28[%get3A_928, %get3A_929] : memref<1x128xf32, #tpu.memory_space<vmem>>, vector<1x128xf32>
    %add3A_931 = vector.broadcast %get3A_930 : vector<1x128xf32> to vector<512x128xf32>
    %add3A_932 = arith.addf %dot_general3A_927, %add3A_931 : vector<512x128xf32>
    %gt3A_933 = arith.constant 0.000000e+00 : f32
    %gt3A_934 = vector.broadcast %gt3A_933 : f32 to vector<512x128xf32>
    %gt3A_935 = arith.cmpf ogt, %add3A_932, %gt3A_934 : vector<512x128xf32>
    %exp3A_936 = math.exp %add3A_932 : vector<512x128xf32>
    %sub3A_937 = arith.constant 1.000000e+00 : f32
    %sub3A_938 = vector.broadcast %sub3A_937 : f32 to vector<512x128xf32>
    %sub3A_939 = arith.subf %exp3A_936, %sub3A_938 : vector<512x128xf32>
    %mul3A_940 = arith.constant 1.67326319 : f32
    %mul3A_941 = vector.broadcast %mul3A_940 : f32 to vector<512x128xf32>
    %mul3A_942 = arith.mulf %mul3A_941, %sub3A_939 : vector<512x128xf32>
    %select_n3A_943 = arith.select %gt3A_935, %add3A_932, %mul3A_942 : vector<512x128xi1>, vector<512x128xf32>
    %mul3A_944 = arith.constant 1.05070102 : f32
    %mul3A_945 = vector.broadcast %mul3A_944 : f32 to vector<512x128xf32>
    %mul3A_946 = arith.mulf %mul3A_945, %select_n3A_943 : vector<512x128xf32>
    %get3A_947 = arith.constant 0 : index
    %get3A_948 = arith.constant 0 : index
    %get3A_949 = vector.load %arg29[%get3A_947, %get3A_948] : memref<128x48xf32, #tpu.memory_space<vmem>>, vector<128x48xf32>
    %dot_general3A_950 = arith.constant dense<0.000000e+00> : vector<512x48xf32>
    %dot_general3A_951 = tpu.matmul %mul3A_946, %get3A_949, %dot_general3A_950 {dimension_numbers = #tpu.dot_dimension_numbers<[1], [0], [0], [1], [0, 0, 1, 1], [], []>, transpose_lhs_hint = false} : vector<512x128xf32>, vector<128x48xf32>, vector<512x48xf32> -> vector<512x48xf32>
    %get3A_952 = arith.constant 0 : index
    %get3A_953 = arith.constant 0 : index
    %get3A_954 = vector.load %arg30[%get3A_952, %get3A_953] : memref<1x48xf32, #tpu.memory_space<vmem>>, vector<1x48xf32>
    %add3A_955 = vector.broadcast %get3A_954 : vector<1x48xf32> to vector<512x48xf32>
    %add3A_956 = arith.addf %dot_general3A_951, %add3A_955 : vector<512x48xf32>
    %get3A_957 = arith.constant 0 : index
    %get3A_958 = arith.constant 0 : index
    %get3A_959 = vector.load %arg20[%get3A_957, %get3A_958] : memref<48x192xf32, #tpu.memory_space<vmem>>, vector<48x192xf32>
    %dot_general3A_960 = arith.constant dense<0.000000e+00> : vector<512x192xf32>
    %dot_general3A_961 = tpu.matmul %add3A_956, %get3A_959, %dot_general3A_960 {dimension_numbers = #tpu.dot_dimension_numbers<[1], [0], [0], [1], [0, 0, 1, 1], [], []>, transpose_lhs_hint = false} : vector<512x48xf32>, vector<48x192xf32>, vector<512x192xf32> -> vector<512x192xf32>
    %add3A_962 = arith.addf %dot_general3A_961, %add3A_119 : vector<512x192xf32>
    %gt3A_963 = arith.constant 0.000000e+00 : f32
    %gt3A_964 = vector.broadcast %gt3A_963 : f32 to vector<512x192xf32>
    %gt3A_965 = arith.cmpf ogt, %add3A_962, %gt3A_964 : vector<512x192xf32>
    %exp3A_966 = math.exp %add3A_962 : vector<512x192xf32>
    %sub3A_967 = arith.constant 1.000000e+00 : f32
    %sub3A_968 = vector.broadcast %sub3A_967 : f32 to vector<512x192xf32>
    %sub3A_969 = arith.subf %exp3A_966, %sub3A_968 : vector<512x192xf32>
    %mul3A_970 = arith.constant 1.67326319 : f32
    %mul3A_971 = vector.broadcast %mul3A_970 : f32 to vector<512x192xf32>
    %mul3A_972 = arith.mulf %mul3A_971, %sub3A_969 : vector<512x192xf32>
    %select_n3A_973 = arith.select %gt3A_965, %add3A_962, %mul3A_972 : vector<512x192xi1>, vector<512x192xf32>
    %mul3A_974 = arith.constant 1.05070102 : f32
    %mul3A_975 = vector.broadcast %mul3A_974 : f32 to vector<512x192xf32>
    %mul3A_976 = arith.mulf %mul3A_975, %select_n3A_973 : vector<512x192xf32>
    %get3A_977 = arith.constant 0 : index
    %get3A_978 = arith.constant 0 : index
    %get3A_979 = vector.load %arg23[%get3A_977, %get3A_978] : memref<192x192xf32, #tpu.memory_space<vmem>>, vector<192x192xf32>
    %dot_general3A_980 = arith.constant dense<0.000000e+00> : vector<512x192xf32>
    %dot_general3A_981 = tpu.matmul %mul3A_976, %get3A_979, %dot_general3A_980 {dimension_numbers = #tpu.dot_dimension_numbers<[1], [0], [0], [1], [0, 0, 1, 1], [], []>, transpose_lhs_hint = false} : vector<512x192xf32>, vector<192x192xf32>, vector<512x192xf32> -> vector<512x192xf32>
    %get3A_982 = arith.constant 0 : index
    %get3A_983 = arith.constant 0 : index
    %get3A_984 = vector.load %arg24[%get3A_982, %get3A_983] : memref<1x192xf32, #tpu.memory_space<vmem>>, vector<1x192xf32>
    %add3A_985 = vector.broadcast %get3A_984 : vector<1x192xf32> to vector<512x192xf32>
    %add3A_986 = arith.addf %dot_general3A_981, %add3A_985 : vector<512x192xf32>
    %gt3A_987 = arith.constant 0.000000e+00 : f32
    %gt3A_988 = vector.broadcast %gt3A_987 : f32 to vector<512x192xf32>
    %gt3A_989 = arith.cmpf ogt, %add3A_986, %gt3A_988 : vector<512x192xf32>
    %exp3A_990 = math.exp %add3A_986 : vector<512x192xf32>
    %sub3A_991 = arith.constant 1.000000e+00 : f32
    %sub3A_992 = vector.broadcast %sub3A_991 : f32 to vector<512x192xf32>
    %sub3A_993 = arith.subf %exp3A_990, %sub3A_992 : vector<512x192xf32>
    %mul3A_994 = arith.constant 1.67326319 : f32
    %mul3A_995 = vector.broadcast %mul3A_994 : f32 to vector<512x192xf32>
    %mul3A_996 = arith.mulf %mul3A_995, %sub3A_993 : vector<512x192xf32>
    %select_n3A_997 = arith.select %gt3A_989, %add3A_986, %mul3A_996 : vector<512x192xi1>, vector<512x192xf32>
    %mul3A_998 = arith.constant 1.05070102 : f32
    %mul3A_999 = vector.broadcast %mul3A_998 : f32 to vector<512x192xf32>
    %mul3A_1000 = arith.mulf %mul3A_999, %select_n3A_997 : vector<512x192xf32>
    %get3A_1001 = arith.constant 0 : index
    %get3A_1002 = arith.constant 0 : index
    %get3A_1003 = vector.load %arg25[%get3A_1001, %get3A_1002] : memref<192x192xf32, #tpu.memory_space<vmem>>, vector<192x192xf32>
    %dot_general3A_1004 = arith.constant dense<0.000000e+00> : vector<512x192xf32>
    %dot_general3A_1005 = tpu.matmul %mul3A_1000, %get3A_1003, %dot_general3A_1004 {dimension_numbers = #tpu.dot_dimension_numbers<[1], [0], [0], [1], [0, 0, 1, 1], [], []>, transpose_lhs_hint = false} : vector<512x192xf32>, vector<192x192xf32>, vector<512x192xf32> -> vector<512x192xf32>
    %get3A_1006 = arith.constant 0 : index
    %get3A_1007 = arith.constant 0 : index
    %get3A_1008 = vector.load %arg26[%get3A_1006, %get3A_1007] : memref<1x192xf32, #tpu.memory_space<vmem>>, vector<1x192xf32>
    %add3A_1009 = vector.broadcast %get3A_1008 : vector<1x192xf32> to vector<512x192xf32>
    %add3A_1010 = arith.addf %dot_general3A_1005, %add3A_1009 : vector<512x192xf32>
    %gt3A_1011 = arith.constant 0.000000e+00 : f32
    %gt3A_1012 = vector.broadcast %gt3A_1011 : f32 to vector<512x192xf32>
    %gt3A_1013 = arith.cmpf ogt, %add3A_1010, %gt3A_1012 : vector<512x192xf32>
    %exp3A_1014 = math.exp %add3A_1010 : vector<512x192xf32>
    %sub3A_1015 = arith.constant 1.000000e+00 : f32
    %sub3A_1016 = vector.broadcast %sub3A_1015 : f32 to vector<512x192xf32>
    %sub3A_1017 = arith.subf %exp3A_1014, %sub3A_1016 : vector<512x192xf32>
    %mul3A_1018 = arith.constant 1.67326319 : f32
    %mul3A_1019 = vector.broadcast %mul3A_1018 : f32 to vector<512x192xf32>
    %mul3A_1020 = arith.mulf %mul3A_1019, %sub3A_1017 : vector<512x192xf32>
    %select_n3A_1021 = arith.select %gt3A_1013, %add3A_1010, %mul3A_1020 : vector<512x192xi1>, vector<512x192xf32>
    %mul3A_1022 = arith.constant 1.05070102 : f32
    %mul3A_1023 = vector.broadcast %mul3A_1022 : f32 to vector<512x192xf32>
    %mul3A_1024 = arith.mulf %mul3A_1023, %select_n3A_1021 : vector<512x192xf32>
    %get3A_1025 = arith.constant 0 : index
    %get3A_1026 = arith.constant 0 : index
    %get3A_1027 = vector.load %arg27[%get3A_1025, %get3A_1026] : memref<192x128xf32, #tpu.memory_space<vmem>>, vector<192x128xf32>
    %dot_general3A_1028 = arith.constant dense<0.000000e+00> : vector<512x128xf32>
    %dot_general3A_1029 = tpu.matmul %mul3A_1024, %get3A_1027, %dot_general3A_1028 {dimension_numbers = #tpu.dot_dimension_numbers<[1], [0], [0], [1], [0, 0, 1, 1], [], []>, transpose_lhs_hint = false} : vector<512x192xf32>, vector<192x128xf32>, vector<512x128xf32> -> vector<512x128xf32>
    %get3A_1030 = arith.constant 0 : index
    %get3A_1031 = arith.constant 0 : index
    %get3A_1032 = vector.load %arg28[%get3A_1030, %get3A_1031] : memref<1x128xf32, #tpu.memory_space<vmem>>, vector<1x128xf32>
    %add3A_1033 = vector.broadcast %get3A_1032 : vector<1x128xf32> to vector<512x128xf32>
    %add3A_1034 = arith.addf %dot_general3A_1029, %add3A_1033 : vector<512x128xf32>
    %gt3A_1035 = arith.constant 0.000000e+00 : f32
    %gt3A_1036 = vector.broadcast %gt3A_1035 : f32 to vector<512x128xf32>
    %gt3A_1037 = arith.cmpf ogt, %add3A_1034, %gt3A_1036 : vector<512x128xf32>
    %exp3A_1038 = math.exp %add3A_1034 : vector<512x128xf32>
    %sub3A_1039 = arith.constant 1.000000e+00 : f32
    %sub3A_1040 = vector.broadcast %sub3A_1039 : f32 to vector<512x128xf32>
    %sub3A_1041 = arith.subf %exp3A_1038, %sub3A_1040 : vector<512x128xf32>
    %mul3A_1042 = arith.constant 1.67326319 : f32
    %mul3A_1043 = vector.broadcast %mul3A_1042 : f32 to vector<512x128xf32>
    %mul3A_1044 = arith.mulf %mul3A_1043, %sub3A_1041 : vector<512x128xf32>
    %select_n3A_1045 = arith.select %gt3A_1037, %add3A_1034, %mul3A_1044 : vector<512x128xi1>, vector<512x128xf32>
    %mul3A_1046 = arith.constant 1.05070102 : f32
    %mul3A_1047 = vector.broadcast %mul3A_1046 : f32 to vector<512x128xf32>
    %mul3A_1048 = arith.mulf %mul3A_1047, %select_n3A_1045 : vector<512x128xf32>
    %get3A_1049 = arith.constant 0 : index
    %get3A_1050 = arith.constant 0 : index
    %get3A_1051 = vector.load %arg29[%get3A_1049, %get3A_1050] : memref<128x48xf32, #tpu.memory_space<vmem>>, vector<128x48xf32>
    %dot_general3A_1052 = arith.constant dense<0.000000e+00> : vector<512x48xf32>
    %dot_general3A_1053 = tpu.matmul %mul3A_1048, %get3A_1051, %dot_general3A_1052 {dimension_numbers = #tpu.dot_dimension_numbers<[1], [0], [0], [1], [0, 0, 1, 1], [], []>, transpose_lhs_hint = false} : vector<512x128xf32>, vector<128x48xf32>, vector<512x48xf32> -> vector<512x48xf32>
    %get3A_1054 = arith.constant 0 : index
    %get3A_1055 = arith.constant 0 : index
    %get3A_1056 = vector.load %arg30[%get3A_1054, %get3A_1055] : memref<1x48xf32, #tpu.memory_space<vmem>>, vector<1x48xf32>
    %add3A_1057 = vector.broadcast %get3A_1056 : vector<1x48xf32> to vector<512x48xf32>
    %add3A_1058 = arith.addf %dot_general3A_1053, %add3A_1057 : vector<512x48xf32>
    %get3A_1059 = arith.constant 0 : index
    %get3A_1060 = arith.constant 0 : index
    %get3A_1061 = vector.load %arg20[%get3A_1059, %get3A_1060] : memref<48x192xf32, #tpu.memory_space<vmem>>, vector<48x192xf32>
    %dot_general3A_1062 = arith.constant dense<0.000000e+00> : vector<512x192xf32>
    %dot_general3A_1063 = tpu.matmul %add3A_1058, %get3A_1061, %dot_general3A_1062 {dimension_numbers = #tpu.dot_dimension_numbers<[1], [0], [0], [1], [0, 0, 1, 1], [], []>, transpose_lhs_hint = false} : vector<512x48xf32>, vector<48x192xf32>, vector<512x192xf32> -> vector<512x192xf32>
    %add3A_1064 = arith.addf %dot_general3A_1063, %add3A_119 : vector<512x192xf32>
    %gt3A_1065 = arith.constant 0.000000e+00 : f32
    %gt3A_1066 = vector.broadcast %gt3A_1065 : f32 to vector<512x192xf32>
    %gt3A_1067 = arith.cmpf ogt, %add3A_1064, %gt3A_1066 : vector<512x192xf32>
    %exp3A_1068 = math.exp %add3A_1064 : vector<512x192xf32>
    %sub3A_1069 = arith.constant 1.000000e+00 : f32
    %sub3A_1070 = vector.broadcast %sub3A_1069 : f32 to vector<512x192xf32>
    %sub3A_1071 = arith.subf %exp3A_1068, %sub3A_1070 : vector<512x192xf32>
    %mul3A_1072 = arith.constant 1.67326319 : f32
    %mul3A_1073 = vector.broadcast %mul3A_1072 : f32 to vector<512x192xf32>
    %mul3A_1074 = arith.mulf %mul3A_1073, %sub3A_1071 : vector<512x192xf32>
    %select_n3A_1075 = arith.select %gt3A_1067, %add3A_1064, %mul3A_1074 : vector<512x192xi1>, vector<512x192xf32>
    %mul3A_1076 = arith.constant 1.05070102 : f32
    %mul3A_1077 = vector.broadcast %mul3A_1076 : f32 to vector<512x192xf32>
    %mul3A_1078 = arith.mulf %mul3A_1077, %select_n3A_1075 : vector<512x192xf32>
    %get3A_1079 = arith.constant 0 : index
    %get3A_1080 = arith.constant 0 : index
    %get3A_1081 = vector.load %arg23[%get3A_1079, %get3A_1080] : memref<192x192xf32, #tpu.memory_space<vmem>>, vector<192x192xf32>
    %dot_general3A_1082 = arith.constant dense<0.000000e+00> : vector<512x192xf32>
    %dot_general3A_1083 = tpu.matmul %mul3A_1078, %get3A_1081, %dot_general3A_1082 {dimension_numbers = #tpu.dot_dimension_numbers<[1], [0], [0], [1], [0, 0, 1, 1], [], []>, transpose_lhs_hint = false} : vector<512x192xf32>, vector<192x192xf32>, vector<512x192xf32> -> vector<512x192xf32>
    %get3A_1084 = arith.constant 0 : index
    %get3A_1085 = arith.constant 0 : index
    %get3A_1086 = vector.load %arg24[%get3A_1084, %get3A_1085] : memref<1x192xf32, #tpu.memory_space<vmem>>, vector<1x192xf32>
    %add3A_1087 = vector.broadcast %get3A_1086 : vector<1x192xf32> to vector<512x192xf32>
    %add3A_1088 = arith.addf %dot_general3A_1083, %add3A_1087 : vector<512x192xf32>
    %gt3A_1089 = arith.constant 0.000000e+00 : f32
    %gt3A_1090 = vector.broadcast %gt3A_1089 : f32 to vector<512x192xf32>
    %gt3A_1091 = arith.cmpf ogt, %add3A_1088, %gt3A_1090 : vector<512x192xf32>
    %exp3A_1092 = math.exp %add3A_1088 : vector<512x192xf32>
    %sub3A_1093 = arith.constant 1.000000e+00 : f32
    %sub3A_1094 = vector.broadcast %sub3A_1093 : f32 to vector<512x192xf32>
    %sub3A_1095 = arith.subf %exp3A_1092, %sub3A_1094 : vector<512x192xf32>
    %mul3A_1096 = arith.constant 1.67326319 : f32
    %mul3A_1097 = vector.broadcast %mul3A_1096 : f32 to vector<512x192xf32>
    %mul3A_1098 = arith.mulf %mul3A_1097, %sub3A_1095 : vector<512x192xf32>
    %select_n3A_1099 = arith.select %gt3A_1091, %add3A_1088, %mul3A_1098 : vector<512x192xi1>, vector<512x192xf32>
    %mul3A_1100 = arith.constant 1.05070102 : f32
    %mul3A_1101 = vector.broadcast %mul3A_1100 : f32 to vector<512x192xf32>
    %mul3A_1102 = arith.mulf %mul3A_1101, %select_n3A_1099 : vector<512x192xf32>
    %get3A_1103 = arith.constant 0 : index
    %get3A_1104 = arith.constant 0 : index
    %get3A_1105 = vector.load %arg25[%get3A_1103, %get3A_1104] : memref<192x192xf32, #tpu.memory_space<vmem>>, vector<192x192xf32>
    %dot_general3A_1106 = arith.constant dense<0.000000e+00> : vector<512x192xf32>
    %dot_general3A_1107 = tpu.matmul %mul3A_1102, %get3A_1105, %dot_general3A_1106 {dimension_numbers = #tpu.dot_dimension_numbers<[1], [0], [0], [1], [0, 0, 1, 1], [], []>, transpose_lhs_hint = false} : vector<512x192xf32>, vector<192x192xf32>, vector<512x192xf32> -> vector<512x192xf32>
    %get3A_1108 = arith.constant 0 : index
    %get3A_1109 = arith.constant 0 : index
    %get3A_1110 = vector.load %arg26[%get3A_1108, %get3A_1109] : memref<1x192xf32, #tpu.memory_space<vmem>>, vector<1x192xf32>
    %add3A_1111 = vector.broadcast %get3A_1110 : vector<1x192xf32> to vector<512x192xf32>
    %add3A_1112 = arith.addf %dot_general3A_1107, %add3A_1111 : vector<512x192xf32>
    %gt3A_1113 = arith.constant 0.000000e+00 : f32
    %gt3A_1114 = vector.broadcast %gt3A_1113 : f32 to vector<512x192xf32>
    %gt3A_1115 = arith.cmpf ogt, %add3A_1112, %gt3A_1114 : vector<512x192xf32>
    %exp3A_1116 = math.exp %add3A_1112 : vector<512x192xf32>
    %sub3A_1117 = arith.constant 1.000000e+00 : f32
    %sub3A_1118 = vector.broadcast %sub3A_1117 : f32 to vector<512x192xf32>
    %sub3A_1119 = arith.subf %exp3A_1116, %sub3A_1118 : vector<512x192xf32>
    %mul3A_1120 = arith.constant 1.67326319 : f32
    %mul3A_1121 = vector.broadcast %mul3A_1120 : f32 to vector<512x192xf32>
    %mul3A_1122 = arith.mulf %mul3A_1121, %sub3A_1119 : vector<512x192xf32>
    %select_n3A_1123 = arith.select %gt3A_1115, %add3A_1112, %mul3A_1122 : vector<512x192xi1>, vector<512x192xf32>
    %mul3A_1124 = arith.constant 1.05070102 : f32
    %mul3A_1125 = vector.broadcast %mul3A_1124 : f32 to vector<512x192xf32>
    %mul3A_1126 = arith.mulf %mul3A_1125, %select_n3A_1123 : vector<512x192xf32>
    %get3A_1127 = arith.constant 0 : index
    %get3A_1128 = arith.constant 0 : index
    %get3A_1129 = vector.load %arg27[%get3A_1127, %get3A_1128] : memref<192x128xf32, #tpu.memory_space<vmem>>, vector<192x128xf32>
    %dot_general3A_1130 = arith.constant dense<0.000000e+00> : vector<512x128xf32>
    %dot_general3A_1131 = tpu.matmul %mul3A_1126, %get3A_1129, %dot_general3A_1130 {dimension_numbers = #tpu.dot_dimension_numbers<[1], [0], [0], [1], [0, 0, 1, 1], [], []>, transpose_lhs_hint = false} : vector<512x192xf32>, vector<192x128xf32>, vector<512x128xf32> -> vector<512x128xf32>
    %get3A_1132 = arith.constant 0 : index
    %get3A_1133 = arith.constant 0 : index
    %get3A_1134 = vector.load %arg28[%get3A_1132, %get3A_1133] : memref<1x128xf32, #tpu.memory_space<vmem>>, vector<1x128xf32>
    %add3A_1135 = vector.broadcast %get3A_1134 : vector<1x128xf32> to vector<512x128xf32>
    %add3A_1136 = arith.addf %dot_general3A_1131, %add3A_1135 : vector<512x128xf32>
    %gt3A_1137 = arith.constant 0.000000e+00 : f32
    %gt3A_1138 = vector.broadcast %gt3A_1137 : f32 to vector<512x128xf32>
    %gt3A_1139 = arith.cmpf ogt, %add3A_1136, %gt3A_1138 : vector<512x128xf32>
    %exp3A_1140 = math.exp %add3A_1136 : vector<512x128xf32>
    %sub3A_1141 = arith.constant 1.000000e+00 : f32
    %sub3A_1142 = vector.broadcast %sub3A_1141 : f32 to vector<512x128xf32>
    %sub3A_1143 = arith.subf %exp3A_1140, %sub3A_1142 : vector<512x128xf32>
    %mul3A_1144 = arith.constant 1.67326319 : f32
    %mul3A_1145 = vector.broadcast %mul3A_1144 : f32 to vector<512x128xf32>
    %mul3A_1146 = arith.mulf %mul3A_1145, %sub3A_1143 : vector<512x128xf32>
    %select_n3A_1147 = arith.select %gt3A_1139, %add3A_1136, %mul3A_1146 : vector<512x128xi1>, vector<512x128xf32>
    %mul3A_1148 = arith.constant 1.05070102 : f32
    %mul3A_1149 = vector.broadcast %mul3A_1148 : f32 to vector<512x128xf32>
    %mul3A_1150 = arith.mulf %mul3A_1149, %select_n3A_1147 : vector<512x128xf32>
    %get3A_1151 = arith.constant 0 : index
    %get3A_1152 = arith.constant 0 : index
    %get3A_1153 = vector.load %arg29[%get3A_1151, %get3A_1152] : memref<128x48xf32, #tpu.memory_space<vmem>>, vector<128x48xf32>
    %dot_general3A_1154 = arith.constant dense<0.000000e+00> : vector<512x48xf32>
    %dot_general3A_1155 = tpu.matmul %mul3A_1150, %get3A_1153, %dot_general3A_1154 {dimension_numbers = #tpu.dot_dimension_numbers<[1], [0], [0], [1], [0, 0, 1, 1], [], []>, transpose_lhs_hint = false} : vector<512x128xf32>, vector<128x48xf32>, vector<512x48xf32> -> vector<512x48xf32>
    %get3A_1156 = arith.constant 0 : index
    %get3A_1157 = arith.constant 0 : index
    %get3A_1158 = vector.load %arg30[%get3A_1156, %get3A_1157] : memref<1x48xf32, #tpu.memory_space<vmem>>, vector<1x48xf32>
    %add3A_1159 = vector.broadcast %get3A_1158 : vector<1x48xf32> to vector<512x48xf32>
    %add3A_1160 = arith.addf %dot_general3A_1155, %add3A_1159 : vector<512x48xf32>
    %get3A_1161 = arith.constant 0 : index
    %get3A_1162 = arith.constant 0 : index
    %get3A_1163 = vector.load %arg31[%get3A_1161, %get3A_1162] : memref<48x128xf32, #tpu.memory_space<vmem>>, vector<48x128xf32>
    %dot_general3A_1164 = arith.constant dense<0.000000e+00> : vector<512x128xf32>
    %dot_general3A_1165 = tpu.matmul %add3A_1160, %get3A_1163, %dot_general3A_1164 {dimension_numbers = #tpu.dot_dimension_numbers<[1], [0], [0], [1], [0, 0, 1, 1], [], []>, transpose_lhs_hint = false} : vector<512x48xf32>, vector<48x128xf32>, vector<512x128xf32> -> vector<512x128xf32>
    %swap3A = arith.constant 0 : index
    %swap3A_1166 = arith.constant 0 : index
    %swap3A_1167 = vector.load %arg32[%swap3A, %swap3A_1166] : memref<512x128xf32, #tpu.memory_space<vmem>>, vector<512x128xf32>
    tpu.vector_store %arg32[%swap3A, %swap3A_1166], %dot_general3A_1165 {strides = array<i32>} : memref<512x128xf32, #tpu.memory_space<vmem>>, vector<512x128xf32>,
    return
  }
  func.func @transform_0(%arg0: i32) -> (i32, i32) {
    %c0_i32 = arith.constant 0 : i32
    %c0_i32_0 = arith.constant 0 : i32
    return %arg0, %c0_i32 : i32, i32
  }
  func.func @transform_1(%arg0: i32) -> (i32, i32) {
    %c0_i32 = arith.constant 0 : i32
    %c0_i32_0 = arith.constant 0 : i32
    return %arg0, %c0_i32 : i32, i32
  }
  func.func @transform_2(%arg0: i32) -> (i32, i32) {
    %c0_i32 = arith.constant 0 : i32
    %c0_i32_0 = arith.constant 0 : i32
    return %arg0, %c0_i32 : i32, i32
  }
  func.func @transform_3(%arg0: i32) -> (i32, i32) {
    %c0_i32 = arith.constant 0 : i32
    %c0_i32_0 = arith.constant 0 : i32
    return %arg0, %c0_i32 : i32, i32
  }
  func.func @transform_4(%arg0: i32) -> (i32, i32) {
    %c0_i32 = arith.constant 0 : i32
    %c0_i32_0 = arith.constant 0 : i32
    return %arg0, %c0_i32 : i32, i32
  }
  func.func @transform_5(%arg0: i32) -> (i32, i32) {
    %c0_i32 = arith.constant 0 : i32
    %c0_i32_0 = arith.constant 0 : i32
    %c0_i32_1 = arith.constant 0 : i32
    return %c0_i32, %c0_i32_0 : i32, i32
  }
  func.func @transform_6(%arg0: i32) -> (i32, i32) {
    %c0_i32 = arith.constant 0 : i32
    %c0_i32_0 = arith.constant 0 : i32
    %c0_i32_1 = arith.constant 0 : i32
    return %c0_i32, %c0_i32_0 : i32, i32
  }
  func.func @transform_7(%arg0: i32) -> (i32, i32) {
    %c0_i32 = arith.constant 0 : i32
    %c0_i32_0 = arith.constant 0 : i32
    %c0_i32_1 = arith.constant 0 : i32
    return %c0_i32, %c0_i32_0 : i32, i32
  }
  func.func @transform_8(%arg0: i32) -> (i32, i32) {
    %c0_i32 = arith.constant 0 : i32
    %c0_i32_0 = arith.constant 0 : i32
    %c0_i32_1 = arith.constant 0 : i32
    return %c0_i32, %c0_i32_0 : i32, i32
  }
  func.func @transform_9(%arg0: i32) -> (i32, i32) {
    %c0_i32 = arith.constant 0 : i32
    %c0_i32_0 = arith.constant 0 : i32
    %c0_i32_1 = arith.constant 0 : i32
    return %c0_i32, %c0_i32_0 : i32, i32
  }
  func.func @transform_10(%arg0: i32) -> (i32, i32) {
    %c0_i32 = arith.constant 0 : i32
    %c0_i32_0 = arith.constant 0 : i32
    %c0_i32_1 = arith.constant 0 : i32
    return %c0_i32, %c0_i32_0 : i32, i32
  }
  func.func @transform_11(%arg0: i32) -> (i32, i32) {
    %c0_i32 = arith.constant 0 : i32
    %c0_i32_0 = arith.constant 0 : i32
    %c0_i32_1 = arith.constant 0 : i32
    return %c0_i32, %c0_i32_0 : i32, i32
  }
  func.func @transform_12(%arg0: i32) -> (i32, i32) {
    %c0_i32 = arith.constant 0 : i32
    %c0_i32_0 = arith.constant 0 : i32
    %c0_i32_1 = arith.constant 0 : i32
    return %c0_i32, %c0_i32_0 : i32, i32
  }
  func.func @transform_13(%arg0: i32) -> (i32, i32) {
    %c0_i32 = arith.constant 0 : i32
    %c0_i32_0 = arith.constant 0 : i32
    %c0_i32_1 = arith.constant 0 : i32
    return %c0_i32, %c0_i32_0 : i32, i32
  }
  func.func @transform_14(%arg0: i32) -> (i32, i32) {
    %c0_i32 = arith.constant 0 : i32
    %c0_i32_0 = arith.constant 0 : i32
    %c0_i32_1 = arith.constant 0 : i32
    return %c0_i32, %c0_i32_0 : i32, i32
  }
  func.func @transform_15(%arg0: i32) -> (i32, i32) {
    %c0_i32 = arith.constant 0 : i32
    %c0_i32_0 = arith.constant 0 : i32
    %c0_i32_1 = arith.constant 0 : i32
    return %c0_i32, %c0_i32_0 : i32, i32
  }
  func.func @transform_16(%arg0: i32) -> (i32, i32) {
    %c0_i32 = arith.constant 0 : i32
    %c0_i32_0 = arith.constant 0 : i32
    %c0_i32_1 = arith.constant 0 : i32
    return %c0_i32, %c0_i32_0 : i32, i32
  }
  func.func @transform_17(%arg0: i32) -> (i32, i32) {
    %c0_i32 = arith.constant 0 : i32
    %c0_i32_0 = arith.constant 0 : i32
    %c0_i32_1 = arith.constant 0 : i32
    return %c0_i32, %c0_i32_0 : i32, i32
  }
  func.func @transform_18(%arg0: i32) -> (i32, i32) {
    %c0_i32 = arith.constant 0 : i32
    %c0_i32_0 = arith.constant 0 : i32
    %c0_i32_1 = arith.constant 0 : i32
    return %c0_i32, %c0_i32_0 : i32, i32
  }
  func.func @transform_19(%arg0: i32) -> (i32, i32) {
    %c0_i32 = arith.constant 0 : i32
    %c0_i32_0 = arith.constant 0 : i32
    %c0_i32_1 = arith.constant 0 : i32
    return %c0_i32, %c0_i32_0 : i32, i32
  }
  func.func @transform_20(%arg0: i32) -> (i32, i32) {
    %c0_i32 = arith.constant 0 : i32
    %c0_i32_0 = arith.constant 0 : i32
    %c0_i32_1 = arith.constant 0 : i32
    return %c0_i32, %c0_i32_0 : i32, i32
  }
  func.func @transform_21(%arg0: i32) -> (i32, i32) {
    %c0_i32 = arith.constant 0 : i32
    %c0_i32_0 = arith.constant 0 : i32
    %c0_i32_1 = arith.constant 0 : i32
    return %c0_i32, %c0_i32_0 : i32, i32
  }
  func.func @transform_22(%arg0: i32) -> (i32, i32) {
    %c0_i32 = arith.constant 0 : i32
    %c0_i32_0 = arith.constant 0 : i32
    %c0_i32_1 = arith.constant 0 : i32
    return %c0_i32, %c0_i32_0 : i32, i32
  }
  func.func @transform_23(%arg0: i32) -> (i32, i32) {
    %c0_i32 = arith.constant 0 : i32
    %c0_i32_0 = arith.constant 0 : i32
    %c0_i32_1 = arith.constant 0 : i32
    return %c0_i32, %c0_i32_0 : i32, i32
  }
  func.func @transform_24(%arg0: i32) -> (i32, i32) {
    %c0_i32 = arith.constant 0 : i32
    %c0_i32_0 = arith.constant 0 : i32
    %c0_i32_1 = arith.constant 0 : i32
    return %c0_i32, %c0_i32_0 : i32, i32
  }
  func.func @transform_25(%arg0: i32) -> (i32, i32) {
    %c0_i32 = arith.constant 0 : i32
    %c0_i32_0 = arith.constant 0 : i32
    %c0_i32_1 = arith.constant 0 : i32
    return %c0_i32, %c0_i32_0 : i32, i32
  }
  func.func @transform_26(%arg0: i32) -> (i32, i32) {
    %c0_i32 = arith.constant 0 : i32
    %c0_i32_0 = arith.constant 0 : i32
    %c0_i32_1 = arith.constant 0 : i32
    return %c0_i32, %c0_i32_0 : i32, i32
  }
  func.func @transform_27(%arg0: i32) -> (i32, i32) {
    %c0_i32 = arith.constant 0 : i32
    %c0_i32_0 = arith.constant 0 : i32
    %c0_i32_1 = arith.constant 0 : i32
    return %c0_i32, %c0_i32_0 : i32, i32
  }
  func.func @transform_28(%arg0: i32) -> (i32, i32) {
    %c0_i32 = arith.constant 0 : i32
    %c0_i32_0 = arith.constant 0 : i32
    %c0_i32_1 = arith.constant 0 : i32
    return %c0_i32, %c0_i32_0 : i32, i32
  }
  func.func @transform_29(%arg0: i32) -> (i32, i32) {
    %c0_i32 = arith.constant 0 : i32
    %c0_i32_0 = arith.constant 0 : i32
    %c0_i32_1 = arith.constant 0 : i32
    return %c0_i32, %c0_i32_0 : i32, i32
  }
  func.func @transform_30(%arg0: i32) -> (i32, i32) {
    %c0_i32 = arith.constant 0 : i32
    %c0_i32_0 = arith.constant 0 : i32
    %c0_i32_1 = arith.constant 0 : i32
    return %c0_i32, %c0_i32_0 : i32, i32
  }
  func.func @transform_31(%arg0: i32) -> (i32, i32) {
    %c0_i32 = arith.constant 0 : i32
    %c0_i32_0 = arith.constant 0 : i32
    return %arg0, %c0_i32 : i32, i32
  }
}

module attributes {stable_mosaic.version = 14 : i64} {
  func.func @_node_body(%arg0: i32, %arg1: memref<2x184x128xf32, #tpu.memory_space<vmem>>, %arg2: memref<184x48xf32, #tpu.memory_space<vmem>>, %arg3: memref<128x256xf32, #tpu.memory_space<vmem>>, %arg4: memref<1x256xf32, #tpu.memory_space<vmem>>, %arg5: memref<256x512xf32, #tpu.memory_space<vmem>>, %arg6: memref<1x512xf32, #tpu.memory_space<vmem>>, %arg7: memref<512x512xf32, #tpu.memory_space<vmem>>, %arg8: memref<1x512xf32, #tpu.memory_space<vmem>>, %arg9: memref<512x512xf32, #tpu.memory_space<vmem>>, %arg10: memref<1x512xf32, #tpu.memory_space<vmem>>, %arg11: memref<512x256xf32, #tpu.memory_space<vmem>>, %arg12: memref<1x256xf32, #tpu.memory_space<vmem>>, %arg13: memref<48x192xf32, #tpu.memory_space<vmem>>, %arg14: memref<256x192xf32, #tpu.memory_space<vmem>>, %arg15: memref<1x192xf32, #tpu.memory_space<vmem>>, %arg16: memref<192x192xf32, #tpu.memory_space<vmem>>, %arg17: memref<1x192xf32, #tpu.memory_space<vmem>>, %arg18: memref<192x192xf32, #tpu.memory_space<vmem>>, %arg19: memref<1x192xf32, #tpu.memory_space<vmem>>, %arg20: memref<192x128xf32, #tpu.memory_space<vmem>>, %arg21: memref<1x128xf32, #tpu.memory_space<vmem>>, %arg22: memref<128x48xf32, #tpu.memory_space<vmem>>, %arg23: memref<1x48xf32, #tpu.memory_space<vmem>>, %arg24: memref<19x12xf32, #tpu.memory_space<vmem>>, %arg25: memref<1x12xf32, #tpu.memory_space<vmem>>, %arg26: memref<12x12xf32, #tpu.memory_space<vmem>>, %arg27: memref<1x12xf32, #tpu.memory_space<vmem>>, %arg28: memref<12x12xf32, #tpu.memory_space<vmem>>, %arg29: memref<1x12xf32, #tpu.memory_space<vmem>>, %arg30: memref<12x8xf32, #tpu.memory_space<vmem>>, %arg31: memref<1x8xf32, #tpu.memory_space<vmem>>, %arg32: memref<8x9xf32, #tpu.memory_space<vmem>>, %arg33: memref<1x9xf32, #tpu.memory_space<vmem>>, %arg34: memref<48x3xf32, #tpu.memory_space<vmem>>, %arg35: memref<256x16xf32, #tpu.memory_space<vmem>>, %arg36: memref<1x9xf32, #tpu.memory_space<vmem>>, %arg37: memref<1x304xf32, #tpu.memory_space<vmem>>) attributes {dimension_semantics = [#tpu.dimension_semantics<arbitrary>], iteration_bounds = array<i64: 17>, scalar_prefetch = 0 : i64, scratch_operands = 1 : i64, tpu.core_type = #tpu.core_type<tc>, window_params = [{transform_indices = @transform_0, window_bounds = array<i64: 2, 184, 128>}, {transform_indices = @transform_1, window_bounds = array<i64: 184, 48>}, {pipeline_mode = #tpu.pipeline_mode<synchronous>, transform_indices = @transform_2, window_bounds = array<i64: 128, 256>}, {pipeline_mode = #tpu.pipeline_mode<synchronous>, transform_indices = @transform_3, window_bounds = array<i64: 1, 256>}, {pipeline_mode = #tpu.pipeline_mode<synchronous>, transform_indices = @transform_4, window_bounds = array<i64: 256, 512>}, {pipeline_mode = #tpu.pipeline_mode<synchronous>, transform_indices = @transform_5, window_bounds = array<i64: 1, 512>}, {pipeline_mode = #tpu.pipeline_mode<synchronous>, transform_indices = @transform_6, window_bounds = array<i64: 512, 512>}, {pipeline_mode = #tpu.pipeline_mode<synchronous>, transform_indices = @transform_7, window_bounds = array<i64: 1, 512>}, {pipeline_mode = #tpu.pipeline_mode<synchronous>, transform_indices = @transform_8, window_bounds = array<i64: 512, 512>}, {pipeline_mode = #tpu.pipeline_mode<synchronous>, transform_indices = @transform_9, window_bounds = array<i64: 1, 512>}, {pipeline_mode = #tpu.pipeline_mode<synchronous>, transform_indices = @transform_10, window_bounds = array<i64: 512, 256>}, {pipeline_mode = #tpu.pipeline_mode<synchronous>, transform_indices = @transform_11, window_bounds = array<i64: 1, 256>}, {pipeline_mode = #tpu.pipeline_mode<synchronous>, transform_indices = @transform_12, window_bounds = array<i64: 48, 192>}, {pipeline_mode = #tpu.pipeline_mode<synchronous>, transform_indices = @transform_13, window_bounds = array<i64: 256, 192>}, {pipeline_mode = #tpu.pipeline_mode<synchronous>, transform_indices = @transform_14, window_bounds = array<i64: 1, 192>}, {pipeline_mode = #tpu.pipeline_mode<synchronous>, transform_indices = @transform_15, window_bounds = array<i64: 192, 192>}, {pipeline_mode = #tpu.pipeline_mode<synchronous>, transform_indices = @transform_16, window_bounds = array<i64: 1, 192>}, {pipeline_mode = #tpu.pipeline_mode<synchronous>, transform_indices = @transform_17, window_bounds = array<i64: 192, 192>}, {pipeline_mode = #tpu.pipeline_mode<synchronous>, transform_indices = @transform_18, window_bounds = array<i64: 1, 192>}, {pipeline_mode = #tpu.pipeline_mode<synchronous>, transform_indices = @transform_19, window_bounds = array<i64: 192, 128>}, {pipeline_mode = #tpu.pipeline_mode<synchronous>, transform_indices = @transform_20, window_bounds = array<i64: 1, 128>}, {pipeline_mode = #tpu.pipeline_mode<synchronous>, transform_indices = @transform_21, window_bounds = array<i64: 128, 48>}, {pipeline_mode = #tpu.pipeline_mode<synchronous>, transform_indices = @transform_22, window_bounds = array<i64: 1, 48>}, {pipeline_mode = #tpu.pipeline_mode<synchronous>, transform_indices = @transform_23, window_bounds = array<i64: 19, 12>}, {pipeline_mode = #tpu.pipeline_mode<synchronous>, transform_indices = @transform_24, window_bounds = array<i64: 1, 12>}, {pipeline_mode = #tpu.pipeline_mode<synchronous>, transform_indices = @transform_25, window_bounds = array<i64: 12, 12>}, {pipeline_mode = #tpu.pipeline_mode<synchronous>, transform_indices = @transform_26, window_bounds = array<i64: 1, 12>}, {pipeline_mode = #tpu.pipeline_mode<synchronous>, transform_indices = @transform_27, window_bounds = array<i64: 12, 12>}, {pipeline_mode = #tpu.pipeline_mode<synchronous>, transform_indices = @transform_28, window_bounds = array<i64: 1, 12>}, {pipeline_mode = #tpu.pipeline_mode<synchronous>, transform_indices = @transform_29, window_bounds = array<i64: 12, 8>}, {pipeline_mode = #tpu.pipeline_mode<synchronous>, transform_indices = @transform_30, window_bounds = array<i64: 1, 8>}, {pipeline_mode = #tpu.pipeline_mode<synchronous>, transform_indices = @transform_31, window_bounds = array<i64: 8, 9>}, {pipeline_mode = #tpu.pipeline_mode<synchronous>, transform_indices = @transform_32, window_bounds = array<i64: 1, 9>}, {pipeline_mode = #tpu.pipeline_mode<synchronous>, transform_indices = @transform_33, window_bounds = array<i64: 48, 3>}, {pipeline_mode = #tpu.pipeline_mode<synchronous>, transform_indices = @transform_34, window_bounds = array<i64: 256, 16>}, {pipeline_mode = #tpu.pipeline_mode<synchronous>, transform_indices = @transform_35, window_bounds = array<i64: 1, 9>}]} {
    %get3A = arith.constant 0 : index
    %get3A_0 = arith.constant 0 : index
    %get3A_1 = arith.constant 0 : index
    %get3A_2 = vector.load %arg1[%get3A, %get3A_0, %get3A_1] : memref<2x184x128xf32, #tpu.memory_space<vmem>>, vector<1x184x128xf32>
    %get3A_3 = vector.shape_cast %get3A_2 : vector<1x184x128xf32> to vector<184x128xf32>
    %get3A_4 = arith.constant 1 : index
    %get3A_5 = arith.constant 0 : index
    %get3A_6 = arith.constant 0 : index
    %get3A_7 = vector.load %arg1[%get3A_4, %get3A_5, %get3A_6] : memref<2x184x128xf32, #tpu.memory_space<vmem>>, vector<1x184x128xf32>
    %get3A_8 = vector.shape_cast %get3A_7 : vector<1x184x128xf32> to vector<184x128xf32>
    %add3A = arith.addf %get3A_3, %get3A_8 : vector<184x128xf32>
    %get3A_9 = arith.constant 0 : index
    %get3A_10 = arith.constant 0 : index
    %get3A_11 = vector.load %arg3[%get3A_9, %get3A_10] : memref<128x256xf32, #tpu.memory_space<vmem>>, vector<128x256xf32>
    %dot_general3A = arith.constant dense<0.000000e+00> : vector<184x256xf32>
    %dot_general3A_12 = tpu.matmul %add3A, %get3A_11, %dot_general3A {dimension_numbers = #tpu.dot_dimension_numbers<[1], [0], [0], [1], [0, 0, 1, 1], [], []>, transpose_lhs_hint = false} : vector<184x128xf32>, vector<128x256xf32>, vector<184x256xf32> -> vector<184x256xf32>
    %get3A_13 = arith.constant 0 : index
    %get3A_14 = arith.constant 0 : index
    %get3A_15 = vector.load %arg4[%get3A_13, %get3A_14] : memref<1x256xf32, #tpu.memory_space<vmem>>, vector<1x256xf32>
    %add3A_16 = vector.broadcast %get3A_15 : vector<1x256xf32> to vector<184x256xf32>
    %add3A_17 = arith.addf %dot_general3A_12, %add3A_16 : vector<184x256xf32>
    %gt3A = arith.constant 0.000000e+00 : f32
    %gt3A_18 = vector.broadcast %gt3A : f32 to vector<184x256xf32>
    %gt3A_19 = arith.cmpf ogt, %add3A_17, %gt3A_18 : vector<184x256xf32>
    %exp3A = math.exp %add3A_17 : vector<184x256xf32>
    %sub3A = arith.constant 1.000000e+00 : f32
    %sub3A_20 = vector.broadcast %sub3A : f32 to vector<184x256xf32>
    %sub3A_21 = arith.subf %exp3A, %sub3A_20 : vector<184x256xf32>
    %mul3A = arith.constant 1.67326319 : f32
    %mul3A_22 = vector.broadcast %mul3A : f32 to vector<184x256xf32>
    %mul3A_23 = arith.mulf %mul3A_22, %sub3A_21 : vector<184x256xf32>
    %select_n3A = arith.select %gt3A_19, %add3A_17, %mul3A_23 : vector<184x256xi1>, vector<184x256xf32>
    %mul3A_24 = arith.constant 1.05070102 : f32
    %mul3A_25 = vector.broadcast %mul3A_24 : f32 to vector<184x256xf32>
    %mul3A_26 = arith.mulf %mul3A_25, %select_n3A : vector<184x256xf32>
    %get3A_27 = arith.constant 0 : index
    %get3A_28 = arith.constant 0 : index
    %get3A_29 = vector.load %arg5[%get3A_27, %get3A_28] : memref<256x512xf32, #tpu.memory_space<vmem>>, vector<256x512xf32>
    %dot_general3A_30 = arith.constant dense<0.000000e+00> : vector<184x512xf32>
    %dot_general3A_31 = tpu.matmul %mul3A_26, %get3A_29, %dot_general3A_30 {dimension_numbers = #tpu.dot_dimension_numbers<[1], [0], [0], [1], [0, 0, 1, 1], [], []>, transpose_lhs_hint = false} : vector<184x256xf32>, vector<256x512xf32>, vector<184x512xf32> -> vector<184x512xf32>
    %get3A_32 = arith.constant 0 : index
    %get3A_33 = arith.constant 0 : index
    %get3A_34 = vector.load %arg6[%get3A_32, %get3A_33] : memref<1x512xf32, #tpu.memory_space<vmem>>, vector<1x512xf32>
    %add3A_35 = vector.broadcast %get3A_34 : vector<1x512xf32> to vector<184x512xf32>
    %add3A_36 = arith.addf %dot_general3A_31, %add3A_35 : vector<184x512xf32>
    %gt3A_37 = arith.constant 0.000000e+00 : f32
    %gt3A_38 = vector.broadcast %gt3A_37 : f32 to vector<184x512xf32>
    %gt3A_39 = arith.cmpf ogt, %add3A_36, %gt3A_38 : vector<184x512xf32>
    %exp3A_40 = math.exp %add3A_36 : vector<184x512xf32>
    %sub3A_41 = arith.constant 1.000000e+00 : f32
    %sub3A_42 = vector.broadcast %sub3A_41 : f32 to vector<184x512xf32>
    %sub3A_43 = arith.subf %exp3A_40, %sub3A_42 : vector<184x512xf32>
    %mul3A_44 = arith.constant 1.67326319 : f32
    %mul3A_45 = vector.broadcast %mul3A_44 : f32 to vector<184x512xf32>
    %mul3A_46 = arith.mulf %mul3A_45, %sub3A_43 : vector<184x512xf32>
    %select_n3A_47 = arith.select %gt3A_39, %add3A_36, %mul3A_46 : vector<184x512xi1>, vector<184x512xf32>
    %mul3A_48 = arith.constant 1.05070102 : f32
    %mul3A_49 = vector.broadcast %mul3A_48 : f32 to vector<184x512xf32>
    %mul3A_50 = arith.mulf %mul3A_49, %select_n3A_47 : vector<184x512xf32>
    %get3A_51 = arith.constant 0 : index
    %get3A_52 = arith.constant 0 : index
    %get3A_53 = vector.load %arg7[%get3A_51, %get3A_52] : memref<512x512xf32, #tpu.memory_space<vmem>>, vector<512x512xf32>
    %dot_general3A_54 = arith.constant dense<0.000000e+00> : vector<184x512xf32>
    %dot_general3A_55 = tpu.matmul %mul3A_50, %get3A_53, %dot_general3A_54 {dimension_numbers = #tpu.dot_dimension_numbers<[1], [0], [0], [1], [0, 0, 1, 1], [], []>, transpose_lhs_hint = false} : vector<184x512xf32>, vector<512x512xf32>, vector<184x512xf32> -> vector<184x512xf32>
    %get3A_56 = arith.constant 0 : index
    %get3A_57 = arith.constant 0 : index
    %get3A_58 = vector.load %arg8[%get3A_56, %get3A_57] : memref<1x512xf32, #tpu.memory_space<vmem>>, vector<1x512xf32>
    %add3A_59 = vector.broadcast %get3A_58 : vector<1x512xf32> to vector<184x512xf32>
    %add3A_60 = arith.addf %dot_general3A_55, %add3A_59 : vector<184x512xf32>
    %gt3A_61 = arith.constant 0.000000e+00 : f32
    %gt3A_62 = vector.broadcast %gt3A_61 : f32 to vector<184x512xf32>
    %gt3A_63 = arith.cmpf ogt, %add3A_60, %gt3A_62 : vector<184x512xf32>
    %exp3A_64 = math.exp %add3A_60 : vector<184x512xf32>
    %sub3A_65 = arith.constant 1.000000e+00 : f32
    %sub3A_66 = vector.broadcast %sub3A_65 : f32 to vector<184x512xf32>
    %sub3A_67 = arith.subf %exp3A_64, %sub3A_66 : vector<184x512xf32>
    %mul3A_68 = arith.constant 1.67326319 : f32
    %mul3A_69 = vector.broadcast %mul3A_68 : f32 to vector<184x512xf32>
    %mul3A_70 = arith.mulf %mul3A_69, %sub3A_67 : vector<184x512xf32>
    %select_n3A_71 = arith.select %gt3A_63, %add3A_60, %mul3A_70 : vector<184x512xi1>, vector<184x512xf32>
    %mul3A_72 = arith.constant 1.05070102 : f32
    %mul3A_73 = vector.broadcast %mul3A_72 : f32 to vector<184x512xf32>
    %mul3A_74 = arith.mulf %mul3A_73, %select_n3A_71 : vector<184x512xf32>
    %get3A_75 = arith.constant 0 : index
    %get3A_76 = arith.constant 0 : index
    %get3A_77 = vector.load %arg9[%get3A_75, %get3A_76] : memref<512x512xf32, #tpu.memory_space<vmem>>, vector<512x512xf32>
    %dot_general3A_78 = arith.constant dense<0.000000e+00> : vector<184x512xf32>
    %dot_general3A_79 = tpu.matmul %mul3A_74, %get3A_77, %dot_general3A_78 {dimension_numbers = #tpu.dot_dimension_numbers<[1], [0], [0], [1], [0, 0, 1, 1], [], []>, transpose_lhs_hint = false} : vector<184x512xf32>, vector<512x512xf32>, vector<184x512xf32> -> vector<184x512xf32>
    %get3A_80 = arith.constant 0 : index
    %get3A_81 = arith.constant 0 : index
    %get3A_82 = vector.load %arg10[%get3A_80, %get3A_81] : memref<1x512xf32, #tpu.memory_space<vmem>>, vector<1x512xf32>
    %add3A_83 = vector.broadcast %get3A_82 : vector<1x512xf32> to vector<184x512xf32>
    %add3A_84 = arith.addf %dot_general3A_79, %add3A_83 : vector<184x512xf32>
    %gt3A_85 = arith.constant 0.000000e+00 : f32
    %gt3A_86 = vector.broadcast %gt3A_85 : f32 to vector<184x512xf32>
    %gt3A_87 = arith.cmpf ogt, %add3A_84, %gt3A_86 : vector<184x512xf32>
    %exp3A_88 = math.exp %add3A_84 : vector<184x512xf32>
    %sub3A_89 = arith.constant 1.000000e+00 : f32
    %sub3A_90 = vector.broadcast %sub3A_89 : f32 to vector<184x512xf32>
    %sub3A_91 = arith.subf %exp3A_88, %sub3A_90 : vector<184x512xf32>
    %mul3A_92 = arith.constant 1.67326319 : f32
    %mul3A_93 = vector.broadcast %mul3A_92 : f32 to vector<184x512xf32>
    %mul3A_94 = arith.mulf %mul3A_93, %sub3A_91 : vector<184x512xf32>
    %select_n3A_95 = arith.select %gt3A_87, %add3A_84, %mul3A_94 : vector<184x512xi1>, vector<184x512xf32>
    %mul3A_96 = arith.constant 1.05070102 : f32
    %mul3A_97 = vector.broadcast %mul3A_96 : f32 to vector<184x512xf32>
    %mul3A_98 = arith.mulf %mul3A_97, %select_n3A_95 : vector<184x512xf32>
    %get3A_99 = arith.constant 0 : index
    %get3A_100 = arith.constant 0 : index
    %get3A_101 = vector.load %arg11[%get3A_99, %get3A_100] : memref<512x256xf32, #tpu.memory_space<vmem>>, vector<512x256xf32>
    %dot_general3A_102 = arith.constant dense<0.000000e+00> : vector<184x256xf32>
    %dot_general3A_103 = tpu.matmul %mul3A_98, %get3A_101, %dot_general3A_102 {dimension_numbers = #tpu.dot_dimension_numbers<[1], [0], [0], [1], [0, 0, 1, 1], [], []>, transpose_lhs_hint = false} : vector<184x512xf32>, vector<512x256xf32>, vector<184x256xf32> -> vector<184x256xf32>
    %get3A_104 = arith.constant 0 : index
    %get3A_105 = arith.constant 0 : index
    %get3A_106 = vector.load %arg12[%get3A_104, %get3A_105] : memref<1x256xf32, #tpu.memory_space<vmem>>, vector<1x256xf32>
    %add3A_107 = vector.broadcast %get3A_106 : vector<1x256xf32> to vector<184x256xf32>
    %add3A_108 = arith.addf %dot_general3A_103, %add3A_107 : vector<184x256xf32>
    %get3A_109 = arith.constant 0 : index
    %get3A_110 = arith.constant 0 : index
    %get3A_111 = vector.load %arg14[%get3A_109, %get3A_110] : memref<256x192xf32, #tpu.memory_space<vmem>>, vector<256x192xf32>
    %dot_general3A_112 = arith.constant dense<0.000000e+00> : vector<184x192xf32>
    %dot_general3A_113 = tpu.matmul %add3A_108, %get3A_111, %dot_general3A_112 {dimension_numbers = #tpu.dot_dimension_numbers<[1], [0], [0], [1], [0, 0, 1, 1], [], []>, transpose_lhs_hint = false} : vector<184x256xf32>, vector<256x192xf32>, vector<184x192xf32> -> vector<184x192xf32>
    %get3A_114 = arith.constant 0 : index
    %get3A_115 = arith.constant 0 : index
    %get3A_116 = vector.load %arg15[%get3A_114, %get3A_115] : memref<1x192xf32, #tpu.memory_space<vmem>>, vector<1x192xf32>
    %add3A_117 = vector.broadcast %get3A_116 : vector<1x192xf32> to vector<184x192xf32>
    %add3A_118 = arith.addf %dot_general3A_113, %add3A_117 : vector<184x192xf32>
    %get3A_119 = arith.constant 0 : index
    %get3A_120 = arith.constant 0 : index
    %get3A_121 = vector.load %arg2[%get3A_119, %get3A_120] : memref<184x48xf32, #tpu.memory_space<vmem>>, vector<184x48xf32>
    %get3A_122 = arith.constant 0 : index
    %get3A_123 = arith.constant 0 : index
    %get3A_124 = vector.load %arg13[%get3A_122, %get3A_123] : memref<48x192xf32, #tpu.memory_space<vmem>>, vector<48x192xf32>
    %dot_general3A_125 = arith.constant dense<0.000000e+00> : vector<184x192xf32>
    %dot_general3A_126 = tpu.matmul %get3A_121, %get3A_124, %dot_general3A_125 {dimension_numbers = #tpu.dot_dimension_numbers<[1], [0], [0], [1], [0, 0, 1, 1], [], []>, transpose_lhs_hint = false} : vector<184x48xf32>, vector<48x192xf32>, vector<184x192xf32> -> vector<184x192xf32>
    %add3A_127 = arith.addf %dot_general3A_126, %add3A_118 : vector<184x192xf32>
    %gt3A_128 = arith.constant 0.000000e+00 : f32
    %gt3A_129 = vector.broadcast %gt3A_128 : f32 to vector<184x192xf32>
    %gt3A_130 = arith.cmpf ogt, %add3A_127, %gt3A_129 : vector<184x192xf32>
    %exp3A_131 = math.exp %add3A_127 : vector<184x192xf32>
    %sub3A_132 = arith.constant 1.000000e+00 : f32
    %sub3A_133 = vector.broadcast %sub3A_132 : f32 to vector<184x192xf32>
    %sub3A_134 = arith.subf %exp3A_131, %sub3A_133 : vector<184x192xf32>
    %mul3A_135 = arith.constant 1.67326319 : f32
    %mul3A_136 = vector.broadcast %mul3A_135 : f32 to vector<184x192xf32>
    %mul3A_137 = arith.mulf %mul3A_136, %sub3A_134 : vector<184x192xf32>
    %select_n3A_138 = arith.select %gt3A_130, %add3A_127, %mul3A_137 : vector<184x192xi1>, vector<184x192xf32>
    %mul3A_139 = arith.constant 1.05070102 : f32
    %mul3A_140 = vector.broadcast %mul3A_139 : f32 to vector<184x192xf32>
    %mul3A_141 = arith.mulf %mul3A_140, %select_n3A_138 : vector<184x192xf32>
    %get3A_142 = arith.constant 0 : index
    %get3A_143 = arith.constant 0 : index
    %get3A_144 = vector.load %arg16[%get3A_142, %get3A_143] : memref<192x192xf32, #tpu.memory_space<vmem>>, vector<192x192xf32>
    %dot_general3A_145 = arith.constant dense<0.000000e+00> : vector<184x192xf32>
    %dot_general3A_146 = tpu.matmul %mul3A_141, %get3A_144, %dot_general3A_145 {dimension_numbers = #tpu.dot_dimension_numbers<[1], [0], [0], [1], [0, 0, 1, 1], [], []>, transpose_lhs_hint = false} : vector<184x192xf32>, vector<192x192xf32>, vector<184x192xf32> -> vector<184x192xf32>
    %get3A_147 = arith.constant 0 : index
    %get3A_148 = arith.constant 0 : index
    %get3A_149 = vector.load %arg17[%get3A_147, %get3A_148] : memref<1x192xf32, #tpu.memory_space<vmem>>, vector<1x192xf32>
    %add3A_150 = vector.broadcast %get3A_149 : vector<1x192xf32> to vector<184x192xf32>
    %add3A_151 = arith.addf %dot_general3A_146, %add3A_150 : vector<184x192xf32>
    %gt3A_152 = arith.constant 0.000000e+00 : f32
    %gt3A_153 = vector.broadcast %gt3A_152 : f32 to vector<184x192xf32>
    %gt3A_154 = arith.cmpf ogt, %add3A_151, %gt3A_153 : vector<184x192xf32>
    %exp3A_155 = math.exp %add3A_151 : vector<184x192xf32>
    %sub3A_156 = arith.constant 1.000000e+00 : f32
    %sub3A_157 = vector.broadcast %sub3A_156 : f32 to vector<184x192xf32>
    %sub3A_158 = arith.subf %exp3A_155, %sub3A_157 : vector<184x192xf32>
    %mul3A_159 = arith.constant 1.67326319 : f32
    %mul3A_160 = vector.broadcast %mul3A_159 : f32 to vector<184x192xf32>
    %mul3A_161 = arith.mulf %mul3A_160, %sub3A_158 : vector<184x192xf32>
    %select_n3A_162 = arith.select %gt3A_154, %add3A_151, %mul3A_161 : vector<184x192xi1>, vector<184x192xf32>
    %mul3A_163 = arith.constant 1.05070102 : f32
    %mul3A_164 = vector.broadcast %mul3A_163 : f32 to vector<184x192xf32>
    %mul3A_165 = arith.mulf %mul3A_164, %select_n3A_162 : vector<184x192xf32>
    %get3A_166 = arith.constant 0 : index
    %get3A_167 = arith.constant 0 : index
    %get3A_168 = vector.load %arg18[%get3A_166, %get3A_167] : memref<192x192xf32, #tpu.memory_space<vmem>>, vector<192x192xf32>
    %dot_general3A_169 = arith.constant dense<0.000000e+00> : vector<184x192xf32>
    %dot_general3A_170 = tpu.matmul %mul3A_165, %get3A_168, %dot_general3A_169 {dimension_numbers = #tpu.dot_dimension_numbers<[1], [0], [0], [1], [0, 0, 1, 1], [], []>, transpose_lhs_hint = false} : vector<184x192xf32>, vector<192x192xf32>, vector<184x192xf32> -> vector<184x192xf32>
    %get3A_171 = arith.constant 0 : index
    %get3A_172 = arith.constant 0 : index
    %get3A_173 = vector.load %arg19[%get3A_171, %get3A_172] : memref<1x192xf32, #tpu.memory_space<vmem>>, vector<1x192xf32>
    %add3A_174 = vector.broadcast %get3A_173 : vector<1x192xf32> to vector<184x192xf32>
    %add3A_175 = arith.addf %dot_general3A_170, %add3A_174 : vector<184x192xf32>
    %gt3A_176 = arith.constant 0.000000e+00 : f32
    %gt3A_177 = vector.broadcast %gt3A_176 : f32 to vector<184x192xf32>
    %gt3A_178 = arith.cmpf ogt, %add3A_175, %gt3A_177 : vector<184x192xf32>
    %exp3A_179 = math.exp %add3A_175 : vector<184x192xf32>
    %sub3A_180 = arith.constant 1.000000e+00 : f32
    %sub3A_181 = vector.broadcast %sub3A_180 : f32 to vector<184x192xf32>
    %sub3A_182 = arith.subf %exp3A_179, %sub3A_181 : vector<184x192xf32>
    %mul3A_183 = arith.constant 1.67326319 : f32
    %mul3A_184 = vector.broadcast %mul3A_183 : f32 to vector<184x192xf32>
    %mul3A_185 = arith.mulf %mul3A_184, %sub3A_182 : vector<184x192xf32>
    %select_n3A_186 = arith.select %gt3A_178, %add3A_175, %mul3A_185 : vector<184x192xi1>, vector<184x192xf32>
    %mul3A_187 = arith.constant 1.05070102 : f32
    %mul3A_188 = vector.broadcast %mul3A_187 : f32 to vector<184x192xf32>
    %mul3A_189 = arith.mulf %mul3A_188, %select_n3A_186 : vector<184x192xf32>
    %get3A_190 = arith.constant 0 : index
    %get3A_191 = arith.constant 0 : index
    %get3A_192 = vector.load %arg20[%get3A_190, %get3A_191] : memref<192x128xf32, #tpu.memory_space<vmem>>, vector<192x128xf32>
    %dot_general3A_193 = arith.constant dense<0.000000e+00> : vector<184x128xf32>
    %dot_general3A_194 = tpu.matmul %mul3A_189, %get3A_192, %dot_general3A_193 {dimension_numbers = #tpu.dot_dimension_numbers<[1], [0], [0], [1], [0, 0, 1, 1], [], []>, transpose_lhs_hint = false} : vector<184x192xf32>, vector<192x128xf32>, vector<184x128xf32> -> vector<184x128xf32>
    %get3A_195 = arith.constant 0 : index
    %get3A_196 = arith.constant 0 : index
    %get3A_197 = vector.load %arg21[%get3A_195, %get3A_196] : memref<1x128xf32, #tpu.memory_space<vmem>>, vector<1x128xf32>
    %add3A_198 = vector.broadcast %get3A_197 : vector<1x128xf32> to vector<184x128xf32>
    %add3A_199 = arith.addf %dot_general3A_194, %add3A_198 : vector<184x128xf32>
    %gt3A_200 = arith.constant 0.000000e+00 : f32
    %gt3A_201 = vector.broadcast %gt3A_200 : f32 to vector<184x128xf32>
    %gt3A_202 = arith.cmpf ogt, %add3A_199, %gt3A_201 : vector<184x128xf32>
    %exp3A_203 = math.exp %add3A_199 : vector<184x128xf32>
    %sub3A_204 = arith.constant 1.000000e+00 : f32
    %sub3A_205 = vector.broadcast %sub3A_204 : f32 to vector<184x128xf32>
    %sub3A_206 = arith.subf %exp3A_203, %sub3A_205 : vector<184x128xf32>
    %mul3A_207 = arith.constant 1.67326319 : f32
    %mul3A_208 = vector.broadcast %mul3A_207 : f32 to vector<184x128xf32>
    %mul3A_209 = arith.mulf %mul3A_208, %sub3A_206 : vector<184x128xf32>
    %select_n3A_210 = arith.select %gt3A_202, %add3A_199, %mul3A_209 : vector<184x128xi1>, vector<184x128xf32>
    %mul3A_211 = arith.constant 1.05070102 : f32
    %mul3A_212 = vector.broadcast %mul3A_211 : f32 to vector<184x128xf32>
    %mul3A_213 = arith.mulf %mul3A_212, %select_n3A_210 : vector<184x128xf32>
    %get3A_214 = arith.constant 0 : index
    %get3A_215 = arith.constant 0 : index
    %get3A_216 = vector.load %arg22[%get3A_214, %get3A_215] : memref<128x48xf32, #tpu.memory_space<vmem>>, vector<128x48xf32>
    %dot_general3A_217 = arith.constant dense<0.000000e+00> : vector<184x48xf32>
    %dot_general3A_218 = tpu.matmul %mul3A_213, %get3A_216, %dot_general3A_217 {dimension_numbers = #tpu.dot_dimension_numbers<[1], [0], [0], [1], [0, 0, 1, 1], [], []>, transpose_lhs_hint = false} : vector<184x128xf32>, vector<128x48xf32>, vector<184x48xf32> -> vector<184x48xf32>
    %get3A_219 = arith.constant 0 : index
    %get3A_220 = arith.constant 0 : index
    %get3A_221 = vector.load %arg23[%get3A_219, %get3A_220] : memref<1x48xf32, #tpu.memory_space<vmem>>, vector<1x48xf32>
    %add3A_222 = vector.broadcast %get3A_221 : vector<1x48xf32> to vector<184x48xf32>
    %add3A_223 = arith.addf %dot_general3A_218, %add3A_222 : vector<184x48xf32>
    %get3A_224 = arith.constant 0 : index
    %get3A_225 = arith.constant 0 : index
    %get3A_226 = vector.load %arg13[%get3A_224, %get3A_225] : memref<48x192xf32, #tpu.memory_space<vmem>>, vector<48x192xf32>
    %dot_general3A_227 = arith.constant dense<0.000000e+00> : vector<184x192xf32>
    %dot_general3A_228 = tpu.matmul %add3A_223, %get3A_226, %dot_general3A_227 {dimension_numbers = #tpu.dot_dimension_numbers<[1], [0], [0], [1], [0, 0, 1, 1], [], []>, transpose_lhs_hint = false} : vector<184x48xf32>, vector<48x192xf32>, vector<184x192xf32> -> vector<184x192xf32>
    %add3A_229 = arith.addf %dot_general3A_228, %add3A_118 : vector<184x192xf32>
    %gt3A_230 = arith.constant 0.000000e+00 : f32
    %gt3A_231 = vector.broadcast %gt3A_230 : f32 to vector<184x192xf32>
    %gt3A_232 = arith.cmpf ogt, %add3A_229, %gt3A_231 : vector<184x192xf32>
    %exp3A_233 = math.exp %add3A_229 : vector<184x192xf32>
    %sub3A_234 = arith.constant 1.000000e+00 : f32
    %sub3A_235 = vector.broadcast %sub3A_234 : f32 to vector<184x192xf32>
    %sub3A_236 = arith.subf %exp3A_233, %sub3A_235 : vector<184x192xf32>
    %mul3A_237 = arith.constant 1.67326319 : f32
    %mul3A_238 = vector.broadcast %mul3A_237 : f32 to vector<184x192xf32>
    %mul3A_239 = arith.mulf %mul3A_238, %sub3A_236 : vector<184x192xf32>
    %select_n3A_240 = arith.select %gt3A_232, %add3A_229, %mul3A_239 : vector<184x192xi1>, vector<184x192xf32>
    %mul3A_241 = arith.constant 1.05070102 : f32
    %mul3A_242 = vector.broadcast %mul3A_241 : f32 to vector<184x192xf32>
    %mul3A_243 = arith.mulf %mul3A_242, %select_n3A_240 : vector<184x192xf32>
    %get3A_244 = arith.constant 0 : index
    %get3A_245 = arith.constant 0 : index
    %get3A_246 = vector.load %arg16[%get3A_244, %get3A_245] : memref<192x192xf32, #tpu.memory_space<vmem>>, vector<192x192xf32>
    %dot_general3A_247 = arith.constant dense<0.000000e+00> : vector<184x192xf32>
    %dot_general3A_248 = tpu.matmul %mul3A_243, %get3A_246, %dot_general3A_247 {dimension_numbers = #tpu.dot_dimension_numbers<[1], [0], [0], [1], [0, 0, 1, 1], [], []>, transpose_lhs_hint = false} : vector<184x192xf32>, vector<192x192xf32>, vector<184x192xf32> -> vector<184x192xf32>
    %get3A_249 = arith.constant 0 : index
    %get3A_250 = arith.constant 0 : index
    %get3A_251 = vector.load %arg17[%get3A_249, %get3A_250] : memref<1x192xf32, #tpu.memory_space<vmem>>, vector<1x192xf32>
    %add3A_252 = vector.broadcast %get3A_251 : vector<1x192xf32> to vector<184x192xf32>
    %add3A_253 = arith.addf %dot_general3A_248, %add3A_252 : vector<184x192xf32>
    %gt3A_254 = arith.constant 0.000000e+00 : f32
    %gt3A_255 = vector.broadcast %gt3A_254 : f32 to vector<184x192xf32>
    %gt3A_256 = arith.cmpf ogt, %add3A_253, %gt3A_255 : vector<184x192xf32>
    %exp3A_257 = math.exp %add3A_253 : vector<184x192xf32>
    %sub3A_258 = arith.constant 1.000000e+00 : f32
    %sub3A_259 = vector.broadcast %sub3A_258 : f32 to vector<184x192xf32>
    %sub3A_260 = arith.subf %exp3A_257, %sub3A_259 : vector<184x192xf32>
    %mul3A_261 = arith.constant 1.67326319 : f32
    %mul3A_262 = vector.broadcast %mul3A_261 : f32 to vector<184x192xf32>
    %mul3A_263 = arith.mulf %mul3A_262, %sub3A_260 : vector<184x192xf32>
    %select_n3A_264 = arith.select %gt3A_256, %add3A_253, %mul3A_263 : vector<184x192xi1>, vector<184x192xf32>
    %mul3A_265 = arith.constant 1.05070102 : f32
    %mul3A_266 = vector.broadcast %mul3A_265 : f32 to vector<184x192xf32>
    %mul3A_267 = arith.mulf %mul3A_266, %select_n3A_264 : vector<184x192xf32>
    %get3A_268 = arith.constant 0 : index
    %get3A_269 = arith.constant 0 : index
    %get3A_270 = vector.load %arg18[%get3A_268, %get3A_269] : memref<192x192xf32, #tpu.memory_space<vmem>>, vector<192x192xf32>
    %dot_general3A_271 = arith.constant dense<0.000000e+00> : vector<184x192xf32>
    %dot_general3A_272 = tpu.matmul %mul3A_267, %get3A_270, %dot_general3A_271 {dimension_numbers = #tpu.dot_dimension_numbers<[1], [0], [0], [1], [0, 0, 1, 1], [], []>, transpose_lhs_hint = false} : vector<184x192xf32>, vector<192x192xf32>, vector<184x192xf32> -> vector<184x192xf32>
    %get3A_273 = arith.constant 0 : index
    %get3A_274 = arith.constant 0 : index
    %get3A_275 = vector.load %arg19[%get3A_273, %get3A_274] : memref<1x192xf32, #tpu.memory_space<vmem>>, vector<1x192xf32>
    %add3A_276 = vector.broadcast %get3A_275 : vector<1x192xf32> to vector<184x192xf32>
    %add3A_277 = arith.addf %dot_general3A_272, %add3A_276 : vector<184x192xf32>
    %gt3A_278 = arith.constant 0.000000e+00 : f32
    %gt3A_279 = vector.broadcast %gt3A_278 : f32 to vector<184x192xf32>
    %gt3A_280 = arith.cmpf ogt, %add3A_277, %gt3A_279 : vector<184x192xf32>
    %exp3A_281 = math.exp %add3A_277 : vector<184x192xf32>
    %sub3A_282 = arith.constant 1.000000e+00 : f32
    %sub3A_283 = vector.broadcast %sub3A_282 : f32 to vector<184x192xf32>
    %sub3A_284 = arith.subf %exp3A_281, %sub3A_283 : vector<184x192xf32>
    %mul3A_285 = arith.constant 1.67326319 : f32
    %mul3A_286 = vector.broadcast %mul3A_285 : f32 to vector<184x192xf32>
    %mul3A_287 = arith.mulf %mul3A_286, %sub3A_284 : vector<184x192xf32>
    %select_n3A_288 = arith.select %gt3A_280, %add3A_277, %mul3A_287 : vector<184x192xi1>, vector<184x192xf32>
    %mul3A_289 = arith.constant 1.05070102 : f32
    %mul3A_290 = vector.broadcast %mul3A_289 : f32 to vector<184x192xf32>
    %mul3A_291 = arith.mulf %mul3A_290, %select_n3A_288 : vector<184x192xf32>
    %get3A_292 = arith.constant 0 : index
    %get3A_293 = arith.constant 0 : index
    %get3A_294 = vector.load %arg20[%get3A_292, %get3A_293] : memref<192x128xf32, #tpu.memory_space<vmem>>, vector<192x128xf32>
    %dot_general3A_295 = arith.constant dense<0.000000e+00> : vector<184x128xf32>
    %dot_general3A_296 = tpu.matmul %mul3A_291, %get3A_294, %dot_general3A_295 {dimension_numbers = #tpu.dot_dimension_numbers<[1], [0], [0], [1], [0, 0, 1, 1], [], []>, transpose_lhs_hint = false} : vector<184x192xf32>, vector<192x128xf32>, vector<184x128xf32> -> vector<184x128xf32>
    %get3A_297 = arith.constant 0 : index
    %get3A_298 = arith.constant 0 : index
    %get3A_299 = vector.load %arg21[%get3A_297, %get3A_298] : memref<1x128xf32, #tpu.memory_space<vmem>>, vector<1x128xf32>
    %add3A_300 = vector.broadcast %get3A_299 : vector<1x128xf32> to vector<184x128xf32>
    %add3A_301 = arith.addf %dot_general3A_296, %add3A_300 : vector<184x128xf32>
    %gt3A_302 = arith.constant 0.000000e+00 : f32
    %gt3A_303 = vector.broadcast %gt3A_302 : f32 to vector<184x128xf32>
    %gt3A_304 = arith.cmpf ogt, %add3A_301, %gt3A_303 : vector<184x128xf32>
    %exp3A_305 = math.exp %add3A_301 : vector<184x128xf32>
    %sub3A_306 = arith.constant 1.000000e+00 : f32
    %sub3A_307 = vector.broadcast %sub3A_306 : f32 to vector<184x128xf32>
    %sub3A_308 = arith.subf %exp3A_305, %sub3A_307 : vector<184x128xf32>
    %mul3A_309 = arith.constant 1.67326319 : f32
    %mul3A_310 = vector.broadcast %mul3A_309 : f32 to vector<184x128xf32>
    %mul3A_311 = arith.mulf %mul3A_310, %sub3A_308 : vector<184x128xf32>
    %select_n3A_312 = arith.select %gt3A_304, %add3A_301, %mul3A_311 : vector<184x128xi1>, vector<184x128xf32>
    %mul3A_313 = arith.constant 1.05070102 : f32
    %mul3A_314 = vector.broadcast %mul3A_313 : f32 to vector<184x128xf32>
    %mul3A_315 = arith.mulf %mul3A_314, %select_n3A_312 : vector<184x128xf32>
    %get3A_316 = arith.constant 0 : index
    %get3A_317 = arith.constant 0 : index
    %get3A_318 = vector.load %arg22[%get3A_316, %get3A_317] : memref<128x48xf32, #tpu.memory_space<vmem>>, vector<128x48xf32>
    %dot_general3A_319 = arith.constant dense<0.000000e+00> : vector<184x48xf32>
    %dot_general3A_320 = tpu.matmul %mul3A_315, %get3A_318, %dot_general3A_319 {dimension_numbers = #tpu.dot_dimension_numbers<[1], [0], [0], [1], [0, 0, 1, 1], [], []>, transpose_lhs_hint = false} : vector<184x128xf32>, vector<128x48xf32>, vector<184x48xf32> -> vector<184x48xf32>
    %get3A_321 = arith.constant 0 : index
    %get3A_322 = arith.constant 0 : index
    %get3A_323 = vector.load %arg23[%get3A_321, %get3A_322] : memref<1x48xf32, #tpu.memory_space<vmem>>, vector<1x48xf32>
    %add3A_324 = vector.broadcast %get3A_323 : vector<1x48xf32> to vector<184x48xf32>
    %add3A_325 = arith.addf %dot_general3A_320, %add3A_324 : vector<184x48xf32>
    %get3A_326 = arith.constant 0 : index
    %get3A_327 = arith.constant 0 : index
    %get3A_328 = vector.load %arg13[%get3A_326, %get3A_327] : memref<48x192xf32, #tpu.memory_space<vmem>>, vector<48x192xf32>
    %dot_general3A_329 = arith.constant dense<0.000000e+00> : vector<184x192xf32>
    %dot_general3A_330 = tpu.matmul %add3A_325, %get3A_328, %dot_general3A_329 {dimension_numbers = #tpu.dot_dimension_numbers<[1], [0], [0], [1], [0, 0, 1, 1], [], []>, transpose_lhs_hint = false} : vector<184x48xf32>, vector<48x192xf32>, vector<184x192xf32> -> vector<184x192xf32>
    %add3A_331 = arith.addf %dot_general3A_330, %add3A_118 : vector<184x192xf32>
    %gt3A_332 = arith.constant 0.000000e+00 : f32
    %gt3A_333 = vector.broadcast %gt3A_332 : f32 to vector<184x192xf32>
    %gt3A_334 = arith.cmpf ogt, %add3A_331, %gt3A_333 : vector<184x192xf32>
    %exp3A_335 = math.exp %add3A_331 : vector<184x192xf32>
    %sub3A_336 = arith.constant 1.000000e+00 : f32
    %sub3A_337 = vector.broadcast %sub3A_336 : f32 to vector<184x192xf32>
    %sub3A_338 = arith.subf %exp3A_335, %sub3A_337 : vector<184x192xf32>
    %mul3A_339 = arith.constant 1.67326319 : f32
    %mul3A_340 = vector.broadcast %mul3A_339 : f32 to vector<184x192xf32>
    %mul3A_341 = arith.mulf %mul3A_340, %sub3A_338 : vector<184x192xf32>
    %select_n3A_342 = arith.select %gt3A_334, %add3A_331, %mul3A_341 : vector<184x192xi1>, vector<184x192xf32>
    %mul3A_343 = arith.constant 1.05070102 : f32
    %mul3A_344 = vector.broadcast %mul3A_343 : f32 to vector<184x192xf32>
    %mul3A_345 = arith.mulf %mul3A_344, %select_n3A_342 : vector<184x192xf32>
    %get3A_346 = arith.constant 0 : index
    %get3A_347 = arith.constant 0 : index
    %get3A_348 = vector.load %arg16[%get3A_346, %get3A_347] : memref<192x192xf32, #tpu.memory_space<vmem>>, vector<192x192xf32>
    %dot_general3A_349 = arith.constant dense<0.000000e+00> : vector<184x192xf32>
    %dot_general3A_350 = tpu.matmul %mul3A_345, %get3A_348, %dot_general3A_349 {dimension_numbers = #tpu.dot_dimension_numbers<[1], [0], [0], [1], [0, 0, 1, 1], [], []>, transpose_lhs_hint = false} : vector<184x192xf32>, vector<192x192xf32>, vector<184x192xf32> -> vector<184x192xf32>
    %get3A_351 = arith.constant 0 : index
    %get3A_352 = arith.constant 0 : index
    %get3A_353 = vector.load %arg17[%get3A_351, %get3A_352] : memref<1x192xf32, #tpu.memory_space<vmem>>, vector<1x192xf32>
    %add3A_354 = vector.broadcast %get3A_353 : vector<1x192xf32> to vector<184x192xf32>
    %add3A_355 = arith.addf %dot_general3A_350, %add3A_354 : vector<184x192xf32>
    %gt3A_356 = arith.constant 0.000000e+00 : f32
    %gt3A_357 = vector.broadcast %gt3A_356 : f32 to vector<184x192xf32>
    %gt3A_358 = arith.cmpf ogt, %add3A_355, %gt3A_357 : vector<184x192xf32>
    %exp3A_359 = math.exp %add3A_355 : vector<184x192xf32>
    %sub3A_360 = arith.constant 1.000000e+00 : f32
    %sub3A_361 = vector.broadcast %sub3A_360 : f32 to vector<184x192xf32>
    %sub3A_362 = arith.subf %exp3A_359, %sub3A_361 : vector<184x192xf32>
    %mul3A_363 = arith.constant 1.67326319 : f32
    %mul3A_364 = vector.broadcast %mul3A_363 : f32 to vector<184x192xf32>
    %mul3A_365 = arith.mulf %mul3A_364, %sub3A_362 : vector<184x192xf32>
    %select_n3A_366 = arith.select %gt3A_358, %add3A_355, %mul3A_365 : vector<184x192xi1>, vector<184x192xf32>
    %mul3A_367 = arith.constant 1.05070102 : f32
    %mul3A_368 = vector.broadcast %mul3A_367 : f32 to vector<184x192xf32>
    %mul3A_369 = arith.mulf %mul3A_368, %select_n3A_366 : vector<184x192xf32>
    %get3A_370 = arith.constant 0 : index
    %get3A_371 = arith.constant 0 : index
    %get3A_372 = vector.load %arg18[%get3A_370, %get3A_371] : memref<192x192xf32, #tpu.memory_space<vmem>>, vector<192x192xf32>
    %dot_general3A_373 = arith.constant dense<0.000000e+00> : vector<184x192xf32>
    %dot_general3A_374 = tpu.matmul %mul3A_369, %get3A_372, %dot_general3A_373 {dimension_numbers = #tpu.dot_dimension_numbers<[1], [0], [0], [1], [0, 0, 1, 1], [], []>, transpose_lhs_hint = false} : vector<184x192xf32>, vector<192x192xf32>, vector<184x192xf32> -> vector<184x192xf32>
    %get3A_375 = arith.constant 0 : index
    %get3A_376 = arith.constant 0 : index
    %get3A_377 = vector.load %arg19[%get3A_375, %get3A_376] : memref<1x192xf32, #tpu.memory_space<vmem>>, vector<1x192xf32>
    %add3A_378 = vector.broadcast %get3A_377 : vector<1x192xf32> to vector<184x192xf32>
    %add3A_379 = arith.addf %dot_general3A_374, %add3A_378 : vector<184x192xf32>
    %gt3A_380 = arith.constant 0.000000e+00 : f32
    %gt3A_381 = vector.broadcast %gt3A_380 : f32 to vector<184x192xf32>
    %gt3A_382 = arith.cmpf ogt, %add3A_379, %gt3A_381 : vector<184x192xf32>
    %exp3A_383 = math.exp %add3A_379 : vector<184x192xf32>
    %sub3A_384 = arith.constant 1.000000e+00 : f32
    %sub3A_385 = vector.broadcast %sub3A_384 : f32 to vector<184x192xf32>
    %sub3A_386 = arith.subf %exp3A_383, %sub3A_385 : vector<184x192xf32>
    %mul3A_387 = arith.constant 1.67326319 : f32
    %mul3A_388 = vector.broadcast %mul3A_387 : f32 to vector<184x192xf32>
    %mul3A_389 = arith.mulf %mul3A_388, %sub3A_386 : vector<184x192xf32>
    %select_n3A_390 = arith.select %gt3A_382, %add3A_379, %mul3A_389 : vector<184x192xi1>, vector<184x192xf32>
    %mul3A_391 = arith.constant 1.05070102 : f32
    %mul3A_392 = vector.broadcast %mul3A_391 : f32 to vector<184x192xf32>
    %mul3A_393 = arith.mulf %mul3A_392, %select_n3A_390 : vector<184x192xf32>
    %get3A_394 = arith.constant 0 : index
    %get3A_395 = arith.constant 0 : index
    %get3A_396 = vector.load %arg20[%get3A_394, %get3A_395] : memref<192x128xf32, #tpu.memory_space<vmem>>, vector<192x128xf32>
    %dot_general3A_397 = arith.constant dense<0.000000e+00> : vector<184x128xf32>
    %dot_general3A_398 = tpu.matmul %mul3A_393, %get3A_396, %dot_general3A_397 {dimension_numbers = #tpu.dot_dimension_numbers<[1], [0], [0], [1], [0, 0, 1, 1], [], []>, transpose_lhs_hint = false} : vector<184x192xf32>, vector<192x128xf32>, vector<184x128xf32> -> vector<184x128xf32>
    %get3A_399 = arith.constant 0 : index
    %get3A_400 = arith.constant 0 : index
    %get3A_401 = vector.load %arg21[%get3A_399, %get3A_400] : memref<1x128xf32, #tpu.memory_space<vmem>>, vector<1x128xf32>
    %add3A_402 = vector.broadcast %get3A_401 : vector<1x128xf32> to vector<184x128xf32>
    %add3A_403 = arith.addf %dot_general3A_398, %add3A_402 : vector<184x128xf32>
    %gt3A_404 = arith.constant 0.000000e+00 : f32
    %gt3A_405 = vector.broadcast %gt3A_404 : f32 to vector<184x128xf32>
    %gt3A_406 = arith.cmpf ogt, %add3A_403, %gt3A_405 : vector<184x128xf32>
    %exp3A_407 = math.exp %add3A_403 : vector<184x128xf32>
    %sub3A_408 = arith.constant 1.000000e+00 : f32
    %sub3A_409 = vector.broadcast %sub3A_408 : f32 to vector<184x128xf32>
    %sub3A_410 = arith.subf %exp3A_407, %sub3A_409 : vector<184x128xf32>
    %mul3A_411 = arith.constant 1.67326319 : f32
    %mul3A_412 = vector.broadcast %mul3A_411 : f32 to vector<184x128xf32>
    %mul3A_413 = arith.mulf %mul3A_412, %sub3A_410 : vector<184x128xf32>
    %select_n3A_414 = arith.select %gt3A_406, %add3A_403, %mul3A_413 : vector<184x128xi1>, vector<184x128xf32>
    %mul3A_415 = arith.constant 1.05070102 : f32
    %mul3A_416 = vector.broadcast %mul3A_415 : f32 to vector<184x128xf32>
    %mul3A_417 = arith.mulf %mul3A_416, %select_n3A_414 : vector<184x128xf32>
    %get3A_418 = arith.constant 0 : index
    %get3A_419 = arith.constant 0 : index
    %get3A_420 = vector.load %arg22[%get3A_418, %get3A_419] : memref<128x48xf32, #tpu.memory_space<vmem>>, vector<128x48xf32>
    %dot_general3A_421 = arith.constant dense<0.000000e+00> : vector<184x48xf32>
    %dot_general3A_422 = tpu.matmul %mul3A_417, %get3A_420, %dot_general3A_421 {dimension_numbers = #tpu.dot_dimension_numbers<[1], [0], [0], [1], [0, 0, 1, 1], [], []>, transpose_lhs_hint = false} : vector<184x128xf32>, vector<128x48xf32>, vector<184x48xf32> -> vector<184x48xf32>
    %get3A_423 = arith.constant 0 : index
    %get3A_424 = arith.constant 0 : index
    %get3A_425 = vector.load %arg23[%get3A_423, %get3A_424] : memref<1x48xf32, #tpu.memory_space<vmem>>, vector<1x48xf32>
    %add3A_426 = vector.broadcast %get3A_425 : vector<1x48xf32> to vector<184x48xf32>
    %add3A_427 = arith.addf %dot_general3A_422, %add3A_426 : vector<184x48xf32>
    %get3A_428 = arith.constant 0 : index
    %get3A_429 = arith.constant 0 : index
    %get3A_430 = vector.load %arg13[%get3A_428, %get3A_429] : memref<48x192xf32, #tpu.memory_space<vmem>>, vector<48x192xf32>
    %dot_general3A_431 = arith.constant dense<0.000000e+00> : vector<184x192xf32>
    %dot_general3A_432 = tpu.matmul %add3A_427, %get3A_430, %dot_general3A_431 {dimension_numbers = #tpu.dot_dimension_numbers<[1], [0], [0], [1], [0, 0, 1, 1], [], []>, transpose_lhs_hint = false} : vector<184x48xf32>, vector<48x192xf32>, vector<184x192xf32> -> vector<184x192xf32>
    %add3A_433 = arith.addf %dot_general3A_432, %add3A_118 : vector<184x192xf32>
    %gt3A_434 = arith.constant 0.000000e+00 : f32
    %gt3A_435 = vector.broadcast %gt3A_434 : f32 to vector<184x192xf32>
    %gt3A_436 = arith.cmpf ogt, %add3A_433, %gt3A_435 : vector<184x192xf32>
    %exp3A_437 = math.exp %add3A_433 : vector<184x192xf32>
    %sub3A_438 = arith.constant 1.000000e+00 : f32
    %sub3A_439 = vector.broadcast %sub3A_438 : f32 to vector<184x192xf32>
    %sub3A_440 = arith.subf %exp3A_437, %sub3A_439 : vector<184x192xf32>
    %mul3A_441 = arith.constant 1.67326319 : f32
    %mul3A_442 = vector.broadcast %mul3A_441 : f32 to vector<184x192xf32>
    %mul3A_443 = arith.mulf %mul3A_442, %sub3A_440 : vector<184x192xf32>
    %select_n3A_444 = arith.select %gt3A_436, %add3A_433, %mul3A_443 : vector<184x192xi1>, vector<184x192xf32>
    %mul3A_445 = arith.constant 1.05070102 : f32
    %mul3A_446 = vector.broadcast %mul3A_445 : f32 to vector<184x192xf32>
    %mul3A_447 = arith.mulf %mul3A_446, %select_n3A_444 : vector<184x192xf32>
    %get3A_448 = arith.constant 0 : index
    %get3A_449 = arith.constant 0 : index
    %get3A_450 = vector.load %arg16[%get3A_448, %get3A_449] : memref<192x192xf32, #tpu.memory_space<vmem>>, vector<192x192xf32>
    %dot_general3A_451 = arith.constant dense<0.000000e+00> : vector<184x192xf32>
    %dot_general3A_452 = tpu.matmul %mul3A_447, %get3A_450, %dot_general3A_451 {dimension_numbers = #tpu.dot_dimension_numbers<[1], [0], [0], [1], [0, 0, 1, 1], [], []>, transpose_lhs_hint = false} : vector<184x192xf32>, vector<192x192xf32>, vector<184x192xf32> -> vector<184x192xf32>
    %get3A_453 = arith.constant 0 : index
    %get3A_454 = arith.constant 0 : index
    %get3A_455 = vector.load %arg17[%get3A_453, %get3A_454] : memref<1x192xf32, #tpu.memory_space<vmem>>, vector<1x192xf32>
    %add3A_456 = vector.broadcast %get3A_455 : vector<1x192xf32> to vector<184x192xf32>
    %add3A_457 = arith.addf %dot_general3A_452, %add3A_456 : vector<184x192xf32>
    %gt3A_458 = arith.constant 0.000000e+00 : f32
    %gt3A_459 = vector.broadcast %gt3A_458 : f32 to vector<184x192xf32>
    %gt3A_460 = arith.cmpf ogt, %add3A_457, %gt3A_459 : vector<184x192xf32>
    %exp3A_461 = math.exp %add3A_457 : vector<184x192xf32>
    %sub3A_462 = arith.constant 1.000000e+00 : f32
    %sub3A_463 = vector.broadcast %sub3A_462 : f32 to vector<184x192xf32>
    %sub3A_464 = arith.subf %exp3A_461, %sub3A_463 : vector<184x192xf32>
    %mul3A_465 = arith.constant 1.67326319 : f32
    %mul3A_466 = vector.broadcast %mul3A_465 : f32 to vector<184x192xf32>
    %mul3A_467 = arith.mulf %mul3A_466, %sub3A_464 : vector<184x192xf32>
    %select_n3A_468 = arith.select %gt3A_460, %add3A_457, %mul3A_467 : vector<184x192xi1>, vector<184x192xf32>
    %mul3A_469 = arith.constant 1.05070102 : f32
    %mul3A_470 = vector.broadcast %mul3A_469 : f32 to vector<184x192xf32>
    %mul3A_471 = arith.mulf %mul3A_470, %select_n3A_468 : vector<184x192xf32>
    %get3A_472 = arith.constant 0 : index
    %get3A_473 = arith.constant 0 : index
    %get3A_474 = vector.load %arg18[%get3A_472, %get3A_473] : memref<192x192xf32, #tpu.memory_space<vmem>>, vector<192x192xf32>
    %dot_general3A_475 = arith.constant dense<0.000000e+00> : vector<184x192xf32>
    %dot_general3A_476 = tpu.matmul %mul3A_471, %get3A_474, %dot_general3A_475 {dimension_numbers = #tpu.dot_dimension_numbers<[1], [0], [0], [1], [0, 0, 1, 1], [], []>, transpose_lhs_hint = false} : vector<184x192xf32>, vector<192x192xf32>, vector<184x192xf32> -> vector<184x192xf32>
    %get3A_477 = arith.constant 0 : index
    %get3A_478 = arith.constant 0 : index
    %get3A_479 = vector.load %arg19[%get3A_477, %get3A_478] : memref<1x192xf32, #tpu.memory_space<vmem>>, vector<1x192xf32>
    %add3A_480 = vector.broadcast %get3A_479 : vector<1x192xf32> to vector<184x192xf32>
    %add3A_481 = arith.addf %dot_general3A_476, %add3A_480 : vector<184x192xf32>
    %gt3A_482 = arith.constant 0.000000e+00 : f32
    %gt3A_483 = vector.broadcast %gt3A_482 : f32 to vector<184x192xf32>
    %gt3A_484 = arith.cmpf ogt, %add3A_481, %gt3A_483 : vector<184x192xf32>
    %exp3A_485 = math.exp %add3A_481 : vector<184x192xf32>
    %sub3A_486 = arith.constant 1.000000e+00 : f32
    %sub3A_487 = vector.broadcast %sub3A_486 : f32 to vector<184x192xf32>
    %sub3A_488 = arith.subf %exp3A_485, %sub3A_487 : vector<184x192xf32>
    %mul3A_489 = arith.constant 1.67326319 : f32
    %mul3A_490 = vector.broadcast %mul3A_489 : f32 to vector<184x192xf32>
    %mul3A_491 = arith.mulf %mul3A_490, %sub3A_488 : vector<184x192xf32>
    %select_n3A_492 = arith.select %gt3A_484, %add3A_481, %mul3A_491 : vector<184x192xi1>, vector<184x192xf32>
    %mul3A_493 = arith.constant 1.05070102 : f32
    %mul3A_494 = vector.broadcast %mul3A_493 : f32 to vector<184x192xf32>
    %mul3A_495 = arith.mulf %mul3A_494, %select_n3A_492 : vector<184x192xf32>
    %get3A_496 = arith.constant 0 : index
    %get3A_497 = arith.constant 0 : index
    %get3A_498 = vector.load %arg20[%get3A_496, %get3A_497] : memref<192x128xf32, #tpu.memory_space<vmem>>, vector<192x128xf32>
    %dot_general3A_499 = arith.constant dense<0.000000e+00> : vector<184x128xf32>
    %dot_general3A_500 = tpu.matmul %mul3A_495, %get3A_498, %dot_general3A_499 {dimension_numbers = #tpu.dot_dimension_numbers<[1], [0], [0], [1], [0, 0, 1, 1], [], []>, transpose_lhs_hint = false} : vector<184x192xf32>, vector<192x128xf32>, vector<184x128xf32> -> vector<184x128xf32>
    %get3A_501 = arith.constant 0 : index
    %get3A_502 = arith.constant 0 : index
    %get3A_503 = vector.load %arg21[%get3A_501, %get3A_502] : memref<1x128xf32, #tpu.memory_space<vmem>>, vector<1x128xf32>
    %add3A_504 = vector.broadcast %get3A_503 : vector<1x128xf32> to vector<184x128xf32>
    %add3A_505 = arith.addf %dot_general3A_500, %add3A_504 : vector<184x128xf32>
    %gt3A_506 = arith.constant 0.000000e+00 : f32
    %gt3A_507 = vector.broadcast %gt3A_506 : f32 to vector<184x128xf32>
    %gt3A_508 = arith.cmpf ogt, %add3A_505, %gt3A_507 : vector<184x128xf32>
    %exp3A_509 = math.exp %add3A_505 : vector<184x128xf32>
    %sub3A_510 = arith.constant 1.000000e+00 : f32
    %sub3A_511 = vector.broadcast %sub3A_510 : f32 to vector<184x128xf32>
    %sub3A_512 = arith.subf %exp3A_509, %sub3A_511 : vector<184x128xf32>
    %mul3A_513 = arith.constant 1.67326319 : f32
    %mul3A_514 = vector.broadcast %mul3A_513 : f32 to vector<184x128xf32>
    %mul3A_515 = arith.mulf %mul3A_514, %sub3A_512 : vector<184x128xf32>
    %select_n3A_516 = arith.select %gt3A_508, %add3A_505, %mul3A_515 : vector<184x128xi1>, vector<184x128xf32>
    %mul3A_517 = arith.constant 1.05070102 : f32
    %mul3A_518 = vector.broadcast %mul3A_517 : f32 to vector<184x128xf32>
    %mul3A_519 = arith.mulf %mul3A_518, %select_n3A_516 : vector<184x128xf32>
    %get3A_520 = arith.constant 0 : index
    %get3A_521 = arith.constant 0 : index
    %get3A_522 = vector.load %arg22[%get3A_520, %get3A_521] : memref<128x48xf32, #tpu.memory_space<vmem>>, vector<128x48xf32>
    %dot_general3A_523 = arith.constant dense<0.000000e+00> : vector<184x48xf32>
    %dot_general3A_524 = tpu.matmul %mul3A_519, %get3A_522, %dot_general3A_523 {dimension_numbers = #tpu.dot_dimension_numbers<[1], [0], [0], [1], [0, 0, 1, 1], [], []>, transpose_lhs_hint = false} : vector<184x128xf32>, vector<128x48xf32>, vector<184x48xf32> -> vector<184x48xf32>
    %get3A_525 = arith.constant 0 : index
    %get3A_526 = arith.constant 0 : index
    %get3A_527 = vector.load %arg23[%get3A_525, %get3A_526] : memref<1x48xf32, #tpu.memory_space<vmem>>, vector<1x48xf32>
    %add3A_528 = vector.broadcast %get3A_527 : vector<1x48xf32> to vector<184x48xf32>
    %add3A_529 = arith.addf %dot_general3A_524, %add3A_528 : vector<184x48xf32>
    %get3A_530 = arith.constant 0 : index
    %get3A_531 = arith.constant 0 : index
    %get3A_532 = vector.load %arg13[%get3A_530, %get3A_531] : memref<48x192xf32, #tpu.memory_space<vmem>>, vector<48x192xf32>
    %dot_general3A_533 = arith.constant dense<0.000000e+00> : vector<184x192xf32>
    %dot_general3A_534 = tpu.matmul %add3A_529, %get3A_532, %dot_general3A_533 {dimension_numbers = #tpu.dot_dimension_numbers<[1], [0], [0], [1], [0, 0, 1, 1], [], []>, transpose_lhs_hint = false} : vector<184x48xf32>, vector<48x192xf32>, vector<184x192xf32> -> vector<184x192xf32>
    %add3A_535 = arith.addf %dot_general3A_534, %add3A_118 : vector<184x192xf32>
    %gt3A_536 = arith.constant 0.000000e+00 : f32
    %gt3A_537 = vector.broadcast %gt3A_536 : f32 to vector<184x192xf32>
    %gt3A_538 = arith.cmpf ogt, %add3A_535, %gt3A_537 : vector<184x192xf32>
    %exp3A_539 = math.exp %add3A_535 : vector<184x192xf32>
    %sub3A_540 = arith.constant 1.000000e+00 : f32
    %sub3A_541 = vector.broadcast %sub3A_540 : f32 to vector<184x192xf32>
    %sub3A_542 = arith.subf %exp3A_539, %sub3A_541 : vector<184x192xf32>
    %mul3A_543 = arith.constant 1.67326319 : f32
    %mul3A_544 = vector.broadcast %mul3A_543 : f32 to vector<184x192xf32>
    %mul3A_545 = arith.mulf %mul3A_544, %sub3A_542 : vector<184x192xf32>
    %select_n3A_546 = arith.select %gt3A_538, %add3A_535, %mul3A_545 : vector<184x192xi1>, vector<184x192xf32>
    %mul3A_547 = arith.constant 1.05070102 : f32
    %mul3A_548 = vector.broadcast %mul3A_547 : f32 to vector<184x192xf32>
    %mul3A_549 = arith.mulf %mul3A_548, %select_n3A_546 : vector<184x192xf32>
    %get3A_550 = arith.constant 0 : index
    %get3A_551 = arith.constant 0 : index
    %get3A_552 = vector.load %arg16[%get3A_550, %get3A_551] : memref<192x192xf32, #tpu.memory_space<vmem>>, vector<192x192xf32>
    %dot_general3A_553 = arith.constant dense<0.000000e+00> : vector<184x192xf32>
    %dot_general3A_554 = tpu.matmul %mul3A_549, %get3A_552, %dot_general3A_553 {dimension_numbers = #tpu.dot_dimension_numbers<[1], [0], [0], [1], [0, 0, 1, 1], [], []>, transpose_lhs_hint = false} : vector<184x192xf32>, vector<192x192xf32>, vector<184x192xf32> -> vector<184x192xf32>
    %get3A_555 = arith.constant 0 : index
    %get3A_556 = arith.constant 0 : index
    %get3A_557 = vector.load %arg17[%get3A_555, %get3A_556] : memref<1x192xf32, #tpu.memory_space<vmem>>, vector<1x192xf32>
    %add3A_558 = vector.broadcast %get3A_557 : vector<1x192xf32> to vector<184x192xf32>
    %add3A_559 = arith.addf %dot_general3A_554, %add3A_558 : vector<184x192xf32>
    %gt3A_560 = arith.constant 0.000000e+00 : f32
    %gt3A_561 = vector.broadcast %gt3A_560 : f32 to vector<184x192xf32>
    %gt3A_562 = arith.cmpf ogt, %add3A_559, %gt3A_561 : vector<184x192xf32>
    %exp3A_563 = math.exp %add3A_559 : vector<184x192xf32>
    %sub3A_564 = arith.constant 1.000000e+00 : f32
    %sub3A_565 = vector.broadcast %sub3A_564 : f32 to vector<184x192xf32>
    %sub3A_566 = arith.subf %exp3A_563, %sub3A_565 : vector<184x192xf32>
    %mul3A_567 = arith.constant 1.67326319 : f32
    %mul3A_568 = vector.broadcast %mul3A_567 : f32 to vector<184x192xf32>
    %mul3A_569 = arith.mulf %mul3A_568, %sub3A_566 : vector<184x192xf32>
    %select_n3A_570 = arith.select %gt3A_562, %add3A_559, %mul3A_569 : vector<184x192xi1>, vector<184x192xf32>
    %mul3A_571 = arith.constant 1.05070102 : f32
    %mul3A_572 = vector.broadcast %mul3A_571 : f32 to vector<184x192xf32>
    %mul3A_573 = arith.mulf %mul3A_572, %select_n3A_570 : vector<184x192xf32>
    %get3A_574 = arith.constant 0 : index
    %get3A_575 = arith.constant 0 : index
    %get3A_576 = vector.load %arg18[%get3A_574, %get3A_575] : memref<192x192xf32, #tpu.memory_space<vmem>>, vector<192x192xf32>
    %dot_general3A_577 = arith.constant dense<0.000000e+00> : vector<184x192xf32>
    %dot_general3A_578 = tpu.matmul %mul3A_573, %get3A_576, %dot_general3A_577 {dimension_numbers = #tpu.dot_dimension_numbers<[1], [0], [0], [1], [0, 0, 1, 1], [], []>, transpose_lhs_hint = false} : vector<184x192xf32>, vector<192x192xf32>, vector<184x192xf32> -> vector<184x192xf32>
    %get3A_579 = arith.constant 0 : index
    %get3A_580 = arith.constant 0 : index
    %get3A_581 = vector.load %arg19[%get3A_579, %get3A_580] : memref<1x192xf32, #tpu.memory_space<vmem>>, vector<1x192xf32>
    %add3A_582 = vector.broadcast %get3A_581 : vector<1x192xf32> to vector<184x192xf32>
    %add3A_583 = arith.addf %dot_general3A_578, %add3A_582 : vector<184x192xf32>
    %gt3A_584 = arith.constant 0.000000e+00 : f32
    %gt3A_585 = vector.broadcast %gt3A_584 : f32 to vector<184x192xf32>
    %gt3A_586 = arith.cmpf ogt, %add3A_583, %gt3A_585 : vector<184x192xf32>
    %exp3A_587 = math.exp %add3A_583 : vector<184x192xf32>
    %sub3A_588 = arith.constant 1.000000e+00 : f32
    %sub3A_589 = vector.broadcast %sub3A_588 : f32 to vector<184x192xf32>
    %sub3A_590 = arith.subf %exp3A_587, %sub3A_589 : vector<184x192xf32>
    %mul3A_591 = arith.constant 1.67326319 : f32
    %mul3A_592 = vector.broadcast %mul3A_591 : f32 to vector<184x192xf32>
    %mul3A_593 = arith.mulf %mul3A_592, %sub3A_590 : vector<184x192xf32>
    %select_n3A_594 = arith.select %gt3A_586, %add3A_583, %mul3A_593 : vector<184x192xi1>, vector<184x192xf32>
    %mul3A_595 = arith.constant 1.05070102 : f32
    %mul3A_596 = vector.broadcast %mul3A_595 : f32 to vector<184x192xf32>
    %mul3A_597 = arith.mulf %mul3A_596, %select_n3A_594 : vector<184x192xf32>
    %get3A_598 = arith.constant 0 : index
    %get3A_599 = arith.constant 0 : index
    %get3A_600 = vector.load %arg20[%get3A_598, %get3A_599] : memref<192x128xf32, #tpu.memory_space<vmem>>, vector<192x128xf32>
    %dot_general3A_601 = arith.constant dense<0.000000e+00> : vector<184x128xf32>
    %dot_general3A_602 = tpu.matmul %mul3A_597, %get3A_600, %dot_general3A_601 {dimension_numbers = #tpu.dot_dimension_numbers<[1], [0], [0], [1], [0, 0, 1, 1], [], []>, transpose_lhs_hint = false} : vector<184x192xf32>, vector<192x128xf32>, vector<184x128xf32> -> vector<184x128xf32>
    %get3A_603 = arith.constant 0 : index
    %get3A_604 = arith.constant 0 : index
    %get3A_605 = vector.load %arg21[%get3A_603, %get3A_604] : memref<1x128xf32, #tpu.memory_space<vmem>>, vector<1x128xf32>
    %add3A_606 = vector.broadcast %get3A_605 : vector<1x128xf32> to vector<184x128xf32>
    %add3A_607 = arith.addf %dot_general3A_602, %add3A_606 : vector<184x128xf32>
    %gt3A_608 = arith.constant 0.000000e+00 : f32
    %gt3A_609 = vector.broadcast %gt3A_608 : f32 to vector<184x128xf32>
    %gt3A_610 = arith.cmpf ogt, %add3A_607, %gt3A_609 : vector<184x128xf32>
    %exp3A_611 = math.exp %add3A_607 : vector<184x128xf32>
    %sub3A_612 = arith.constant 1.000000e+00 : f32
    %sub3A_613 = vector.broadcast %sub3A_612 : f32 to vector<184x128xf32>
    %sub3A_614 = arith.subf %exp3A_611, %sub3A_613 : vector<184x128xf32>
    %mul3A_615 = arith.constant 1.67326319 : f32
    %mul3A_616 = vector.broadcast %mul3A_615 : f32 to vector<184x128xf32>
    %mul3A_617 = arith.mulf %mul3A_616, %sub3A_614 : vector<184x128xf32>
    %select_n3A_618 = arith.select %gt3A_610, %add3A_607, %mul3A_617 : vector<184x128xi1>, vector<184x128xf32>
    %mul3A_619 = arith.constant 1.05070102 : f32
    %mul3A_620 = vector.broadcast %mul3A_619 : f32 to vector<184x128xf32>
    %mul3A_621 = arith.mulf %mul3A_620, %select_n3A_618 : vector<184x128xf32>
    %get3A_622 = arith.constant 0 : index
    %get3A_623 = arith.constant 0 : index
    %get3A_624 = vector.load %arg22[%get3A_622, %get3A_623] : memref<128x48xf32, #tpu.memory_space<vmem>>, vector<128x48xf32>
    %dot_general3A_625 = arith.constant dense<0.000000e+00> : vector<184x48xf32>
    %dot_general3A_626 = tpu.matmul %mul3A_621, %get3A_624, %dot_general3A_625 {dimension_numbers = #tpu.dot_dimension_numbers<[1], [0], [0], [1], [0, 0, 1, 1], [], []>, transpose_lhs_hint = false} : vector<184x128xf32>, vector<128x48xf32>, vector<184x48xf32> -> vector<184x48xf32>
    %get3A_627 = arith.constant 0 : index
    %get3A_628 = arith.constant 0 : index
    %get3A_629 = vector.load %arg23[%get3A_627, %get3A_628] : memref<1x48xf32, #tpu.memory_space<vmem>>, vector<1x48xf32>
    %add3A_630 = vector.broadcast %get3A_629 : vector<1x48xf32> to vector<184x48xf32>
    %add3A_631 = arith.addf %dot_general3A_626, %add3A_630 : vector<184x48xf32>
    %get3A_632 = arith.constant 0 : index
    %get3A_633 = arith.constant 0 : index
    %get3A_634 = vector.load %arg13[%get3A_632, %get3A_633] : memref<48x192xf32, #tpu.memory_space<vmem>>, vector<48x192xf32>
    %dot_general3A_635 = arith.constant dense<0.000000e+00> : vector<184x192xf32>
    %dot_general3A_636 = tpu.matmul %add3A_631, %get3A_634, %dot_general3A_635 {dimension_numbers = #tpu.dot_dimension_numbers<[1], [0], [0], [1], [0, 0, 1, 1], [], []>, transpose_lhs_hint = false} : vector<184x48xf32>, vector<48x192xf32>, vector<184x192xf32> -> vector<184x192xf32>
    %add3A_637 = arith.addf %dot_general3A_636, %add3A_118 : vector<184x192xf32>
    %gt3A_638 = arith.constant 0.000000e+00 : f32
    %gt3A_639 = vector.broadcast %gt3A_638 : f32 to vector<184x192xf32>
    %gt3A_640 = arith.cmpf ogt, %add3A_637, %gt3A_639 : vector<184x192xf32>
    %exp3A_641 = math.exp %add3A_637 : vector<184x192xf32>
    %sub3A_642 = arith.constant 1.000000e+00 : f32
    %sub3A_643 = vector.broadcast %sub3A_642 : f32 to vector<184x192xf32>
    %sub3A_644 = arith.subf %exp3A_641, %sub3A_643 : vector<184x192xf32>
    %mul3A_645 = arith.constant 1.67326319 : f32
    %mul3A_646 = vector.broadcast %mul3A_645 : f32 to vector<184x192xf32>
    %mul3A_647 = arith.mulf %mul3A_646, %sub3A_644 : vector<184x192xf32>
    %select_n3A_648 = arith.select %gt3A_640, %add3A_637, %mul3A_647 : vector<184x192xi1>, vector<184x192xf32>
    %mul3A_649 = arith.constant 1.05070102 : f32
    %mul3A_650 = vector.broadcast %mul3A_649 : f32 to vector<184x192xf32>
    %mul3A_651 = arith.mulf %mul3A_650, %select_n3A_648 : vector<184x192xf32>
    %get3A_652 = arith.constant 0 : index
    %get3A_653 = arith.constant 0 : index
    %get3A_654 = vector.load %arg16[%get3A_652, %get3A_653] : memref<192x192xf32, #tpu.memory_space<vmem>>, vector<192x192xf32>
    %dot_general3A_655 = arith.constant dense<0.000000e+00> : vector<184x192xf32>
    %dot_general3A_656 = tpu.matmul %mul3A_651, %get3A_654, %dot_general3A_655 {dimension_numbers = #tpu.dot_dimension_numbers<[1], [0], [0], [1], [0, 0, 1, 1], [], []>, transpose_lhs_hint = false} : vector<184x192xf32>, vector<192x192xf32>, vector<184x192xf32> -> vector<184x192xf32>
    %get3A_657 = arith.constant 0 : index
    %get3A_658 = arith.constant 0 : index
    %get3A_659 = vector.load %arg17[%get3A_657, %get3A_658] : memref<1x192xf32, #tpu.memory_space<vmem>>, vector<1x192xf32>
    %add3A_660 = vector.broadcast %get3A_659 : vector<1x192xf32> to vector<184x192xf32>
    %add3A_661 = arith.addf %dot_general3A_656, %add3A_660 : vector<184x192xf32>
    %gt3A_662 = arith.constant 0.000000e+00 : f32
    %gt3A_663 = vector.broadcast %gt3A_662 : f32 to vector<184x192xf32>
    %gt3A_664 = arith.cmpf ogt, %add3A_661, %gt3A_663 : vector<184x192xf32>
    %exp3A_665 = math.exp %add3A_661 : vector<184x192xf32>
    %sub3A_666 = arith.constant 1.000000e+00 : f32
    %sub3A_667 = vector.broadcast %sub3A_666 : f32 to vector<184x192xf32>
    %sub3A_668 = arith.subf %exp3A_665, %sub3A_667 : vector<184x192xf32>
    %mul3A_669 = arith.constant 1.67326319 : f32
    %mul3A_670 = vector.broadcast %mul3A_669 : f32 to vector<184x192xf32>
    %mul3A_671 = arith.mulf %mul3A_670, %sub3A_668 : vector<184x192xf32>
    %select_n3A_672 = arith.select %gt3A_664, %add3A_661, %mul3A_671 : vector<184x192xi1>, vector<184x192xf32>
    %mul3A_673 = arith.constant 1.05070102 : f32
    %mul3A_674 = vector.broadcast %mul3A_673 : f32 to vector<184x192xf32>
    %mul3A_675 = arith.mulf %mul3A_674, %select_n3A_672 : vector<184x192xf32>
    %get3A_676 = arith.constant 0 : index
    %get3A_677 = arith.constant 0 : index
    %get3A_678 = vector.load %arg18[%get3A_676, %get3A_677] : memref<192x192xf32, #tpu.memory_space<vmem>>, vector<192x192xf32>
    %dot_general3A_679 = arith.constant dense<0.000000e+00> : vector<184x192xf32>
    %dot_general3A_680 = tpu.matmul %mul3A_675, %get3A_678, %dot_general3A_679 {dimension_numbers = #tpu.dot_dimension_numbers<[1], [0], [0], [1], [0, 0, 1, 1], [], []>, transpose_lhs_hint = false} : vector<184x192xf32>, vector<192x192xf32>, vector<184x192xf32> -> vector<184x192xf32>
    %get3A_681 = arith.constant 0 : index
    %get3A_682 = arith.constant 0 : index
    %get3A_683 = vector.load %arg19[%get3A_681, %get3A_682] : memref<1x192xf32, #tpu.memory_space<vmem>>, vector<1x192xf32>
    %add3A_684 = vector.broadcast %get3A_683 : vector<1x192xf32> to vector<184x192xf32>
    %add3A_685 = arith.addf %dot_general3A_680, %add3A_684 : vector<184x192xf32>
    %gt3A_686 = arith.constant 0.000000e+00 : f32
    %gt3A_687 = vector.broadcast %gt3A_686 : f32 to vector<184x192xf32>
    %gt3A_688 = arith.cmpf ogt, %add3A_685, %gt3A_687 : vector<184x192xf32>
    %exp3A_689 = math.exp %add3A_685 : vector<184x192xf32>
    %sub3A_690 = arith.constant 1.000000e+00 : f32
    %sub3A_691 = vector.broadcast %sub3A_690 : f32 to vector<184x192xf32>
    %sub3A_692 = arith.subf %exp3A_689, %sub3A_691 : vector<184x192xf32>
    %mul3A_693 = arith.constant 1.67326319 : f32
    %mul3A_694 = vector.broadcast %mul3A_693 : f32 to vector<184x192xf32>
    %mul3A_695 = arith.mulf %mul3A_694, %sub3A_692 : vector<184x192xf32>
    %select_n3A_696 = arith.select %gt3A_688, %add3A_685, %mul3A_695 : vector<184x192xi1>, vector<184x192xf32>
    %mul3A_697 = arith.constant 1.05070102 : f32
    %mul3A_698 = vector.broadcast %mul3A_697 : f32 to vector<184x192xf32>
    %mul3A_699 = arith.mulf %mul3A_698, %select_n3A_696 : vector<184x192xf32>
    %get3A_700 = arith.constant 0 : index
    %get3A_701 = arith.constant 0 : index
    %get3A_702 = vector.load %arg20[%get3A_700, %get3A_701] : memref<192x128xf32, #tpu.memory_space<vmem>>, vector<192x128xf32>
    %dot_general3A_703 = arith.constant dense<0.000000e+00> : vector<184x128xf32>
    %dot_general3A_704 = tpu.matmul %mul3A_699, %get3A_702, %dot_general3A_703 {dimension_numbers = #tpu.dot_dimension_numbers<[1], [0], [0], [1], [0, 0, 1, 1], [], []>, transpose_lhs_hint = false} : vector<184x192xf32>, vector<192x128xf32>, vector<184x128xf32> -> vector<184x128xf32>
    %get3A_705 = arith.constant 0 : index
    %get3A_706 = arith.constant 0 : index
    %get3A_707 = vector.load %arg21[%get3A_705, %get3A_706] : memref<1x128xf32, #tpu.memory_space<vmem>>, vector<1x128xf32>
    %add3A_708 = vector.broadcast %get3A_707 : vector<1x128xf32> to vector<184x128xf32>
    %add3A_709 = arith.addf %dot_general3A_704, %add3A_708 : vector<184x128xf32>
    %gt3A_710 = arith.constant 0.000000e+00 : f32
    %gt3A_711 = vector.broadcast %gt3A_710 : f32 to vector<184x128xf32>
    %gt3A_712 = arith.cmpf ogt, %add3A_709, %gt3A_711 : vector<184x128xf32>
    %exp3A_713 = math.exp %add3A_709 : vector<184x128xf32>
    %sub3A_714 = arith.constant 1.000000e+00 : f32
    %sub3A_715 = vector.broadcast %sub3A_714 : f32 to vector<184x128xf32>
    %sub3A_716 = arith.subf %exp3A_713, %sub3A_715 : vector<184x128xf32>
    %mul3A_717 = arith.constant 1.67326319 : f32
    %mul3A_718 = vector.broadcast %mul3A_717 : f32 to vector<184x128xf32>
    %mul3A_719 = arith.mulf %mul3A_718, %sub3A_716 : vector<184x128xf32>
    %select_n3A_720 = arith.select %gt3A_712, %add3A_709, %mul3A_719 : vector<184x128xi1>, vector<184x128xf32>
    %mul3A_721 = arith.constant 1.05070102 : f32
    %mul3A_722 = vector.broadcast %mul3A_721 : f32 to vector<184x128xf32>
    %mul3A_723 = arith.mulf %mul3A_722, %select_n3A_720 : vector<184x128xf32>
    %get3A_724 = arith.constant 0 : index
    %get3A_725 = arith.constant 0 : index
    %get3A_726 = vector.load %arg22[%get3A_724, %get3A_725] : memref<128x48xf32, #tpu.memory_space<vmem>>, vector<128x48xf32>
    %dot_general3A_727 = arith.constant dense<0.000000e+00> : vector<184x48xf32>
    %dot_general3A_728 = tpu.matmul %mul3A_723, %get3A_726, %dot_general3A_727 {dimension_numbers = #tpu.dot_dimension_numbers<[1], [0], [0], [1], [0, 0, 1, 1], [], []>, transpose_lhs_hint = false} : vector<184x128xf32>, vector<128x48xf32>, vector<184x48xf32> -> vector<184x48xf32>
    %get3A_729 = arith.constant 0 : index
    %get3A_730 = arith.constant 0 : index
    %get3A_731 = vector.load %arg23[%get3A_729, %get3A_730] : memref<1x48xf32, #tpu.memory_space<vmem>>, vector<1x48xf32>
    %add3A_732 = vector.broadcast %get3A_731 : vector<1x48xf32> to vector<184x48xf32>
    %add3A_733 = arith.addf %dot_general3A_728, %add3A_732 : vector<184x48xf32>
    %get3A_734 = arith.constant 0 : index
    %get3A_735 = arith.constant 0 : index
    %get3A_736 = vector.load %arg13[%get3A_734, %get3A_735] : memref<48x192xf32, #tpu.memory_space<vmem>>, vector<48x192xf32>
    %dot_general3A_737 = arith.constant dense<0.000000e+00> : vector<184x192xf32>
    %dot_general3A_738 = tpu.matmul %add3A_733, %get3A_736, %dot_general3A_737 {dimension_numbers = #tpu.dot_dimension_numbers<[1], [0], [0], [1], [0, 0, 1, 1], [], []>, transpose_lhs_hint = false} : vector<184x48xf32>, vector<48x192xf32>, vector<184x192xf32> -> vector<184x192xf32>
    %add3A_739 = arith.addf %dot_general3A_738, %add3A_118 : vector<184x192xf32>
    %gt3A_740 = arith.constant 0.000000e+00 : f32
    %gt3A_741 = vector.broadcast %gt3A_740 : f32 to vector<184x192xf32>
    %gt3A_742 = arith.cmpf ogt, %add3A_739, %gt3A_741 : vector<184x192xf32>
    %exp3A_743 = math.exp %add3A_739 : vector<184x192xf32>
    %sub3A_744 = arith.constant 1.000000e+00 : f32
    %sub3A_745 = vector.broadcast %sub3A_744 : f32 to vector<184x192xf32>
    %sub3A_746 = arith.subf %exp3A_743, %sub3A_745 : vector<184x192xf32>
    %mul3A_747 = arith.constant 1.67326319 : f32
    %mul3A_748 = vector.broadcast %mul3A_747 : f32 to vector<184x192xf32>
    %mul3A_749 = arith.mulf %mul3A_748, %sub3A_746 : vector<184x192xf32>
    %select_n3A_750 = arith.select %gt3A_742, %add3A_739, %mul3A_749 : vector<184x192xi1>, vector<184x192xf32>
    %mul3A_751 = arith.constant 1.05070102 : f32
    %mul3A_752 = vector.broadcast %mul3A_751 : f32 to vector<184x192xf32>
    %mul3A_753 = arith.mulf %mul3A_752, %select_n3A_750 : vector<184x192xf32>
    %get3A_754 = arith.constant 0 : index
    %get3A_755 = arith.constant 0 : index
    %get3A_756 = vector.load %arg16[%get3A_754, %get3A_755] : memref<192x192xf32, #tpu.memory_space<vmem>>, vector<192x192xf32>
    %dot_general3A_757 = arith.constant dense<0.000000e+00> : vector<184x192xf32>
    %dot_general3A_758 = tpu.matmul %mul3A_753, %get3A_756, %dot_general3A_757 {dimension_numbers = #tpu.dot_dimension_numbers<[1], [0], [0], [1], [0, 0, 1, 1], [], []>, transpose_lhs_hint = false} : vector<184x192xf32>, vector<192x192xf32>, vector<184x192xf32> -> vector<184x192xf32>
    %get3A_759 = arith.constant 0 : index
    %get3A_760 = arith.constant 0 : index
    %get3A_761 = vector.load %arg17[%get3A_759, %get3A_760] : memref<1x192xf32, #tpu.memory_space<vmem>>, vector<1x192xf32>
    %add3A_762 = vector.broadcast %get3A_761 : vector<1x192xf32> to vector<184x192xf32>
    %add3A_763 = arith.addf %dot_general3A_758, %add3A_762 : vector<184x192xf32>
    %gt3A_764 = arith.constant 0.000000e+00 : f32
    %gt3A_765 = vector.broadcast %gt3A_764 : f32 to vector<184x192xf32>
    %gt3A_766 = arith.cmpf ogt, %add3A_763, %gt3A_765 : vector<184x192xf32>
    %exp3A_767 = math.exp %add3A_763 : vector<184x192xf32>
    %sub3A_768 = arith.constant 1.000000e+00 : f32
    %sub3A_769 = vector.broadcast %sub3A_768 : f32 to vector<184x192xf32>
    %sub3A_770 = arith.subf %exp3A_767, %sub3A_769 : vector<184x192xf32>
    %mul3A_771 = arith.constant 1.67326319 : f32
    %mul3A_772 = vector.broadcast %mul3A_771 : f32 to vector<184x192xf32>
    %mul3A_773 = arith.mulf %mul3A_772, %sub3A_770 : vector<184x192xf32>
    %select_n3A_774 = arith.select %gt3A_766, %add3A_763, %mul3A_773 : vector<184x192xi1>, vector<184x192xf32>
    %mul3A_775 = arith.constant 1.05070102 : f32
    %mul3A_776 = vector.broadcast %mul3A_775 : f32 to vector<184x192xf32>
    %mul3A_777 = arith.mulf %mul3A_776, %select_n3A_774 : vector<184x192xf32>
    %get3A_778 = arith.constant 0 : index
    %get3A_779 = arith.constant 0 : index
    %get3A_780 = vector.load %arg18[%get3A_778, %get3A_779] : memref<192x192xf32, #tpu.memory_space<vmem>>, vector<192x192xf32>
    %dot_general3A_781 = arith.constant dense<0.000000e+00> : vector<184x192xf32>
    %dot_general3A_782 = tpu.matmul %mul3A_777, %get3A_780, %dot_general3A_781 {dimension_numbers = #tpu.dot_dimension_numbers<[1], [0], [0], [1], [0, 0, 1, 1], [], []>, transpose_lhs_hint = false} : vector<184x192xf32>, vector<192x192xf32>, vector<184x192xf32> -> vector<184x192xf32>
    %get3A_783 = arith.constant 0 : index
    %get3A_784 = arith.constant 0 : index
    %get3A_785 = vector.load %arg19[%get3A_783, %get3A_784] : memref<1x192xf32, #tpu.memory_space<vmem>>, vector<1x192xf32>
    %add3A_786 = vector.broadcast %get3A_785 : vector<1x192xf32> to vector<184x192xf32>
    %add3A_787 = arith.addf %dot_general3A_782, %add3A_786 : vector<184x192xf32>
    %gt3A_788 = arith.constant 0.000000e+00 : f32
    %gt3A_789 = vector.broadcast %gt3A_788 : f32 to vector<184x192xf32>
    %gt3A_790 = arith.cmpf ogt, %add3A_787, %gt3A_789 : vector<184x192xf32>
    %exp3A_791 = math.exp %add3A_787 : vector<184x192xf32>
    %sub3A_792 = arith.constant 1.000000e+00 : f32
    %sub3A_793 = vector.broadcast %sub3A_792 : f32 to vector<184x192xf32>
    %sub3A_794 = arith.subf %exp3A_791, %sub3A_793 : vector<184x192xf32>
    %mul3A_795 = arith.constant 1.67326319 : f32
    %mul3A_796 = vector.broadcast %mul3A_795 : f32 to vector<184x192xf32>
    %mul3A_797 = arith.mulf %mul3A_796, %sub3A_794 : vector<184x192xf32>
    %select_n3A_798 = arith.select %gt3A_790, %add3A_787, %mul3A_797 : vector<184x192xi1>, vector<184x192xf32>
    %mul3A_799 = arith.constant 1.05070102 : f32
    %mul3A_800 = vector.broadcast %mul3A_799 : f32 to vector<184x192xf32>
    %mul3A_801 = arith.mulf %mul3A_800, %select_n3A_798 : vector<184x192xf32>
    %get3A_802 = arith.constant 0 : index
    %get3A_803 = arith.constant 0 : index
    %get3A_804 = vector.load %arg20[%get3A_802, %get3A_803] : memref<192x128xf32, #tpu.memory_space<vmem>>, vector<192x128xf32>
    %dot_general3A_805 = arith.constant dense<0.000000e+00> : vector<184x128xf32>
    %dot_general3A_806 = tpu.matmul %mul3A_801, %get3A_804, %dot_general3A_805 {dimension_numbers = #tpu.dot_dimension_numbers<[1], [0], [0], [1], [0, 0, 1, 1], [], []>, transpose_lhs_hint = false} : vector<184x192xf32>, vector<192x128xf32>, vector<184x128xf32> -> vector<184x128xf32>
    %get3A_807 = arith.constant 0 : index
    %get3A_808 = arith.constant 0 : index
    %get3A_809 = vector.load %arg21[%get3A_807, %get3A_808] : memref<1x128xf32, #tpu.memory_space<vmem>>, vector<1x128xf32>
    %add3A_810 = vector.broadcast %get3A_809 : vector<1x128xf32> to vector<184x128xf32>
    %add3A_811 = arith.addf %dot_general3A_806, %add3A_810 : vector<184x128xf32>
    %gt3A_812 = arith.constant 0.000000e+00 : f32
    %gt3A_813 = vector.broadcast %gt3A_812 : f32 to vector<184x128xf32>
    %gt3A_814 = arith.cmpf ogt, %add3A_811, %gt3A_813 : vector<184x128xf32>
    %exp3A_815 = math.exp %add3A_811 : vector<184x128xf32>
    %sub3A_816 = arith.constant 1.000000e+00 : f32
    %sub3A_817 = vector.broadcast %sub3A_816 : f32 to vector<184x128xf32>
    %sub3A_818 = arith.subf %exp3A_815, %sub3A_817 : vector<184x128xf32>
    %mul3A_819 = arith.constant 1.67326319 : f32
    %mul3A_820 = vector.broadcast %mul3A_819 : f32 to vector<184x128xf32>
    %mul3A_821 = arith.mulf %mul3A_820, %sub3A_818 : vector<184x128xf32>
    %select_n3A_822 = arith.select %gt3A_814, %add3A_811, %mul3A_821 : vector<184x128xi1>, vector<184x128xf32>
    %mul3A_823 = arith.constant 1.05070102 : f32
    %mul3A_824 = vector.broadcast %mul3A_823 : f32 to vector<184x128xf32>
    %mul3A_825 = arith.mulf %mul3A_824, %select_n3A_822 : vector<184x128xf32>
    %get3A_826 = arith.constant 0 : index
    %get3A_827 = arith.constant 0 : index
    %get3A_828 = vector.load %arg22[%get3A_826, %get3A_827] : memref<128x48xf32, #tpu.memory_space<vmem>>, vector<128x48xf32>
    %dot_general3A_829 = arith.constant dense<0.000000e+00> : vector<184x48xf32>
    %dot_general3A_830 = tpu.matmul %mul3A_825, %get3A_828, %dot_general3A_829 {dimension_numbers = #tpu.dot_dimension_numbers<[1], [0], [0], [1], [0, 0, 1, 1], [], []>, transpose_lhs_hint = false} : vector<184x128xf32>, vector<128x48xf32>, vector<184x48xf32> -> vector<184x48xf32>
    %get3A_831 = arith.constant 0 : index
    %get3A_832 = arith.constant 0 : index
    %get3A_833 = vector.load %arg23[%get3A_831, %get3A_832] : memref<1x48xf32, #tpu.memory_space<vmem>>, vector<1x48xf32>
    %add3A_834 = vector.broadcast %get3A_833 : vector<1x48xf32> to vector<184x48xf32>
    %add3A_835 = arith.addf %dot_general3A_830, %add3A_834 : vector<184x48xf32>
    %get3A_836 = arith.constant 0 : index
    %get3A_837 = arith.constant 0 : index
    %get3A_838 = vector.load %arg13[%get3A_836, %get3A_837] : memref<48x192xf32, #tpu.memory_space<vmem>>, vector<48x192xf32>
    %dot_general3A_839 = arith.constant dense<0.000000e+00> : vector<184x192xf32>
    %dot_general3A_840 = tpu.matmul %add3A_835, %get3A_838, %dot_general3A_839 {dimension_numbers = #tpu.dot_dimension_numbers<[1], [0], [0], [1], [0, 0, 1, 1], [], []>, transpose_lhs_hint = false} : vector<184x48xf32>, vector<48x192xf32>, vector<184x192xf32> -> vector<184x192xf32>
    %add3A_841 = arith.addf %dot_general3A_840, %add3A_118 : vector<184x192xf32>
    %gt3A_842 = arith.constant 0.000000e+00 : f32
    %gt3A_843 = vector.broadcast %gt3A_842 : f32 to vector<184x192xf32>
    %gt3A_844 = arith.cmpf ogt, %add3A_841, %gt3A_843 : vector<184x192xf32>
    %exp3A_845 = math.exp %add3A_841 : vector<184x192xf32>
    %sub3A_846 = arith.constant 1.000000e+00 : f32
    %sub3A_847 = vector.broadcast %sub3A_846 : f32 to vector<184x192xf32>
    %sub3A_848 = arith.subf %exp3A_845, %sub3A_847 : vector<184x192xf32>
    %mul3A_849 = arith.constant 1.67326319 : f32
    %mul3A_850 = vector.broadcast %mul3A_849 : f32 to vector<184x192xf32>
    %mul3A_851 = arith.mulf %mul3A_850, %sub3A_848 : vector<184x192xf32>
    %select_n3A_852 = arith.select %gt3A_844, %add3A_841, %mul3A_851 : vector<184x192xi1>, vector<184x192xf32>
    %mul3A_853 = arith.constant 1.05070102 : f32
    %mul3A_854 = vector.broadcast %mul3A_853 : f32 to vector<184x192xf32>
    %mul3A_855 = arith.mulf %mul3A_854, %select_n3A_852 : vector<184x192xf32>
    %get3A_856 = arith.constant 0 : index
    %get3A_857 = arith.constant 0 : index
    %get3A_858 = vector.load %arg16[%get3A_856, %get3A_857] : memref<192x192xf32, #tpu.memory_space<vmem>>, vector<192x192xf32>
    %dot_general3A_859 = arith.constant dense<0.000000e+00> : vector<184x192xf32>
    %dot_general3A_860 = tpu.matmul %mul3A_855, %get3A_858, %dot_general3A_859 {dimension_numbers = #tpu.dot_dimension_numbers<[1], [0], [0], [1], [0, 0, 1, 1], [], []>, transpose_lhs_hint = false} : vector<184x192xf32>, vector<192x192xf32>, vector<184x192xf32> -> vector<184x192xf32>
    %get3A_861 = arith.constant 0 : index
    %get3A_862 = arith.constant 0 : index
    %get3A_863 = vector.load %arg17[%get3A_861, %get3A_862] : memref<1x192xf32, #tpu.memory_space<vmem>>, vector<1x192xf32>
    %add3A_864 = vector.broadcast %get3A_863 : vector<1x192xf32> to vector<184x192xf32>
    %add3A_865 = arith.addf %dot_general3A_860, %add3A_864 : vector<184x192xf32>
    %gt3A_866 = arith.constant 0.000000e+00 : f32
    %gt3A_867 = vector.broadcast %gt3A_866 : f32 to vector<184x192xf32>
    %gt3A_868 = arith.cmpf ogt, %add3A_865, %gt3A_867 : vector<184x192xf32>
    %exp3A_869 = math.exp %add3A_865 : vector<184x192xf32>
    %sub3A_870 = arith.constant 1.000000e+00 : f32
    %sub3A_871 = vector.broadcast %sub3A_870 : f32 to vector<184x192xf32>
    %sub3A_872 = arith.subf %exp3A_869, %sub3A_871 : vector<184x192xf32>
    %mul3A_873 = arith.constant 1.67326319 : f32
    %mul3A_874 = vector.broadcast %mul3A_873 : f32 to vector<184x192xf32>
    %mul3A_875 = arith.mulf %mul3A_874, %sub3A_872 : vector<184x192xf32>
    %select_n3A_876 = arith.select %gt3A_868, %add3A_865, %mul3A_875 : vector<184x192xi1>, vector<184x192xf32>
    %mul3A_877 = arith.constant 1.05070102 : f32
    %mul3A_878 = vector.broadcast %mul3A_877 : f32 to vector<184x192xf32>
    %mul3A_879 = arith.mulf %mul3A_878, %select_n3A_876 : vector<184x192xf32>
    %get3A_880 = arith.constant 0 : index
    %get3A_881 = arith.constant 0 : index
    %get3A_882 = vector.load %arg18[%get3A_880, %get3A_881] : memref<192x192xf32, #tpu.memory_space<vmem>>, vector<192x192xf32>
    %dot_general3A_883 = arith.constant dense<0.000000e+00> : vector<184x192xf32>
    %dot_general3A_884 = tpu.matmul %mul3A_879, %get3A_882, %dot_general3A_883 {dimension_numbers = #tpu.dot_dimension_numbers<[1], [0], [0], [1], [0, 0, 1, 1], [], []>, transpose_lhs_hint = false} : vector<184x192xf32>, vector<192x192xf32>, vector<184x192xf32> -> vector<184x192xf32>
    %get3A_885 = arith.constant 0 : index
    %get3A_886 = arith.constant 0 : index
    %get3A_887 = vector.load %arg19[%get3A_885, %get3A_886] : memref<1x192xf32, #tpu.memory_space<vmem>>, vector<1x192xf32>
    %add3A_888 = vector.broadcast %get3A_887 : vector<1x192xf32> to vector<184x192xf32>
    %add3A_889 = arith.addf %dot_general3A_884, %add3A_888 : vector<184x192xf32>
    %gt3A_890 = arith.constant 0.000000e+00 : f32
    %gt3A_891 = vector.broadcast %gt3A_890 : f32 to vector<184x192xf32>
    %gt3A_892 = arith.cmpf ogt, %add3A_889, %gt3A_891 : vector<184x192xf32>
    %exp3A_893 = math.exp %add3A_889 : vector<184x192xf32>
    %sub3A_894 = arith.constant 1.000000e+00 : f32
    %sub3A_895 = vector.broadcast %sub3A_894 : f32 to vector<184x192xf32>
    %sub3A_896 = arith.subf %exp3A_893, %sub3A_895 : vector<184x192xf32>
    %mul3A_897 = arith.constant 1.67326319 : f32
    %mul3A_898 = vector.broadcast %mul3A_897 : f32 to vector<184x192xf32>
    %mul3A_899 = arith.mulf %mul3A_898, %sub3A_896 : vector<184x192xf32>
    %select_n3A_900 = arith.select %gt3A_892, %add3A_889, %mul3A_899 : vector<184x192xi1>, vector<184x192xf32>
    %mul3A_901 = arith.constant 1.05070102 : f32
    %mul3A_902 = vector.broadcast %mul3A_901 : f32 to vector<184x192xf32>
    %mul3A_903 = arith.mulf %mul3A_902, %select_n3A_900 : vector<184x192xf32>
    %get3A_904 = arith.constant 0 : index
    %get3A_905 = arith.constant 0 : index
    %get3A_906 = vector.load %arg20[%get3A_904, %get3A_905] : memref<192x128xf32, #tpu.memory_space<vmem>>, vector<192x128xf32>
    %dot_general3A_907 = arith.constant dense<0.000000e+00> : vector<184x128xf32>
    %dot_general3A_908 = tpu.matmul %mul3A_903, %get3A_906, %dot_general3A_907 {dimension_numbers = #tpu.dot_dimension_numbers<[1], [0], [0], [1], [0, 0, 1, 1], [], []>, transpose_lhs_hint = false} : vector<184x192xf32>, vector<192x128xf32>, vector<184x128xf32> -> vector<184x128xf32>
    %get3A_909 = arith.constant 0 : index
    %get3A_910 = arith.constant 0 : index
    %get3A_911 = vector.load %arg21[%get3A_909, %get3A_910] : memref<1x128xf32, #tpu.memory_space<vmem>>, vector<1x128xf32>
    %add3A_912 = vector.broadcast %get3A_911 : vector<1x128xf32> to vector<184x128xf32>
    %add3A_913 = arith.addf %dot_general3A_908, %add3A_912 : vector<184x128xf32>
    %gt3A_914 = arith.constant 0.000000e+00 : f32
    %gt3A_915 = vector.broadcast %gt3A_914 : f32 to vector<184x128xf32>
    %gt3A_916 = arith.cmpf ogt, %add3A_913, %gt3A_915 : vector<184x128xf32>
    %exp3A_917 = math.exp %add3A_913 : vector<184x128xf32>
    %sub3A_918 = arith.constant 1.000000e+00 : f32
    %sub3A_919 = vector.broadcast %sub3A_918 : f32 to vector<184x128xf32>
    %sub3A_920 = arith.subf %exp3A_917, %sub3A_919 : vector<184x128xf32>
    %mul3A_921 = arith.constant 1.67326319 : f32
    %mul3A_922 = vector.broadcast %mul3A_921 : f32 to vector<184x128xf32>
    %mul3A_923 = arith.mulf %mul3A_922, %sub3A_920 : vector<184x128xf32>
    %select_n3A_924 = arith.select %gt3A_916, %add3A_913, %mul3A_923 : vector<184x128xi1>, vector<184x128xf32>
    %mul3A_925 = arith.constant 1.05070102 : f32
    %mul3A_926 = vector.broadcast %mul3A_925 : f32 to vector<184x128xf32>
    %mul3A_927 = arith.mulf %mul3A_926, %select_n3A_924 : vector<184x128xf32>
    %get3A_928 = arith.constant 0 : index
    %get3A_929 = arith.constant 0 : index
    %get3A_930 = vector.load %arg22[%get3A_928, %get3A_929] : memref<128x48xf32, #tpu.memory_space<vmem>>, vector<128x48xf32>
    %dot_general3A_931 = arith.constant dense<0.000000e+00> : vector<184x48xf32>
    %dot_general3A_932 = tpu.matmul %mul3A_927, %get3A_930, %dot_general3A_931 {dimension_numbers = #tpu.dot_dimension_numbers<[1], [0], [0], [1], [0, 0, 1, 1], [], []>, transpose_lhs_hint = false} : vector<184x128xf32>, vector<128x48xf32>, vector<184x48xf32> -> vector<184x48xf32>
    %get3A_933 = arith.constant 0 : index
    %get3A_934 = arith.constant 0 : index
    %get3A_935 = vector.load %arg23[%get3A_933, %get3A_934] : memref<1x48xf32, #tpu.memory_space<vmem>>, vector<1x48xf32>
    %add3A_936 = vector.broadcast %get3A_935 : vector<1x48xf32> to vector<184x48xf32>
    %add3A_937 = arith.addf %dot_general3A_932, %add3A_936 : vector<184x48xf32>
    %get3A_938 = arith.constant 0 : index
    %get3A_939 = arith.constant 0 : index
    %get3A_940 = vector.load %arg13[%get3A_938, %get3A_939] : memref<48x192xf32, #tpu.memory_space<vmem>>, vector<48x192xf32>
    %dot_general3A_941 = arith.constant dense<0.000000e+00> : vector<184x192xf32>
    %dot_general3A_942 = tpu.matmul %add3A_937, %get3A_940, %dot_general3A_941 {dimension_numbers = #tpu.dot_dimension_numbers<[1], [0], [0], [1], [0, 0, 1, 1], [], []>, transpose_lhs_hint = false} : vector<184x48xf32>, vector<48x192xf32>, vector<184x192xf32> -> vector<184x192xf32>
    %add3A_943 = arith.addf %dot_general3A_942, %add3A_118 : vector<184x192xf32>
    %gt3A_944 = arith.constant 0.000000e+00 : f32
    %gt3A_945 = vector.broadcast %gt3A_944 : f32 to vector<184x192xf32>
    %gt3A_946 = arith.cmpf ogt, %add3A_943, %gt3A_945 : vector<184x192xf32>
    %exp3A_947 = math.exp %add3A_943 : vector<184x192xf32>
    %sub3A_948 = arith.constant 1.000000e+00 : f32
    %sub3A_949 = vector.broadcast %sub3A_948 : f32 to vector<184x192xf32>
    %sub3A_950 = arith.subf %exp3A_947, %sub3A_949 : vector<184x192xf32>
    %mul3A_951 = arith.constant 1.67326319 : f32
    %mul3A_952 = vector.broadcast %mul3A_951 : f32 to vector<184x192xf32>
    %mul3A_953 = arith.mulf %mul3A_952, %sub3A_950 : vector<184x192xf32>
    %select_n3A_954 = arith.select %gt3A_946, %add3A_943, %mul3A_953 : vector<184x192xi1>, vector<184x192xf32>
    %mul3A_955 = arith.constant 1.05070102 : f32
    %mul3A_956 = vector.broadcast %mul3A_955 : f32 to vector<184x192xf32>
    %mul3A_957 = arith.mulf %mul3A_956, %select_n3A_954 : vector<184x192xf32>
    %get3A_958 = arith.constant 0 : index
    %get3A_959 = arith.constant 0 : index
    %get3A_960 = vector.load %arg16[%get3A_958, %get3A_959] : memref<192x192xf32, #tpu.memory_space<vmem>>, vector<192x192xf32>
    %dot_general3A_961 = arith.constant dense<0.000000e+00> : vector<184x192xf32>
    %dot_general3A_962 = tpu.matmul %mul3A_957, %get3A_960, %dot_general3A_961 {dimension_numbers = #tpu.dot_dimension_numbers<[1], [0], [0], [1], [0, 0, 1, 1], [], []>, transpose_lhs_hint = false} : vector<184x192xf32>, vector<192x192xf32>, vector<184x192xf32> -> vector<184x192xf32>
    %get3A_963 = arith.constant 0 : index
    %get3A_964 = arith.constant 0 : index
    %get3A_965 = vector.load %arg17[%get3A_963, %get3A_964] : memref<1x192xf32, #tpu.memory_space<vmem>>, vector<1x192xf32>
    %add3A_966 = vector.broadcast %get3A_965 : vector<1x192xf32> to vector<184x192xf32>
    %add3A_967 = arith.addf %dot_general3A_962, %add3A_966 : vector<184x192xf32>
    %gt3A_968 = arith.constant 0.000000e+00 : f32
    %gt3A_969 = vector.broadcast %gt3A_968 : f32 to vector<184x192xf32>
    %gt3A_970 = arith.cmpf ogt, %add3A_967, %gt3A_969 : vector<184x192xf32>
    %exp3A_971 = math.exp %add3A_967 : vector<184x192xf32>
    %sub3A_972 = arith.constant 1.000000e+00 : f32
    %sub3A_973 = vector.broadcast %sub3A_972 : f32 to vector<184x192xf32>
    %sub3A_974 = arith.subf %exp3A_971, %sub3A_973 : vector<184x192xf32>
    %mul3A_975 = arith.constant 1.67326319 : f32
    %mul3A_976 = vector.broadcast %mul3A_975 : f32 to vector<184x192xf32>
    %mul3A_977 = arith.mulf %mul3A_976, %sub3A_974 : vector<184x192xf32>
    %select_n3A_978 = arith.select %gt3A_970, %add3A_967, %mul3A_977 : vector<184x192xi1>, vector<184x192xf32>
    %mul3A_979 = arith.constant 1.05070102 : f32
    %mul3A_980 = vector.broadcast %mul3A_979 : f32 to vector<184x192xf32>
    %mul3A_981 = arith.mulf %mul3A_980, %select_n3A_978 : vector<184x192xf32>
    %get3A_982 = arith.constant 0 : index
    %get3A_983 = arith.constant 0 : index
    %get3A_984 = vector.load %arg18[%get3A_982, %get3A_983] : memref<192x192xf32, #tpu.memory_space<vmem>>, vector<192x192xf32>
    %dot_general3A_985 = arith.constant dense<0.000000e+00> : vector<184x192xf32>
    %dot_general3A_986 = tpu.matmul %mul3A_981, %get3A_984, %dot_general3A_985 {dimension_numbers = #tpu.dot_dimension_numbers<[1], [0], [0], [1], [0, 0, 1, 1], [], []>, transpose_lhs_hint = false} : vector<184x192xf32>, vector<192x192xf32>, vector<184x192xf32> -> vector<184x192xf32>
    %get3A_987 = arith.constant 0 : index
    %get3A_988 = arith.constant 0 : index
    %get3A_989 = vector.load %arg19[%get3A_987, %get3A_988] : memref<1x192xf32, #tpu.memory_space<vmem>>, vector<1x192xf32>
    %add3A_990 = vector.broadcast %get3A_989 : vector<1x192xf32> to vector<184x192xf32>
    %add3A_991 = arith.addf %dot_general3A_986, %add3A_990 : vector<184x192xf32>
    %gt3A_992 = arith.constant 0.000000e+00 : f32
    %gt3A_993 = vector.broadcast %gt3A_992 : f32 to vector<184x192xf32>
    %gt3A_994 = arith.cmpf ogt, %add3A_991, %gt3A_993 : vector<184x192xf32>
    %exp3A_995 = math.exp %add3A_991 : vector<184x192xf32>
    %sub3A_996 = arith.constant 1.000000e+00 : f32
    %sub3A_997 = vector.broadcast %sub3A_996 : f32 to vector<184x192xf32>
    %sub3A_998 = arith.subf %exp3A_995, %sub3A_997 : vector<184x192xf32>
    %mul3A_999 = arith.constant 1.67326319 : f32
    %mul3A_1000 = vector.broadcast %mul3A_999 : f32 to vector<184x192xf32>
    %mul3A_1001 = arith.mulf %mul3A_1000, %sub3A_998 : vector<184x192xf32>
    %select_n3A_1002 = arith.select %gt3A_994, %add3A_991, %mul3A_1001 : vector<184x192xi1>, vector<184x192xf32>
    %mul3A_1003 = arith.constant 1.05070102 : f32
    %mul3A_1004 = vector.broadcast %mul3A_1003 : f32 to vector<184x192xf32>
    %mul3A_1005 = arith.mulf %mul3A_1004, %select_n3A_1002 : vector<184x192xf32>
    %get3A_1006 = arith.constant 0 : index
    %get3A_1007 = arith.constant 0 : index
    %get3A_1008 = vector.load %arg20[%get3A_1006, %get3A_1007] : memref<192x128xf32, #tpu.memory_space<vmem>>, vector<192x128xf32>
    %dot_general3A_1009 = arith.constant dense<0.000000e+00> : vector<184x128xf32>
    %dot_general3A_1010 = tpu.matmul %mul3A_1005, %get3A_1008, %dot_general3A_1009 {dimension_numbers = #tpu.dot_dimension_numbers<[1], [0], [0], [1], [0, 0, 1, 1], [], []>, transpose_lhs_hint = false} : vector<184x192xf32>, vector<192x128xf32>, vector<184x128xf32> -> vector<184x128xf32>
    %get3A_1011 = arith.constant 0 : index
    %get3A_1012 = arith.constant 0 : index
    %get3A_1013 = vector.load %arg21[%get3A_1011, %get3A_1012] : memref<1x128xf32, #tpu.memory_space<vmem>>, vector<1x128xf32>
    %add3A_1014 = vector.broadcast %get3A_1013 : vector<1x128xf32> to vector<184x128xf32>
    %add3A_1015 = arith.addf %dot_general3A_1010, %add3A_1014 : vector<184x128xf32>
    %gt3A_1016 = arith.constant 0.000000e+00 : f32
    %gt3A_1017 = vector.broadcast %gt3A_1016 : f32 to vector<184x128xf32>
    %gt3A_1018 = arith.cmpf ogt, %add3A_1015, %gt3A_1017 : vector<184x128xf32>
    %exp3A_1019 = math.exp %add3A_1015 : vector<184x128xf32>
    %sub3A_1020 = arith.constant 1.000000e+00 : f32
    %sub3A_1021 = vector.broadcast %sub3A_1020 : f32 to vector<184x128xf32>
    %sub3A_1022 = arith.subf %exp3A_1019, %sub3A_1021 : vector<184x128xf32>
    %mul3A_1023 = arith.constant 1.67326319 : f32
    %mul3A_1024 = vector.broadcast %mul3A_1023 : f32 to vector<184x128xf32>
    %mul3A_1025 = arith.mulf %mul3A_1024, %sub3A_1022 : vector<184x128xf32>
    %select_n3A_1026 = arith.select %gt3A_1018, %add3A_1015, %mul3A_1025 : vector<184x128xi1>, vector<184x128xf32>
    %mul3A_1027 = arith.constant 1.05070102 : f32
    %mul3A_1028 = vector.broadcast %mul3A_1027 : f32 to vector<184x128xf32>
    %mul3A_1029 = arith.mulf %mul3A_1028, %select_n3A_1026 : vector<184x128xf32>
    %get3A_1030 = arith.constant 0 : index
    %get3A_1031 = arith.constant 0 : index
    %get3A_1032 = vector.load %arg22[%get3A_1030, %get3A_1031] : memref<128x48xf32, #tpu.memory_space<vmem>>, vector<128x48xf32>
    %dot_general3A_1033 = arith.constant dense<0.000000e+00> : vector<184x48xf32>
    %dot_general3A_1034 = tpu.matmul %mul3A_1029, %get3A_1032, %dot_general3A_1033 {dimension_numbers = #tpu.dot_dimension_numbers<[1], [0], [0], [1], [0, 0, 1, 1], [], []>, transpose_lhs_hint = false} : vector<184x128xf32>, vector<128x48xf32>, vector<184x48xf32> -> vector<184x48xf32>
    %get3A_1035 = arith.constant 0 : index
    %get3A_1036 = arith.constant 0 : index
    %get3A_1037 = vector.load %arg23[%get3A_1035, %get3A_1036] : memref<1x48xf32, #tpu.memory_space<vmem>>, vector<1x48xf32>
    %add3A_1038 = vector.broadcast %get3A_1037 : vector<1x48xf32> to vector<184x48xf32>
    %add3A_1039 = arith.addf %dot_general3A_1034, %add3A_1038 : vector<184x48xf32>
    %get3A_1040 = arith.constant 0 : index
    %get3A_1041 = arith.constant 0 : index
    %get3A_1042 = vector.load %arg13[%get3A_1040, %get3A_1041] : memref<48x192xf32, #tpu.memory_space<vmem>>, vector<48x192xf32>
    %dot_general3A_1043 = arith.constant dense<0.000000e+00> : vector<184x192xf32>
    %dot_general3A_1044 = tpu.matmul %add3A_1039, %get3A_1042, %dot_general3A_1043 {dimension_numbers = #tpu.dot_dimension_numbers<[1], [0], [0], [1], [0, 0, 1, 1], [], []>, transpose_lhs_hint = false} : vector<184x48xf32>, vector<48x192xf32>, vector<184x192xf32> -> vector<184x192xf32>
    %add3A_1045 = arith.addf %dot_general3A_1044, %add3A_118 : vector<184x192xf32>
    %gt3A_1046 = arith.constant 0.000000e+00 : f32
    %gt3A_1047 = vector.broadcast %gt3A_1046 : f32 to vector<184x192xf32>
    %gt3A_1048 = arith.cmpf ogt, %add3A_1045, %gt3A_1047 : vector<184x192xf32>
    %exp3A_1049 = math.exp %add3A_1045 : vector<184x192xf32>
    %sub3A_1050 = arith.constant 1.000000e+00 : f32
    %sub3A_1051 = vector.broadcast %sub3A_1050 : f32 to vector<184x192xf32>
    %sub3A_1052 = arith.subf %exp3A_1049, %sub3A_1051 : vector<184x192xf32>
    %mul3A_1053 = arith.constant 1.67326319 : f32
    %mul3A_1054 = vector.broadcast %mul3A_1053 : f32 to vector<184x192xf32>
    %mul3A_1055 = arith.mulf %mul3A_1054, %sub3A_1052 : vector<184x192xf32>
    %select_n3A_1056 = arith.select %gt3A_1048, %add3A_1045, %mul3A_1055 : vector<184x192xi1>, vector<184x192xf32>
    %mul3A_1057 = arith.constant 1.05070102 : f32
    %mul3A_1058 = vector.broadcast %mul3A_1057 : f32 to vector<184x192xf32>
    %mul3A_1059 = arith.mulf %mul3A_1058, %select_n3A_1056 : vector<184x192xf32>
    %get3A_1060 = arith.constant 0 : index
    %get3A_1061 = arith.constant 0 : index
    %get3A_1062 = vector.load %arg16[%get3A_1060, %get3A_1061] : memref<192x192xf32, #tpu.memory_space<vmem>>, vector<192x192xf32>
    %dot_general3A_1063 = arith.constant dense<0.000000e+00> : vector<184x192xf32>
    %dot_general3A_1064 = tpu.matmul %mul3A_1059, %get3A_1062, %dot_general3A_1063 {dimension_numbers = #tpu.dot_dimension_numbers<[1], [0], [0], [1], [0, 0, 1, 1], [], []>, transpose_lhs_hint = false} : vector<184x192xf32>, vector<192x192xf32>, vector<184x192xf32> -> vector<184x192xf32>
    %get3A_1065 = arith.constant 0 : index
    %get3A_1066 = arith.constant 0 : index
    %get3A_1067 = vector.load %arg17[%get3A_1065, %get3A_1066] : memref<1x192xf32, #tpu.memory_space<vmem>>, vector<1x192xf32>
    %add3A_1068 = vector.broadcast %get3A_1067 : vector<1x192xf32> to vector<184x192xf32>
    %add3A_1069 = arith.addf %dot_general3A_1064, %add3A_1068 : vector<184x192xf32>
    %gt3A_1070 = arith.constant 0.000000e+00 : f32
    %gt3A_1071 = vector.broadcast %gt3A_1070 : f32 to vector<184x192xf32>
    %gt3A_1072 = arith.cmpf ogt, %add3A_1069, %gt3A_1071 : vector<184x192xf32>
    %exp3A_1073 = math.exp %add3A_1069 : vector<184x192xf32>
    %sub3A_1074 = arith.constant 1.000000e+00 : f32
    %sub3A_1075 = vector.broadcast %sub3A_1074 : f32 to vector<184x192xf32>
    %sub3A_1076 = arith.subf %exp3A_1073, %sub3A_1075 : vector<184x192xf32>
    %mul3A_1077 = arith.constant 1.67326319 : f32
    %mul3A_1078 = vector.broadcast %mul3A_1077 : f32 to vector<184x192xf32>
    %mul3A_1079 = arith.mulf %mul3A_1078, %sub3A_1076 : vector<184x192xf32>
    %select_n3A_1080 = arith.select %gt3A_1072, %add3A_1069, %mul3A_1079 : vector<184x192xi1>, vector<184x192xf32>
    %mul3A_1081 = arith.constant 1.05070102 : f32
    %mul3A_1082 = vector.broadcast %mul3A_1081 : f32 to vector<184x192xf32>
    %mul3A_1083 = arith.mulf %mul3A_1082, %select_n3A_1080 : vector<184x192xf32>
    %get3A_1084 = arith.constant 0 : index
    %get3A_1085 = arith.constant 0 : index
    %get3A_1086 = vector.load %arg18[%get3A_1084, %get3A_1085] : memref<192x192xf32, #tpu.memory_space<vmem>>, vector<192x192xf32>
    %dot_general3A_1087 = arith.constant dense<0.000000e+00> : vector<184x192xf32>
    %dot_general3A_1088 = tpu.matmul %mul3A_1083, %get3A_1086, %dot_general3A_1087 {dimension_numbers = #tpu.dot_dimension_numbers<[1], [0], [0], [1], [0, 0, 1, 1], [], []>, transpose_lhs_hint = false} : vector<184x192xf32>, vector<192x192xf32>, vector<184x192xf32> -> vector<184x192xf32>
    %get3A_1089 = arith.constant 0 : index
    %get3A_1090 = arith.constant 0 : index
    %get3A_1091 = vector.load %arg19[%get3A_1089, %get3A_1090] : memref<1x192xf32, #tpu.memory_space<vmem>>, vector<1x192xf32>
    %add3A_1092 = vector.broadcast %get3A_1091 : vector<1x192xf32> to vector<184x192xf32>
    %add3A_1093 = arith.addf %dot_general3A_1088, %add3A_1092 : vector<184x192xf32>
    %gt3A_1094 = arith.constant 0.000000e+00 : f32
    %gt3A_1095 = vector.broadcast %gt3A_1094 : f32 to vector<184x192xf32>
    %gt3A_1096 = arith.cmpf ogt, %add3A_1093, %gt3A_1095 : vector<184x192xf32>
    %exp3A_1097 = math.exp %add3A_1093 : vector<184x192xf32>
    %sub3A_1098 = arith.constant 1.000000e+00 : f32
    %sub3A_1099 = vector.broadcast %sub3A_1098 : f32 to vector<184x192xf32>
    %sub3A_1100 = arith.subf %exp3A_1097, %sub3A_1099 : vector<184x192xf32>
    %mul3A_1101 = arith.constant 1.67326319 : f32
    %mul3A_1102 = vector.broadcast %mul3A_1101 : f32 to vector<184x192xf32>
    %mul3A_1103 = arith.mulf %mul3A_1102, %sub3A_1100 : vector<184x192xf32>
    %select_n3A_1104 = arith.select %gt3A_1096, %add3A_1093, %mul3A_1103 : vector<184x192xi1>, vector<184x192xf32>
    %mul3A_1105 = arith.constant 1.05070102 : f32
    %mul3A_1106 = vector.broadcast %mul3A_1105 : f32 to vector<184x192xf32>
    %mul3A_1107 = arith.mulf %mul3A_1106, %select_n3A_1104 : vector<184x192xf32>
    %get3A_1108 = arith.constant 0 : index
    %get3A_1109 = arith.constant 0 : index
    %get3A_1110 = vector.load %arg20[%get3A_1108, %get3A_1109] : memref<192x128xf32, #tpu.memory_space<vmem>>, vector<192x128xf32>
    %dot_general3A_1111 = arith.constant dense<0.000000e+00> : vector<184x128xf32>
    %dot_general3A_1112 = tpu.matmul %mul3A_1107, %get3A_1110, %dot_general3A_1111 {dimension_numbers = #tpu.dot_dimension_numbers<[1], [0], [0], [1], [0, 0, 1, 1], [], []>, transpose_lhs_hint = false} : vector<184x192xf32>, vector<192x128xf32>, vector<184x128xf32> -> vector<184x128xf32>
    %get3A_1113 = arith.constant 0 : index
    %get3A_1114 = arith.constant 0 : index
    %get3A_1115 = vector.load %arg21[%get3A_1113, %get3A_1114] : memref<1x128xf32, #tpu.memory_space<vmem>>, vector<1x128xf32>
    %add3A_1116 = vector.broadcast %get3A_1115 : vector<1x128xf32> to vector<184x128xf32>
    %add3A_1117 = arith.addf %dot_general3A_1112, %add3A_1116 : vector<184x128xf32>
    %gt3A_1118 = arith.constant 0.000000e+00 : f32
    %gt3A_1119 = vector.broadcast %gt3A_1118 : f32 to vector<184x128xf32>
    %gt3A_1120 = arith.cmpf ogt, %add3A_1117, %gt3A_1119 : vector<184x128xf32>
    %exp3A_1121 = math.exp %add3A_1117 : vector<184x128xf32>
    %sub3A_1122 = arith.constant 1.000000e+00 : f32
    %sub3A_1123 = vector.broadcast %sub3A_1122 : f32 to vector<184x128xf32>
    %sub3A_1124 = arith.subf %exp3A_1121, %sub3A_1123 : vector<184x128xf32>
    %mul3A_1125 = arith.constant 1.67326319 : f32
    %mul3A_1126 = vector.broadcast %mul3A_1125 : f32 to vector<184x128xf32>
    %mul3A_1127 = arith.mulf %mul3A_1126, %sub3A_1124 : vector<184x128xf32>
    %select_n3A_1128 = arith.select %gt3A_1120, %add3A_1117, %mul3A_1127 : vector<184x128xi1>, vector<184x128xf32>
    %mul3A_1129 = arith.constant 1.05070102 : f32
    %mul3A_1130 = vector.broadcast %mul3A_1129 : f32 to vector<184x128xf32>
    %mul3A_1131 = arith.mulf %mul3A_1130, %select_n3A_1128 : vector<184x128xf32>
    %get3A_1132 = arith.constant 0 : index
    %get3A_1133 = arith.constant 0 : index
    %get3A_1134 = vector.load %arg22[%get3A_1132, %get3A_1133] : memref<128x48xf32, #tpu.memory_space<vmem>>, vector<128x48xf32>
    %dot_general3A_1135 = arith.constant dense<0.000000e+00> : vector<184x48xf32>
    %dot_general3A_1136 = tpu.matmul %mul3A_1131, %get3A_1134, %dot_general3A_1135 {dimension_numbers = #tpu.dot_dimension_numbers<[1], [0], [0], [1], [0, 0, 1, 1], [], []>, transpose_lhs_hint = false} : vector<184x128xf32>, vector<128x48xf32>, vector<184x48xf32> -> vector<184x48xf32>
    %get3A_1137 = arith.constant 0 : index
    %get3A_1138 = arith.constant 0 : index
    %get3A_1139 = vector.load %arg23[%get3A_1137, %get3A_1138] : memref<1x48xf32, #tpu.memory_space<vmem>>, vector<1x48xf32>
    %add3A_1140 = vector.broadcast %get3A_1139 : vector<1x48xf32> to vector<184x48xf32>
    %add3A_1141 = arith.addf %dot_general3A_1136, %add3A_1140 : vector<184x48xf32>
    %mul3A_1142 = arith.constant 184 : i32
    %mul3A_1143 = arith.muli %arg0, %mul3A_1142 : i32
    %iota3A = tpu.iota {dimensions = array<i32: 0>} : vector<184x1xi32>
    %add3A_1144 = vector.broadcast %mul3A_1143 : i32 to vector<184x1xi32>
    %add3A_1145 = arith.addi %add3A_1144, %iota3A : vector<184x1xi32>
    %lt3A = arith.constant 3125 : i32
    %lt3A_1146 = vector.broadcast %lt3A : i32 to vector<184x1xi32>
    %lt3A_1147 = arith.cmpi slt, %add3A_1145, %lt3A_1146 : vector<184x1xi32>
    %jit3A = arith.constant 0.000000e+00 : f32
    %broadcast_in_dim3A = vector.shape_cast %lt3A_1147 : vector<184x1xi1> to vector<184x1xi1>
    %broadcast_in_dim3A_1148 = vector.broadcast %broadcast_in_dim3A : vector<184x1xi1> to vector<184x48xi1>
    %broadcast_in_dim3A_1149 = vector.broadcast %jit3A : f32 to vector<184x48xf32>
    %select_n3A_1150 = arith.select %broadcast_in_dim3A_1148, %add3A_1141, %broadcast_in_dim3A_1149 : vector<184x48xi1>, vector<184x48xf32>
    %reduce_sum3A = arith.constant dense<0.000000e+00> : vector<48xf32>
    %reduce_sum3A_1151 = vector.multi_reduction <add>, %select_n3A_1150, %reduce_sum3A [0] : vector<184x48xf32> to vector<48xf32>
    %broadcast_in_dim3A_1152 = vector.shape_cast %reduce_sum3A_1151 : vector<48xf32> to vector<1x48xf32>
    %jit3A_1153 = arith.constant 0.000000e+00 : f32
    %broadcast_in_dim3A_1154 = vector.shape_cast %lt3A_1147 : vector<184x1xi1> to vector<184x1xi1>
    %broadcast_in_dim3A_1155 = vector.broadcast %broadcast_in_dim3A_1154 : vector<184x1xi1> to vector<184x256xi1>
    %broadcast_in_dim3A_1156 = vector.broadcast %jit3A_1153 : f32 to vector<184x256xf32>
    %select_n3A_1157 = arith.select %broadcast_in_dim3A_1155, %add3A_108, %broadcast_in_dim3A_1156 : vector<184x256xi1>, vector<184x256xf32>
    %reduce_sum3A_1158 = arith.constant dense<0.000000e+00> : vector<256xf32>
    %reduce_sum3A_1159 = vector.multi_reduction <add>, %select_n3A_1157, %reduce_sum3A_1158 [0] : vector<184x256xf32> to vector<256xf32>
    %broadcast_in_dim3A_1160 = vector.shape_cast %reduce_sum3A_1159 : vector<256xf32> to vector<1x256xf32>
    %eq3A = arith.constant 0 : i32
    %eq3A_1161 = arith.cmpi eq, %arg0, %eq3A : i32
    %convert_element_type3A = arith.extui %eq3A_1161 : i1 to i32
    %cond3A = arith.constant 0 : i32
    %cond3A_1162 = arith.cmpi ne, %convert_element_type3A, %cond3A : i32
    scf.if %cond3A_1162 {
      %broadcast_in_dim3A_1174 = arith.constant 0.000000e+00 : f32
      %broadcast_in_dim3A_1175 = vector.broadcast %broadcast_in_dim3A_1174 : f32 to vector<1x304xf32>
      %swap3A_1176 = arith.constant 0 : index
      %swap3A_1177 = arith.constant 0 : index
      %swap3A_1178 = vector.load %arg37[%swap3A_1176, %swap3A_1177] : memref<1x304xf32, #tpu.memory_space<vmem>>, vector<1x304xf32>
      tpu.vector_store %arg37[%swap3A_1176, %swap3A_1177], %broadcast_in_dim3A_1175 {strides = array<i32>} : memref<1x304xf32, #tpu.memory_space<vmem>>, vector<1x304xf32>,
    } else {
    }
    %get3A_1163 = arith.constant 0 : index
    %get3A_1164 = arith.constant 0 : index
    %get3A_1165 = vector.load %arg37[%get3A_1163, %get3A_1164] : memref<1x304xf32, #tpu.memory_space<vmem>>, vector<1x304xf32>
    %concatenate3A = tpu.concatenate %broadcast_in_dim3A_1152, %broadcast_in_dim3A_1160 in 1 : vector<1x48xf32>, vector<1x256xf32> -> vector<1x304xf32>
    %add3A_1166 = arith.addf %get3A_1165, %concatenate3A : vector<1x304xf32>
    %swap3A = arith.constant 0 : index
    %swap3A_1167 = arith.constant 0 : index
    %swap3A_1168 = vector.load %arg37[%swap3A, %swap3A_1167] : memref<1x304xf32, #tpu.memory_space<vmem>>, vector<1x304xf32>
    tpu.vector_store %arg37[%swap3A, %swap3A_1167], %add3A_1166 {strides = array<i32>} : memref<1x304xf32, #tpu.memory_space<vmem>>, vector<1x304xf32>,
    %eq3A_1169 = arith.constant 16 : i32
    %eq3A_1170 = arith.cmpi eq, %arg0, %eq3A_1169 : i32
    %convert_element_type3A_1171 = arith.extui %eq3A_1170 : i1 to i32
    %cond3A_1172 = arith.constant 0 : i32
    %cond3A_1173 = arith.cmpi ne, %convert_element_type3A_1171, %cond3A_1172 : i32
    scf.if %cond3A_1173 {
      %get3A_1174 = arith.constant 0 : index
      %get3A_1175 = arith.constant 0 : index
      %get3A_1176 = vector.load %arg37[%get3A_1174, %get3A_1175] : memref<1x304xf32, #tpu.memory_space<vmem>>, vector<1x304xf32>
      %slice3A = vector.extract_strided_slice %get3A_1176 {offsets = [0, 0], sizes = [1, 48], strides = [1, 1]} : vector<1x304xf32> to vector<1x48xf32>
      %get3A_1177 = arith.constant 0 : index
      %get3A_1178 = arith.constant 0 : index
      %get3A_1179 = vector.load %arg34[%get3A_1177, %get3A_1178] : memref<48x3xf32, #tpu.memory_space<vmem>>, vector<48x3xf32>
      %dot_general3A_1180 = arith.constant dense<0.000000e+00> : vector<1x3xf32>
      %dot_general3A_1181 = tpu.matmul %slice3A, %get3A_1179, %dot_general3A_1180 {dimension_numbers = #tpu.dot_dimension_numbers<[1], [0], [0], [1], [0, 0, 1, 1], [], []>, transpose_lhs_hint = false} : vector<1x48xf32>, vector<48x3xf32>, vector<1x3xf32> -> vector<1x3xf32>
      %slice3A_1182 = vector.extract_strided_slice %get3A_1176 {offsets = [0, 48], sizes = [1, 256], strides = [1, 1]} : vector<1x304xf32> to vector<1x256xf32>
      %get3A_1183 = arith.constant 0 : index
      %get3A_1184 = arith.constant 0 : index
      %get3A_1185 = vector.load %arg35[%get3A_1183, %get3A_1184] : memref<256x16xf32, #tpu.memory_space<vmem>>, vector<256x16xf32>
      %dot_general3A_1186 = arith.constant dense<0.000000e+00> : vector<1x16xf32>
      %dot_general3A_1187 = tpu.matmul %slice3A_1182, %get3A_1185, %dot_general3A_1186 {dimension_numbers = #tpu.dot_dimension_numbers<[1], [0], [0], [1], [0, 0, 1, 1], [], []>, transpose_lhs_hint = false} : vector<1x256xf32>, vector<256x16xf32>, vector<1x16xf32> -> vector<1x16xf32>
      %concatenate3A_1188 = tpu.concatenate %dot_general3A_1181, %dot_general3A_1187 in 1 : vector<1x3xf32>, vector<1x16xf32> -> vector<1x19xf32>
      %get3A_1189 = arith.constant 0 : index
      %get3A_1190 = arith.constant 0 : index
      %get3A_1191 = vector.load %arg24[%get3A_1189, %get3A_1190] : memref<19x12xf32, #tpu.memory_space<vmem>>, vector<19x12xf32>
      %dot_general3A_1192 = arith.constant dense<0.000000e+00> : vector<1x12xf32>
      %dot_general3A_1193 = tpu.matmul %concatenate3A_1188, %get3A_1191, %dot_general3A_1192 {dimension_numbers = #tpu.dot_dimension_numbers<[1], [0], [0], [1], [0, 0, 1, 1], [], []>, transpose_lhs_hint = false} : vector<1x19xf32>, vector<19x12xf32>, vector<1x12xf32> -> vector<1x12xf32>
      %get3A_1194 = arith.constant 0 : index
      %get3A_1195 = arith.constant 0 : index
      %get3A_1196 = vector.load %arg25[%get3A_1194, %get3A_1195] : memref<1x12xf32, #tpu.memory_space<vmem>>, vector<1x12xf32>
      %add3A_1197 = arith.addf %dot_general3A_1193, %get3A_1196 : vector<1x12xf32>
      %gt3A_1198 = arith.constant 0.000000e+00 : f32
      %gt3A_1199 = vector.broadcast %gt3A_1198 : f32 to vector<1x12xf32>
      %gt3A_1200 = arith.cmpf ogt, %add3A_1197, %gt3A_1199 : vector<1x12xf32>
      %exp3A_1201 = math.exp %add3A_1197 : vector<1x12xf32>
      %sub3A_1202 = arith.constant 1.000000e+00 : f32
      %sub3A_1203 = vector.broadcast %sub3A_1202 : f32 to vector<1x12xf32>
      %sub3A_1204 = arith.subf %exp3A_1201, %sub3A_1203 : vector<1x12xf32>
      %mul3A_1205 = arith.constant 1.67326319 : f32
      %mul3A_1206 = vector.broadcast %mul3A_1205 : f32 to vector<1x12xf32>
      %mul3A_1207 = arith.mulf %mul3A_1206, %sub3A_1204 : vector<1x12xf32>
      %select_n3A_1208 = arith.select %gt3A_1200, %add3A_1197, %mul3A_1207 : vector<1x12xi1>, vector<1x12xf32>
      %mul3A_1209 = arith.constant 1.05070102 : f32
      %mul3A_1210 = vector.broadcast %mul3A_1209 : f32 to vector<1x12xf32>
      %mul3A_1211 = arith.mulf %mul3A_1210, %select_n3A_1208 : vector<1x12xf32>
      %get3A_1212 = arith.constant 0 : index
      %get3A_1213 = arith.constant 0 : index
      %get3A_1214 = vector.load %arg26[%get3A_1212, %get3A_1213] : memref<12x12xf32, #tpu.memory_space<vmem>>, vector<12x12xf32>
      %dot_general3A_1215 = arith.constant dense<0.000000e+00> : vector<1x12xf32>
      %dot_general3A_1216 = tpu.matmul %mul3A_1211, %get3A_1214, %dot_general3A_1215 {dimension_numbers = #tpu.dot_dimension_numbers<[1], [0], [0], [1], [0, 0, 1, 1], [], []>, transpose_lhs_hint = false} : vector<1x12xf32>, vector<12x12xf32>, vector<1x12xf32> -> vector<1x12xf32>
      %get3A_1217 = arith.constant 0 : index
      %get3A_1218 = arith.constant 0 : index
      %get3A_1219 = vector.load %arg27[%get3A_1217, %get3A_1218] : memref<1x12xf32, #tpu.memory_space<vmem>>, vector<1x12xf32>
      %add3A_1220 = arith.addf %dot_general3A_1216, %get3A_1219 : vector<1x12xf32>
      %gt3A_1221 = arith.constant 0.000000e+00 : f32
      %gt3A_1222 = vector.broadcast %gt3A_1221 : f32 to vector<1x12xf32>
      %gt3A_1223 = arith.cmpf ogt, %add3A_1220, %gt3A_1222 : vector<1x12xf32>
      %exp3A_1224 = math.exp %add3A_1220 : vector<1x12xf32>
      %sub3A_1225 = arith.constant 1.000000e+00 : f32
      %sub3A_1226 = vector.broadcast %sub3A_1225 : f32 to vector<1x12xf32>
      %sub3A_1227 = arith.subf %exp3A_1224, %sub3A_1226 : vector<1x12xf32>
      %mul3A_1228 = arith.constant 1.67326319 : f32
      %mul3A_1229 = vector.broadcast %mul3A_1228 : f32 to vector<1x12xf32>
      %mul3A_1230 = arith.mulf %mul3A_1229, %sub3A_1227 : vector<1x12xf32>
      %select_n3A_1231 = arith.select %gt3A_1223, %add3A_1220, %mul3A_1230 : vector<1x12xi1>, vector<1x12xf32>
      %mul3A_1232 = arith.constant 1.05070102 : f32
      %mul3A_1233 = vector.broadcast %mul3A_1232 : f32 to vector<1x12xf32>
      %mul3A_1234 = arith.mulf %mul3A_1233, %select_n3A_1231 : vector<1x12xf32>
      %get3A_1235 = arith.constant 0 : index
      %get3A_1236 = arith.constant 0 : index
      %get3A_1237 = vector.load %arg28[%get3A_1235, %get3A_1236] : memref<12x12xf32, #tpu.memory_space<vmem>>, vector<12x12xf32>
      %dot_general3A_1238 = arith.constant dense<0.000000e+00> : vector<1x12xf32>
      %dot_general3A_1239 = tpu.matmul %mul3A_1234, %get3A_1237, %dot_general3A_1238 {dimension_numbers = #tpu.dot_dimension_numbers<[1], [0], [0], [1], [0, 0, 1, 1], [], []>, transpose_lhs_hint = false} : vector<1x12xf32>, vector<12x12xf32>, vector<1x12xf32> -> vector<1x12xf32>
      %get3A_1240 = arith.constant 0 : index
      %get3A_1241 = arith.constant 0 : index
      %get3A_1242 = vector.load %arg29[%get3A_1240, %get3A_1241] : memref<1x12xf32, #tpu.memory_space<vmem>>, vector<1x12xf32>
      %add3A_1243 = arith.addf %dot_general3A_1239, %get3A_1242 : vector<1x12xf32>
      %gt3A_1244 = arith.constant 0.000000e+00 : f32
      %gt3A_1245 = vector.broadcast %gt3A_1244 : f32 to vector<1x12xf32>
      %gt3A_1246 = arith.cmpf ogt, %add3A_1243, %gt3A_1245 : vector<1x12xf32>
      %exp3A_1247 = math.exp %add3A_1243 : vector<1x12xf32>
      %sub3A_1248 = arith.constant 1.000000e+00 : f32
      %sub3A_1249 = vector.broadcast %sub3A_1248 : f32 to vector<1x12xf32>
      %sub3A_1250 = arith.subf %exp3A_1247, %sub3A_1249 : vector<1x12xf32>
      %mul3A_1251 = arith.constant 1.67326319 : f32
      %mul3A_1252 = vector.broadcast %mul3A_1251 : f32 to vector<1x12xf32>
      %mul3A_1253 = arith.mulf %mul3A_1252, %sub3A_1250 : vector<1x12xf32>
      %select_n3A_1254 = arith.select %gt3A_1246, %add3A_1243, %mul3A_1253 : vector<1x12xi1>, vector<1x12xf32>
      %mul3A_1255 = arith.constant 1.05070102 : f32
      %mul3A_1256 = vector.broadcast %mul3A_1255 : f32 to vector<1x12xf32>
      %mul3A_1257 = arith.mulf %mul3A_1256, %select_n3A_1254 : vector<1x12xf32>
      %get3A_1258 = arith.constant 0 : index
      %get3A_1259 = arith.constant 0 : index
      %get3A_1260 = vector.load %arg30[%get3A_1258, %get3A_1259] : memref<12x8xf32, #tpu.memory_space<vmem>>, vector<12x8xf32>
      %dot_general3A_1261 = arith.constant dense<0.000000e+00> : vector<1x8xf32>
      %dot_general3A_1262 = tpu.matmul %mul3A_1257, %get3A_1260, %dot_general3A_1261 {dimension_numbers = #tpu.dot_dimension_numbers<[1], [0], [0], [1], [0, 0, 1, 1], [], []>, transpose_lhs_hint = false} : vector<1x12xf32>, vector<12x8xf32>, vector<1x8xf32> -> vector<1x8xf32>
      %get3A_1263 = arith.constant 0 : index
      %get3A_1264 = arith.constant 0 : index
      %get3A_1265 = vector.load %arg31[%get3A_1263, %get3A_1264] : memref<1x8xf32, #tpu.memory_space<vmem>>, vector<1x8xf32>
      %add3A_1266 = arith.addf %dot_general3A_1262, %get3A_1265 : vector<1x8xf32>
      %gt3A_1267 = arith.constant 0.000000e+00 : f32
      %gt3A_1268 = vector.broadcast %gt3A_1267 : f32 to vector<1x8xf32>
      %gt3A_1269 = arith.cmpf ogt, %add3A_1266, %gt3A_1268 : vector<1x8xf32>
      %exp3A_1270 = math.exp %add3A_1266 : vector<1x8xf32>
      %sub3A_1271 = arith.constant 1.000000e+00 : f32
      %sub3A_1272 = vector.broadcast %sub3A_1271 : f32 to vector<1x8xf32>
      %sub3A_1273 = arith.subf %exp3A_1270, %sub3A_1272 : vector<1x8xf32>
      %mul3A_1274 = arith.constant 1.67326319 : f32
      %mul3A_1275 = vector.broadcast %mul3A_1274 : f32 to vector<1x8xf32>
      %mul3A_1276 = arith.mulf %mul3A_1275, %sub3A_1273 : vector<1x8xf32>
      %select_n3A_1277 = arith.select %gt3A_1269, %add3A_1266, %mul3A_1276 : vector<1x8xi1>, vector<1x8xf32>
      %mul3A_1278 = arith.constant 1.05070102 : f32
      %mul3A_1279 = vector.broadcast %mul3A_1278 : f32 to vector<1x8xf32>
      %mul3A_1280 = arith.mulf %mul3A_1279, %select_n3A_1277 : vector<1x8xf32>
      %get3A_1281 = arith.constant 0 : index
      %get3A_1282 = arith.constant 0 : index
      %get3A_1283 = vector.load %arg32[%get3A_1281, %get3A_1282] : memref<8x9xf32, #tpu.memory_space<vmem>>, vector<8x9xf32>
      %dot_general3A_1284 = arith.constant dense<0.000000e+00> : vector<1x9xf32>
      %dot_general3A_1285 = tpu.matmul %mul3A_1280, %get3A_1283, %dot_general3A_1284 {dimension_numbers = #tpu.dot_dimension_numbers<[1], [0], [0], [1], [0, 0, 1, 1], [], []>, transpose_lhs_hint = false} : vector<1x8xf32>, vector<8x9xf32>, vector<1x9xf32> -> vector<1x9xf32>
      %get3A_1286 = arith.constant 0 : index
      %get3A_1287 = arith.constant 0 : index
      %get3A_1288 = vector.load %arg33[%get3A_1286, %get3A_1287] : memref<1x9xf32, #tpu.memory_space<vmem>>, vector<1x9xf32>
      %add3A_1289 = arith.addf %dot_general3A_1285, %get3A_1288 : vector<1x9xf32>
      %swap3A_1290 = arith.constant 0 : index
      %swap3A_1291 = arith.constant 0 : index
      %swap3A_1292 = vector.load %arg36[%swap3A_1290, %swap3A_1291] : memref<1x9xf32, #tpu.memory_space<vmem>>, vector<1x9xf32>
      tpu.vector_store %arg36[%swap3A_1290, %swap3A_1291], %add3A_1289 {strides = array<i32>} : memref<1x9xf32, #tpu.memory_space<vmem>>, vector<1x9xf32>,
    } else {
    }
    return
  }
  func.func @transform_0(%arg0: i32) -> (i32, i32, i32) {
    %c0_i32 = arith.constant 0 : i32
    %c0_i32_0 = arith.constant 0 : i32
    %c0_i32_1 = arith.constant 0 : i32
    return %c0_i32, %arg0, %c0_i32_0 : i32, i32, i32
  }
  func.func @transform_1(%arg0: i32) -> (i32, i32) {
    %c0_i32 = arith.constant 0 : i32
    %c0_i32_0 = arith.constant 0 : i32
    return %arg0, %c0_i32 : i32, i32
  }
  func.func @transform_2(%arg0: i32) -> (i32, i32) {
    %c0_i32 = arith.constant 0 : i32
    %c0_i32_0 = arith.constant 0 : i32
    %c0_i32_1 = arith.constant 0 : i32
    return %c0_i32, %c0_i32_0 : i32, i32
  }
  func.func @transform_3(%arg0: i32) -> (i32, i32) {
    %c0_i32 = arith.constant 0 : i32
    %c0_i32_0 = arith.constant 0 : i32
    %c0_i32_1 = arith.constant 0 : i32
    return %c0_i32, %c0_i32_0 : i32, i32
  }
  func.func @transform_4(%arg0: i32) -> (i32, i32) {
    %c0_i32 = arith.constant 0 : i32
    %c0_i32_0 = arith.constant 0 : i32
    %c0_i32_1 = arith.constant 0 : i32
    return %c0_i32, %c0_i32_0 : i32, i32
  }
  func.func @transform_5(%arg0: i32) -> (i32, i32) {
    %c0_i32 = arith.constant 0 : i32
    %c0_i32_0 = arith.constant 0 : i32
    %c0_i32_1 = arith.constant 0 : i32
    return %c0_i32, %c0_i32_0 : i32, i32
  }
  func.func @transform_6(%arg0: i32) -> (i32, i32) {
    %c0_i32 = arith.constant 0 : i32
    %c0_i32_0 = arith.constant 0 : i32
    %c0_i32_1 = arith.constant 0 : i32
    return %c0_i32, %c0_i32_0 : i32, i32
  }
  func.func @transform_7(%arg0: i32) -> (i32, i32) {
    %c0_i32 = arith.constant 0 : i32
    %c0_i32_0 = arith.constant 0 : i32
    %c0_i32_1 = arith.constant 0 : i32
    return %c0_i32, %c0_i32_0 : i32, i32
  }
  func.func @transform_8(%arg0: i32) -> (i32, i32) {
    %c0_i32 = arith.constant 0 : i32
    %c0_i32_0 = arith.constant 0 : i32
    %c0_i32_1 = arith.constant 0 : i32
    return %c0_i32, %c0_i32_0 : i32, i32
  }
  func.func @transform_9(%arg0: i32) -> (i32, i32) {
    %c0_i32 = arith.constant 0 : i32
    %c0_i32_0 = arith.constant 0 : i32
    %c0_i32_1 = arith.constant 0 : i32
    return %c0_i32, %c0_i32_0 : i32, i32
  }
  func.func @transform_10(%arg0: i32) -> (i32, i32) {
    %c0_i32 = arith.constant 0 : i32
    %c0_i32_0 = arith.constant 0 : i32
    %c0_i32_1 = arith.constant 0 : i32
    return %c0_i32, %c0_i32_0 : i32, i32
  }
  func.func @transform_11(%arg0: i32) -> (i32, i32) {
    %c0_i32 = arith.constant 0 : i32
    %c0_i32_0 = arith.constant 0 : i32
    %c0_i32_1 = arith.constant 0 : i32
    return %c0_i32, %c0_i32_0 : i32, i32
  }
  func.func @transform_12(%arg0: i32) -> (i32, i32) {
    %c0_i32 = arith.constant 0 : i32
    %c0_i32_0 = arith.constant 0 : i32
    %c0_i32_1 = arith.constant 0 : i32
    return %c0_i32, %c0_i32_0 : i32, i32
  }
  func.func @transform_13(%arg0: i32) -> (i32, i32) {
    %c0_i32 = arith.constant 0 : i32
    %c0_i32_0 = arith.constant 0 : i32
    %c0_i32_1 = arith.constant 0 : i32
    return %c0_i32, %c0_i32_0 : i32, i32
  }
  func.func @transform_14(%arg0: i32) -> (i32, i32) {
    %c0_i32 = arith.constant 0 : i32
    %c0_i32_0 = arith.constant 0 : i32
    %c0_i32_1 = arith.constant 0 : i32
    return %c0_i32, %c0_i32_0 : i32, i32
  }
  func.func @transform_15(%arg0: i32) -> (i32, i32) {
    %c0_i32 = arith.constant 0 : i32
    %c0_i32_0 = arith.constant 0 : i32
    %c0_i32_1 = arith.constant 0 : i32
    return %c0_i32, %c0_i32_0 : i32, i32
  }
  func.func @transform_16(%arg0: i32) -> (i32, i32) {
    %c0_i32 = arith.constant 0 : i32
    %c0_i32_0 = arith.constant 0 : i32
    %c0_i32_1 = arith.constant 0 : i32
    return %c0_i32, %c0_i32_0 : i32, i32
  }
  func.func @transform_17(%arg0: i32) -> (i32, i32) {
    %c0_i32 = arith.constant 0 : i32
    %c0_i32_0 = arith.constant 0 : i32
    %c0_i32_1 = arith.constant 0 : i32
    return %c0_i32, %c0_i32_0 : i32, i32
  }
  func.func @transform_18(%arg0: i32) -> (i32, i32) {
    %c0_i32 = arith.constant 0 : i32
    %c0_i32_0 = arith.constant 0 : i32
    %c0_i32_1 = arith.constant 0 : i32
    return %c0_i32, %c0_i32_0 : i32, i32
  }
  func.func @transform_19(%arg0: i32) -> (i32, i32) {
    %c0_i32 = arith.constant 0 : i32
    %c0_i32_0 = arith.constant 0 : i32
    %c0_i32_1 = arith.constant 0 : i32
    return %c0_i32, %c0_i32_0 : i32, i32
  }
  func.func @transform_20(%arg0: i32) -> (i32, i32) {
    %c0_i32 = arith.constant 0 : i32
    %c0_i32_0 = arith.constant 0 : i32
    %c0_i32_1 = arith.constant 0 : i32
    return %c0_i32, %c0_i32_0 : i32, i32
  }
  func.func @transform_21(%arg0: i32) -> (i32, i32) {
    %c0_i32 = arith.constant 0 : i32
    %c0_i32_0 = arith.constant 0 : i32
    %c0_i32_1 = arith.constant 0 : i32
    return %c0_i32, %c0_i32_0 : i32, i32
  }
  func.func @transform_22(%arg0: i32) -> (i32, i32) {
    %c0_i32 = arith.constant 0 : i32
    %c0_i32_0 = arith.constant 0 : i32
    %c0_i32_1 = arith.constant 0 : i32
    return %c0_i32, %c0_i32_0 : i32, i32
  }
  func.func @transform_23(%arg0: i32) -> (i32, i32) {
    %c0_i32 = arith.constant 0 : i32
    %c0_i32_0 = arith.constant 0 : i32
    %c0_i32_1 = arith.constant 0 : i32
    return %c0_i32, %c0_i32_0 : i32, i32
  }
  func.func @transform_24(%arg0: i32) -> (i32, i32) {
    %c0_i32 = arith.constant 0 : i32
    %c0_i32_0 = arith.constant 0 : i32
    %c0_i32_1 = arith.constant 0 : i32
    return %c0_i32, %c0_i32_0 : i32, i32
  }
  func.func @transform_25(%arg0: i32) -> (i32, i32) {
    %c0_i32 = arith.constant 0 : i32
    %c0_i32_0 = arith.constant 0 : i32
    %c0_i32_1 = arith.constant 0 : i32
    return %c0_i32, %c0_i32_0 : i32, i32
  }
  func.func @transform_26(%arg0: i32) -> (i32, i32) {
    %c0_i32 = arith.constant 0 : i32
    %c0_i32_0 = arith.constant 0 : i32
    %c0_i32_1 = arith.constant 0 : i32
    return %c0_i32, %c0_i32_0 : i32, i32
  }
  func.func @transform_27(%arg0: i32) -> (i32, i32) {
    %c0_i32 = arith.constant 0 : i32
    %c0_i32_0 = arith.constant 0 : i32
    %c0_i32_1 = arith.constant 0 : i32
    return %c0_i32, %c0_i32_0 : i32, i32
  }
  func.func @transform_28(%arg0: i32) -> (i32, i32) {
    %c0_i32 = arith.constant 0 : i32
    %c0_i32_0 = arith.constant 0 : i32
    %c0_i32_1 = arith.constant 0 : i32
    return %c0_i32, %c0_i32_0 : i32, i32
  }
  func.func @transform_29(%arg0: i32) -> (i32, i32) {
    %c0_i32 = arith.constant 0 : i32
    %c0_i32_0 = arith.constant 0 : i32
    %c0_i32_1 = arith.constant 0 : i32
    return %c0_i32, %c0_i32_0 : i32, i32
  }
  func.func @transform_30(%arg0: i32) -> (i32, i32) {
    %c0_i32 = arith.constant 0 : i32
    %c0_i32_0 = arith.constant 0 : i32
    %c0_i32_1 = arith.constant 0 : i32
    return %c0_i32, %c0_i32_0 : i32, i32
  }
  func.func @transform_31(%arg0: i32) -> (i32, i32) {
    %c0_i32 = arith.constant 0 : i32
    %c0_i32_0 = arith.constant 0 : i32
    %c0_i32_1 = arith.constant 0 : i32
    return %c0_i32, %c0_i32_0 : i32, i32
  }
  func.func @transform_32(%arg0: i32) -> (i32, i32) {
    %c0_i32 = arith.constant 0 : i32
    %c0_i32_0 = arith.constant 0 : i32
    %c0_i32_1 = arith.constant 0 : i32
    return %c0_i32, %c0_i32_0 : i32, i32
  }
  func.func @transform_33(%arg0: i32) -> (i32, i32) {
    %c0_i32 = arith.constant 0 : i32
    %c0_i32_0 = arith.constant 0 : i32
    %c0_i32_1 = arith.constant 0 : i32
    return %c0_i32, %c0_i32_0 : i32, i32
  }
  func.func @transform_34(%arg0: i32) -> (i32, i32) {
    %c0_i32 = arith.constant 0 : i32
    %c0_i32_0 = arith.constant 0 : i32
    %c0_i32_1 = arith.constant 0 : i32
    return %c0_i32, %c0_i32_0 : i32, i32
  }
  func.func @transform_35(%arg0: i32) -> (i32, i32) {
    %c0_i32 = arith.constant 0 : i32
    %c0_i32_0 = arith.constant 0 : i32
    %c0_i32_1 = arith.constant 0 : i32
    return %c0_i32, %c0_i32_0 : i32, i32
  }
}

</mosaic_0001>

<sc_bundles>
// kernel: kernel.5.cloned.1.call-start
scs
__scs_entry_jumppad:
0x0: {  	(pc) =	sbr.rel $0x88, $3  }
0x1: {  	(tag) =	ssettag $0x0;
	lr =	simm.s32 $0x1  }
0x2: {  	[smem:$0x3F6B] =	sst lr;
	_ =	strace $0xD0000000  }
0x3: {  	_ = 	snop  }
0x4: {  	_ = 	snop  }
0x5: {  	_ = 	snop  }
0x6: {  	_ = 	snop  }
0x7: {  	_ = 	snop  }
__scs_overlays_trampoline_lowered:
0x8: {  	[smem:$0x3F7A] =	sst s0  }
0x9: {  	[smem:$0x3F7B] =	sst s1  }
0xa: {  	[smem:$0x3F7C] =	sst s2  }
0xb: {  	[smem:$0x3F7D] =	sst s3  }
0xc: {  	[smem:$0x3F7E] =	sst s4  }
0xd: {  	[smem:$0x3F7F] =	sst s5  }
0xe: {  	[smem:$0x3F80] =	sst s6  }
0xf: {  	[smem:$0x3F81] =	sst s7  }
0x10: {  	[smem:$0x3F82] =	sst s8  }
0x11: {  	[smem:$0x3F83] =	sst s9;
	s0 =	simm.s32 @!p0 $0x0  }
0x12: {  	s1 =	sld [smem:$0x3F69];
	s0 =	simm.s32 @p0 $0x1  }
0x13: {  	[smem:$0x3F84] =	sst s0;
	s0 =	simm.s32 @!p1 $0x0  }
0x14: {  	s2 =	sld [smem:$0x3F68];
	s0 =	simm.s32 @p1 $0x1  }
0x15: {  	[smem:$0x3F85] =	sst s0;
	s0 =	simm.s32 @!p2 $0x0  }
0x16: {  	s3 =	sld [smem:$0x3FDB];
	s0 =	simm.s32 @p2 $0x1  }
0x17: {  	s4 =	simm.s32 $0x1BF5;
	[smem:$0x3F87] =	sst s0  }
0x18: {  	s0 =	sld [smem:$0x3F6A];
	_ =	swait.ge [sflag:s4], $0x0  }
0x19: {  	s7 =	sld [smem:$0x3F6B]  }
0x1a: {  	s8 =	sadd.s32 $0xFFFFE003, lr  }
0x1b: {  	s9 =	sadd.s32 $0xFFFFFEF7, lr;
	s5 =	simm.s32 $0xFFFFFFFF;
	p2 =	slt.u32 s8, $0xFFFFF086  }
0x1c: {  	p1 =	slt.u32 s9, $0xF7A;
	s5 =	simm.s32 @!p2 $0x0  }
0x1d: {  	s5 =	simm.s32 @p1 $0x1;
	p0 =	seq.s32 s7, s2  }
0x1e: {  	s7 =	smul.u32 @!p0 $0xF7A, s2;
	p2 =	seq.s32 @!p0 s5, $0x0  }
0x1f: {  	s9 =	smul.u32 $0xF7A, s1;
	s8 =	simm.s32 @!p0 $0x1BF5;
	p2 =	por !p2, p0  }
0x20: {  	[sflag:s8] =	ssyncset.s32 @!p0 $0xFFFFF086;
	s6 =	sadd.s32 @!p0 s3, s7;
	s7 =	simm.s32 @!p0 $0x108  }
0x21: {  	s3 =	sadd.s32 s3, s9;
	s6 =	sadd.s32 @!p0 $0x88, s6;
	s7 =	simm.s32 @p2 $0x1082  }
0x22: {  	[simem:s7], [sflag:s8] =	dma.local @!p0 [hbm:s6], $0xF7A  }
0x23: {  	s9 =	sor.u32 $0xD0000000, s2;
	s6 =	simm.s32 $0x108;
	_ =	swait.ge @!p0 [sflag:s8], $0x0  }
0x24: {  	s3 =	sadd.s32 $0x88, s3;
	s6 =	simm.s32 @!p1 $0x1082;
	[sflag:s4] =	ssyncset.s32 $0xFFFFF086  }
0x25: {  	[simem:s6], [sflag:s4] =	dma.local [hbm:s3], $0xF7A  }
0x26: {  	[smem:$0x3F6B] =	sst s1;
	(tag) =	ssettag s2;
	_ =	strace s9  }
0x27: {  	s1 =	sld [smem:$0x3F7B]  }
0x28: {  	s2 =	sld [smem:$0x3F7C]  }
0x29: {  	s4 =	sld [smem:$0x3F7E]  }
0x2a: {  	p0 =	seq.s32 s5, $0x0;
	s5 =	sld [smem:$0x3F7F]  }
0x2b: {  	s6 =	sld [smem:$0x3F80]  }
0x2c: {  	s7 =	sld [smem:$0x3F81]  }
0x2d: {  	s3 =	simm.s32 $0x108;
	s8 =	sld [smem:$0x3F82]  }
0x2e: {  	s3 =	simm.s32 @!p0 $0x1082;
	s9 =	sld [smem:$0x3F83]  }
0x2f: {  	lr =	sadd.s32 s0, s3;
	s0 =	sld [smem:$0x3F7A]  }
0x30: {  	s3 =	sld [smem:$0x3F7D]  }
0x31: {  	[smem:$0x3F86] =	sst s10  }
0x32: {  	s10 =	sld [smem:$0x3F84];
	_ =	sdelay $0x3  }
0x33: {  	p0 =	seq.s32 s10, $0x1;
	s10 =	sld [smem:$0x3F86];
	_ =	sdelay $0x3  }
0x34: {  	[smem:$0x3F86] =	sst s10  }
0x35: {  	s10 =	sld [smem:$0x3F85];
	_ =	sdelay $0x3  }
0x36: {  	p1 =	seq.s32 s10, $0x1;
	s10 =	sld [smem:$0x3F86];
	_ =	sdelay $0x3  }
0x37: {  	[smem:$0x3F86] =	sst s10  }
0x38: {  	s10 =	sld [smem:$0x3F87]  }
0x39: {  	_ = 	snop;
	(pc) =	sbr.ind lr, $3  }
0x3a: {  	_ = 	snop  }
0x3b: {  	_ = 	snop  }
0x3c: {  	p2 =	seq.s32 s10, $0x1;
	s10 =	sld [smem:$0x3F86]  }
0x3d: {  	_ =	shalt  }
0x3e: {  	_ =	shalt  }
0x3f: {  	_ =	shalt  }
0x40: {  	_ =	shalt  }
0x41: {  	_ =	shalt  }
0x42: {  	_ =	shalt  }
0x43: {  	_ =	shalt  }
0x44: {  	_ =	shalt  }
0x45: {  	_ =	shalt  }
0x46: {  	_ =	shalt  }
0x47: {  	_ =	shalt  }
0x48: {  	_ =	shalt  }
0x49: {  	_ =	shalt  }
0x4a: {  	_ =	shalt  }
0x4b: {  	_ =	shalt  }
0x4c: {  	_ =	shalt  }
0x4d: {  	_ =	shalt  }
0x4e: {  	_ =	shalt  }
0x4f: {  	_ =	shalt  }
0x50: {  	_ =	shalt  }
0x51: {  	_ =	shalt  }
0x52: {  	_ =	shalt  }
0x53: {  	_ =	shalt  }
0x54: {  	_ =	shalt  }
0x55: {  	_ =	shalt  }
0x56: {  	_ =	shalt  }
0x57: {  	_ =	shalt  }
0x58: {  	_ =	shalt  }
0x59: {  	_ =	shalt  }
0x5a: {  	_ =	shalt  }
0x5b: {  	_ =	shalt  }
0x5c: {  	_ =	shalt  }
0x5d: {  	_ =	shalt  }
0x5e: {  	_ =	shalt  }
0x5f: {  	_ =	shalt  }
0x60: {  	_ =	shalt  }
0x61: {  	_ =	shalt  }
0x62: {  	_ =	shalt  }
0x63: {  	_ =	shalt  }
0x64: {  	_ =	shalt  }
0x65: {  	_ =	shalt  }
0x66: {  	_ =	shalt  }
0x67: {  	_ =	shalt  }
0x68: {  	_ =	shalt  }
0x69: {  	_ =	shalt  }
0x6a: {  	_ =	shalt  }
0x6b: {  	_ =	shalt  }
0x6c: {  	_ =	shalt  }
0x6d: {  	_ =	shalt  }
0x6e: {  	_ =	shalt  }
0x6f: {  	_ =	shalt  }
0x70: {  	_ =	shalt  }
0x71: {  	_ =	shalt  }
0x72: {  	_ =	shalt  }
0x73: {  	_ =	shalt  }
0x74: {  	_ =	shalt  }
0x75: {  	_ =	shalt  }
0x76: {  	_ =	shalt  }
0x77: {  	_ =	shalt  }
0x78: {  	_ =	shalt  }
0x79: {  	_ =	shalt  }
0x7a: {  	_ =	shalt  }
0x7b: {  	_ =	shalt  }
0x7c: {  	_ =	shalt  }
0x7d: {  	_ =	shalt  }
0x7e: {  	_ =	shalt  }
0x7f: {  	_ =	shalt  }
0x80: {  	_ =	shalt  }
0x81: {  	_ =	shalt  }
0x82: {  	_ =	shalt  }
0x83: {  	_ =	shalt  }
0x84: {  	_ =	shalt  }
0x85: {  	_ =	shalt  }
0x86: {  	_ =	shalt  }
0x87: {  	_ =	shalt  }
.Lfunc_end0:
.L_simem_size_0:
called_computation_lowered:
.L_overlay_start_0:
0x88: {  	s2 =	sld [smem:$0x3FD9]  }
0x89: {  	s3 =	sld [smem:$0x3FFE];
	_ =	sdelay $0x1  }
0x8a: {  	s1 =	srdreg.scid  }
0x8b: {  	s0 =	sand.u32 $0x1, s1  }
0x8c: {  	s16 =	sshll.u32 s0, $0xA;
	s2 =	sadd.s32 s3, s2  }
0x8d: {  	s2 =	sadd.s32 s2, s16  }
0x8e: {  	[smem:$0x3F92] =	sst s2  }
0x8f: {  	_ = 	snop  }
0x90: {  	(tm) =	ssettm $0x1  }
0x91: {  	s17 =	sld [smem:$0x3FFB];
	_ =	sdelay $0x3  }
0x92: {  	_ =	strace s17  }
0x93: {  	s2 =	sld [smem:$0x3FFC];
	_ =	sdelay $0x3  }
0x94: {  	_ =	strace s2  }
0x95: {  	s2 =	sld [smem:$0x3FFD];
	_ =	sdelay $0x3  }
0x96: {  	_ =	strace s2  }
0x97: {  	_ =	strace $0x8FFFFFFF  }
0x98: {  	s18 =	sld [smem:$0x3FDB];
	_ =	sdelay $0x1  }
0x99: {  	s19 =	simm.s32 $_scs_section_size  }
0x9a: {  	s4 =	simm.s32 $_size__tile_overlayer_lowered;
	s5 =	simm.s32 $_tile_overlayer_lowered  }
0x9b: {  	s22 =	simm.s32 $0x1BFF;
	s21 =	sshll.u32 s5, $0x1;
	s2 =	sadd.s32 s19, s18  }
0x9c: {  	s6 =	simm.s32 $0x0;
	s20 =	sshll.u32 s4, $0x1;
	s4 =	sadd.s32 s21, s2  }
0x9d: {  	[timem:s6], [sflag:s22] =	dma.local [hbm:s4], s20  }
0x9e: {  	_ =	swait.ge [sflag:s22], s20  }
0x9f: {  	s3 =	ssub.s32 $0x0, s20;
	[sflag:s22] =	ssyncset.done $0x0  }
0xa0: {  	[sflag:s22] =	ssyncadd.s32 s3;
	_ =	sdelay $0x1  }
0xa1: {  	s23 =	simm.s32 $0x1B8B  }
0xa2: {  	_ =	swait.ge [sflag:s23], $0x1  }
0xa3: {  	[sflag:s23] =	ssyncset.done $0x0  }
0xa4: {  	s25 =	simm.s32 $0x1B8E;
	s24 =	sld [smem:$0x3FFE];
	[sflag:s23] =	ssyncadd.s32 $0xFFFFFFFF  }
0xa5: {  	s26 =	simm.s32 $execute0_lowered;
	[smem:$0x3FD2] =	sst s25  }
0xa6: {  	s4 =	sshll.u32 s26, $0x1;
	_ =	strace $0x80000046;
	[dreg:$0x1] =	wrdreg $0xFFFFFFFF  }
0xa7: {  	s28 =	simm.s32 $_size_execute0_lowered;
	s2 =	sadd.s32 s2, s4;
	[dreg:$0x0] =	wrdreg $0x0  }
0xa8: {  	s4 =	sshll.u32 s28, $0x1;
	[dreg:$0x2] =	wrdreg s2  }
0xa9: {  	[dreg:$0x3] =	wrdreg s4  }
0xaa: {  	[dreg:$0x4] =	wrdreg $0xC0  }
0xab: {  	_ =	task [dreg:s6], $0x5FFFF  }
0xac: {  	[dreg:$0x1] =	wrdreg $0xFFFFFFFF  }
0xad: {  	[dreg:$0x0] =	wrdreg $0x60  }
0xae: {  	[dreg:$0x2] =	wrdreg s24  }
0xaf: {  	[dreg:$0x3] =	wrdreg $0x9  }
0xb0: {  	_ =	task.clear_ibuf [dreg:s6], $0x4FFFF;
	_ =	strace $0x90000046  }
0xb1: {  	s29 =	simm.s32 $0x9;
	_ =	strace $0x80000048  }
0xb2: {  	_ =	swait.ge [sflag:s29], $0x1  }
0xb3: {  	[sflag:s29] =	ssyncadd.s32 $0xFFFFFFFF  }
0xb4: {  	_ =	strace $0x90000048  }
0xb5: {  	_ =	sfence  }
0xb6: {  	s30 =	sld [smem:$0x0];
	_ =	sdelay $0x2  }
0xb7: {  	s31 =	sshll.u32 s1, $0xD;
	s1 =	sshrl.u32 s1, $0x2  }
0xb8: {  	s3 =	sand.u32 $0x4000, s31;
	s1 =	sadd.s32 s1, s30  }
0xb9: {  	s0 =	sor.u32 s3, s0;
	s1 =	sshll.u32 s1, $0x11  }
0xba: {  	s0 =	sor.u32 s1, s0  }
0xbb: {  	s0 =	sadd.s32 $0x8F2B, s0  }
0xbc: {  	[sflag:s0] =	ssyncadd.remote.s32 $0x1  }
0xbd: {  	_ =	sfence.sel $0xFFFF  }
0xbe: {  	[dreg:$0x0] =	wrdreg $0xFFFFFFFF;
	(pc) =	sbr.abs _section_cstart, $3  }
0xbf: {  	[dreg:$0x1] =	wrdreg $0xFFFFFFFF  }
0xc0: {  	_ =	task.clear_ibuf [dreg:s6], $0x2FFFF;
	_ =	strace $0x9FFFFFFF  }
0xc1: {  	(tm) =	ssettm $0x7FFFFFFF  }
tec
execute0_lowered:
.L_overlay_start_1:
0x0: {  	(tag) =	ssettag $0x1  }
0x1: {  	s0 =	rddreg [dreg:$0x0]  }
0x2: {  	s1 =	srdreg.scid;
	s10 =	stileid.u32  }
0x3: {  	s2 =	simm.s32 $0x0;
	s15 =	simm.s32 $0x4;
	s17 =	simm.s32 $0x80  }
0x4: {  	s18 =	simm.s32 $0x1400;
	s19 =	simm.s32 $0x3C00;
	s20 =	simm.s32 $0x1  }
0x5: {  	s28 =	simm.s32 $0xE80;
	s16 =	simm.s32 $0x8800;
	s29 =	simm.s32 $0x1380  }
0x6: {  	s30 =	simm.s32 $0xB000;
	s1 =	sand.u32 $0x1, s1;
	s3 =	sshll.u32 s10, $0x1  }
0x7: {  	[smem:$0x7FF] =	sst s2;
	s5 =	sadd.s32 $0xA200, s0;
	s6 =	smul.u32 $0x190, s10  }
0x8: {  	s7 =	sadd.s32 $0x3C200, s0;
	s11 =	sadd.s32 $0x10BC00, s0;
	s25 =	smul.u32 $0xC800, s10  }
0x9: {  	s3 =	sor.u32 s1, s3;
	_ =	strace $0x80000047;
	s9 =	smul.u32 $0xC8, s1  }
0xa: {  	s8 =	ssub.s32 $0x2, s1;
	[dreg:$0x2] =	wrdreg s11;
	s1 =	smul.u32 $0x6400, s1  }
0xb: {  	s4 =	smul.u32 $0xC80, s3;
	s3 =	sadd.s32 $0xFF800, s0;
	s0 =	sadd.s32 $0x1D3C00, s0  }
0xc: {  	s31 =	simm.s32 $0x2;
	s21 =	sshrl.u32 s8, $0x1;
	[dreg:$0x3] =	wrdreg s0  }
0xd: {  	s0 =	ssub.s32 s8, s21;
	s6 =	sadd.s32 s9, s6;
	s14 =	sadd.s32 s1, s25  }
0xe: {  	s8 =	simm.s32 $0xF00;
	s21 =	simm.s32 $0x6400;
	s22 =	sadd.s32 s5, s4  }
0xf: {  	s4 =	sadd.s32 s7, s4;
	s0 =	smax.u32 s0, $0x1;
	[dreg:$0x4] =	wrdreg s22  }
0x10: {  	s23 =	sshll.u32 s6, $0x4;
	s24 =	sadd.s32 $0xA, s6;
	[dreg:$0x5] =	wrdreg s4  }
.Ltmp0:
0x11: {  	[dreg:$0x6] =	wrdreg s0;
	s0 =	sadd.s32 $0x140, s23;
	(pc) =	sbr.rel .LBB2_1-.Ltmp0, $4  }
0x12: {  	s4 =	sshrl.u32 s24, $0x1;
	s22 =	simm.s32 $0x8C00;
	s9 =	sadd.s32 s0, s5  }
0x13: {  	s10 =	sadd.s32 s0, s7;
	s11 =	sshll.u32 s4, $0x8;
	s26 =	sshll.u32 s4, $0x5  }
0x14: {  	s0 =	simm.s32 $0x3;
	s4 =	simm.s32 $0x0;
	s12 =	sadd.s32 s26, s5  }
0x15: {  	s13 =	sadd.s32 s26, s7;
	s7 =	simm.s32 $0xA00;
	s26 =	simm.s32 $0x500  }
.LBB2_4:
0x16: {  	_ =	swait.ge [sflag:s0], $0x2800  }
0x17: {  	[sflag:s0] =	ssyncset.done $0x0  }
0x18: {  	[sflag:s0] =	ssyncadd.s32 $0xFFFFD800  }
0x19: {  	_ =	swait.ge [sflag:s0], $0x2800  }
0x1a: {  	s4 =	rddreg [dreg:$0x7]  }
0x1b: {  	s1 =	rddreg [dreg:$0x6];
	s4 =	sadd.s32 $0x1, s4  }
0x1c: {  	p0 =	sne.s32 s4, s1  }
.Ltmp1:
0x1d: {  	_ = 	snop;
	(pc) =	sbr.rel @!p0 .LBB2_5-.Ltmp1, $3  }
0x1e: {  	_ =	sdelay $0x1  }
0x1f: {  	[sflag:s0] =	ssyncset.done $0x0  }
0x20: {  	[sflag:s0] =	ssyncadd.s32 $0xFFFFD800  }
.LBB2_1:
0x21: {  	[dreg:$0x7] =	wrdreg s4  }
0x22: {  	s1 =	rddreg [dreg:$0x4]  }
0x23: {  	[tilespmem:s2], [sflag:$0x4] =	stream.linear.gather [hbm4b:s1+s2], $0x500, $0x38;
	[tilespmem:$0xB400] =	vst v63  }
0x24: {  	_ =	swait.ge [sflag:s15], $0x500  }
0x25: {  	[sflag:s15] =	ssyncset.done $0x0  }
0x26: {  	s25 =	simm.s32 $0x500;
	s24 =	rddreg [dreg:$0x5];
	[sflag:s15] =	ssyncadd.s32 $0xFFFFFB00  }
0x27: {  	[tilespmem:s25], [sflag:$0x4] =	stream.linear.gather [hbm4b:s24+s2], $0x500, $0x38;
	[tilespmem:$0xB400] =	vst v63  }
0x28: {  	_ =	swait.ge [sflag:s15], $0x500  }
0x29: {  	[sflag:s15] =	ssyncset.done $0x0  }
0x2a: {  	[sflag:s15] =	ssyncadd.s32 $0xFFFFFB00  }
0x2b: {  	[tilespmem:s18], [sflag:$0x1] =	stream.indirect.gather [hbm4b:s3+s17], $0x8, s2, s17, $0xb8;
	[tilespmem:$0xB400] =	vst v63  }
0x2c: {  	_ = 	snop  }
0x2d: {  	[tilespmem:s19], [sflag:$0x1] =	stream.indirect.gather [hbm4b:s3+s17], $0x8, s25, s17, $0xb8;
	[tilespmem:$0xB400] =	vst v63  }
0x2e: {  	s5 =	simm.s32 $0x1800  }
0x2f: {  	[tilespmem:s5], [sflag:$0x1] =	stream.indirect.gather [hbm4b:s3+s17], $0x8, s17, s17, $0xb8;
	[tilespmem:$0xB400] =	vst v63  }
0x30: {  	s6 =	simm.s32 $0x580;
	s23 =	simm.s32 $0x4000  }
0x31: {  	[tilespmem:s23], [sflag:$0x1] =	stream.indirect.gather [hbm4b:s3+s17], $0x8, s6, s17, $0xb8;
	[tilespmem:$0xB400] =	vst v63  }
0x32: {  	s24 =	simm.s32 $0x100;
	s25 =	simm.s32 $0x1C00  }
0x33: {  	[tilespmem:s25], [sflag:$0x1] =	stream.indirect.gather [hbm4b:s3+s17], $0x8, s24, s17, $0xb8;
	[tilespmem:$0xB400] =	vst v63  }
0x34: {  	s4 =	simm.s32 $0x600;
	s5 =	simm.s32 $0x4400  }
0x35: {  	[tilespmem:s5], [sflag:$0x1] =	stream.indirect.gather [hbm4b:s3+s17], $0x8, s4, s17, $0xb8;
	[tilespmem:$0xB400] =	vst v63  }
0x36: {  	s6 =	simm.s32 $0x180;
	s23 =	simm.s32 $0x2000  }
0x37: {  	[tilespmem:s23], [sflag:$0x1] =	stream.indirect.gather [hbm4b:s3+s17], $0x8, s6, s17, $0xb8;
	[tilespmem:$0xB400] =	vst v63  }
0x38: {  	s24 =	simm.s32 $0x680;
	s25 =	simm.s32 $0x4800  }
0x39: {  	[tilespmem:s25], [sflag:$0x1] =	stream.indirect.gather [hbm4b:s3+s17], $0x8, s24, s17, $0xb8;
	[tilespmem:$0xB400] =	vst v63  }
0x3a: {  	s4 =	simm.s32 $0x200;
	s5 =	simm.s32 $0x2400  }
0x3b: {  	[tilespmem:s5], [sflag:$0x1] =	stream.indirect.gather [hbm4b:s3+s17], $0x8, s4, s17, $0xb8;
	[tilespmem:$0xB400] =	vst v63  }
0x3c: {  	s6 =	simm.s32 $0x700;
	s23 =	simm.s32 $0x4C00  }
0x3d: {  	[tilespmem:s23], [sflag:$0x1] =	stream.indirect.gather [hbm4b:s3+s17], $0x8, s6, s17, $0xb8;
	[tilespmem:$0xB400] =	vst v63  }
0x3e: {  	s24 =	simm.s32 $0x280;
	s25 =	simm.s32 $0x2800  }
0x3f: {  	[tilespmem:s25], [sflag:$0x1] =	stream.indirect.gather [hbm4b:s3+s17], $0x8, s24, s17, $0xb8;
	[tilespmem:$0xB400] =	vst v63  }
0x40: {  	s4 =	simm.s32 $0x780;
	s5 =	simm.s32 $0x5000  }
0x41: {  	[tilespmem:s5], [sflag:$0x1] =	stream.indirect.gather [hbm4b:s3+s17], $0x8, s4, s17, $0xb8;
	[tilespmem:$0xB400] =	vst v63  }
0x42: {  	s6 =	simm.s32 $0x300;
	s23 =	simm.s32 $0x2C00  }
0x43: {  	[tilespmem:s23], [sflag:$0x1] =	stream.indirect.gather [hbm4b:s3+s17], $0x8, s6, s17, $0xb8;
	[tilespmem:$0xB400] =	vst v63  }
0x44: {  	s24 =	simm.s32 $0x800;
	s25 =	simm.s32 $0x5400  }
0x45: {  	[tilespmem:s25], [sflag:$0x1] =	stream.indirect.gather [hbm4b:s3+s17], $0x8, s24, s17, $0xb8;
	[tilespmem:$0xB400] =	vst v63  }
0x46: {  	s4 =	simm.s32 $0x380;
	s5 =	simm.s32 $0x3000  }
0x47: {  	[tilespmem:s5], [sflag:$0x1] =	stream.indirect.gather [hbm4b:s3+s17], $0x8, s4, s17, $0xb8;
	[tilespmem:$0xB400] =	vst v63  }
0x48: {  	s6 =	simm.s32 $0x880;
	s23 =	simm.s32 $0x5800  }
0x49: {  	[tilespmem:s23], [sflag:$0x1] =	stream.indirect.gather [hbm4b:s3+s17], $0x8, s6, s17, $0xb8;
	[tilespmem:$0xB400] =	vst v63  }
0x4a: {  	s24 =	simm.s32 $0x400;
	s25 =	simm.s32 $0x3400  }
0x4b: {  	[tilespmem:s25], [sflag:$0x1] =	stream.indirect.gather [hbm4b:s3+s17], $0x8, s24, s17, $0xb8;
	[tilespmem:$0xB400] =	vst v63  }
0x4c: {  	s1 =	rddreg [dreg:$0x3];
	s4 =	simm.s32 $0x900;
	s5 =	simm.s32 $0x5C00  }
0x4d: {  	[tilespmem:s5], [sflag:$0x1] =	stream.indirect.gather [hbm4b:s3+s17], $0x8, s4, s17, $0xb8;
	[tilespmem:$0xB400] =	vst v63  }
0x4e: {  	s6 =	simm.s32 $0x480;
	s23 =	simm.s32 $0x3800;
	s24 =	simm.s32 $0x980  }
0x4f: {  	[tilespmem:s23], [sflag:$0x1] =	stream.indirect.gather [hbm4b:s3+s17], $0x8, s6, s17, $0xb8;
	[tilespmem:$0xB400] =	vst v63  }
0x50: {  	s25 =	simm.s32 $0x6000;
	s4 =	rddreg [dreg:$0x2];
	s6 =	simm.s32 $0x0  }
0x51: {  	[tilespmem:s25], [sflag:$0x1] =	stream.indirect.gather [hbm4b:s3+s17], $0x8, s24, s17, $0xb8;
	[tilespmem:$0xB400] =	vst v63  }
.LBB2_2:
0x52: {  	s5 =	sadd.s32 s6, s12  }
0x53: {  	[tilespmem:s7], [sflag:$0x4] =	stream.linear.gather [hbm4b:s5+s2], $0x500, $0x38;
	[tilespmem:$0xB400] =	vst v63  }
0x54: {  	_ =	swait.ge [sflag:s15], $0x500  }
0x55: {  	[sflag:s15] =	ssyncset.done $0x0  }
0x56: {  	s25 =	sadd.s32 s6, s13;
	[sflag:s15] =	ssyncadd.s32 $0xFFFFFB00  }
0x57: {  	[tilespmem:s8], [sflag:$0x4] =	stream.linear.gather [hbm4b:s25+s2], $0x500, $0x38;
	[tilespmem:$0xB400] =	vst v63  }
0x58: {  	_ =	swait.ge [sflag:s15], $0x500  }
0x59: {  	p0 =	seq.s32 s6, $0x0;
	[sflag:s15] =	ssyncset.done $0x0  }
0x5a: {  	s5 =	simm.s32 @!p0 $0x3;
	[sflag:s15] =	ssyncadd.s32 $0xFFFFFB00  }
0x5b: {  	_ =	swait.ge @!p0 [sflag:s5], $0x2800  }
0x5c: {  	[sflag:s5] =	ssyncset.done @!p0 $0x0  }
0x5d: {  	[sflag:s5] =	ssyncadd.s32 @!p0 $0xFFFFD800  }
0x5e: {  	_ =	swait.ge @!p0 [sflag:s5], $0x2800  }
0x5f: {  	[sflag:s5] =	ssyncset.done @!p0 $0x0  }
0x60: {  	[sflag:s5] =	ssyncadd.s32 @!p0 $0xFFFFD800  }
0x61: {  	_ =	swait.ge [sflag:s20], $0x400  }
0x62: {  	[sflag:s20] =	ssyncset.done $0x0  }
0x63: {  	[sflag:s20] =	ssyncadd.s32 $0xFFFFFC00  }
0x64: {  	_ =	swait.ge [sflag:s20], $0x400  }
0x65: {  	[sflag:s20] =	ssyncset.done $0x0  }
0x66: {  	[sflag:s20] =	ssyncadd.s32 $0xFFFFFC00  }
0x67: {  	_ =	swait.ge [sflag:s20], $0x400  }
0x68: {  	[sflag:s20] =	ssyncset.done $0x0  }
0x69: {  	[sflag:s20] =	ssyncadd.s32 $0xFFFFFC00  }
0x6a: {  	_ =	swait.ge [sflag:s20], $0x400  }
0x6b: {  	[sflag:s20] =	ssyncset.done $0x0  }
0x6c: {  	[sflag:s20] =	ssyncadd.s32 $0xFFFFFC00  }
0x6d: {  	_ =	swait.ge [sflag:s20], $0x400  }
0x6e: {  	[sflag:s20] =	ssyncset.done $0x0  }
0x6f: {  	[sflag:s20] =	ssyncadd.s32 $0xFFFFFC00  }
0x70: {  	_ =	swait.ge [sflag:s20], $0x400  }
0x71: {  	[sflag:s20] =	ssyncset.done $0x0  }
0x72: {  	[sflag:s20] =	ssyncadd.s32 $0xFFFFFC00  }
0x73: {  	_ =	swait.ge [sflag:s20], $0x400  }
0x74: {  	[sflag:s20] =	ssyncset.done $0x0  }
0x75: {  	[sflag:s20] =	ssyncadd.s32 $0xFFFFFC00  }
0x76: {  	_ =	swait.ge [sflag:s20], $0x400  }
0x77: {  	[sflag:s20] =	ssyncset.done $0x0  }
0x78: {  	[sflag:s20] =	ssyncadd.s32 $0xFFFFFC00  }
0x79: {  	_ =	swait.ge [sflag:s20], $0x400  }
0x7a: {  	[sflag:s20] =	ssyncset.done $0x0  }
0x7b: {  	[sflag:s20] =	ssyncadd.s32 $0xFFFFFC00  }
0x7c: {  	_ =	swait.ge [sflag:s20], $0x400  }
0x7d: {  	[sflag:s20] =	ssyncset.done $0x0  }
0x7e: {  	[sflag:s20] =	ssyncadd.s32 $0xFFFFFC00  }
0x7f: {  	_ =	swait.ge [sflag:s20], $0x400  }
0x80: {  	[sflag:s20] =	ssyncset.done $0x0  }
0x81: {  	[sflag:s20] =	ssyncadd.s32 $0xFFFFFC00  }
0x82: {  	_ =	swait.ge [sflag:s20], $0x400  }
0x83: {  	[sflag:s20] =	ssyncset.done $0x0  }
0x84: {  	[sflag:s20] =	ssyncadd.s32 $0xFFFFFC00  }
0x85: {  	_ =	swait.ge [sflag:s20], $0x400  }
0x86: {  	[sflag:s20] =	ssyncset.done $0x0  }
0x87: {  	[sflag:s20] =	ssyncadd.s32 $0xFFFFFC00  }
0x88: {  	_ =	swait.ge [sflag:s20], $0x400  }
0x89: {  	[sflag:s20] =	ssyncset.done $0x0  }
0x8a: {  	[sflag:s20] =	ssyncadd.s32 $0xFFFFFC00  }
0x8b: {  	_ =	swait.ge [sflag:s20], $0x400  }
0x8c: {  	[sflag:s20] =	ssyncset.done $0x0  }
0x8d: {  	[sflag:s20] =	ssyncadd.s32 $0xFFFFFC00  }
0x8e: {  	_ =	swait.ge [sflag:s20], $0x400  }
0x8f: {  	[sflag:s20] =	ssyncset.done $0x0  }
0x90: {  	[sflag:s20] =	ssyncadd.s32 $0xFFFFFC00  }
0x91: {  	_ =	swait.ge [sflag:s20], $0x400  }
0x92: {  	[sflag:s20] =	ssyncset.done $0x0  }
0x93: {  	[sflag:s20] =	ssyncadd.s32 $0xFFFFFC00  }
0x94: {  	_ =	swait.ge [sflag:s20], $0x400  }
0x95: {  	[sflag:s20] =	ssyncset.done $0x0  }
0x96: {  	[sflag:s20] =	ssyncadd.s32 $0xFFFFFC00  }
0x97: {  	_ =	swait.ge [sflag:s20], $0x400  }
0x98: {  	[sflag:s20] =	ssyncset.done $0x0  }
0x99: {  	[sflag:s20] =	ssyncadd.s32 $0xFFFFFC00  }
0x9a: {  	_ =	swait.ge [sflag:s20], $0x400  }
0x9b: {  	[sflag:s20] =	ssyncset.done $0x0  }
0x9c: {  	s23 =	sadd.s32 s4, s14;
	[sflag:s20] =	ssyncadd.s32 $0xFFFFFC00  }
0x9d: {  	[hbm4b:s23+s2] =	stream.linear.scatter [tilespmem:s18], [sflag:$0x3], $0x2800, $0x38;
	[tilespmem:$0xB400] =	vst v63  }
0x9e: {  	s24 =	sadd.s32 s1, s14  }
0x9f: {  	[hbm4b:s24+s2] =	stream.linear.scatter [tilespmem:s19], [sflag:$0x3], $0x2800, $0x38;
	[tilespmem:$0xB400] =	vst v63  }
0xa0: {  	_ = 	snop  }
0xa1: {  	[tilespmem:s21], [sflag:$0x2] =	stream.indirect.gather [hbm4b:s3+s17], $0x8, s7, s17, $0xb8;
	[tilespmem:$0xB400] =	vst v63  }
0xa2: {  	_ = 	snop  }
0xa3: {  	[tilespmem:s22], [sflag:$0x2] =	stream.indirect.gather [hbm4b:s3+s17], $0x8, s8, s17, $0xb8;
	[tilespmem:$0xB400] =	vst v63  }
0xa4: {  	s25 =	simm.s32 $0xA80;
	s23 =	simm.s32 $0x6800  }
0xa5: {  	[tilespmem:s23], [sflag:$0x2] =	stream.indirect.gather [hbm4b:s3+s17], $0x8, s25, s17, $0xb8;
	[tilespmem:$0xB400] =	vst v63  }
0xa6: {  	s24 =	simm.s32 $0xF80;
	s25 =	simm.s32 $0x9000  }
0xa7: {  	[tilespmem:s25], [sflag:$0x2] =	stream.indirect.gather [hbm4b:s3+s17], $0x8, s24, s17, $0xb8;
	[tilespmem:$0xB400] =	vst v63  }
0xa8: {  	s24 =	simm.s32 $0xB00;
	s25 =	simm.s32 $0x6C00  }
0xa9: {  	[tilespmem:s25], [sflag:$0x2] =	stream.indirect.gather [hbm4b:s3+s17], $0x8, s24, s17, $0xb8;
	[tilespmem:$0xB400] =	vst v63  }
0xaa: {  	s24 =	simm.s32 $0x1000;
	s25 =	simm.s32 $0x9400  }
0xab: {  	[tilespmem:s25], [sflag:$0x2] =	stream.indirect.gather [hbm4b:s3+s17], $0x8, s24, s17, $0xb8;
	[tilespmem:$0xB400] =	vst v63  }
0xac: {  	s24 =	simm.s32 $0xB80;
	s25 =	simm.s32 $0x7000  }
0xad: {  	[tilespmem:s25], [sflag:$0x2] =	stream.indirect.gather [hbm4b:s3+s17], $0x8, s24, s17, $0xb8;
	[tilespmem:$0xB400] =	vst v63  }
0xae: {  	s24 =	simm.s32 $0x1080;
	s25 =	simm.s32 $0x9800  }
0xaf: {  	[tilespmem:s25], [sflag:$0x2] =	stream.indirect.gather [hbm4b:s3+s17], $0x8, s24, s17, $0xb8;
	[tilespmem:$0xB400] =	vst v63  }
0xb0: {  	s24 =	simm.s32 $0xC00;
	s25 =	simm.s32 $0x7400  }
0xb1: {  	[tilespmem:s25], [sflag:$0x2] =	stream.indirect.gather [hbm4b:s3+s17], $0x8, s24, s17, $0xb8;
	[tilespmem:$0xB400] =	vst v63  }
0xb2: {  	s24 =	simm.s32 $0x1100;
	s25 =	simm.s32 $0x9C00  }
0xb3: {  	[tilespmem:s25], [sflag:$0x2] =	stream.indirect.gather [hbm4b:s3+s17], $0x8, s24, s17, $0xb8;
	[tilespmem:$0xB400] =	vst v63  }
0xb4: {  	s24 =	simm.s32 $0xC80;
	s25 =	simm.s32 $0x7800  }
0xb5: {  	[tilespmem:s25], [sflag:$0x2] =	stream.indirect.gather [hbm4b:s3+s17], $0x8, s24, s17, $0xb8;
	[tilespmem:$0xB400] =	vst v63  }
0xb6: {  	s24 =	simm.s32 $0x1180;
	s25 =	simm.s32 $0xA000  }
0xb7: {  	[tilespmem:s25], [sflag:$0x2] =	stream.indirect.gather [hbm4b:s3+s17], $0x8, s24, s17, $0xb8;
	[tilespmem:$0xB400] =	vst v63  }
0xb8: {  	s24 =	simm.s32 $0xD00;
	s25 =	simm.s32 $0x7C00  }
0xb9: {  	[tilespmem:s25], [sflag:$0x2] =	stream.indirect.gather [hbm4b:s3+s17], $0x8, s24, s17, $0xb8;
	[tilespmem:$0xB400] =	vst v63  }
0xba: {  	s24 =	simm.s32 $0x1200;
	s25 =	simm.s32 $0xA400  }
0xbb: {  	[tilespmem:s25], [sflag:$0x2] =	stream.indirect.gather [hbm4b:s3+s17], $0x8, s24, s17, $0xb8;
	[tilespmem:$0xB400] =	vst v63  }
0xbc: {  	s24 =	simm.s32 $0xD80;
	s25 =	simm.s32 $0x8000  }
0xbd: {  	[tilespmem:s25], [sflag:$0x2] =	stream.indirect.gather [hbm4b:s3+s17], $0x8, s24, s17, $0xb8;
	[tilespmem:$0xB400] =	vst v63  }
0xbe: {  	s24 =	simm.s32 $0x1280;
	s25 =	simm.s32 $0xA800  }
0xbf: {  	[tilespmem:s25], [sflag:$0x2] =	stream.indirect.gather [hbm4b:s3+s17], $0x8, s24, s17, $0xb8;
	[tilespmem:$0xB400] =	vst v63  }
0xc0: {  	s24 =	simm.s32 $0xE00;
	s25 =	simm.s32 $0x8400  }
0xc1: {  	[tilespmem:s25], [sflag:$0x2] =	stream.indirect.gather [hbm4b:s3+s17], $0x8, s24, s17, $0xb8;
	[tilespmem:$0xB400] =	vst v63  }
0xc2: {  	s24 =	simm.s32 $0x1300;
	s25 =	simm.s32 $0xAC00  }
0xc3: {  	[tilespmem:s25], [sflag:$0x2] =	stream.indirect.gather [hbm4b:s3+s17], $0x8, s24, s17, $0xb8;
	[tilespmem:$0xB400] =	vst v63  }
0xc4: {  	_ = 	snop  }
0xc5: {  	[tilespmem:s16], [sflag:$0x2] =	stream.indirect.gather [hbm4b:s3+s17], $0x8, s28, s17, $0xb8;
	[tilespmem:$0xB400] =	vst v63  }
0xc6: {  	p0 =	seq.s32 s6, $0xB40  }
0xc7: {  	[tilespmem:s30], [sflag:$0x2] =	stream.indirect.gather [hbm4b:s3+s17], $0x8, s29, s17, $0xb8;
	[tilespmem:$0xB400] =	vst v63  }
0xc8: {  	s5 =	sadd.s32 @!p0 s6, s9;
	s23 =	simm.s32 @!p0 $0x0  }
0xc9: {  	[tilespmem:s23], [sflag:$0x4] =	stream.linear.gather @!p0 [hbm4b:s5+s23], $0x500, $0x38;
	[tilespmem:$0xB400] =	vst v63  }
0xca: {  	s5 =	simm.s32 @!p0 $0x4  }
0xcb: {  	_ =	swait.ge @!p0 [sflag:s5], $0x500  }
0xcc: {  	[sflag:s5] =	ssyncset.done @!p0 $0x0  }
0xcd: {  	s24 =	sadd.s32 @!p0 s6, s10;
	s25 =	simm.s32 @!p0 $0x500;
	[sflag:s5] =	ssyncadd.s32 @!p0 $0xFFFFFB00  }
0xce: {  	[tilespmem:s25], [sflag:$0x4] =	stream.linear.gather @!p0 [hbm4b:s24+s23], $0x500, $0x38;
	[tilespmem:$0xB400] =	vst v63  }
0xcf: {  	_ =	swait.ge @!p0 [sflag:s5], $0x500  }
0xd0: {  	[sflag:s5] =	ssyncset.done @!p0 $0x0  }
0xd1: {  	[sflag:s5] =	ssyncadd.s32 @!p0 $0xFFFFFB00  }
0xd2: {  	_ =	swait.ge [sflag:s31], $0x400  }
0xd3: {  	[sflag:s31] =	ssyncset.done $0x0  }
0xd4: {  	[sflag:s31] =	ssyncadd.s32 $0xFFFFFC00  }
0xd5: {  	_ =	swait.ge [sflag:s31], $0x400  }
0xd6: {  	[sflag:s31] =	ssyncset.done $0x0  }
0xd7: {  	[sflag:s31] =	ssyncadd.s32 $0xFFFFFC00  }
0xd8: {  	_ =	swait.ge [sflag:s31], $0x400  }
0xd9: {  	[sflag:s31] =	ssyncset.done $0x0  }
0xda: {  	[sflag:s31] =	ssyncadd.s32 $0xFFFFFC00  }
0xdb: {  	_ =	swait.ge [sflag:s31], $0x400  }
0xdc: {  	[sflag:s31] =	ssyncset.done $0x0  }
0xdd: {  	[sflag:s31] =	ssyncadd.s32 $0xFFFFFC00  }
0xde: {  	_ =	swait.ge [sflag:s31], $0x400  }
0xdf: {  	[sflag:s31] =	ssyncset.done $0x0  }
0xe0: {  	[sflag:s31] =	ssyncadd.s32 $0xFFFFFC00  }
0xe1: {  	_ =	swait.ge [sflag:s31], $0x400  }
0xe2: {  	[sflag:s31] =	ssyncset.done $0x0  }
0xe3: {  	[sflag:s31] =	ssyncadd.s32 $0xFFFFFC00  }
0xe4: {  	_ =	swait.ge [sflag:s31], $0x400  }
0xe5: {  	[sflag:s31] =	ssyncset.done $0x0  }
0xe6: {  	[sflag:s31] =	ssyncadd.s32 $0xFFFFFC00  }
0xe7: {  	_ =	swait.ge [sflag:s31], $0x400  }
0xe8: {  	[sflag:s31] =	ssyncset.done $0x0  }
0xe9: {  	[sflag:s31] =	ssyncadd.s32 $0xFFFFFC00  }
0xea: {  	_ =	swait.ge [sflag:s31], $0x400  }
0xeb: {  	[sflag:s31] =	ssyncset.done $0x0  }
0xec: {  	[sflag:s31] =	ssyncadd.s32 $0xFFFFFC00  }
0xed: {  	_ =	swait.ge [sflag:s31], $0x400  }
0xee: {  	[sflag:s31] =	ssyncset.done $0x0  }
0xef: {  	[sflag:s31] =	ssyncadd.s32 $0xFFFFFC00  }
0xf0: {  	_ =	swait.ge [sflag:s31], $0x400  }
0xf1: {  	[sflag:s31] =	ssyncset.done $0x0  }
0xf2: {  	[sflag:s31] =	ssyncadd.s32 $0xFFFFFC00  }
0xf3: {  	_ =	swait.ge [sflag:s31], $0x400  }
0xf4: {  	[sflag:s31] =	ssyncset.done $0x0  }
0xf5: {  	[sflag:s31] =	ssyncadd.s32 $0xFFFFFC00  }
0xf6: {  	_ =	swait.ge [sflag:s31], $0x400  }
0xf7: {  	[sflag:s31] =	ssyncset.done $0x0  }
0xf8: {  	[sflag:s31] =	ssyncadd.s32 $0xFFFFFC00  }
0xf9: {  	_ =	swait.ge [sflag:s31], $0x400  }
0xfa: {  	[sflag:s31] =	ssyncset.done $0x0  }
0xfb: {  	[sflag:s31] =	ssyncadd.s32 $0xFFFFFC00  }
0xfc: {  	_ =	swait.ge [sflag:s31], $0x400  }
0xfd: {  	[sflag:s31] =	ssyncset.done $0x0  }
0xfe: {  	[sflag:s31] =	ssyncadd.s32 $0xFFFFFC00  }
0xff: {  	_ =	swait.ge [sflag:s31], $0x400  }
0x100: {  	[sflag:s31] =	ssyncset.done $0x0  }
0x101: {  	[sflag:s31] =	ssyncadd.s32 $0xFFFFFC00  }
0x102: {  	_ =	swait.ge [sflag:s31], $0x400  }
0x103: {  	[sflag:s31] =	ssyncset.done $0x0  }
0x104: {  	[sflag:s31] =	ssyncadd.s32 $0xFFFFFC00  }
0x105: {  	_ =	swait.ge [sflag:s31], $0x400  }
0x106: {  	[sflag:s31] =	ssyncset.done $0x0  }
0x107: {  	[sflag:s31] =	ssyncadd.s32 $0xFFFFFC00  }
0x108: {  	_ =	swait.ge [sflag:s31], $0x400  }
0x109: {  	[sflag:s31] =	ssyncset.done $0x0  }
0x10a: {  	[sflag:s31] =	ssyncadd.s32 $0xFFFFFC00  }
0x10b: {  	_ =	swait.ge [sflag:s31], $0x400  }
0x10c: {  	[sflag:s31] =	ssyncset.done $0x0  }
0x10d: {  	s24 =	sadd.s32 s4, s11;
	[sflag:s31] =	ssyncadd.s32 $0xFFFFFC00  }
0x10e: {  	[hbm4b:s24+s2] =	stream.linear.scatter [tilespmem:s21], [sflag:$0x3], $0x2800, $0x38;
	[tilespmem:$0xB400] =	vst v63  }
0x10f: {  	s25 =	sadd.s32 s1, s11  }
0x110: {  	[hbm4b:s25+s2] =	stream.linear.scatter [tilespmem:s22], [sflag:$0x3], $0x2800, $0x38;
	[tilespmem:$0xB400] =	vst v63  }
0x111: {  	_ =	swait.ge [sflag:s0], $0x2800  }
.Ltmp2:
0x112: {  	[sflag:s0] =	ssyncset.done $0x0;
	(pc) =	sbr.rel @p0 .LBB2_4-.Ltmp2, $4  }
0x113: {  	[sflag:s0] =	ssyncadd.s32 $0xFFFFD800  }
0x114: {  	_ =	swait.ge [sflag:s0], $0x2800  }
0x115: {  	[sflag:s0] =	ssyncset.done $0x0  }
0x116: {  	[sflag:s0] =	ssyncadd.s32 $0xFFFFD800  }
0x117: {  	[tilespmem:s18], [sflag:$0x1] =	stream.indirect.gather [hbm4b:s3+s17], $0x8, s2, s17, $0xb8;
	[tilespmem:$0xB400] =	vst v63  }
0x118: {  	_ = 	snop  }
0x119: {  	[tilespmem:s19], [sflag:$0x1] =	stream.indirect.gather [hbm4b:s3+s17], $0x8, s26, s17, $0xb8;
	[tilespmem:$0xB400] =	vst v63  }
0x11a: {  	s5 =	simm.s32 $0x1800  }
0x11b: {  	[tilespmem:s5], [sflag:$0x1] =	stream.indirect.gather [hbm4b:s3+s17], $0x8, s17, s17, $0xb8;
	[tilespmem:$0xB400] =	vst v63  }
0x11c: {  	s25 =	simm.s32 $0x580;
	s23 =	simm.s32 $0x4000  }
0x11d: {  	[tilespmem:s23], [sflag:$0x1] =	stream.indirect.gather [hbm4b:s3+s17], $0x8, s25, s17, $0xb8;
	[tilespmem:$0xB400] =	vst v63  }
0x11e: {  	s24 =	simm.s32 $0x100;
	s25 =	simm.s32 $0x1C00  }
0x11f: {  	[tilespmem:s25], [sflag:$0x1] =	stream.indirect.gather [hbm4b:s3+s17], $0x8, s24, s17, $0xb8;
	[tilespmem:$0xB400] =	vst v63  }
0x120: {  	s24 =	simm.s32 $0x600;
	s25 =	simm.s32 $0x4400  }
0x121: {  	[tilespmem:s25], [sflag:$0x1] =	stream.indirect.gather [hbm4b:s3+s17], $0x8, s24, s17, $0xb8;
	[tilespmem:$0xB400] =	vst v63  }
0x122: {  	s24 =	simm.s32 $0x180;
	s25 =	simm.s32 $0x2000  }
0x123: {  	[tilespmem:s25], [sflag:$0x1] =	stream.indirect.gather [hbm4b:s3+s17], $0x8, s24, s17, $0xb8;
	[tilespmem:$0xB400] =	vst v63  }
0x124: {  	s24 =	simm.s32 $0x680;
	s25 =	simm.s32 $0x4800  }
0x125: {  	[tilespmem:s25], [sflag:$0x1] =	stream.indirect.gather [hbm4b:s3+s17], $0x8, s24, s17, $0xb8;
	[tilespmem:$0xB400] =	vst v63  }
0x126: {  	s24 =	simm.s32 $0x200;
	s25 =	simm.s32 $0x2400  }
0x127: {  	[tilespmem:s25], [sflag:$0x1] =	stream.indirect.gather [hbm4b:s3+s17], $0x8, s24, s17, $0xb8;
	[tilespmem:$0xB400] =	vst v63  }
0x128: {  	s24 =	simm.s32 $0x700;
	s25 =	simm.s32 $0x4C00  }
0x129: {  	[tilespmem:s25], [sflag:$0x1] =	stream.indirect.gather [hbm4b:s3+s17], $0x8, s24, s17, $0xb8;
	[tilespmem:$0xB400] =	vst v63  }
0x12a: {  	s24 =	simm.s32 $0x280;
	s25 =	simm.s32 $0x2800  }
0x12b: {  	[tilespmem:s25], [sflag:$0x1] =	stream.indirect.gather [hbm4b:s3+s17], $0x8, s24, s17, $0xb8;
	[tilespmem:$0xB400] =	vst v63  }
0x12c: {  	s24 =	simm.s32 $0x780;
	s25 =	simm.s32 $0x5000  }
0x12d: {  	[tilespmem:s25], [sflag:$0x1] =	stream.indirect.gather [hbm4b:s3+s17], $0x8, s24, s17, $0xb8;
	[tilespmem:$0xB400] =	vst v63  }
0x12e: {  	s24 =	simm.s32 $0x300;
	s25 =	simm.s32 $0x2C00  }
0x12f: {  	[tilespmem:s25], [sflag:$0x1] =	stream.indirect.gather [hbm4b:s3+s17], $0x8, s24, s17, $0xb8;
	[tilespmem:$0xB400] =	vst v63  }
0x130: {  	s24 =	simm.s32 $0x800;
	s25 =	simm.s32 $0x5400  }
0x131: {  	[tilespmem:s25], [sflag:$0x1] =	stream.indirect.gather [hbm4b:s3+s17], $0x8, s24, s17, $0xb8;
	[tilespmem:$0xB400] =	vst v63  }
0x132: {  	s24 =	simm.s32 $0x380;
	s25 =	simm.s32 $0x3000  }
0x133: {  	[tilespmem:s25], [sflag:$0x1] =	stream.indirect.gather [hbm4b:s3+s17], $0x8, s24, s17, $0xb8;
	[tilespmem:$0xB400] =	vst v63  }
0x134: {  	s24 =	simm.s32 $0x880;
	s25 =	simm.s32 $0x5800  }
0x135: {  	[tilespmem:s25], [sflag:$0x1] =	stream.indirect.gather [hbm4b:s3+s17], $0x8, s24, s17, $0xb8;
	[tilespmem:$0xB400] =	vst v63  }
0x136: {  	s24 =	simm.s32 $0x400;
	s25 =	simm.s32 $0x3400  }
0x137: {  	[tilespmem:s25], [sflag:$0x1] =	stream.indirect.gather [hbm4b:s3+s17], $0x8, s24, s17, $0xb8;
	[tilespmem:$0xB400] =	vst v63  }
0x138: {  	s24 =	simm.s32 $0x900;
	s25 =	simm.s32 $0x5C00  }
0x139: {  	[tilespmem:s25], [sflag:$0x1] =	stream.indirect.gather [hbm4b:s3+s17], $0x8, s24, s17, $0xb8;
	[tilespmem:$0xB400] =	vst v63  }
.Ltmp3:
0x13a: {  	s6 =	sadd.s32 $0x140, s6;
	(pc) =	sbr.rel .LBB2_2-.Ltmp3, $4  }
0x13b: {  	s4 =	sadd.s32 $0xA00, s4;
	s24 =	simm.s32 $0x480;
	s25 =	simm.s32 $0x3800  }
0x13c: {  	[tilespmem:s25], [sflag:$0x1] =	stream.indirect.gather [hbm4b:s3+s17], $0x8, s24, s17, $0xb8;
	[tilespmem:$0xB400] =	vst v63  }
0x13d: {  	s1 =	sadd.s32 $0xA00, s1;
	s24 =	simm.s32 $0x980;
	s25 =	simm.s32 $0x6000  }
0x13e: {  	[tilespmem:s25], [sflag:$0x1] =	stream.indirect.gather [hbm4b:s3+s17], $0x8, s24, s17, $0xb8;
	[tilespmem:$0xB400] =	vst v63  }
.LBB2_5:
0x13f: {  	_ =	sfence.sel $0x180000  }
0x140: {  	[bflag:$0x0] =	sbarrier.arrive $0xFFFF  }
0x141: {  	_ =	strace $0x90000047  }
0x142: {  	s0 =	stileid.u32;
	[bflag:$0x2] =	sbarrier.arrive $0xFFFF  }
0x143: {  	p0 =	sne.s32 s0, $0x0;
	s0 =	rddreg [dreg:$0x1]  }
0x144: {  	s0 =	sadd.s32 @!p0 $0x100000, s0  }
0x145: {  	[sflag:s0] =	ssyncadd.tile.s32 @!p0 $0x1;
	_ =	shalt  }
.Lfunc_end2:
_tile_overlayer_lowered:
.L_overlay_start_2:
0x146: {  	(tag) =	ssettag $0x2  }
0x147: {  	s0 =	rddreg [dreg:$0x0];
	s2 =	stileid.u32  }
0x148: {  	s1 =	rddreg [dreg:$0x1];
	p0 =	sne.s32 s2, $0x0  }
0x149: {  	s3 =	rddreg [dreg:$0x2];
	[bflag:$0x3] =	sbarrier.arrive $0xFFFF;
	s2 =	simm.s32 @!p0 $0x1C04  }
0x14a: {  	[timem:s3], [sflag:s2] =	dma.local @!p0 [hbm:s0], s1  }
0x14b: {  	s0 =	simm.s32 @!p0 $0x4  }
0x14c: {  	_ =	swait.ge @!p0 [sflag:s0], s1  }
0x14d: {  	s1 =	ssub.s32 @!p0 $0x0, s1;
	[sflag:s0] =	ssyncset.done @!p0 $0x0  }
0x14e: {  	[sflag:s0] =	ssyncadd.s32 @!p0 s1  }
0x14f: {  	[bflag:$0x3] =	sbarrier.arrive $0xFFFF  }
0x150: {  	_ =	shalt  }

// kernel: sc_scatter.3.cloned.1.call-start
scs
__scs_entry_jumppad:
0x0: {  	(pc) =	sbr.rel $0x88, $3  }
0x1: {  	(tag) =	ssettag $0x0;
	lr =	simm.s32 $0x1  }
0x2: {  	[smem:$0x3F6B] =	sst lr;
	_ =	strace $0xD0000000  }
0x3: {  	_ = 	snop  }
0x4: {  	_ = 	snop  }
0x5: {  	_ = 	snop  }
0x6: {  	_ = 	snop  }
0x7: {  	_ = 	snop  }
__scs_overlays_trampoline_lowered:
0x8: {  	[smem:$0x3F7A] =	sst s0  }
0x9: {  	[smem:$0x3F7B] =	sst s1  }
0xa: {  	[smem:$0x3F7C] =	sst s2  }
0xb: {  	[smem:$0x3F7D] =	sst s3  }
0xc: {  	[smem:$0x3F7E] =	sst s4  }
0xd: {  	[smem:$0x3F7F] =	sst s5  }
0xe: {  	[smem:$0x3F80] =	sst s6  }
0xf: {  	[smem:$0x3F81] =	sst s7  }
0x10: {  	[smem:$0x3F82] =	sst s8  }
0x11: {  	[smem:$0x3F83] =	sst s9;
	s0 =	simm.s32 @!p0 $0x0  }
0x12: {  	s1 =	sld [smem:$0x3F69];
	s0 =	simm.s32 @p0 $0x1  }
0x13: {  	[smem:$0x3F84] =	sst s0;
	s0 =	simm.s32 @!p1 $0x0  }
0x14: {  	s2 =	sld [smem:$0x3F68];
	s0 =	simm.s32 @p1 $0x1  }
0x15: {  	[smem:$0x3F85] =	sst s0;
	s0 =	simm.s32 @!p2 $0x0  }
0x16: {  	s3 =	sld [smem:$0x3FDB];
	s0 =	simm.s32 @p2 $0x1  }
0x17: {  	s4 =	simm.s32 $0x1BF5;
	[smem:$0x3F87] =	sst s0  }
0x18: {  	s0 =	sld [smem:$0x3F6A];
	_ =	swait.ge [sflag:s4], $0x0  }
0x19: {  	s7 =	sld [smem:$0x3F6B]  }
0x1a: {  	s8 =	sadd.s32 $0xFFFFE003, lr  }
0x1b: {  	s9 =	sadd.s32 $0xFFFFFEF7, lr;
	s5 =	simm.s32 $0xFFFFFFFF;
	p2 =	slt.u32 s8, $0xFFFFF086  }
0x1c: {  	p1 =	slt.u32 s9, $0xF7A;
	s5 =	simm.s32 @!p2 $0x0  }
0x1d: {  	s5 =	simm.s32 @p1 $0x1;
	p0 =	seq.s32 s7, s2  }
0x1e: {  	s7 =	smul.u32 @!p0 $0xF7A, s2;
	p2 =	seq.s32 @!p0 s5, $0x0  }
0x1f: {  	s9 =	smul.u32 $0xF7A, s1;
	s8 =	simm.s32 @!p0 $0x1BF5;
	p2 =	por !p2, p0  }
0x20: {  	[sflag:s8] =	ssyncset.s32 @!p0 $0xFFFFF086;
	s6 =	sadd.s32 @!p0 s3, s7;
	s7 =	simm.s32 @!p0 $0x108  }
0x21: {  	s3 =	sadd.s32 s3, s9;
	s6 =	sadd.s32 @!p0 $0x88, s6;
	s7 =	simm.s32 @p2 $0x1082  }
0x22: {  	[simem:s7], [sflag:s8] =	dma.local @!p0 [hbm:s6], $0xF7A  }
0x23: {  	s9 =	sor.u32 $0xD0000000, s2;
	s6 =	simm.s32 $0x108;
	_ =	swait.ge @!p0 [sflag:s8], $0x0  }
0x24: {  	s3 =	sadd.s32 $0x88, s3;
	s6 =	simm.s32 @!p1 $0x1082;
	[sflag:s4] =	ssyncset.s32 $0xFFFFF086  }
0x25: {  	[simem:s6], [sflag:s4] =	dma.local [hbm:s3], $0xF7A  }
0x26: {  	[smem:$0x3F6B] =	sst s1;
	(tag) =	ssettag s2;
	_ =	strace s9  }
0x27: {  	s1 =	sld [smem:$0x3F7B]  }
0x28: {  	s2 =	sld [smem:$0x3F7C]  }
0x29: {  	s4 =	sld [smem:$0x3F7E]  }
0x2a: {  	p0 =	seq.s32 s5, $0x0;
	s5 =	sld [smem:$0x3F7F]  }
0x2b: {  	s6 =	sld [smem:$0x3F80]  }
0x2c: {  	s7 =	sld [smem:$0x3F81]  }
0x2d: {  	s3 =	simm.s32 $0x108;
	s8 =	sld [smem:$0x3F82]  }
0x2e: {  	s3 =	simm.s32 @!p0 $0x1082;
	s9 =	sld [smem:$0x3F83]  }
0x2f: {  	lr =	sadd.s32 s0, s3;
	s0 =	sld [smem:$0x3F7A]  }
0x30: {  	s3 =	sld [smem:$0x3F7D]  }
0x31: {  	[smem:$0x3F86] =	sst s10  }
0x32: {  	s10 =	sld [smem:$0x3F84];
	_ =	sdelay $0x3  }
0x33: {  	p0 =	seq.s32 s10, $0x1;
	s10 =	sld [smem:$0x3F86];
	_ =	sdelay $0x3  }
0x34: {  	[smem:$0x3F86] =	sst s10  }
0x35: {  	s10 =	sld [smem:$0x3F85];
	_ =	sdelay $0x3  }
0x36: {  	p1 =	seq.s32 s10, $0x1;
	s10 =	sld [smem:$0x3F86];
	_ =	sdelay $0x3  }
0x37: {  	[smem:$0x3F86] =	sst s10  }
0x38: {  	s10 =	sld [smem:$0x3F87]  }
0x39: {  	_ = 	snop;
	(pc) =	sbr.ind lr, $3  }
0x3a: {  	_ = 	snop  }
0x3b: {  	_ = 	snop  }
0x3c: {  	p2 =	seq.s32 s10, $0x1;
	s10 =	sld [smem:$0x3F86]  }
0x3d: {  	_ =	shalt  }
0x3e: {  	_ =	shalt  }
0x3f: {  	_ =	shalt  }
0x40: {  	_ =	shalt  }
0x41: {  	_ =	shalt  }
0x42: {  	_ =	shalt  }
0x43: {  	_ =	shalt  }
0x44: {  	_ =	shalt  }
0x45: {  	_ =	shalt  }
0x46: {  	_ =	shalt  }
0x47: {  	_ =	shalt  }
0x48: {  	_ =	shalt  }
0x49: {  	_ =	shalt  }
0x4a: {  	_ =	shalt  }
0x4b: {  	_ =	shalt  }
0x4c: {  	_ =	shalt  }
0x4d: {  	_ =	shalt  }
0x4e: {  	_ =	shalt  }
0x4f: {  	_ =	shalt  }
0x50: {  	_ =	shalt  }
0x51: {  	_ =	shalt  }
0x52: {  	_ =	shalt  }
0x53: {  	_ =	shalt  }
0x54: {  	_ =	shalt  }
0x55: {  	_ =	shalt  }
0x56: {  	_ =	shalt  }
0x57: {  	_ =	shalt  }
0x58: {  	_ =	shalt  }
0x59: {  	_ =	shalt  }
0x5a: {  	_ =	shalt  }
0x5b: {  	_ =	shalt  }
0x5c: {  	_ =	shalt  }
0x5d: {  	_ =	shalt  }
0x5e: {  	_ =	shalt  }
0x5f: {  	_ =	shalt  }
0x60: {  	_ =	shalt  }
0x61: {  	_ =	shalt  }
0x62: {  	_ =	shalt  }
0x63: {  	_ =	shalt  }
0x64: {  	_ =	shalt  }
0x65: {  	_ =	shalt  }
0x66: {  	_ =	shalt  }
0x67: {  	_ =	shalt  }
0x68: {  	_ =	shalt  }
0x69: {  	_ =	shalt  }
0x6a: {  	_ =	shalt  }
0x6b: {  	_ =	shalt  }
0x6c: {  	_ =	shalt  }
0x6d: {  	_ =	shalt  }
0x6e: {  	_ =	shalt  }
0x6f: {  	_ =	shalt  }
0x70: {  	_ =	shalt  }
0x71: {  	_ =	shalt  }
0x72: {  	_ =	shalt  }
0x73: {  	_ =	shalt  }
0x74: {  	_ =	shalt  }
0x75: {  	_ =	shalt  }
0x76: {  	_ =	shalt  }
0x77: {  	_ =	shalt  }
0x78: {  	_ =	shalt  }
0x79: {  	_ =	shalt  }
0x7a: {  	_ =	shalt  }
0x7b: {  	_ =	shalt  }
0x7c: {  	_ =	shalt  }
0x7d: {  	_ =	shalt  }
0x7e: {  	_ =	shalt  }
0x7f: {  	_ =	shalt  }
0x80: {  	_ =	shalt  }
0x81: {  	_ =	shalt  }
0x82: {  	_ =	shalt  }
0x83: {  	_ =	shalt  }
0x84: {  	_ =	shalt  }
0x85: {  	_ =	shalt  }
0x86: {  	_ =	shalt  }
0x87: {  	_ =	shalt  }
.Lfunc_end0:
.L_simem_size_0:
called_computation.1_lowered:
.L_overlay_start_0:
0x88: {  	s2 =	sld [smem:$0x3FD9]  }
0x89: {  	s3 =	sld [smem:$0x3FFE];
	_ =	sdelay $0x1  }
0x8a: {  	s1 =	srdreg.scid  }
0x8b: {  	s0 =	sand.u32 $0x1, s1  }
0x8c: {  	s16 =	sshll.u32 s0, $0xA;
	s2 =	sadd.s32 s3, s2  }
0x8d: {  	s2 =	sadd.s32 s2, s16  }
0x8e: {  	[smem:$0x3F92] =	sst s2  }
0x8f: {  	_ = 	snop  }
0x90: {  	(tm) =	ssettm $0x1  }
0x91: {  	s17 =	sld [smem:$0x3FFB];
	_ =	sdelay $0x3  }
0x92: {  	_ =	strace s17  }
0x93: {  	s2 =	sld [smem:$0x3FFC];
	_ =	sdelay $0x3  }
0x94: {  	_ =	strace s2  }
0x95: {  	s2 =	sld [smem:$0x3FFD];
	_ =	sdelay $0x3  }
0x96: {  	_ =	strace s2  }
0x97: {  	_ =	strace $0x8FFFFFFF  }
0x98: {  	s18 =	sld [smem:$0x3FDB];
	_ =	sdelay $0x1  }
0x99: {  	s19 =	simm.s32 $_scs_section_size  }
0x9a: {  	s4 =	simm.s32 $_size__tile_overlayer_lowered;
	s5 =	simm.s32 $_tile_overlayer_lowered  }
0x9b: {  	s22 =	simm.s32 $0x1BFF;
	s21 =	sshll.u32 s5, $0x1;
	s2 =	sadd.s32 s19, s18  }
0x9c: {  	s6 =	simm.s32 $0x0;
	s20 =	sshll.u32 s4, $0x1;
	s4 =	sadd.s32 s21, s2  }
0x9d: {  	[timem:s6], [sflag:s22] =	dma.local [hbm:s4], s20  }
0x9e: {  	_ =	swait.ge [sflag:s22], s20  }
0x9f: {  	s3 =	ssub.s32 $0x0, s20;
	[sflag:s22] =	ssyncset.done $0x0  }
0xa0: {  	[sflag:s22] =	ssyncadd.s32 s3;
	_ =	sdelay $0x1  }
0xa1: {  	s23 =	simm.s32 $0x1B8B  }
0xa2: {  	_ =	swait.ge [sflag:s23], $0x1  }
0xa3: {  	[sflag:s23] =	ssyncset.done $0x0  }
0xa4: {  	s25 =	simm.s32 $0x1B8E;
	s24 =	sld [smem:$0x3FFE];
	[sflag:s23] =	ssyncadd.s32 $0xFFFFFFFF  }
0xa5: {  	s26 =	simm.s32 $execute0_lowered;
	[smem:$0x3FD2] =	sst s25  }
0xa6: {  	s4 =	sshll.u32 s26, $0x1;
	_ =	strace $0x80000049;
	[dreg:$0x1] =	wrdreg $0xFFFFFFFF  }
0xa7: {  	s28 =	simm.s32 $_size_execute0_lowered;
	s2 =	sadd.s32 s2, s4;
	[dreg:$0x0] =	wrdreg $0x0  }
0xa8: {  	s4 =	sshll.u32 s28, $0x1;
	[dreg:$0x2] =	wrdreg s2  }
0xa9: {  	[dreg:$0x3] =	wrdreg s4  }
0xaa: {  	[dreg:$0x4] =	wrdreg $0xC0  }
0xab: {  	_ =	task [dreg:s6], $0x5FFFF  }
0xac: {  	[dreg:$0x1] =	wrdreg $0xFFFFFFFF  }
0xad: {  	[dreg:$0x0] =	wrdreg $0x60  }
0xae: {  	[dreg:$0x2] =	wrdreg s24  }
0xaf: {  	[dreg:$0x3] =	wrdreg $0x0  }
0xb0: {  	[dreg:$0x4] =	wrdreg $0x9  }
0xb1: {  	_ =	task.clear_ibuf [dreg:s6], $0x5FFFF;
	_ =	strace $0x90000049  }
0xb2: {  	s29 =	simm.s32 $0x9;
	_ =	strace $0x8000004B  }
0xb3: {  	_ =	swait.ge [sflag:s29], $0x1  }
0xb4: {  	[sflag:s29] =	ssyncadd.s32 $0xFFFFFFFF  }
0xb5: {  	_ =	strace $0x9000004B  }
0xb6: {  	_ =	sfence  }
0xb7: {  	s30 =	sld [smem:$0x0];
	_ =	sdelay $0x2  }
0xb8: {  	s31 =	sshll.u32 s1, $0xD;
	s1 =	sshrl.u32 s1, $0x2  }
0xb9: {  	s3 =	sand.u32 $0x4000, s31;
	s1 =	sadd.s32 s1, s30  }
0xba: {  	s0 =	sor.u32 s3, s0;
	s1 =	sshll.u32 s1, $0x11  }
0xbb: {  	s0 =	sor.u32 s1, s0  }
0xbc: {  	s0 =	sadd.s32 $0x8F2B, s0  }
0xbd: {  	[sflag:s0] =	ssyncadd.remote.s32 $0x1  }
0xbe: {  	_ =	sfence.sel $0xFFFF  }
0xbf: {  	[dreg:$0x0] =	wrdreg $0xFFFFFFFF;
	(pc) =	sbr.abs _section_cstart, $3  }
0xc0: {  	[dreg:$0x1] =	wrdreg $0xFFFFFFFF  }
0xc1: {  	_ =	task.clear_ibuf [dreg:s6], $0x2FFFF;
	_ =	strace $0x9FFFFFFF  }
0xc2: {  	(tm) =	ssettm $0x7FFFFFFF  }
0xc3: {  	_ =	shalt  }
tec
execute0_lowered:
.L_overlay_start_1:
0x0: {  	(tag) =	ssettag $0x1  }
0x1: {  	s0 =	rddreg [dreg:$0x0]  }
0x2: {  	s2 =	rddreg [dreg:$0x1]  }
0x3: {  	s6 =	stileid.u32;
	s3 =	simm.s32 $0x0;
	s5 =	srdreg.scid  }
0x4: {  	s11 =	simm.s32 $0x1;
	s12 =	simm.s32 $0x61C0;
	s13 =	simm.s32 $0x66C0  }
0x5: {  	s14 =	simm.s32 $0x80;
	s15 =	simm.s32 $0x6240;
	s16 =	simm.s32 $0x6AC0  }
0x6: {  	s17 =	simm.s32 $0x62C0;
	s18 =	simm.s32 $0x6EC0;
	s19 =	simm.s32 $0x6340  }
0x7: {  	s20 =	simm.s32 $0x72C0;
	s21 =	simm.s32 $0x63C0;
	s1 =	smul.u32 $0xC800, s6  }
0x8: {  	s28 =	simm.s32 $0x6540;
	s29 =	simm.s32 $0x82C0;
	s4 =	smul.u32 $0x1900, s6  }
0x9: {  	s30 =	simm.s32 $0x65C0;
	s5 =	sand.u32 $0x1, s5;
	s6 =	smul.u32 $0x61C0, s6  }
0xa: {  	s31 =	simm.s32 $0x86C0;
	[smem:$0x7FF] =	sst s3;
	s7 =	smul.u32 $0x61C00, s5  }
0xb: {  	s8 =	sadd.s32 $0xA200, s0;
	_ =	strace $0x8000004A;
	s9 =	smul.u32 $0x6400, s5  }
0xc: {  	[dreg:$0x3] =	wrdreg s8;
	s22 =	ssub.s32 $0x2, s5;
	s5 =	smul.u32 $0xC80, s5  }
0xd: {  	s1 =	sadd.s32 s1, s0;
	s4 =	sadd.s32 s4, s0;
	s10 =	sshrl.u32 s22, $0x1  }
0xe: {  	s7 =	sadd.s32 s6, s7;
	s23 =	ssub.s32 s22, s10;
	s6 =	sadd.s32 s6, s2  }
0xf: {  	s24 =	sadd.s32 s9, s1;
	s25 =	sadd.s32 s5, s4;
	s22 =	simm.s32 $0x76C0  }
0x10: {  	s1 =	simm.s32 $0x8AC0;
	s4 =	simm.s32 $0x0;
	s7 =	sshrl.u32 s7, $0x3  }
0x11: {  	s26 =	smax.u32 s23, $0x1;
	s9 =	sadd.s32 $0x23200, s25;
	s23 =	simm.s32 $0x6440  }
0x12: {  	s25 =	simm.s32 $0x64C0;
	[dreg:$0x4] =	wrdreg s6;
	s0 =	sadd.s32 s7, s0  }
0x13: {  	[dreg:$0x6] =	wrdreg s26;
	s7 =	simm.s32 $0x8EC0;
	s0 =	sadd.s32 $0x3C200, s0  }
0x14: {  	s26 =	simm.s32 $0x7EC0;
	[dreg:$0x5] =	wrdreg s0;
	s0 =	sadd.s32 $0x4F3C00, s24  }
0x15: {  	s24 =	simm.s32 $0x7AC0;
	[dreg:$0x7] =	wrdreg s0;
	s0 =	simm.s32 $0x6640  }
.LBB2_1:
0x16: {  	s5 =	rddreg [dreg:$0x3]  }
0x17: {  	[tilespmem:s7], [sflag:$0x1] =	stream.linear.gather [hbm4b:s5+s3], $0x61C0, $0x38;
	[tilespmem:$0xF080] =	vst v63  }
0x18: {  	_ =	swait.ge [sflag:s11], $0x61C0  }
0x19: {  	[sflag:s11] =	ssyncset.done $0x0  }
0x1a: {  	[sflag:s11] =	ssyncadd.s32 $0xFFFF9E40  }
0x1b: {  	[spmem:s6] =	stream.linear.scatter [tilespmem:s7], [sflag:$0x1], $0x61C0, $0x38;
	[tilespmem:$0xF080] =	vst v63  }
0x1c: {  	_ =	swait.ge [sflag:s11], $0x61C0  }
0x1d: {  	[sflag:s11] =	ssyncset.done $0x0  }
0x1e: {  	[sflag:s11] =	ssyncadd.s32 $0xFFFF9E40  }
0x1f: {  	s8 =	sadd.s32 $0x0, s9;
	[bflag:$0x0] =	sbarrier.arrive $0xFFFF  }
0x20: {  	[tilespmem:s12], [sflag:$0x1] =	stream.linear.gather [hbm4b:s8+s3], $0x500, $0x38;
	[tilespmem:$0xF080] =	vst v63  }
0x21: {  	_ =	swait.ge [sflag:s11], $0x500  }
0x22: {  	[sflag:s11] =	ssyncset.done $0x0  }
0x23: {  	s10 =	rddreg [dreg:$0x7];
	[sflag:s11] =	ssyncadd.s32 $0xFFFFFB00  }
0x24: {  	[tilespmem:s13], [sflag:$0x1] =	stream.linear.gather [hbm4b:s10+s3], $0x2800, $0x38;
	[tilespmem:$0xF080] =	vst v63  }
0x25: {  	_ =	swait.ge [sflag:s11], $0x2800  }
0x26: {  	[sflag:s11] =	ssyncset.done $0x0  }
0x27: {  	[sflag:s11] =	ssyncadd.s32 $0xFFFFD800  }
0x28: {  	[spmem:s2] =	stream.indirect.scatter.add.f32 [tilespmem:s13], [sflag:$0x1], $0x8, s12, s14, $0xb8;
	[tilespmem:$0xF080] =	vst v63  }
0x29: {  	_ =	swait.ge [sflag:s11], $0x400  }
0x2a: {  	[sflag:s11] =	ssyncset.done $0x0  }
0x2b: {  	[sflag:s11] =	ssyncadd.s32 $0xFFFFFC00  }
0x2c: {  	[spmem:s2] =	stream.indirect.scatter.add.f32 [tilespmem:s16], [sflag:$0x1], $0x8, s15, s14, $0xb8;
	[tilespmem:$0xF080] =	vst v63  }
0x2d: {  	_ =	swait.ge [sflag:s11], $0x400  }
0x2e: {  	[sflag:s11] =	ssyncset.done $0x0  }
0x2f: {  	[sflag:s11] =	ssyncadd.s32 $0xFFFFFC00  }
0x30: {  	[spmem:s2] =	stream.indirect.scatter.add.f32 [tilespmem:s18], [sflag:$0x1], $0x8, s17, s14, $0xb8;
	[tilespmem:$0xF080] =	vst v63  }
0x31: {  	_ =	swait.ge [sflag:s11], $0x400  }
0x32: {  	[sflag:s11] =	ssyncset.done $0x0  }
0x33: {  	[sflag:s11] =	ssyncadd.s32 $0xFFFFFC00  }
0x34: {  	[spmem:s2] =	stream.indirect.scatter.add.f32 [tilespmem:s20], [sflag:$0x1], $0x8, s19, s14, $0xb8;
	[tilespmem:$0xF080] =	vst v63  }
0x35: {  	_ =	swait.ge [sflag:s11], $0x400  }
0x36: {  	[sflag:s11] =	ssyncset.done $0x0  }
0x37: {  	[sflag:s11] =	ssyncadd.s32 $0xFFFFFC00  }
0x38: {  	[spmem:s2] =	stream.indirect.scatter.add.f32 [tilespmem:s22], [sflag:$0x1], $0x8, s21, s14, $0xb8;
	[tilespmem:$0xF080] =	vst v63  }
0x39: {  	_ =	swait.ge [sflag:s11], $0x400  }
0x3a: {  	[sflag:s11] =	ssyncset.done $0x0  }
0x3b: {  	[sflag:s11] =	ssyncadd.s32 $0xFFFFFC00  }
0x3c: {  	[spmem:s2] =	stream.indirect.scatter.add.f32 [tilespmem:s24], [sflag:$0x1], $0x8, s23, s14, $0xb8;
	[tilespmem:$0xF080] =	vst v63  }
0x3d: {  	_ =	swait.ge [sflag:s11], $0x400  }
0x3e: {  	[sflag:s11] =	ssyncset.done $0x0  }
0x3f: {  	[sflag:s11] =	ssyncadd.s32 $0xFFFFFC00  }
0x40: {  	[spmem:s2] =	stream.indirect.scatter.add.f32 [tilespmem:s26], [sflag:$0x1], $0x8, s25, s14, $0xb8;
	[tilespmem:$0xF080] =	vst v63  }
0x41: {  	_ =	swait.ge [sflag:s11], $0x400  }
0x42: {  	[sflag:s11] =	ssyncset.done $0x0  }
0x43: {  	[sflag:s11] =	ssyncadd.s32 $0xFFFFFC00  }
0x44: {  	[spmem:s2] =	stream.indirect.scatter.add.f32 [tilespmem:s29], [sflag:$0x1], $0x8, s28, s14, $0xb8;
	[tilespmem:$0xF080] =	vst v63  }
0x45: {  	_ =	swait.ge [sflag:s11], $0x400  }
0x46: {  	[sflag:s11] =	ssyncset.done $0x0  }
0x47: {  	[sflag:s11] =	ssyncadd.s32 $0xFFFFFC00  }
0x48: {  	[spmem:s2] =	stream.indirect.scatter.add.f32 [tilespmem:s31], [sflag:$0x1], $0x8, s30, s14, $0xb8;
	[tilespmem:$0xF080] =	vst v63  }
0x49: {  	_ =	swait.ge [sflag:s11], $0x400  }
0x4a: {  	[sflag:s11] =	ssyncset.done $0x0  }
0x4b: {  	[sflag:s11] =	ssyncadd.s32 $0xFFFFFC00  }
0x4c: {  	[spmem:s2] =	stream.indirect.scatter.add.f32 [tilespmem:s1], [sflag:$0x1], $0x8, s0, s14, $0xb8;
	[tilespmem:$0xF080] =	vst v63  }
0x4d: {  	s5 =	simm.s32 $0x140;
	_ =	swait.ge [sflag:s11], $0x400  }
0x4e: {  	s7 =	simm.s32 $0xA0;
	s6 =	sadd.s32 $0x500, s10;
	[sflag:s11] =	ssyncset.done $0x0  }
.LBB2_2:
0x4f: {  	s8 =	sadd.s32 s7, s9  }
0x50: {  	[sflag:s11] =	ssyncadd.s32 $0xFFFFFC00;
	s7 =	smov.u32 s5;
	s10 =	sadd.s32 $0xA0, s5  }
0x51: {  	[tilespmem:s12], [sflag:$0x1] =	stream.linear.gather [hbm4b:s8+s3], $0x500, $0x38;
	[tilespmem:$0xF080] =	vst v63  }
0x52: {  	p0 =	sne.s32 s5, $0xBE0;
	_ =	swait.ge [sflag:s11], $0x500  }
0x53: {  	[sflag:s11] =	ssyncset.done $0x0  }
0x54: {  	[sflag:s11] =	ssyncadd.s32 $0xFFFFFB00  }
0x55: {  	[tilespmem:s13], [sflag:$0x1] =	stream.linear.gather [hbm4b:s6+s3], $0x2800, $0x38;
	[tilespmem:$0xF080] =	vst v63  }
0x56: {  	_ =	swait.ge [sflag:s11], $0x2800  }
0x57: {  	[sflag:s11] =	ssyncset.done $0x0  }
0x58: {  	[sflag:s11] =	ssyncadd.s32 $0xFFFFD800  }
0x59: {  	[spmem:s2] =	stream.indirect.scatter.add.f32 [tilespmem:s13], [sflag:$0x1], $0x8, s12, s14, $0xb8;
	[tilespmem:$0xF080] =	vst v63  }
0x5a: {  	_ =	swait.ge [sflag:s11], $0x400  }
0x5b: {  	[sflag:s11] =	ssyncset.done $0x0  }
0x5c: {  	[sflag:s11] =	ssyncadd.s32 $0xFFFFFC00  }
0x5d: {  	[spmem:s2] =	stream.indirect.scatter.add.f32 [tilespmem:s16], [sflag:$0x1], $0x8, s15, s14, $0xb8;
	[tilespmem:$0xF080] =	vst v63  }
0x5e: {  	_ =	swait.ge [sflag:s11], $0x400  }
0x5f: {  	[sflag:s11] =	ssyncset.done $0x0  }
0x60: {  	[sflag:s11] =	ssyncadd.s32 $0xFFFFFC00  }
0x61: {  	[spmem:s2] =	stream.indirect.scatter.add.f32 [tilespmem:s18], [sflag:$0x1], $0x8, s17, s14, $0xb8;
	[tilespmem:$0xF080] =	vst v63  }
0x62: {  	_ =	swait.ge [sflag:s11], $0x400  }
0x63: {  	[sflag:s11] =	ssyncset.done $0x0  }
0x64: {  	[sflag:s11] =	ssyncadd.s32 $0xFFFFFC00  }
0x65: {  	[spmem:s2] =	stream.indirect.scatter.add.f32 [tilespmem:s20], [sflag:$0x1], $0x8, s19, s14, $0xb8;
	[tilespmem:$0xF080] =	vst v63  }
0x66: {  	_ =	swait.ge [sflag:s11], $0x400  }
0x67: {  	[sflag:s11] =	ssyncset.done $0x0  }
0x68: {  	[sflag:s11] =	ssyncadd.s32 $0xFFFFFC00  }
0x69: {  	[spmem:s2] =	stream.indirect.scatter.add.f32 [tilespmem:s22], [sflag:$0x1], $0x8, s21, s14, $0xb8;
	[tilespmem:$0xF080] =	vst v63  }
0x6a: {  	_ =	swait.ge [sflag:s11], $0x400  }
0x6b: {  	[sflag:s11] =	ssyncset.done $0x0  }
0x6c: {  	[sflag:s11] =	ssyncadd.s32 $0xFFFFFC00  }
0x6d: {  	[spmem:s2] =	stream.indirect.scatter.add.f32 [tilespmem:s24], [sflag:$0x1], $0x8, s23, s14, $0xb8;
	[tilespmem:$0xF080] =	vst v63  }
0x6e: {  	_ =	swait.ge [sflag:s11], $0x400  }
0x6f: {  	[sflag:s11] =	ssyncset.done $0x0  }
0x70: {  	[sflag:s11] =	ssyncadd.s32 $0xFFFFFC00  }
0x71: {  	[spmem:s2] =	stream.indirect.scatter.add.f32 [tilespmem:s26], [sflag:$0x1], $0x8, s25, s14, $0xb8;
	[tilespmem:$0xF080] =	vst v63  }
0x72: {  	_ =	swait.ge [sflag:s11], $0x400  }
0x73: {  	[sflag:s11] =	ssyncset.done $0x0  }
0x74: {  	[sflag:s11] =	ssyncadd.s32 $0xFFFFFC00  }
0x75: {  	[spmem:s2] =	stream.indirect.scatter.add.f32 [tilespmem:s29], [sflag:$0x1], $0x8, s28, s14, $0xb8;
	[tilespmem:$0xF080] =	vst v63  }
0x76: {  	_ =	swait.ge [sflag:s11], $0x400  }
0x77: {  	[sflag:s11] =	ssyncset.done $0x0  }
0x78: {  	[sflag:s11] =	ssyncadd.s32 $0xFFFFFC00  }
0x79: {  	[spmem:s2] =	stream.indirect.scatter.add.f32 [tilespmem:s31], [sflag:$0x1], $0x8, s30, s14, $0xb8;
	[tilespmem:$0xF080] =	vst v63  }
0x7a: {  	_ =	swait.ge [sflag:s11], $0x400  }
.Ltmp0:
0x7b: {  	[sflag:s11] =	ssyncset.done $0x0;
	(pc) =	sbr.rel @p0 .LBB2_2-.Ltmp0, $4  }
0x7c: {  	[sflag:s11] =	ssyncadd.s32 $0xFFFFFC00  }
0x7d: {  	[spmem:s2] =	stream.indirect.scatter.add.f32 [tilespmem:s1], [sflag:$0x1], $0x8, s0, s14, $0xb8;
	[tilespmem:$0xF080] =	vst v63  }
0x7e: {  	_ =	swait.ge [sflag:s11], $0x400  }
0x7f: {  	s5 =	smov.u32 s10;
	s6 =	sadd.s32 $0x500, s6;
	[sflag:s11] =	ssyncset.done $0x0  }
0x80: {  	s5 =	sadd.s32 s7, s9;
	[sflag:s11] =	ssyncadd.s32 $0xFFFFFC00  }
0x81: {  	[tilespmem:s12], [sflag:$0x1] =	stream.linear.gather [hbm4b:s5+s3], $0x500, $0x38;
	[tilespmem:$0xF080] =	vst v63  }
0x82: {  	_ =	swait.ge [sflag:s11], $0x500  }
0x83: {  	[sflag:s11] =	ssyncset.done $0x0  }
0x84: {  	[sflag:s11] =	ssyncadd.s32 $0xFFFFFB00  }
0x85: {  	[tilespmem:s13], [sflag:$0x1] =	stream.linear.gather [hbm4b:s6+s3], $0x2800, $0x38;
	[tilespmem:$0xF080] =	vst v63  }
0x86: {  	_ =	swait.ge [sflag:s11], $0x2800  }
0x87: {  	[sflag:s11] =	ssyncset.done $0x0  }
0x88: {  	[sflag:s11] =	ssyncadd.s32 $0xFFFFD800  }
0x89: {  	[spmem:s2] =	stream.indirect.scatter.add.f32 [tilespmem:s13], [sflag:$0x1], $0x8, s12, s14, $0xb8;
	[tilespmem:$0xF080] =	vst v63  }
0x8a: {  	_ =	swait.ge [sflag:s11], $0x400  }
0x8b: {  	[sflag:s11] =	ssyncset.done $0x0  }
0x8c: {  	[sflag:s11] =	ssyncadd.s32 $0xFFFFFC00  }
0x8d: {  	[spmem:s2] =	stream.indirect.scatter.add.f32 [tilespmem:s16], [sflag:$0x1], $0x8, s15, s14, $0xb8;
	[tilespmem:$0xF080] =	vst v63  }
0x8e: {  	_ =	swait.ge [sflag:s11], $0x400  }
0x8f: {  	[sflag:s11] =	ssyncset.done $0x0  }
0x90: {  	[sflag:s11] =	ssyncadd.s32 $0xFFFFFC00  }
0x91: {  	[spmem:s2] =	stream.indirect.scatter.add.f32 [tilespmem:s18], [sflag:$0x1], $0x8, s17, s14, $0xb8;
	[tilespmem:$0xF080] =	vst v63  }
0x92: {  	_ =	swait.ge [sflag:s11], $0x400  }
0x93: {  	[sflag:s11] =	ssyncset.done $0x0  }
0x94: {  	[sflag:s11] =	ssyncadd.s32 $0xFFFFFC00  }
0x95: {  	[spmem:s2] =	stream.indirect.scatter.add.f32 [tilespmem:s20], [sflag:$0x1], $0x8, s19, s14, $0xb8;
	[tilespmem:$0xF080] =	vst v63  }
0x96: {  	_ =	swait.ge [sflag:s11], $0x400  }
0x97: {  	[sflag:s11] =	ssyncset.done $0x0  }
0x98: {  	[sflag:s11] =	ssyncadd.s32 $0xFFFFFC00  }
0x99: {  	[spmem:s2] =	stream.indirect.scatter.add.f32 [tilespmem:s22], [sflag:$0x1], $0x8, s21, s14, $0xb8;
	[tilespmem:$0xF080] =	vst v63  }
0x9a: {  	_ =	swait.ge [sflag:s11], $0x400  }
0x9b: {  	[sflag:s11] =	ssyncset.done $0x0  }
0x9c: {  	[sflag:s11] =	ssyncadd.s32 $0xFFFFFC00  }
0x9d: {  	[spmem:s2] =	stream.indirect.scatter.add.f32 [tilespmem:s24], [sflag:$0x1], $0x8, s23, s14, $0xb8;
	[tilespmem:$0xF080] =	vst v63  }
0x9e: {  	_ =	swait.ge [sflag:s11], $0x400  }
0x9f: {  	[sflag:s11] =	ssyncset.done $0x0  }
0xa0: {  	[sflag:s11] =	ssyncadd.s32 $0xFFFFFC00  }
0xa1: {  	[spmem:s2] =	stream.indirect.scatter.add.f32 [tilespmem:s26], [sflag:$0x1], $0x8, s25, s14, $0xb8;
	[tilespmem:$0xF080] =	vst v63  }
0xa2: {  	_ =	swait.ge [sflag:s11], $0x400  }
0xa3: {  	[sflag:s11] =	ssyncset.done $0x0  }
0xa4: {  	[sflag:s11] =	ssyncadd.s32 $0xFFFFFC00  }
0xa5: {  	[spmem:s2] =	stream.indirect.scatter.add.f32 [tilespmem:s29], [sflag:$0x1], $0x8, s28, s14, $0xb8;
	[tilespmem:$0xF080] =	vst v63  }
0xa6: {  	_ =	swait.ge [sflag:s11], $0x400  }
0xa7: {  	[sflag:s11] =	ssyncset.done $0x0  }
0xa8: {  	[sflag:s11] =	ssyncadd.s32 $0xFFFFFC00  }
0xa9: {  	[spmem:s2] =	stream.indirect.scatter.add.f32 [tilespmem:s31], [sflag:$0x1], $0x8, s30, s14, $0xb8;
	[tilespmem:$0xF080] =	vst v63  }
0xaa: {  	_ =	swait.ge [sflag:s11], $0x400  }
0xab: {  	[sflag:s11] =	ssyncset.done $0x0  }
0xac: {  	[sflag:s11] =	ssyncadd.s32 $0xFFFFFC00  }
0xad: {  	[spmem:s2] =	stream.indirect.scatter.add.f32 [tilespmem:s1], [sflag:$0x1], $0x8, s0, s14, $0xb8;
	[tilespmem:$0xF080] =	vst v63  }
0xae: {  	_ =	swait.ge [sflag:s11], $0x400  }
0xaf: {  	[sflag:s11] =	ssyncset.done $0x0  }
0xb0: {  	[sflag:s11] =	ssyncadd.s32 $0xFFFFFC00  }
0xb1: {  	[bflag:$0x0] =	sbarrier.arrive $0xFFFF  }
0xb2: {  	s7 =	simm.s32 $0x8EC0;
	s6 =	rddreg [dreg:$0x4]  }
0xb3: {  	[tilespmem:s7], [sflag:$0x1] =	stream.linear.gather [spmem:s6], $0x61C0, $0x38;
	[tilespmem:$0xF080] =	vst v63  }
0xb4: {  	_ =	swait.ge [sflag:s11], $0x61C0  }
0xb5: {  	[sflag:s11] =	ssyncset.done $0x0  }
0xb6: {  	s8 =	rddreg [dreg:$0x5];
	[sflag:s11] =	ssyncadd.s32 $0xFFFF9E40  }
0xb7: {  	[hbm4b:s8+s3] =	stream.linear.scatter [tilespmem:s7], [sflag:$0x1], $0x61C0, $0x38;
	[tilespmem:$0xF080] =	vst v63  }
0xb8: {  	_ =	swait.ge [sflag:s11], $0x61C0  }
0xb9: {  	s4 =	sadd.s32 $0x1, s4;
	s10 =	rddreg [dreg:$0x6]  }
0xba: {  	p0 =	sne.s32 s4, s10  }
.Ltmp1:
0xbb: {  	_ = 	snop;
	(pc) =	sbr.rel @p0 .LBB2_1-.Ltmp1, $3  }
0xbc: {  	_ =	sdelay $0x1  }
0xbd: {  	[sflag:s11] =	ssyncset.done $0x0  }
0xbe: {  	[sflag:s11] =	ssyncadd.s32 $0xFFFF9E40  }
0xbf: {  	_ =	sfence.sel $0x180000  }
0xc0: {  	[bflag:$0x0] =	sbarrier.arrive $0xFFFF  }
0xc1: {  	_ =	strace $0x9000004A  }
0xc2: {  	s0 =	stileid.u32;
	[bflag:$0x2] =	sbarrier.arrive $0xFFFF  }
0xc3: {  	p0 =	sne.s32 s0, $0x0;
	s0 =	rddreg [dreg:$0x2]  }
0xc4: {  	s0 =	sadd.s32 @!p0 $0x100000, s0  }
0xc5: {  	[sflag:s0] =	ssyncadd.tile.s32 @!p0 $0x1;
	_ =	shalt  }
.Lfunc_end2:
_tile_overlayer_lowered:
.L_overlay_start_2:
0xc6: {  	(tag) =	ssettag $0x2  }
0xc7: {  	s0 =	rddreg [dreg:$0x0];
	s2 =	stileid.u32  }
0xc8: {  	s1 =	rddreg [dreg:$0x1];
	p0 =	sne.s32 s2, $0x0  }
0xc9: {  	s3 =	rddreg [dreg:$0x2];
	[bflag:$0x3] =	sbarrier.arrive $0xFFFF;
	s2 =	simm.s32 @!p0 $0x1C01  }
0xca: {  	[timem:s3], [sflag:s2] =	dma.local @!p0 [hbm:s0], s1  }
0xcb: {  	s0 =	simm.s32 @!p0 $0x1  }
0xcc: {  	_ =	swait.ge @!p0 [sflag:s0], s1  }
0xcd: {  	s1 =	ssub.s32 @!p0 $0x0, s1;
	[sflag:s0] =	ssyncset.done @!p0 $0x0  }
0xce: {  	[sflag:s0] =	ssyncadd.s32 @!p0 s1  }
0xcf: {  	[bflag:$0x3] =	sbarrier.arrive $0xFFFF  }
0xd0: {  	_ =	shalt  }

</sc_bundles>
